<compile_context>
chip_gen: v7x
topology: tpu7x:2x2x1
jax: 0.10.2.dev20260603
libtpu: 0.0.44.dev20260713+nightly
codegen_flags: <defaults>
</compile_context>

<pallas_src>
import functools

import jax
import jax.numpy as jnp
from jax import lax
from jax.experimental import pallas as pl
from jax.experimental.pallas import tpu as pltpu
from jax.experimental.pallas import tpu_sc as plsc

_NUM_EMB = 1024
_EMB_DIM = 64
_COMMIT = 0.25
_BB = 4
_HW = 1024
_L = 16


def _vq_tc_kernel(z_ref, cb_ref, iota_col_ref, idx_ref, loss_ref):
    cb = cb_ref[...]
    iota_col = iota_col_ref[...]
    c_sq = jnp.sum(cb * cb, axis=1)[None, :]
    cb2 = cb + cb

    partial = jnp.zeros((1, 1), jnp.float32)
    for j in range(_BB):
        z_t = z_ref[j]
        flat = z_t.T

        f_sq = jnp.sum(flat * flat, axis=1, keepdims=True)
        dot2 = jax.lax.dot_general(
            flat, cb2, (((1,), (1,)), ((), ())),
            preferred_element_type=jnp.float32)
        sq = (f_sq + c_sq) - dot2
        dists = jnp.sqrt(jnp.maximum(sq, 0.0))

        minval = jnp.min(dists, axis=1, keepdims=True)
        idx = jnp.min(
            jnp.where(dists == minval, iota_col.T, _NUM_EMB), axis=1)
        idx_ref[j] = idx.reshape(8, 128)

        partial += jnp.sum(minval * minval).reshape(1, 1)

    @pl.when(pl.program_id(0) == 0)
    def _init():
        loss_ref[...] = jnp.zeros((1, 1), jnp.float32)

    loss_ref[...] += partial


def _indices_and_loss(z3, codebook, b, c, hw):
    iota_col = jax.lax.broadcasted_iota(jnp.int32, (_NUM_EMB, 1), 0)
    idx3, loss_sum = pl.pallas_call(
        _vq_tc_kernel,
        grid=(b // _BB,),
        in_specs=[
            pl.BlockSpec((_BB, c, hw), lambda i: (i, 0, 0)),
            pl.BlockSpec((_NUM_EMB, _EMB_DIM), lambda i: (0, 0)),
            pl.BlockSpec((_NUM_EMB, 1), lambda i: (0, 0)),
        ],
        out_specs=[
            pl.BlockSpec((_BB, 8, 128), lambda i: (i, 0, 0)),
            pl.BlockSpec((1, 1), lambda i: (0, 0)),
        ],
        out_shape=[
            jax.ShapeDtypeStruct((b, 8, 128), jnp.int32),
            jax.ShapeDtypeStruct((1, 1), jnp.float32),
        ],
    )(z3, codebook, iota_col)
    return idx3, loss_sum


def _make_sc_gather(b):
    mesh = plsc.VectorSubcoreMesh(core_axis_name="c", subcore_axis_name="s")

    @functools.partial(
        pl.kernel, mesh=mesh,
        out_type=jax.ShapeDtypeStruct((b, _EMB_DIM, _HW), jnp.float32),
        scratch_types=[
            pltpu.VMEM((_EMB_DIM * _NUM_EMB,), jnp.float32),
            pltpu.VMEM((_HW,), jnp.int32),
            pltpu.VMEM((_EMB_DIM, _HW // 2), jnp.float32),
        ],
        compiler_params=pltpu.CompilerParams(needs_layout_passes=False),
    )
    def sc_gather(cbt_hbm, idx_hbm, out_hbm, cbt_v, idx_v, out_v):
        wid = lax.axis_index("s") * 2 + lax.axis_index("c")
        pltpu.sync_copy(cbt_hbm, cbt_v)
        pltpu.sync_copy(idx_hbm.at[wid], idx_v)

        def half(h):
            def chunk(i, carry):
                vidx = idx_v[pl.ds(h * (_HW // 2) + i * _L, _L)]
                for ch in range(_EMB_DIM):
                    vals = plsc.load_gather(cbt_v, [vidx + (ch * _NUM_EMB)])
                    out_v[ch, pl.ds(i * _L, _L)] = vals
                return carry

            lax.fori_loop(0, _HW // 2 // _L, chunk, 0, unroll=2)
            pltpu.sync_copy(
                out_v, out_hbm.at[wid, :, pl.ds(h * (_HW // 2), _HW // 2)])

        half(0)
        half(1)

    return sc_gather


def kernel(z_e, codebook):
    b, c, h, w = z_e.shape
    n_pos = b * h * w
    hw = h * w
    z3 = z_e.reshape(b, c, hw)
    cbt = codebook.T.reshape(_EMB_DIM * _NUM_EMB)

    idx3, loss_sum = _indices_and_loss(z3, codebook, b, c, hw)
    zq3 = _make_sc_gather(b)(cbt, idx3.reshape(b, hw))

    loss = loss_sum[0, 0] * ((1.0 + _COMMIT) / (n_pos * _EMB_DIM))
    indices = idx3.reshape(n_pos)
    zq = zq3.reshape(b, c, h, w)
    return (zq, loss, indices)

# --- scband reference (transcript-rebuilt; emitter-appended) ---
"""Pipeline reference for scband-vector-quantizer-85358180041006 (READ-ONLY COPY).

The authoritative reference and input builder live on the scoring server;
editing this copy changes nothing except your own understanding.
"""

import jax, jax.numpy as jnp
import numpy as np

NUM_EMBEDDINGS = 1024
EMBEDDING_DIM = 64
COMMITMENT_COST = 0.25


def setup_inputs(seed: int = 0) -> dict:
    key = jax.random.key(seed)
    k1, k2 = jax.random.split(key)
    z_e = jax.random.normal(k1, (32, 64, 32, 32), dtype=jnp.float32)
    codebook = jax.random.uniform(
        k2, (NUM_EMBEDDINGS, EMBEDDING_DIM), dtype=jnp.float32,
        minval=-1.0 / NUM_EMBEDDINGS, maxval=1.0 / NUM_EMBEDDINGS)
    return {"z_e": z_e, "codebook": codebook}


def reference(z_e, codebook):
    # permute(0, 2, 3, 1): [B, C, H, W] -> [B, H, W, C]
    z_perm = jnp.transpose(z_e, (0, 2, 3, 1))
    flat = z_perm.reshape(-1, z_perm.shape[-1])
    # torch.cdist with p=2: euclidean distances
    sq = (jnp.sum(flat ** 2, axis=1, keepdims=True)
          + jnp.sum(codebook ** 2, axis=1)[None, :]
          - 2.0 * flat @ codebook.T)
    distances = jnp.sqrt(jnp.maximum(sq, 0.0))
    indices = jnp.argmin(distances, axis=-1)
    z_q = jnp.take(codebook, indices, axis=0).reshape(z_perm.shape)
    codebook_loss = jnp.mean((z_q - jax.lax.stop_gradient(z_perm)) ** 2)
    commit_loss = jnp.mean((jax.lax.stop_gradient(z_q) - z_perm) ** 2)
    z_q_st = z_perm + jax.lax.stop_gradient(z_q - z_perm)
    z_q_st = jnp.transpose(z_q_st, (0, 3, 1, 2))
    loss = codebook_loss + COMMITMENT_COST * commit_loss
    return (z_q_st, loss, indices)

if __name__ == "__main__":
    import jax
    _d = setup_inputs()
    print(jax.jit(kernel)(*tuple(_d.values())))

</pallas_src>

<mosaic_0001>
#map = affine_map<(d0, d1) -> (0)>
#map1 = affine_map<(d0, d1) -> (0, 0)>
#map2 = affine_map<(d0, d1) -> (0, 0, 0)>
module attributes {stable_mosaic.version = 14 : i64} {
  func.func @sc_gather(%arg0: i32, %arg1: i32, %arg2: memref<65536xf32, #tpu.memory_space<hbm>>, %arg3: memref<32x1024xi32, #tpu.memory_space<hbm>>, %arg4: memref<32x64x1024xf32, #tpu.memory_space<hbm>>, %arg5: memref<65536xf32, #tpu.memory_space<vmem>>, %arg6: memref<1024xi32, #tpu.memory_space<vmem>>, %arg7: memref<64x512xf32, #tpu.memory_space<vmem>>) attributes {dimension_semantics = [#tpu.dimension_semantics<core_parallel>, #tpu.dimension_semantics<subcore_parallel>], iteration_bounds = array<i64: 2, 16>, scalar_prefetch = 0 : i64, scratch_operands = 3 : i64, tpu.core_type = #tpu.core_type<sc_vector_subcore>, window_params = [{transform_indices = #map}, {transform_indices = #map1}, {transform_indices = #map2}]} {
    %mul3A = arith.constant 2 : i32
    %mul3A_0 = arith.muli %arg1, %mul3A : i32
    %add3A = arith.addi %mul3A_0, %arg0 : i32
    "tpu.region"() ({
      %run_scoped3A = tpu.sem_alloc : memref<!tpu.dma_semaphore, #tpu.memory_space<semaphore_mem>>
      tpu.enqueue_dma source(%arg2 : memref<65536xf32, #tpu.memory_space<hbm>>) target(%arg5 : memref<65536xf32, #tpu.memory_space<vmem>>) target_semaphore(%run_scoped3A : memref<!tpu.dma_semaphore, #tpu.memory_space<semaphore_mem>>)
      tpu.wait_dma2 semaphore(%run_scoped3A : memref<!tpu.dma_semaphore, #tpu.memory_space<semaphore_mem>>) src(%arg2 : memref<65536xf32, #tpu.memory_space<hbm>>) dst(%arg5 : memref<65536xf32, #tpu.memory_space<vmem>>)
      tpu.yield
    }) : () -> ()
    "tpu.region"() ({
      %run_scoped3A = tpu.sem_alloc : memref<!tpu.dma_semaphore, #tpu.memory_space<semaphore_mem>>
      %dma_start3A = arith.constant 0 : i32
      %dma_start3A_12 = tpu.memref_slice %arg3[%add3A, %dma_start3A] : memref<32x1024xi32, #tpu.memory_space<hbm>> -> memref<1x1024xi32, #tpu.memory_space<hbm>>
      %dma_start3A_13 = tpu.memref_squeeze %dma_start3A_12 : memref<1x1024xi32, #tpu.memory_space<hbm>> -> memref<1024xi32, #tpu.memory_space<hbm>>
      %dma_start3A_14 = arith.constant 0 : i32
      %dma_start3A_15 = tpu.memref_slice %arg3[%add3A, %dma_start3A_14] : memref<32x1024xi32, #tpu.memory_space<hbm>> -> memref<1x1024xi32, #tpu.memory_space<hbm>>
      %dma_start3A_16 = tpu.memref_squeeze %dma_start3A_15 : memref<1x1024xi32, #tpu.memory_space<hbm>> -> memref<1024xi32, #tpu.memory_space<hbm>>
      tpu.enqueue_dma source(%dma_start3A_16 : memref<1024xi32, #tpu.memory_space<hbm>>) target(%arg6 : memref<1024xi32, #tpu.memory_space<vmem>>) target_semaphore(%run_scoped3A : memref<!tpu.dma_semaphore, #tpu.memory_space<semaphore_mem>>)
      %dma_wait3A = arith.constant 0 : i32
      %dma_wait3A_17 = tpu.memref_slice %arg3[%add3A, %dma_wait3A] : memref<32x1024xi32, #tpu.memory_space<hbm>> -> memref<1x1024xi32, #tpu.memory_space<hbm>>
      %dma_wait3A_18 = tpu.memref_squeeze %dma_wait3A_17 : memref<1x1024xi32, #tpu.memory_space<hbm>> -> memref<1024xi32, #tpu.memory_space<hbm>>
      %dma_wait3A_19 = arith.constant 0 : i32
      %dma_wait3A_20 = tpu.memref_slice %arg3[%add3A, %dma_wait3A_19] : memref<32x1024xi32, #tpu.memory_space<hbm>> -> memref<1x1024xi32, #tpu.memory_space<hbm>>
      %dma_wait3A_21 = tpu.memref_squeeze %dma_wait3A_20 : memref<1x1024xi32, #tpu.memory_space<hbm>> -> memref<1024xi32, #tpu.memory_space<hbm>>
      tpu.wait_dma2 semaphore(%run_scoped3A : memref<!tpu.dma_semaphore, #tpu.memory_space<semaphore_mem>>) src(%dma_wait3A_21 : memref<1024xi32, #tpu.memory_space<hbm>>) dst(%arg6 : memref<1024xi32, #tpu.memory_space<vmem>>)
      tpu.yield
    }) : () -> ()
    %scan3A = arith.constant 0 : i32
    %scan3A_1 = arith.constant 0 : i32
    %scan3A_2 = arith.constant 32 : i32
    %scan3A_3 = arith.addi %scan3A_1, %scan3A_2 : i32
    %scan3A_4 = arith.constant 2 : i32
    scf.for %scan3A_12 = %scan3A_1 to %scan3A_3 step %scan3A_4  : i32 {
      %mul3A_13 = arith.constant 16 : i32
      %mul3A_14 = arith.muli %scan3A_12, %mul3A_13 : i32
      %add3A_15 = arith.constant 0 : i32
      %add3A_16 = arith.addi %add3A_15, %mul3A_14 : i32
      %get3A = arith.index_cast %add3A_16 : i32 to index
      %get3A_17 = tpu.vector_load %arg6[%get3A] {strides = array<i32>} : memref<1024xi32, #tpu.memory_space<vmem>>, vector<16xi32>,
      %add3A_18 = arith.constant 0 : i32
      %add3A_19 = vector.broadcast %add3A_18 : i32 to vector<16xi32>
      %add3A_20 = arith.addi %get3A_17, %add3A_19 : vector<16xi32>
      %gather3A = tpu.vector_load_idx %arg5[%add3A_20] : memref<65536xf32, #tpu.memory_space<vmem>>[vector<16xi32>], vector<16xf32>,
      %mul3A_21 = arith.constant 16 : i32
      %mul3A_22 = arith.muli %scan3A_12, %mul3A_21 : i32
      %swap3A = arith.constant 0 : i32
      %swap3A_23 = arith.index_cast %swap3A : i32 to index
      %swap3A_24 = arith.index_cast %mul3A_22 : i32 to index
      %swap3A_25 = tpu.vector_load %arg7[%swap3A_23, %swap3A_24] {strides = array<i32>} : memref<64x512xf32, #tpu.memory_space<vmem>>, vector<16xf32>,
      tpu.vector_store %arg7[%swap3A_23, %swap3A_24], %gather3A {strides = array<i32>} : memref<64x512xf32, #tpu.memory_space<vmem>>, vector<16xf32>,
      %add3A_26 = arith.constant 1024 : i32
      %add3A_27 = vector.broadcast %add3A_26 : i32 to vector<16xi32>
      %add3A_28 = arith.addi %get3A_17, %add3A_27 : vector<16xi32>
      %gather3A_29 = tpu.vector_load_idx %arg5[%add3A_28] : memref<65536xf32, #tpu.memory_space<vmem>>[vector<16xi32>], vector<16xf32>,
      %mul3A_30 = arith.constant 16 : i32
      %mul3A_31 = arith.muli %scan3A_12, %mul3A_30 : i32
      %swap3A_32 = arith.constant 1 : i32
      %swap3A_33 = arith.index_cast %swap3A_32 : i32 to index
      %swap3A_34 = arith.index_cast %mul3A_31 : i32 to index
      %swap3A_35 = tpu.vector_load %arg7[%swap3A_33, %swap3A_34] {strides = array<i32>} : memref<64x512xf32, #tpu.memory_space<vmem>>, vector<16xf32>,
      tpu.vector_store %arg7[%swap3A_33, %swap3A_34], %gather3A_29 {strides = array<i32>} : memref<64x512xf32, #tpu.memory_space<vmem>>, vector<16xf32>,
      %add3A_36 = arith.constant 2048 : i32
      %add3A_37 = vector.broadcast %add3A_36 : i32 to vector<16xi32>
      %add3A_38 = arith.addi %get3A_17, %add3A_37 : vector<16xi32>
      %gather3A_39 = tpu.vector_load_idx %arg5[%add3A_38] : memref<65536xf32, #tpu.memory_space<vmem>>[vector<16xi32>], vector<16xf32>,
      %mul3A_40 = arith.constant 16 : i32
      %mul3A_41 = arith.muli %scan3A_12, %mul3A_40 : i32
      %swap3A_42 = arith.constant 2 : i32
      %swap3A_43 = arith.index_cast %swap3A_42 : i32 to index
      %swap3A_44 = arith.index_cast %mul3A_41 : i32 to index
      %swap3A_45 = tpu.vector_load %arg7[%swap3A_43, %swap3A_44] {strides = array<i32>} : memref<64x512xf32, #tpu.memory_space<vmem>>, vector<16xf32>,
      tpu.vector_store %arg7[%swap3A_43, %swap3A_44], %gather3A_39 {strides = array<i32>} : memref<64x512xf32, #tpu.memory_space<vmem>>, vector<16xf32>,
      %add3A_46 = arith.constant 3072 : i32
      %add3A_47 = vector.broadcast %add3A_46 : i32 to vector<16xi32>
      %add3A_48 = arith.addi %get3A_17, %add3A_47 : vector<16xi32>
      %gather3A_49 = tpu.vector_load_idx %arg5[%add3A_48] : memref<65536xf32, #tpu.memory_space<vmem>>[vector<16xi32>], vector<16xf32>,
      %mul3A_50 = arith.constant 16 : i32
      %mul3A_51 = arith.muli %scan3A_12, %mul3A_50 : i32
      %swap3A_52 = arith.constant 3 : i32
      %swap3A_53 = arith.index_cast %swap3A_52 : i32 to index
      %swap3A_54 = arith.index_cast %mul3A_51 : i32 to index
      %swap3A_55 = tpu.vector_load %arg7[%swap3A_53, %swap3A_54] {strides = array<i32>} : memref<64x512xf32, #tpu.memory_space<vmem>>, vector<16xf32>,
      tpu.vector_store %arg7[%swap3A_53, %swap3A_54], %gather3A_49 {strides = array<i32>} : memref<64x512xf32, #tpu.memory_space<vmem>>, vector<16xf32>,
      %add3A_56 = arith.constant 4096 : i32
      %add3A_57 = vector.broadcast %add3A_56 : i32 to vector<16xi32>
      %add3A_58 = arith.addi %get3A_17, %add3A_57 : vector<16xi32>
      %gather3A_59 = tpu.vector_load_idx %arg5[%add3A_58] : memref<65536xf32, #tpu.memory_space<vmem>>[vector<16xi32>], vector<16xf32>,
      %mul3A_60 = arith.constant 16 : i32
      %mul3A_61 = arith.muli %scan3A_12, %mul3A_60 : i32
      %swap3A_62 = arith.constant 4 : i32
      %swap3A_63 = arith.index_cast %swap3A_62 : i32 to index
      %swap3A_64 = arith.index_cast %mul3A_61 : i32 to index
      %swap3A_65 = tpu.vector_load %arg7[%swap3A_63, %swap3A_64] {strides = array<i32>} : memref<64x512xf32, #tpu.memory_space<vmem>>, vector<16xf32>,
      tpu.vector_store %arg7[%swap3A_63, %swap3A_64], %gather3A_59 {strides = array<i32>} : memref<64x512xf32, #tpu.memory_space<vmem>>, vector<16xf32>,
      %add3A_66 = arith.constant 5120 : i32
      %add3A_67 = vector.broadcast %add3A_66 : i32 to vector<16xi32>
      %add3A_68 = arith.addi %get3A_17, %add3A_67 : vector<16xi32>
      %gather3A_69 = tpu.vector_load_idx %arg5[%add3A_68] : memref<65536xf32, #tpu.memory_space<vmem>>[vector<16xi32>], vector<16xf32>,
      %mul3A_70 = arith.constant 16 : i32
      %mul3A_71 = arith.muli %scan3A_12, %mul3A_70 : i32
      %swap3A_72 = arith.constant 5 : i32
      %swap3A_73 = arith.index_cast %swap3A_72 : i32 to index
      %swap3A_74 = arith.index_cast %mul3A_71 : i32 to index
      %swap3A_75 = tpu.vector_load %arg7[%swap3A_73, %swap3A_74] {strides = array<i32>} : memref<64x512xf32, #tpu.memory_space<vmem>>, vector<16xf32>,
      tpu.vector_store %arg7[%swap3A_73, %swap3A_74], %gather3A_69 {strides = array<i32>} : memref<64x512xf32, #tpu.memory_space<vmem>>, vector<16xf32>,
      %add3A_76 = arith.constant 6144 : i32
      %add3A_77 = vector.broadcast %add3A_76 : i32 to vector<16xi32>
      %add3A_78 = arith.addi %get3A_17, %add3A_77 : vector<16xi32>
      %gather3A_79 = tpu.vector_load_idx %arg5[%add3A_78] : memref<65536xf32, #tpu.memory_space<vmem>>[vector<16xi32>], vector<16xf32>,
      %mul3A_80 = arith.constant 16 : i32
      %mul3A_81 = arith.muli %scan3A_12, %mul3A_80 : i32
      %swap3A_82 = arith.constant 6 : i32
      %swap3A_83 = arith.index_cast %swap3A_82 : i32 to index
      %swap3A_84 = arith.index_cast %mul3A_81 : i32 to index
      %swap3A_85 = tpu.vector_load %arg7[%swap3A_83, %swap3A_84] {strides = array<i32>} : memref<64x512xf32, #tpu.memory_space<vmem>>, vector<16xf32>,
      tpu.vector_store %arg7[%swap3A_83, %swap3A_84], %gather3A_79 {strides = array<i32>} : memref<64x512xf32, #tpu.memory_space<vmem>>, vector<16xf32>,
      %add3A_86 = arith.constant 7168 : i32
      %add3A_87 = vector.broadcast %add3A_86 : i32 to vector<16xi32>
      %add3A_88 = arith.addi %get3A_17, %add3A_87 : vector<16xi32>
      %gather3A_89 = tpu.vector_load_idx %arg5[%add3A_88] : memref<65536xf32, #tpu.memory_space<vmem>>[vector<16xi32>], vector<16xf32>,
      %mul3A_90 = arith.constant 16 : i32
      %mul3A_91 = arith.muli %scan3A_12, %mul3A_90 : i32
      %swap3A_92 = arith.constant 7 : i32
      %swap3A_93 = arith.index_cast %swap3A_92 : i32 to index
      %swap3A_94 = arith.index_cast %mul3A_91 : i32 to index
      %swap3A_95 = tpu.vector_load %arg7[%swap3A_93, %swap3A_94] {strides = array<i32>} : memref<64x512xf32, #tpu.memory_space<vmem>>, vector<16xf32>,
      tpu.vector_store %arg7[%swap3A_93, %swap3A_94], %gather3A_89 {strides = array<i32>} : memref<64x512xf32, #tpu.memory_space<vmem>>, vector<16xf32>,
      %add3A_96 = arith.constant 8192 : i32
      %add3A_97 = vector.broadcast %add3A_96 : i32 to vector<16xi32>
      %add3A_98 = arith.addi %get3A_17, %add3A_97 : vector<16xi32>
      %gather3A_99 = tpu.vector_load_idx %arg5[%add3A_98] : memref<65536xf32, #tpu.memory_space<vmem>>[vector<16xi32>], vector<16xf32>,
      %mul3A_100 = arith.constant 16 : i32
      %mul3A_101 = arith.muli %scan3A_12, %mul3A_100 : i32
      %swap3A_102 = arith.constant 8 : i32
      %swap3A_103 = arith.index_cast %swap3A_102 : i32 to index
      %swap3A_104 = arith.index_cast %mul3A_101 : i32 to index
      %swap3A_105 = tpu.vector_load %arg7[%swap3A_103, %swap3A_104] {strides = array<i32>} : memref<64x512xf32, #tpu.memory_space<vmem>>, vector<16xf32>,
      tpu.vector_store %arg7[%swap3A_103, %swap3A_104], %gather3A_99 {strides = array<i32>} : memref<64x512xf32, #tpu.memory_space<vmem>>, vector<16xf32>,
      %add3A_106 = arith.constant 9216 : i32
      %add3A_107 = vector.broadcast %add3A_106 : i32 to vector<16xi32>
      %add3A_108 = arith.addi %get3A_17, %add3A_107 : vector<16xi32>
      %gather3A_109 = tpu.vector_load_idx %arg5[%add3A_108] : memref<65536xf32, #tpu.memory_space<vmem>>[vector<16xi32>], vector<16xf32>,
      %mul3A_110 = arith.constant 16 : i32
      %mul3A_111 = arith.muli %scan3A_12, %mul3A_110 : i32
      %swap3A_112 = arith.constant 9 : i32
      %swap3A_113 = arith.index_cast %swap3A_112 : i32 to index
      %swap3A_114 = arith.index_cast %mul3A_111 : i32 to index
      %swap3A_115 = tpu.vector_load %arg7[%swap3A_113, %swap3A_114] {strides = array<i32>} : memref<64x512xf32, #tpu.memory_space<vmem>>, vector<16xf32>,
      tpu.vector_store %arg7[%swap3A_113, %swap3A_114], %gather3A_109 {strides = array<i32>} : memref<64x512xf32, #tpu.memory_space<vmem>>, vector<16xf32>,
      %add3A_116 = arith.constant 10240 : i32
      %add3A_117 = vector.broadcast %add3A_116 : i32 to vector<16xi32>
      %add3A_118 = arith.addi %get3A_17, %add3A_117 : vector<16xi32>
      %gather3A_119 = tpu.vector_load_idx %arg5[%add3A_118] : memref<65536xf32, #tpu.memory_space<vmem>>[vector<16xi32>], vector<16xf32>,
      %mul3A_120 = arith.constant 16 : i32
      %mul3A_121 = arith.muli %scan3A_12, %mul3A_120 : i32
      %swap3A_122 = arith.constant 10 : i32
      %swap3A_123 = arith.index_cast %swap3A_122 : i32 to index
      %swap3A_124 = arith.index_cast %mul3A_121 : i32 to index
      %swap3A_125 = tpu.vector_load %arg7[%swap3A_123, %swap3A_124] {strides = array<i32>} : memref<64x512xf32, #tpu.memory_space<vmem>>, vector<16xf32>,
      tpu.vector_store %arg7[%swap3A_123, %swap3A_124], %gather3A_119 {strides = array<i32>} : memref<64x512xf32, #tpu.memory_space<vmem>>, vector<16xf32>,
      %add3A_126 = arith.constant 11264 : i32
      %add3A_127 = vector.broadcast %add3A_126 : i32 to vector<16xi32>
      %add3A_128 = arith.addi %get3A_17, %add3A_127 : vector<16xi32>
      %gather3A_129 = tpu.vector_load_idx %arg5[%add3A_128] : memref<65536xf32, #tpu.memory_space<vmem>>[vector<16xi32>], vector<16xf32>,
      %mul3A_130 = arith.constant 16 : i32
      %mul3A_131 = arith.muli %scan3A_12, %mul3A_130 : i32
      %swap3A_132 = arith.constant 11 : i32
      %swap3A_133 = arith.index_cast %swap3A_132 : i32 to index
      %swap3A_134 = arith.index_cast %mul3A_131 : i32 to index
      %swap3A_135 = tpu.vector_load %arg7[%swap3A_133, %swap3A_134] {strides = array<i32>} : memref<64x512xf32, #tpu.memory_space<vmem>>, vector<16xf32>,
      tpu.vector_store %arg7[%swap3A_133, %swap3A_134], %gather3A_129 {strides = array<i32>} : memref<64x512xf32, #tpu.memory_space<vmem>>, vector<16xf32>,
      %add3A_136 = arith.constant 12288 : i32
      %add3A_137 = vector.broadcast %add3A_136 : i32 to vector<16xi32>
      %add3A_138 = arith.addi %get3A_17, %add3A_137 : vector<16xi32>
      %gather3A_139 = tpu.vector_load_idx %arg5[%add3A_138] : memref<65536xf32, #tpu.memory_space<vmem>>[vector<16xi32>], vector<16xf32>,
      %mul3A_140 = arith.constant 16 : i32
      %mul3A_141 = arith.muli %scan3A_12, %mul3A_140 : i32
      %swap3A_142 = arith.constant 12 : i32
      %swap3A_143 = arith.index_cast %swap3A_142 : i32 to index
      %swap3A_144 = arith.index_cast %mul3A_141 : i32 to index
      %swap3A_145 = tpu.vector_load %arg7[%swap3A_143, %swap3A_144] {strides = array<i32>} : memref<64x512xf32, #tpu.memory_space<vmem>>, vector<16xf32>,
      tpu.vector_store %arg7[%swap3A_143, %swap3A_144], %gather3A_139 {strides = array<i32>} : memref<64x512xf32, #tpu.memory_space<vmem>>, vector<16xf32>,
      %add3A_146 = arith.constant 13312 : i32
      %add3A_147 = vector.broadcast %add3A_146 : i32 to vector<16xi32>
      %add3A_148 = arith.addi %get3A_17, %add3A_147 : vector<16xi32>
      %gather3A_149 = tpu.vector_load_idx %arg5[%add3A_148] : memref<65536xf32, #tpu.memory_space<vmem>>[vector<16xi32>], vector<16xf32>,
      %mul3A_150 = arith.constant 16 : i32
      %mul3A_151 = arith.muli %scan3A_12, %mul3A_150 : i32
      %swap3A_152 = arith.constant 13 : i32
      %swap3A_153 = arith.index_cast %swap3A_152 : i32 to index
      %swap3A_154 = arith.index_cast %mul3A_151 : i32 to index
      %swap3A_155 = tpu.vector_load %arg7[%swap3A_153, %swap3A_154] {strides = array<i32>} : memref<64x512xf32, #tpu.memory_space<vmem>>, vector<16xf32>,
      tpu.vector_store %arg7[%swap3A_153, %swap3A_154], %gather3A_149 {strides = array<i32>} : memref<64x512xf32, #tpu.memory_space<vmem>>, vector<16xf32>,
      %add3A_156 = arith.constant 14336 : i32
      %add3A_157 = vector.broadcast %add3A_156 : i32 to vector<16xi32>
      %add3A_158 = arith.addi %get3A_17, %add3A_157 : vector<16xi32>
      %gather3A_159 = tpu.vector_load_idx %arg5[%add3A_158] : memref<65536xf32, #tpu.memory_space<vmem>>[vector<16xi32>], vector<16xf32>,
      %mul3A_160 = arith.constant 16 : i32
      %mul3A_161 = arith.muli %scan3A_12, %mul3A_160 : i32
      %swap3A_162 = arith.constant 14 : i32
      %swap3A_163 = arith.index_cast %swap3A_162 : i32 to index
      %swap3A_164 = arith.index_cast %mul3A_161 : i32 to index
      %swap3A_165 = tpu.vector_load %arg7[%swap3A_163, %swap3A_164] {strides = array<i32>} : memref<64x512xf32, #tpu.memory_space<vmem>>, vector<16xf32>,
      tpu.vector_store %arg7[%swap3A_163, %swap3A_164], %gather3A_159 {strides = array<i32>} : memref<64x512xf32, #tpu.memory_space<vmem>>, vector<16xf32>,
      %add3A_166 = arith.constant 15360 : i32
      %add3A_167 = vector.broadcast %add3A_166 : i32 to vector<16xi32>
      %add3A_168 = arith.addi %get3A_17, %add3A_167 : vector<16xi32>
      %gather3A_169 = tpu.vector_load_idx %arg5[%add3A_168] : memref<65536xf32, #tpu.memory_space<vmem>>[vector<16xi32>], vector<16xf32>,
      %mul3A_170 = arith.constant 16 : i32
      %mul3A_171 = arith.muli %scan3A_12, %mul3A_170 : i32
      %swap3A_172 = arith.constant 15 : i32
      %swap3A_173 = arith.index_cast %swap3A_172 : i32 to index
      %swap3A_174 = arith.index_cast %mul3A_171 : i32 to index
      %swap3A_175 = tpu.vector_load %arg7[%swap3A_173, %swap3A_174] {strides = array<i32>} : memref<64x512xf32, #tpu.memory_space<vmem>>, vector<16xf32>,
      tpu.vector_store %arg7[%swap3A_173, %swap3A_174], %gather3A_169 {strides = array<i32>} : memref<64x512xf32, #tpu.memory_space<vmem>>, vector<16xf32>,
      %add3A_176 = arith.constant 16384 : i32
      %add3A_177 = vector.broadcast %add3A_176 : i32 to vector<16xi32>
      %add3A_178 = arith.addi %get3A_17, %add3A_177 : vector<16xi32>
      %gather3A_179 = tpu.vector_load_idx %arg5[%add3A_178] : memref<65536xf32, #tpu.memory_space<vmem>>[vector<16xi32>], vector<16xf32>,
      %mul3A_180 = arith.constant 16 : i32
      %mul3A_181 = arith.muli %scan3A_12, %mul3A_180 : i32
      %swap3A_182 = arith.constant 16 : i32
      %swap3A_183 = arith.index_cast %swap3A_182 : i32 to index
      %swap3A_184 = arith.index_cast %mul3A_181 : i32 to index
      %swap3A_185 = tpu.vector_load %arg7[%swap3A_183, %swap3A_184] {strides = array<i32>} : memref<64x512xf32, #tpu.memory_space<vmem>>, vector<16xf32>,
      tpu.vector_store %arg7[%swap3A_183, %swap3A_184], %gather3A_179 {strides = array<i32>} : memref<64x512xf32, #tpu.memory_space<vmem>>, vector<16xf32>,
      %add3A_186 = arith.constant 17408 : i32
      %add3A_187 = vector.broadcast %add3A_186 : i32 to vector<16xi32>
      %add3A_188 = arith.addi %get3A_17, %add3A_187 : vector<16xi32>
      %gather3A_189 = tpu.vector_load_idx %arg5[%add3A_188] : memref<65536xf32, #tpu.memory_space<vmem>>[vector<16xi32>], vector<16xf32>,
      %mul3A_190 = arith.constant 16 : i32
      %mul3A_191 = arith.muli %scan3A_12, %mul3A_190 : i32
      %swap3A_192 = arith.constant 17 : i32
      %swap3A_193 = arith.index_cast %swap3A_192 : i32 to index
      %swap3A_194 = arith.index_cast %mul3A_191 : i32 to index
      %swap3A_195 = tpu.vector_load %arg7[%swap3A_193, %swap3A_194] {strides = array<i32>} : memref<64x512xf32, #tpu.memory_space<vmem>>, vector<16xf32>,
      tpu.vector_store %arg7[%swap3A_193, %swap3A_194], %gather3A_189 {strides = array<i32>} : memref<64x512xf32, #tpu.memory_space<vmem>>, vector<16xf32>,
      %add3A_196 = arith.constant 18432 : i32
      %add3A_197 = vector.broadcast %add3A_196 : i32 to vector<16xi32>
      %add3A_198 = arith.addi %get3A_17, %add3A_197 : vector<16xi32>
      %gather3A_199 = tpu.vector_load_idx %arg5[%add3A_198] : memref<65536xf32, #tpu.memory_space<vmem>>[vector<16xi32>], vector<16xf32>,
      %mul3A_200 = arith.constant 16 : i32
      %mul3A_201 = arith.muli %scan3A_12, %mul3A_200 : i32
      %swap3A_202 = arith.constant 18 : i32
      %swap3A_203 = arith.index_cast %swap3A_202 : i32 to index
      %swap3A_204 = arith.index_cast %mul3A_201 : i32 to index
      %swap3A_205 = tpu.vector_load %arg7[%swap3A_203, %swap3A_204] {strides = array<i32>} : memref<64x512xf32, #tpu.memory_space<vmem>>, vector<16xf32>,
      tpu.vector_store %arg7[%swap3A_203, %swap3A_204], %gather3A_199 {strides = array<i32>} : memref<64x512xf32, #tpu.memory_space<vmem>>, vector<16xf32>,
      %add3A_206 = arith.constant 19456 : i32
      %add3A_207 = vector.broadcast %add3A_206 : i32 to vector<16xi32>
      %add3A_208 = arith.addi %get3A_17, %add3A_207 : vector<16xi32>
      %gather3A_209 = tpu.vector_load_idx %arg5[%add3A_208] : memref<65536xf32, #tpu.memory_space<vmem>>[vector<16xi32>], vector<16xf32>,
      %mul3A_210 = arith.constant 16 : i32
      %mul3A_211 = arith.muli %scan3A_12, %mul3A_210 : i32
      %swap3A_212 = arith.constant 19 : i32
      %swap3A_213 = arith.index_cast %swap3A_212 : i32 to index
      %swap3A_214 = arith.index_cast %mul3A_211 : i32 to index
      %swap3A_215 = tpu.vector_load %arg7[%swap3A_213, %swap3A_214] {strides = array<i32>} : memref<64x512xf32, #tpu.memory_space<vmem>>, vector<16xf32>,
      tpu.vector_store %arg7[%swap3A_213, %swap3A_214], %gather3A_209 {strides = array<i32>} : memref<64x512xf32, #tpu.memory_space<vmem>>, vector<16xf32>,
      %add3A_216 = arith.constant 20480 : i32
      %add3A_217 = vector.broadcast %add3A_216 : i32 to vector<16xi32>
      %add3A_218 = arith.addi %get3A_17, %add3A_217 : vector<16xi32>
      %gather3A_219 = tpu.vector_load_idx %arg5[%add3A_218] : memref<65536xf32, #tpu.memory_space<vmem>>[vector<16xi32>], vector<16xf32>,
      %mul3A_220 = arith.constant 16 : i32
      %mul3A_221 = arith.muli %scan3A_12, %mul3A_220 : i32
      %swap3A_222 = arith.constant 20 : i32
      %swap3A_223 = arith.index_cast %swap3A_222 : i32 to index
      %swap3A_224 = arith.index_cast %mul3A_221 : i32 to index
      %swap3A_225 = tpu.vector_load %arg7[%swap3A_223, %swap3A_224] {strides = array<i32>} : memref<64x512xf32, #tpu.memory_space<vmem>>, vector<16xf32>,
      tpu.vector_store %arg7[%swap3A_223, %swap3A_224], %gather3A_219 {strides = array<i32>} : memref<64x512xf32, #tpu.memory_space<vmem>>, vector<16xf32>,
      %add3A_226 = arith.constant 21504 : i32
      %add3A_227 = vector.broadcast %add3A_226 : i32 to vector<16xi32>
      %add3A_228 = arith.addi %get3A_17, %add3A_227 : vector<16xi32>
      %gather3A_229 = tpu.vector_load_idx %arg5[%add3A_228] : memref<65536xf32, #tpu.memory_space<vmem>>[vector<16xi32>], vector<16xf32>,
      %mul3A_230 = arith.constant 16 : i32
      %mul3A_231 = arith.muli %scan3A_12, %mul3A_230 : i32
      %swap3A_232 = arith.constant 21 : i32
      %swap3A_233 = arith.index_cast %swap3A_232 : i32 to index
      %swap3A_234 = arith.index_cast %mul3A_231 : i32 to index
      %swap3A_235 = tpu.vector_load %arg7[%swap3A_233, %swap3A_234] {strides = array<i32>} : memref<64x512xf32, #tpu.memory_space<vmem>>, vector<16xf32>,
      tpu.vector_store %arg7[%swap3A_233, %swap3A_234], %gather3A_229 {strides = array<i32>} : memref<64x512xf32, #tpu.memory_space<vmem>>, vector<16xf32>,
      %add3A_236 = arith.constant 22528 : i32
      %add3A_237 = vector.broadcast %add3A_236 : i32 to vector<16xi32>
      %add3A_238 = arith.addi %get3A_17, %add3A_237 : vector<16xi32>
      %gather3A_239 = tpu.vector_load_idx %arg5[%add3A_238] : memref<65536xf32, #tpu.memory_space<vmem>>[vector<16xi32>], vector<16xf32>,
      %mul3A_240 = arith.constant 16 : i32
      %mul3A_241 = arith.muli %scan3A_12, %mul3A_240 : i32
      %swap3A_242 = arith.constant 22 : i32
      %swap3A_243 = arith.index_cast %swap3A_242 : i32 to index
      %swap3A_244 = arith.index_cast %mul3A_241 : i32 to index
      %swap3A_245 = tpu.vector_load %arg7[%swap3A_243, %swap3A_244] {strides = array<i32>} : memref<64x512xf32, #tpu.memory_space<vmem>>, vector<16xf32>,
      tpu.vector_store %arg7[%swap3A_243, %swap3A_244], %gather3A_239 {strides = array<i32>} : memref<64x512xf32, #tpu.memory_space<vmem>>, vector<16xf32>,
      %add3A_246 = arith.constant 23552 : i32
      %add3A_247 = vector.broadcast %add3A_246 : i32 to vector<16xi32>
      %add3A_248 = arith.addi %get3A_17, %add3A_247 : vector<16xi32>
      %gather3A_249 = tpu.vector_load_idx %arg5[%add3A_248] : memref<65536xf32, #tpu.memory_space<vmem>>[vector<16xi32>], vector<16xf32>,
      %mul3A_250 = arith.constant 16 : i32
      %mul3A_251 = arith.muli %scan3A_12, %mul3A_250 : i32
      %swap3A_252 = arith.constant 23 : i32
      %swap3A_253 = arith.index_cast %swap3A_252 : i32 to index
      %swap3A_254 = arith.index_cast %mul3A_251 : i32 to index
      %swap3A_255 = tpu.vector_load %arg7[%swap3A_253, %swap3A_254] {strides = array<i32>} : memref<64x512xf32, #tpu.memory_space<vmem>>, vector<16xf32>,
      tpu.vector_store %arg7[%swap3A_253, %swap3A_254], %gather3A_249 {strides = array<i32>} : memref<64x512xf32, #tpu.memory_space<vmem>>, vector<16xf32>,
      %add3A_256 = arith.constant 24576 : i32
      %add3A_257 = vector.broadcast %add3A_256 : i32 to vector<16xi32>
      %add3A_258 = arith.addi %get3A_17, %add3A_257 : vector<16xi32>
      %gather3A_259 = tpu.vector_load_idx %arg5[%add3A_258] : memref<65536xf32, #tpu.memory_space<vmem>>[vector<16xi32>], vector<16xf32>,
      %mul3A_260 = arith.constant 16 : i32
      %mul3A_261 = arith.muli %scan3A_12, %mul3A_260 : i32
      %swap3A_262 = arith.constant 24 : i32
      %swap3A_263 = arith.index_cast %swap3A_262 : i32 to index
      %swap3A_264 = arith.index_cast %mul3A_261 : i32 to index
      %swap3A_265 = tpu.vector_load %arg7[%swap3A_263, %swap3A_264] {strides = array<i32>} : memref<64x512xf32, #tpu.memory_space<vmem>>, vector<16xf32>,
      tpu.vector_store %arg7[%swap3A_263, %swap3A_264], %gather3A_259 {strides = array<i32>} : memref<64x512xf32, #tpu.memory_space<vmem>>, vector<16xf32>,
      %add3A_266 = arith.constant 25600 : i32
      %add3A_267 = vector.broadcast %add3A_266 : i32 to vector<16xi32>
      %add3A_268 = arith.addi %get3A_17, %add3A_267 : vector<16xi32>
      %gather3A_269 = tpu.vector_load_idx %arg5[%add3A_268] : memref<65536xf32, #tpu.memory_space<vmem>>[vector<16xi32>], vector<16xf32>,
      %mul3A_270 = arith.constant 16 : i32
      %mul3A_271 = arith.muli %scan3A_12, %mul3A_270 : i32
      %swap3A_272 = arith.constant 25 : i32
      %swap3A_273 = arith.index_cast %swap3A_272 : i32 to index
      %swap3A_274 = arith.index_cast %mul3A_271 : i32 to index
      %swap3A_275 = tpu.vector_load %arg7[%swap3A_273, %swap3A_274] {strides = array<i32>} : memref<64x512xf32, #tpu.memory_space<vmem>>, vector<16xf32>,
      tpu.vector_store %arg7[%swap3A_273, %swap3A_274], %gather3A_269 {strides = array<i32>} : memref<64x512xf32, #tpu.memory_space<vmem>>, vector<16xf32>,
      %add3A_276 = arith.constant 26624 : i32
      %add3A_277 = vector.broadcast %add3A_276 : i32 to vector<16xi32>
      %add3A_278 = arith.addi %get3A_17, %add3A_277 : vector<16xi32>
      %gather3A_279 = tpu.vector_load_idx %arg5[%add3A_278] : memref<65536xf32, #tpu.memory_space<vmem>>[vector<16xi32>], vector<16xf32>,
      %mul3A_280 = arith.constant 16 : i32
      %mul3A_281 = arith.muli %scan3A_12, %mul3A_280 : i32
      %swap3A_282 = arith.constant 26 : i32
      %swap3A_283 = arith.index_cast %swap3A_282 : i32 to index
      %swap3A_284 = arith.index_cast %mul3A_281 : i32 to index
      %swap3A_285 = tpu.vector_load %arg7[%swap3A_283, %swap3A_284] {strides = array<i32>} : memref<64x512xf32, #tpu.memory_space<vmem>>, vector<16xf32>,
      tpu.vector_store %arg7[%swap3A_283, %swap3A_284], %gather3A_279 {strides = array<i32>} : memref<64x512xf32, #tpu.memory_space<vmem>>, vector<16xf32>,
      %add3A_286 = arith.constant 27648 : i32
      %add3A_287 = vector.broadcast %add3A_286 : i32 to vector<16xi32>
      %add3A_288 = arith.addi %get3A_17, %add3A_287 : vector<16xi32>
      %gather3A_289 = tpu.vector_load_idx %arg5[%add3A_288] : memref<65536xf32, #tpu.memory_space<vmem>>[vector<16xi32>], vector<16xf32>,
      %mul3A_290 = arith.constant 16 : i32
      %mul3A_291 = arith.muli %scan3A_12, %mul3A_290 : i32
      %swap3A_292 = arith.constant 27 : i32
      %swap3A_293 = arith.index_cast %swap3A_292 : i32 to index
      %swap3A_294 = arith.index_cast %mul3A_291 : i32 to index
      %swap3A_295 = tpu.vector_load %arg7[%swap3A_293, %swap3A_294] {strides = array<i32>} : memref<64x512xf32, #tpu.memory_space<vmem>>, vector<16xf32>,
      tpu.vector_store %arg7[%swap3A_293, %swap3A_294], %gather3A_289 {strides = array<i32>} : memref<64x512xf32, #tpu.memory_space<vmem>>, vector<16xf32>,
      %add3A_296 = arith.constant 28672 : i32
      %add3A_297 = vector.broadcast %add3A_296 : i32 to vector<16xi32>
      %add3A_298 = arith.addi %get3A_17, %add3A_297 : vector<16xi32>
      %gather3A_299 = tpu.vector_load_idx %arg5[%add3A_298] : memref<65536xf32, #tpu.memory_space<vmem>>[vector<16xi32>], vector<16xf32>,
      %mul3A_300 = arith.constant 16 : i32
      %mul3A_301 = arith.muli %scan3A_12, %mul3A_300 : i32
      %swap3A_302 = arith.constant 28 : i32
      %swap3A_303 = arith.index_cast %swap3A_302 : i32 to index
      %swap3A_304 = arith.index_cast %mul3A_301 : i32 to index
      %swap3A_305 = tpu.vector_load %arg7[%swap3A_303, %swap3A_304] {strides = array<i32>} : memref<64x512xf32, #tpu.memory_space<vmem>>, vector<16xf32>,
      tpu.vector_store %arg7[%swap3A_303, %swap3A_304], %gather3A_299 {strides = array<i32>} : memref<64x512xf32, #tpu.memory_space<vmem>>, vector<16xf32>,
      %add3A_306 = arith.constant 29696 : i32
      %add3A_307 = vector.broadcast %add3A_306 : i32 to vector<16xi32>
      %add3A_308 = arith.addi %get3A_17, %add3A_307 : vector<16xi32>
      %gather3A_309 = tpu.vector_load_idx %arg5[%add3A_308] : memref<65536xf32, #tpu.memory_space<vmem>>[vector<16xi32>], vector<16xf32>,
      %mul3A_310 = arith.constant 16 : i32
      %mul3A_311 = arith.muli %scan3A_12, %mul3A_310 : i32
      %swap3A_312 = arith.constant 29 : i32
      %swap3A_313 = arith.index_cast %swap3A_312 : i32 to index
      %swap3A_314 = arith.index_cast %mul3A_311 : i32 to index
      %swap3A_315 = tpu.vector_load %arg7[%swap3A_313, %swap3A_314] {strides = array<i32>} : memref<64x512xf32, #tpu.memory_space<vmem>>, vector<16xf32>,
      tpu.vector_store %arg7[%swap3A_313, %swap3A_314], %gather3A_309 {strides = array<i32>} : memref<64x512xf32, #tpu.memory_space<vmem>>, vector<16xf32>,
      %add3A_316 = arith.constant 30720 : i32
      %add3A_317 = vector.broadcast %add3A_316 : i32 to vector<16xi32>
      %add3A_318 = arith.addi %get3A_17, %add3A_317 : vector<16xi32>
      %gather3A_319 = tpu.vector_load_idx %arg5[%add3A_318] : memref<65536xf32, #tpu.memory_space<vmem>>[vector<16xi32>], vector<16xf32>,
      %mul3A_320 = arith.constant 16 : i32
      %mul3A_321 = arith.muli %scan3A_12, %mul3A_320 : i32
      %swap3A_322 = arith.constant 30 : i32
      %swap3A_323 = arith.index_cast %swap3A_322 : i32 to index
      %swap3A_324 = arith.index_cast %mul3A_321 : i32 to index
      %swap3A_325 = tpu.vector_load %arg7[%swap3A_323, %swap3A_324] {strides = array<i32>} : memref<64x512xf32, #tpu.memory_space<vmem>>, vector<16xf32>,
      tpu.vector_store %arg7[%swap3A_323, %swap3A_324], %gather3A_319 {strides = array<i32>} : memref<64x512xf32, #tpu.memory_space<vmem>>, vector<16xf32>,
      %add3A_326 = arith.constant 31744 : i32
      %add3A_327 = vector.broadcast %add3A_326 : i32 to vector<16xi32>
      %add3A_328 = arith.addi %get3A_17, %add3A_327 : vector<16xi32>
      %gather3A_329 = tpu.vector_load_idx %arg5[%add3A_328] : memref<65536xf32, #tpu.memory_space<vmem>>[vector<16xi32>], vector<16xf32>,
      %mul3A_330 = arith.constant 16 : i32
      %mul3A_331 = arith.muli %scan3A_12, %mul3A_330 : i32
      %swap3A_332 = arith.constant 31 : i32
      %swap3A_333 = arith.index_cast %swap3A_332 : i32 to index
      %swap3A_334 = arith.index_cast %mul3A_331 : i32 to index
      %swap3A_335 = tpu.vector_load %arg7[%swap3A_333, %swap3A_334] {strides = array<i32>} : memref<64x512xf32, #tpu.memory_space<vmem>>, vector<16xf32>,
      tpu.vector_store %arg7[%swap3A_333, %swap3A_334], %gather3A_329 {strides = array<i32>} : memref<64x512xf32, #tpu.memory_space<vmem>>, vector<16xf32>,
      %add3A_336 = arith.constant 32768 : i32
      %add3A_337 = vector.broadcast %add3A_336 : i32 to vector<16xi32>
      %add3A_338 = arith.addi %get3A_17, %add3A_337 : vector<16xi32>
      %gather3A_339 = tpu.vector_load_idx %arg5[%add3A_338] : memref<65536xf32, #tpu.memory_space<vmem>>[vector<16xi32>], vector<16xf32>,
      %mul3A_340 = arith.constant 16 : i32
      %mul3A_341 = arith.muli %scan3A_12, %mul3A_340 : i32
      %swap3A_342 = arith.constant 32 : i32
      %swap3A_343 = arith.index_cast %swap3A_342 : i32 to index
      %swap3A_344 = arith.index_cast %mul3A_341 : i32 to index
      %swap3A_345 = tpu.vector_load %arg7[%swap3A_343, %swap3A_344] {strides = array<i32>} : memref<64x512xf32, #tpu.memory_space<vmem>>, vector<16xf32>,
      tpu.vector_store %arg7[%swap3A_343, %swap3A_344], %gather3A_339 {strides = array<i32>} : memref<64x512xf32, #tpu.memory_space<vmem>>, vector<16xf32>,
      %add3A_346 = arith.constant 33792 : i32
      %add3A_347 = vector.broadcast %add3A_346 : i32 to vector<16xi32>
      %add3A_348 = arith.addi %get3A_17, %add3A_347 : vector<16xi32>
      %gather3A_349 = tpu.vector_load_idx %arg5[%add3A_348] : memref<65536xf32, #tpu.memory_space<vmem>>[vector<16xi32>], vector<16xf32>,
      %mul3A_350 = arith.constant 16 : i32
      %mul3A_351 = arith.muli %scan3A_12, %mul3A_350 : i32
      %swap3A_352 = arith.constant 33 : i32
      %swap3A_353 = arith.index_cast %swap3A_352 : i32 to index
      %swap3A_354 = arith.index_cast %mul3A_351 : i32 to index
      %swap3A_355 = tpu.vector_load %arg7[%swap3A_353, %swap3A_354] {strides = array<i32>} : memref<64x512xf32, #tpu.memory_space<vmem>>, vector<16xf32>,
      tpu.vector_store %arg7[%swap3A_353, %swap3A_354], %gather3A_349 {strides = array<i32>} : memref<64x512xf32, #tpu.memory_space<vmem>>, vector<16xf32>,
      %add3A_356 = arith.constant 34816 : i32
      %add3A_357 = vector.broadcast %add3A_356 : i32 to vector<16xi32>
      %add3A_358 = arith.addi %get3A_17, %add3A_357 : vector<16xi32>
      %gather3A_359 = tpu.vector_load_idx %arg5[%add3A_358] : memref<65536xf32, #tpu.memory_space<vmem>>[vector<16xi32>], vector<16xf32>,
      %mul3A_360 = arith.constant 16 : i32
      %mul3A_361 = arith.muli %scan3A_12, %mul3A_360 : i32
      %swap3A_362 = arith.constant 34 : i32
      %swap3A_363 = arith.index_cast %swap3A_362 : i32 to index
      %swap3A_364 = arith.index_cast %mul3A_361 : i32 to index
      %swap3A_365 = tpu.vector_load %arg7[%swap3A_363, %swap3A_364] {strides = array<i32>} : memref<64x512xf32, #tpu.memory_space<vmem>>, vector<16xf32>,
      tpu.vector_store %arg7[%swap3A_363, %swap3A_364], %gather3A_359 {strides = array<i32>} : memref<64x512xf32, #tpu.memory_space<vmem>>, vector<16xf32>,
      %add3A_366 = arith.constant 35840 : i32
      %add3A_367 = vector.broadcast %add3A_366 : i32 to vector<16xi32>
      %add3A_368 = arith.addi %get3A_17, %add3A_367 : vector<16xi32>
      %gather3A_369 = tpu.vector_load_idx %arg5[%add3A_368] : memref<65536xf32, #tpu.memory_space<vmem>>[vector<16xi32>], vector<16xf32>,
      %mul3A_370 = arith.constant 16 : i32
      %mul3A_371 = arith.muli %scan3A_12, %mul3A_370 : i32
      %swap3A_372 = arith.constant 35 : i32
      %swap3A_373 = arith.index_cast %swap3A_372 : i32 to index
      %swap3A_374 = arith.index_cast %mul3A_371 : i32 to index
      %swap3A_375 = tpu.vector_load %arg7[%swap3A_373, %swap3A_374] {strides = array<i32>} : memref<64x512xf32, #tpu.memory_space<vmem>>, vector<16xf32>,
      tpu.vector_store %arg7[%swap3A_373, %swap3A_374], %gather3A_369 {strides = array<i32>} : memref<64x512xf32, #tpu.memory_space<vmem>>, vector<16xf32>,
      %add3A_376 = arith.constant 36864 : i32
      %add3A_377 = vector.broadcast %add3A_376 : i32 to vector<16xi32>
      %add3A_378 = arith.addi %get3A_17, %add3A_377 : vector<16xi32>
      %gather3A_379 = tpu.vector_load_idx %arg5[%add3A_378] : memref<65536xf32, #tpu.memory_space<vmem>>[vector<16xi32>], vector<16xf32>,
      %mul3A_380 = arith.constant 16 : i32
      %mul3A_381 = arith.muli %scan3A_12, %mul3A_380 : i32
      %swap3A_382 = arith.constant 36 : i32
      %swap3A_383 = arith.index_cast %swap3A_382 : i32 to index
      %swap3A_384 = arith.index_cast %mul3A_381 : i32 to index
      %swap3A_385 = tpu.vector_load %arg7[%swap3A_383, %swap3A_384] {strides = array<i32>} : memref<64x512xf32, #tpu.memory_space<vmem>>, vector<16xf32>,
      tpu.vector_store %arg7[%swap3A_383, %swap3A_384], %gather3A_379 {strides = array<i32>} : memref<64x512xf32, #tpu.memory_space<vmem>>, vector<16xf32>,
      %add3A_386 = arith.constant 37888 : i32
      %add3A_387 = vector.broadcast %add3A_386 : i32 to vector<16xi32>
      %add3A_388 = arith.addi %get3A_17, %add3A_387 : vector<16xi32>
      %gather3A_389 = tpu.vector_load_idx %arg5[%add3A_388] : memref<65536xf32, #tpu.memory_space<vmem>>[vector<16xi32>], vector<16xf32>,
      %mul3A_390 = arith.constant 16 : i32
      %mul3A_391 = arith.muli %scan3A_12, %mul3A_390 : i32
      %swap3A_392 = arith.constant 37 : i32
      %swap3A_393 = arith.index_cast %swap3A_392 : i32 to index
      %swap3A_394 = arith.index_cast %mul3A_391 : i32 to index
      %swap3A_395 = tpu.vector_load %arg7[%swap3A_393, %swap3A_394] {strides = array<i32>} : memref<64x512xf32, #tpu.memory_space<vmem>>, vector<16xf32>,
      tpu.vector_store %arg7[%swap3A_393, %swap3A_394], %gather3A_389 {strides = array<i32>} : memref<64x512xf32, #tpu.memory_space<vmem>>, vector<16xf32>,
      %add3A_396 = arith.constant 38912 : i32
      %add3A_397 = vector.broadcast %add3A_396 : i32 to vector<16xi32>
      %add3A_398 = arith.addi %get3A_17, %add3A_397 : vector<16xi32>
      %gather3A_399 = tpu.vector_load_idx %arg5[%add3A_398] : memref<65536xf32, #tpu.memory_space<vmem>>[vector<16xi32>], vector<16xf32>,
      %mul3A_400 = arith.constant 16 : i32
      %mul3A_401 = arith.muli %scan3A_12, %mul3A_400 : i32
      %swap3A_402 = arith.constant 38 : i32
      %swap3A_403 = arith.index_cast %swap3A_402 : i32 to index
      %swap3A_404 = arith.index_cast %mul3A_401 : i32 to index
      %swap3A_405 = tpu.vector_load %arg7[%swap3A_403, %swap3A_404] {strides = array<i32>} : memref<64x512xf32, #tpu.memory_space<vmem>>, vector<16xf32>,
      tpu.vector_store %arg7[%swap3A_403, %swap3A_404], %gather3A_399 {strides = array<i32>} : memref<64x512xf32, #tpu.memory_space<vmem>>, vector<16xf32>,
      %add3A_406 = arith.constant 39936 : i32
      %add3A_407 = vector.broadcast %add3A_406 : i32 to vector<16xi32>
      %add3A_408 = arith.addi %get3A_17, %add3A_407 : vector<16xi32>
      %gather3A_409 = tpu.vector_load_idx %arg5[%add3A_408] : memref<65536xf32, #tpu.memory_space<vmem>>[vector<16xi32>], vector<16xf32>,
      %mul3A_410 = arith.constant 16 : i32
      %mul3A_411 = arith.muli %scan3A_12, %mul3A_410 : i32
      %swap3A_412 = arith.constant 39 : i32
      %swap3A_413 = arith.index_cast %swap3A_412 : i32 to index
      %swap3A_414 = arith.index_cast %mul3A_411 : i32 to index
      %swap3A_415 = tpu.vector_load %arg7[%swap3A_413, %swap3A_414] {strides = array<i32>} : memref<64x512xf32, #tpu.memory_space<vmem>>, vector<16xf32>,
      tpu.vector_store %arg7[%swap3A_413, %swap3A_414], %gather3A_409 {strides = array<i32>} : memref<64x512xf32, #tpu.memory_space<vmem>>, vector<16xf32>,
      %add3A_416 = arith.constant 40960 : i32
      %add3A_417 = vector.broadcast %add3A_416 : i32 to vector<16xi32>
      %add3A_418 = arith.addi %get3A_17, %add3A_417 : vector<16xi32>
      %gather3A_419 = tpu.vector_load_idx %arg5[%add3A_418] : memref<65536xf32, #tpu.memory_space<vmem>>[vector<16xi32>], vector<16xf32>,
      %mul3A_420 = arith.constant 16 : i32
      %mul3A_421 = arith.muli %scan3A_12, %mul3A_420 : i32
      %swap3A_422 = arith.constant 40 : i32
      %swap3A_423 = arith.index_cast %swap3A_422 : i32 to index
      %swap3A_424 = arith.index_cast %mul3A_421 : i32 to index
      %swap3A_425 = tpu.vector_load %arg7[%swap3A_423, %swap3A_424] {strides = array<i32>} : memref<64x512xf32, #tpu.memory_space<vmem>>, vector<16xf32>,
      tpu.vector_store %arg7[%swap3A_423, %swap3A_424], %gather3A_419 {strides = array<i32>} : memref<64x512xf32, #tpu.memory_space<vmem>>, vector<16xf32>,
      %add3A_426 = arith.constant 41984 : i32
      %add3A_427 = vector.broadcast %add3A_426 : i32 to vector<16xi32>
      %add3A_428 = arith.addi %get3A_17, %add3A_427 : vector<16xi32>
      %gather3A_429 = tpu.vector_load_idx %arg5[%add3A_428] : memref<65536xf32, #tpu.memory_space<vmem>>[vector<16xi32>], vector<16xf32>,
      %mul3A_430 = arith.constant 16 : i32
      %mul3A_431 = arith.muli %scan3A_12, %mul3A_430 : i32
      %swap3A_432 = arith.constant 41 : i32
      %swap3A_433 = arith.index_cast %swap3A_432 : i32 to index
      %swap3A_434 = arith.index_cast %mul3A_431 : i32 to index
      %swap3A_435 = tpu.vector_load %arg7[%swap3A_433, %swap3A_434] {strides = array<i32>} : memref<64x512xf32, #tpu.memory_space<vmem>>, vector<16xf32>,
      tpu.vector_store %arg7[%swap3A_433, %swap3A_434], %gather3A_429 {strides = array<i32>} : memref<64x512xf32, #tpu.memory_space<vmem>>, vector<16xf32>,
      %add3A_436 = arith.constant 43008 : i32
      %add3A_437 = vector.broadcast %add3A_436 : i32 to vector<16xi32>
      %add3A_438 = arith.addi %get3A_17, %add3A_437 : vector<16xi32>
      %gather3A_439 = tpu.vector_load_idx %arg5[%add3A_438] : memref<65536xf32, #tpu.memory_space<vmem>>[vector<16xi32>], vector<16xf32>,
      %mul3A_440 = arith.constant 16 : i32
      %mul3A_441 = arith.muli %scan3A_12, %mul3A_440 : i32
      %swap3A_442 = arith.constant 42 : i32
      %swap3A_443 = arith.index_cast %swap3A_442 : i32 to index
      %swap3A_444 = arith.index_cast %mul3A_441 : i32 to index
      %swap3A_445 = tpu.vector_load %arg7[%swap3A_443, %swap3A_444] {strides = array<i32>} : memref<64x512xf32, #tpu.memory_space<vmem>>, vector<16xf32>,
      tpu.vector_store %arg7[%swap3A_443, %swap3A_444], %gather3A_439 {strides = array<i32>} : memref<64x512xf32, #tpu.memory_space<vmem>>, vector<16xf32>,
      %add3A_446 = arith.constant 44032 : i32
      %add3A_447 = vector.broadcast %add3A_446 : i32 to vector<16xi32>
      %add3A_448 = arith.addi %get3A_17, %add3A_447 : vector<16xi32>
      %gather3A_449 = tpu.vector_load_idx %arg5[%add3A_448] : memref<65536xf32, #tpu.memory_space<vmem>>[vector<16xi32>], vector<16xf32>,
      %mul3A_450 = arith.constant 16 : i32
      %mul3A_451 = arith.muli %scan3A_12, %mul3A_450 : i32
      %swap3A_452 = arith.constant 43 : i32
      %swap3A_453 = arith.index_cast %swap3A_452 : i32 to index
      %swap3A_454 = arith.index_cast %mul3A_451 : i32 to index
      %swap3A_455 = tpu.vector_load %arg7[%swap3A_453, %swap3A_454] {strides = array<i32>} : memref<64x512xf32, #tpu.memory_space<vmem>>, vector<16xf32>,
      tpu.vector_store %arg7[%swap3A_453, %swap3A_454], %gather3A_449 {strides = array<i32>} : memref<64x512xf32, #tpu.memory_space<vmem>>, vector<16xf32>,
      %add3A_456 = arith.constant 45056 : i32
      %add3A_457 = vector.broadcast %add3A_456 : i32 to vector<16xi32>
      %add3A_458 = arith.addi %get3A_17, %add3A_457 : vector<16xi32>
      %gather3A_459 = tpu.vector_load_idx %arg5[%add3A_458] : memref<65536xf32, #tpu.memory_space<vmem>>[vector<16xi32>], vector<16xf32>,
      %mul3A_460 = arith.constant 16 : i32
      %mul3A_461 = arith.muli %scan3A_12, %mul3A_460 : i32
      %swap3A_462 = arith.constant 44 : i32
      %swap3A_463 = arith.index_cast %swap3A_462 : i32 to index
      %swap3A_464 = arith.index_cast %mul3A_461 : i32 to index
      %swap3A_465 = tpu.vector_load %arg7[%swap3A_463, %swap3A_464] {strides = array<i32>} : memref<64x512xf32, #tpu.memory_space<vmem>>, vector<16xf32>,
      tpu.vector_store %arg7[%swap3A_463, %swap3A_464], %gather3A_459 {strides = array<i32>} : memref<64x512xf32, #tpu.memory_space<vmem>>, vector<16xf32>,
      %add3A_466 = arith.constant 46080 : i32
      %add3A_467 = vector.broadcast %add3A_466 : i32 to vector<16xi32>
      %add3A_468 = arith.addi %get3A_17, %add3A_467 : vector<16xi32>
      %gather3A_469 = tpu.vector_load_idx %arg5[%add3A_468] : memref<65536xf32, #tpu.memory_space<vmem>>[vector<16xi32>], vector<16xf32>,
      %mul3A_470 = arith.constant 16 : i32
      %mul3A_471 = arith.muli %scan3A_12, %mul3A_470 : i32
      %swap3A_472 = arith.constant 45 : i32
      %swap3A_473 = arith.index_cast %swap3A_472 : i32 to index
      %swap3A_474 = arith.index_cast %mul3A_471 : i32 to index
      %swap3A_475 = tpu.vector_load %arg7[%swap3A_473, %swap3A_474] {strides = array<i32>} : memref<64x512xf32, #tpu.memory_space<vmem>>, vector<16xf32>,
      tpu.vector_store %arg7[%swap3A_473, %swap3A_474], %gather3A_469 {strides = array<i32>} : memref<64x512xf32, #tpu.memory_space<vmem>>, vector<16xf32>,
      %add3A_476 = arith.constant 47104 : i32
      %add3A_477 = vector.broadcast %add3A_476 : i32 to vector<16xi32>
      %add3A_478 = arith.addi %get3A_17, %add3A_477 : vector<16xi32>
      %gather3A_479 = tpu.vector_load_idx %arg5[%add3A_478] : memref<65536xf32, #tpu.memory_space<vmem>>[vector<16xi32>], vector<16xf32>,
      %mul3A_480 = arith.constant 16 : i32
      %mul3A_481 = arith.muli %scan3A_12, %mul3A_480 : i32
      %swap3A_482 = arith.constant 46 : i32
      %swap3A_483 = arith.index_cast %swap3A_482 : i32 to index
      %swap3A_484 = arith.index_cast %mul3A_481 : i32 to index
      %swap3A_485 = tpu.vector_load %arg7[%swap3A_483, %swap3A_484] {strides = array<i32>} : memref<64x512xf32, #tpu.memory_space<vmem>>, vector<16xf32>,
      tpu.vector_store %arg7[%swap3A_483, %swap3A_484], %gather3A_479 {strides = array<i32>} : memref<64x512xf32, #tpu.memory_space<vmem>>, vector<16xf32>,
      %add3A_486 = arith.constant 48128 : i32
      %add3A_487 = vector.broadcast %add3A_486 : i32 to vector<16xi32>
      %add3A_488 = arith.addi %get3A_17, %add3A_487 : vector<16xi32>
      %gather3A_489 = tpu.vector_load_idx %arg5[%add3A_488] : memref<65536xf32, #tpu.memory_space<vmem>>[vector<16xi32>], vector<16xf32>,
      %mul3A_490 = arith.constant 16 : i32
      %mul3A_491 = arith.muli %scan3A_12, %mul3A_490 : i32
      %swap3A_492 = arith.constant 47 : i32
      %swap3A_493 = arith.index_cast %swap3A_492 : i32 to index
      %swap3A_494 = arith.index_cast %mul3A_491 : i32 to index
      %swap3A_495 = tpu.vector_load %arg7[%swap3A_493, %swap3A_494] {strides = array<i32>} : memref<64x512xf32, #tpu.memory_space<vmem>>, vector<16xf32>,
      tpu.vector_store %arg7[%swap3A_493, %swap3A_494], %gather3A_489 {strides = array<i32>} : memref<64x512xf32, #tpu.memory_space<vmem>>, vector<16xf32>,
      %add3A_496 = arith.constant 49152 : i32
      %add3A_497 = vector.broadcast %add3A_496 : i32 to vector<16xi32>
      %add3A_498 = arith.addi %get3A_17, %add3A_497 : vector<16xi32>
      %gather3A_499 = tpu.vector_load_idx %arg5[%add3A_498] : memref<65536xf32, #tpu.memory_space<vmem>>[vector<16xi32>], vector<16xf32>,
      %mul3A_500 = arith.constant 16 : i32
      %mul3A_501 = arith.muli %scan3A_12, %mul3A_500 : i32
      %swap3A_502 = arith.constant 48 : i32
      %swap3A_503 = arith.index_cast %swap3A_502 : i32 to index
      %swap3A_504 = arith.index_cast %mul3A_501 : i32 to index
      %swap3A_505 = tpu.vector_load %arg7[%swap3A_503, %swap3A_504] {strides = array<i32>} : memref<64x512xf32, #tpu.memory_space<vmem>>, vector<16xf32>,
      tpu.vector_store %arg7[%swap3A_503, %swap3A_504], %gather3A_499 {strides = array<i32>} : memref<64x512xf32, #tpu.memory_space<vmem>>, vector<16xf32>,
      %add3A_506 = arith.constant 50176 : i32
      %add3A_507 = vector.broadcast %add3A_506 : i32 to vector<16xi32>
      %add3A_508 = arith.addi %get3A_17, %add3A_507 : vector<16xi32>
      %gather3A_509 = tpu.vector_load_idx %arg5[%add3A_508] : memref<65536xf32, #tpu.memory_space<vmem>>[vector<16xi32>], vector<16xf32>,
      %mul3A_510 = arith.constant 16 : i32
      %mul3A_511 = arith.muli %scan3A_12, %mul3A_510 : i32
      %swap3A_512 = arith.constant 49 : i32
      %swap3A_513 = arith.index_cast %swap3A_512 : i32 to index
      %swap3A_514 = arith.index_cast %mul3A_511 : i32 to index
      %swap3A_515 = tpu.vector_load %arg7[%swap3A_513, %swap3A_514] {strides = array<i32>} : memref<64x512xf32, #tpu.memory_space<vmem>>, vector<16xf32>,
      tpu.vector_store %arg7[%swap3A_513, %swap3A_514], %gather3A_509 {strides = array<i32>} : memref<64x512xf32, #tpu.memory_space<vmem>>, vector<16xf32>,
      %add3A_516 = arith.constant 51200 : i32
      %add3A_517 = vector.broadcast %add3A_516 : i32 to vector<16xi32>
      %add3A_518 = arith.addi %get3A_17, %add3A_517 : vector<16xi32>
      %gather3A_519 = tpu.vector_load_idx %arg5[%add3A_518] : memref<65536xf32, #tpu.memory_space<vmem>>[vector<16xi32>], vector<16xf32>,
      %mul3A_520 = arith.constant 16 : i32
      %mul3A_521 = arith.muli %scan3A_12, %mul3A_520 : i32
      %swap3A_522 = arith.constant 50 : i32
      %swap3A_523 = arith.index_cast %swap3A_522 : i32 to index
      %swap3A_524 = arith.index_cast %mul3A_521 : i32 to index
      %swap3A_525 = tpu.vector_load %arg7[%swap3A_523, %swap3A_524] {strides = array<i32>} : memref<64x512xf32, #tpu.memory_space<vmem>>, vector<16xf32>,
      tpu.vector_store %arg7[%swap3A_523, %swap3A_524], %gather3A_519 {strides = array<i32>} : memref<64x512xf32, #tpu.memory_space<vmem>>, vector<16xf32>,
      %add3A_526 = arith.constant 52224 : i32
      %add3A_527 = vector.broadcast %add3A_526 : i32 to vector<16xi32>
      %add3A_528 = arith.addi %get3A_17, %add3A_527 : vector<16xi32>
      %gather3A_529 = tpu.vector_load_idx %arg5[%add3A_528] : memref<65536xf32, #tpu.memory_space<vmem>>[vector<16xi32>], vector<16xf32>,
      %mul3A_530 = arith.constant 16 : i32
      %mul3A_531 = arith.muli %scan3A_12, %mul3A_530 : i32
      %swap3A_532 = arith.constant 51 : i32
      %swap3A_533 = arith.index_cast %swap3A_532 : i32 to index
      %swap3A_534 = arith.index_cast %mul3A_531 : i32 to index
      %swap3A_535 = tpu.vector_load %arg7[%swap3A_533, %swap3A_534] {strides = array<i32>} : memref<64x512xf32, #tpu.memory_space<vmem>>, vector<16xf32>,
      tpu.vector_store %arg7[%swap3A_533, %swap3A_534], %gather3A_529 {strides = array<i32>} : memref<64x512xf32, #tpu.memory_space<vmem>>, vector<16xf32>,
      %add3A_536 = arith.constant 53248 : i32
      %add3A_537 = vector.broadcast %add3A_536 : i32 to vector<16xi32>
      %add3A_538 = arith.addi %get3A_17, %add3A_537 : vector<16xi32>
      %gather3A_539 = tpu.vector_load_idx %arg5[%add3A_538] : memref<65536xf32, #tpu.memory_space<vmem>>[vector<16xi32>], vector<16xf32>,
      %mul3A_540 = arith.constant 16 : i32
      %mul3A_541 = arith.muli %scan3A_12, %mul3A_540 : i32
      %swap3A_542 = arith.constant 52 : i32
      %swap3A_543 = arith.index_cast %swap3A_542 : i32 to index
      %swap3A_544 = arith.index_cast %mul3A_541 : i32 to index
      %swap3A_545 = tpu.vector_load %arg7[%swap3A_543, %swap3A_544] {strides = array<i32>} : memref<64x512xf32, #tpu.memory_space<vmem>>, vector<16xf32>,
      tpu.vector_store %arg7[%swap3A_543, %swap3A_544], %gather3A_539 {strides = array<i32>} : memref<64x512xf32, #tpu.memory_space<vmem>>, vector<16xf32>,
      %add3A_546 = arith.constant 54272 : i32
      %add3A_547 = vector.broadcast %add3A_546 : i32 to vector<16xi32>
      %add3A_548 = arith.addi %get3A_17, %add3A_547 : vector<16xi32>
      %gather3A_549 = tpu.vector_load_idx %arg5[%add3A_548] : memref<65536xf32, #tpu.memory_space<vmem>>[vector<16xi32>], vector<16xf32>,
      %mul3A_550 = arith.constant 16 : i32
      %mul3A_551 = arith.muli %scan3A_12, %mul3A_550 : i32
      %swap3A_552 = arith.constant 53 : i32
      %swap3A_553 = arith.index_cast %swap3A_552 : i32 to index
      %swap3A_554 = arith.index_cast %mul3A_551 : i32 to index
      %swap3A_555 = tpu.vector_load %arg7[%swap3A_553, %swap3A_554] {strides = array<i32>} : memref<64x512xf32, #tpu.memory_space<vmem>>, vector<16xf32>,
      tpu.vector_store %arg7[%swap3A_553, %swap3A_554], %gather3A_549 {strides = array<i32>} : memref<64x512xf32, #tpu.memory_space<vmem>>, vector<16xf32>,
      %add3A_556 = arith.constant 55296 : i32
      %add3A_557 = vector.broadcast %add3A_556 : i32 to vector<16xi32>
      %add3A_558 = arith.addi %get3A_17, %add3A_557 : vector<16xi32>
      %gather3A_559 = tpu.vector_load_idx %arg5[%add3A_558] : memref<65536xf32, #tpu.memory_space<vmem>>[vector<16xi32>], vector<16xf32>,
      %mul3A_560 = arith.constant 16 : i32
      %mul3A_561 = arith.muli %scan3A_12, %mul3A_560 : i32
      %swap3A_562 = arith.constant 54 : i32
      %swap3A_563 = arith.index_cast %swap3A_562 : i32 to index
      %swap3A_564 = arith.index_cast %mul3A_561 : i32 to index
      %swap3A_565 = tpu.vector_load %arg7[%swap3A_563, %swap3A_564] {strides = array<i32>} : memref<64x512xf32, #tpu.memory_space<vmem>>, vector<16xf32>,
      tpu.vector_store %arg7[%swap3A_563, %swap3A_564], %gather3A_559 {strides = array<i32>} : memref<64x512xf32, #tpu.memory_space<vmem>>, vector<16xf32>,
      %add3A_566 = arith.constant 56320 : i32
      %add3A_567 = vector.broadcast %add3A_566 : i32 to vector<16xi32>
      %add3A_568 = arith.addi %get3A_17, %add3A_567 : vector<16xi32>
      %gather3A_569 = tpu.vector_load_idx %arg5[%add3A_568] : memref<65536xf32, #tpu.memory_space<vmem>>[vector<16xi32>], vector<16xf32>,
      %mul3A_570 = arith.constant 16 : i32
      %mul3A_571 = arith.muli %scan3A_12, %mul3A_570 : i32
      %swap3A_572 = arith.constant 55 : i32
      %swap3A_573 = arith.index_cast %swap3A_572 : i32 to index
      %swap3A_574 = arith.index_cast %mul3A_571 : i32 to index
      %swap3A_575 = tpu.vector_load %arg7[%swap3A_573, %swap3A_574] {strides = array<i32>} : memref<64x512xf32, #tpu.memory_space<vmem>>, vector<16xf32>,
      tpu.vector_store %arg7[%swap3A_573, %swap3A_574], %gather3A_569 {strides = array<i32>} : memref<64x512xf32, #tpu.memory_space<vmem>>, vector<16xf32>,
      %add3A_576 = arith.constant 57344 : i32
      %add3A_577 = vector.broadcast %add3A_576 : i32 to vector<16xi32>
      %add3A_578 = arith.addi %get3A_17, %add3A_577 : vector<16xi32>
      %gather3A_579 = tpu.vector_load_idx %arg5[%add3A_578] : memref<65536xf32, #tpu.memory_space<vmem>>[vector<16xi32>], vector<16xf32>,
      %mul3A_580 = arith.constant 16 : i32
      %mul3A_581 = arith.muli %scan3A_12, %mul3A_580 : i32
      %swap3A_582 = arith.constant 56 : i32
      %swap3A_583 = arith.index_cast %swap3A_582 : i32 to index
      %swap3A_584 = arith.index_cast %mul3A_581 : i32 to index
      %swap3A_585 = tpu.vector_load %arg7[%swap3A_583, %swap3A_584] {strides = array<i32>} : memref<64x512xf32, #tpu.memory_space<vmem>>, vector<16xf32>,
      tpu.vector_store %arg7[%swap3A_583, %swap3A_584], %gather3A_579 {strides = array<i32>} : memref<64x512xf32, #tpu.memory_space<vmem>>, vector<16xf32>,
      %add3A_586 = arith.constant 58368 : i32
      %add3A_587 = vector.broadcast %add3A_586 : i32 to vector<16xi32>
      %add3A_588 = arith.addi %get3A_17, %add3A_587 : vector<16xi32>
      %gather3A_589 = tpu.vector_load_idx %arg5[%add3A_588] : memref<65536xf32, #tpu.memory_space<vmem>>[vector<16xi32>], vector<16xf32>,
      %mul3A_590 = arith.constant 16 : i32
      %mul3A_591 = arith.muli %scan3A_12, %mul3A_590 : i32
      %swap3A_592 = arith.constant 57 : i32
      %swap3A_593 = arith.index_cast %swap3A_592 : i32 to index
      %swap3A_594 = arith.index_cast %mul3A_591 : i32 to index
      %swap3A_595 = tpu.vector_load %arg7[%swap3A_593, %swap3A_594] {strides = array<i32>} : memref<64x512xf32, #tpu.memory_space<vmem>>, vector<16xf32>,
      tpu.vector_store %arg7[%swap3A_593, %swap3A_594], %gather3A_589 {strides = array<i32>} : memref<64x512xf32, #tpu.memory_space<vmem>>, vector<16xf32>,
      %add3A_596 = arith.constant 59392 : i32
      %add3A_597 = vector.broadcast %add3A_596 : i32 to vector<16xi32>
      %add3A_598 = arith.addi %get3A_17, %add3A_597 : vector<16xi32>
      %gather3A_599 = tpu.vector_load_idx %arg5[%add3A_598] : memref<65536xf32, #tpu.memory_space<vmem>>[vector<16xi32>], vector<16xf32>,
      %mul3A_600 = arith.constant 16 : i32
      %mul3A_601 = arith.muli %scan3A_12, %mul3A_600 : i32
      %swap3A_602 = arith.constant 58 : i32
      %swap3A_603 = arith.index_cast %swap3A_602 : i32 to index
      %swap3A_604 = arith.index_cast %mul3A_601 : i32 to index
      %swap3A_605 = tpu.vector_load %arg7[%swap3A_603, %swap3A_604] {strides = array<i32>} : memref<64x512xf32, #tpu.memory_space<vmem>>, vector<16xf32>,
      tpu.vector_store %arg7[%swap3A_603, %swap3A_604], %gather3A_599 {strides = array<i32>} : memref<64x512xf32, #tpu.memory_space<vmem>>, vector<16xf32>,
      %add3A_606 = arith.constant 60416 : i32
      %add3A_607 = vector.broadcast %add3A_606 : i32 to vector<16xi32>
      %add3A_608 = arith.addi %get3A_17, %add3A_607 : vector<16xi32>
      %gather3A_609 = tpu.vector_load_idx %arg5[%add3A_608] : memref<65536xf32, #tpu.memory_space<vmem>>[vector<16xi32>], vector<16xf32>,
      %mul3A_610 = arith.constant 16 : i32
      %mul3A_611 = arith.muli %scan3A_12, %mul3A_610 : i32
      %swap3A_612 = arith.constant 59 : i32
      %swap3A_613 = arith.index_cast %swap3A_612 : i32 to index
      %swap3A_614 = arith.index_cast %mul3A_611 : i32 to index
      %swap3A_615 = tpu.vector_load %arg7[%swap3A_613, %swap3A_614] {strides = array<i32>} : memref<64x512xf32, #tpu.memory_space<vmem>>, vector<16xf32>,
      tpu.vector_store %arg7[%swap3A_613, %swap3A_614], %gather3A_609 {strides = array<i32>} : memref<64x512xf32, #tpu.memory_space<vmem>>, vector<16xf32>,
      %add3A_616 = arith.constant 61440 : i32
      %add3A_617 = vector.broadcast %add3A_616 : i32 to vector<16xi32>
      %add3A_618 = arith.addi %get3A_17, %add3A_617 : vector<16xi32>
      %gather3A_619 = tpu.vector_load_idx %arg5[%add3A_618] : memref<65536xf32, #tpu.memory_space<vmem>>[vector<16xi32>], vector<16xf32>,
      %mul3A_620 = arith.constant 16 : i32
      %mul3A_621 = arith.muli %scan3A_12, %mul3A_620 : i32
      %swap3A_622 = arith.constant 60 : i32
      %swap3A_623 = arith.index_cast %swap3A_622 : i32 to index
      %swap3A_624 = arith.index_cast %mul3A_621 : i32 to index
      %swap3A_625 = tpu.vector_load %arg7[%swap3A_623, %swap3A_624] {strides = array<i32>} : memref<64x512xf32, #tpu.memory_space<vmem>>, vector<16xf32>,
      tpu.vector_store %arg7[%swap3A_623, %swap3A_624], %gather3A_619 {strides = array<i32>} : memref<64x512xf32, #tpu.memory_space<vmem>>, vector<16xf32>,
      %add3A_626 = arith.constant 62464 : i32
      %add3A_627 = vector.broadcast %add3A_626 : i32 to vector<16xi32>
      %add3A_628 = arith.addi %get3A_17, %add3A_627 : vector<16xi32>
      %gather3A_629 = tpu.vector_load_idx %arg5[%add3A_628] : memref<65536xf32, #tpu.memory_space<vmem>>[vector<16xi32>], vector<16xf32>,
      %mul3A_630 = arith.constant 16 : i32
      %mul3A_631 = arith.muli %scan3A_12, %mul3A_630 : i32
      %swap3A_632 = arith.constant 61 : i32
      %swap3A_633 = arith.index_cast %swap3A_632 : i32 to index
      %swap3A_634 = arith.index_cast %mul3A_631 : i32 to index
      %swap3A_635 = tpu.vector_load %arg7[%swap3A_633, %swap3A_634] {strides = array<i32>} : memref<64x512xf32, #tpu.memory_space<vmem>>, vector<16xf32>,
      tpu.vector_store %arg7[%swap3A_633, %swap3A_634], %gather3A_629 {strides = array<i32>} : memref<64x512xf32, #tpu.memory_space<vmem>>, vector<16xf32>,
      %add3A_636 = arith.constant 63488 : i32
      %add3A_637 = vector.broadcast %add3A_636 : i32 to vector<16xi32>
      %add3A_638 = arith.addi %get3A_17, %add3A_637 : vector<16xi32>
      %gather3A_639 = tpu.vector_load_idx %arg5[%add3A_638] : memref<65536xf32, #tpu.memory_space<vmem>>[vector<16xi32>], vector<16xf32>,
      %mul3A_640 = arith.constant 16 : i32
      %mul3A_641 = arith.muli %scan3A_12, %mul3A_640 : i32
      %swap3A_642 = arith.constant 62 : i32
      %swap3A_643 = arith.index_cast %swap3A_642 : i32 to index
      %swap3A_644 = arith.index_cast %mul3A_641 : i32 to index
      %swap3A_645 = tpu.vector_load %arg7[%swap3A_643, %swap3A_644] {strides = array<i32>} : memref<64x512xf32, #tpu.memory_space<vmem>>, vector<16xf32>,
      tpu.vector_store %arg7[%swap3A_643, %swap3A_644], %gather3A_639 {strides = array<i32>} : memref<64x512xf32, #tpu.memory_space<vmem>>, vector<16xf32>,
      %add3A_646 = arith.constant 64512 : i32
      %add3A_647 = vector.broadcast %add3A_646 : i32 to vector<16xi32>
      %add3A_648 = arith.addi %get3A_17, %add3A_647 : vector<16xi32>
      %gather3A_649 = tpu.vector_load_idx %arg5[%add3A_648] : memref<65536xf32, #tpu.memory_space<vmem>>[vector<16xi32>], vector<16xf32>,
      %mul3A_650 = arith.constant 16 : i32
      %mul3A_651 = arith.muli %scan3A_12, %mul3A_650 : i32
      %swap3A_652 = arith.constant 63 : i32
      %swap3A_653 = arith.index_cast %swap3A_652 : i32 to index
      %swap3A_654 = arith.index_cast %mul3A_651 : i32 to index
      %swap3A_655 = tpu.vector_load %arg7[%swap3A_653, %swap3A_654] {strides = array<i32>} : memref<64x512xf32, #tpu.memory_space<vmem>>, vector<16xf32>,
      tpu.vector_store %arg7[%swap3A_653, %swap3A_654], %gather3A_649 {strides = array<i32>} : memref<64x512xf32, #tpu.memory_space<vmem>>, vector<16xf32>,
      %scan3A_656 = arith.constant 1 : i32
      %scan3A_657 = arith.addi %scan3A_12, %scan3A_656 : i32
      %mul3A_658 = arith.constant 16 : i32
      %mul3A_659 = arith.muli %scan3A_657, %mul3A_658 : i32
      %add3A_660 = arith.constant 0 : i32
      %add3A_661 = arith.addi %add3A_660, %mul3A_659 : i32
      %get3A_662 = arith.index_cast %add3A_661 : i32 to index
      %get3A_663 = tpu.vector_load %arg6[%get3A_662] {strides = array<i32>} : memref<1024xi32, #tpu.memory_space<vmem>>, vector<16xi32>,
      %add3A_664 = arith.constant 0 : i32
      %add3A_665 = vector.broadcast %add3A_664 : i32 to vector<16xi32>
      %add3A_666 = arith.addi %get3A_663, %add3A_665 : vector<16xi32>
      %gather3A_667 = tpu.vector_load_idx %arg5[%add3A_666] : memref<65536xf32, #tpu.memory_space<vmem>>[vector<16xi32>], vector<16xf32>,
      %mul3A_668 = arith.constant 16 : i32
      %mul3A_669 = arith.muli %scan3A_657, %mul3A_668 : i32
      %swap3A_670 = arith.constant 0 : i32
      %swap3A_671 = arith.index_cast %swap3A_670 : i32 to index
      %swap3A_672 = arith.index_cast %mul3A_669 : i32 to index
      %swap3A_673 = tpu.vector_load %arg7[%swap3A_671, %swap3A_672] {strides = array<i32>} : memref<64x512xf32, #tpu.memory_space<vmem>>, vector<16xf32>,
      tpu.vector_store %arg7[%swap3A_671, %swap3A_672], %gather3A_667 {strides = array<i32>} : memref<64x512xf32, #tpu.memory_space<vmem>>, vector<16xf32>,
      %add3A_674 = arith.constant 1024 : i32
      %add3A_675 = vector.broadcast %add3A_674 : i32 to vector<16xi32>
      %add3A_676 = arith.addi %get3A_663, %add3A_675 : vector<16xi32>
      %gather3A_677 = tpu.vector_load_idx %arg5[%add3A_676] : memref<65536xf32, #tpu.memory_space<vmem>>[vector<16xi32>], vector<16xf32>,
      %mul3A_678 = arith.constant 16 : i32
      %mul3A_679 = arith.muli %scan3A_657, %mul3A_678 : i32
      %swap3A_680 = arith.constant 1 : i32
      %swap3A_681 = arith.index_cast %swap3A_680 : i32 to index
      %swap3A_682 = arith.index_cast %mul3A_679 : i32 to index
      %swap3A_683 = tpu.vector_load %arg7[%swap3A_681, %swap3A_682] {strides = array<i32>} : memref<64x512xf32, #tpu.memory_space<vmem>>, vector<16xf32>,
      tpu.vector_store %arg7[%swap3A_681, %swap3A_682], %gather3A_677 {strides = array<i32>} : memref<64x512xf32, #tpu.memory_space<vmem>>, vector<16xf32>,
      %add3A_684 = arith.constant 2048 : i32
      %add3A_685 = vector.broadcast %add3A_684 : i32 to vector<16xi32>
      %add3A_686 = arith.addi %get3A_663, %add3A_685 : vector<16xi32>
      %gather3A_687 = tpu.vector_load_idx %arg5[%add3A_686] : memref<65536xf32, #tpu.memory_space<vmem>>[vector<16xi32>], vector<16xf32>,
      %mul3A_688 = arith.constant 16 : i32
      %mul3A_689 = arith.muli %scan3A_657, %mul3A_688 : i32
      %swap3A_690 = arith.constant 2 : i32
      %swap3A_691 = arith.index_cast %swap3A_690 : i32 to index
      %swap3A_692 = arith.index_cast %mul3A_689 : i32 to index
      %swap3A_693 = tpu.vector_load %arg7[%swap3A_691, %swap3A_692] {strides = array<i32>} : memref<64x512xf32, #tpu.memory_space<vmem>>, vector<16xf32>,
      tpu.vector_store %arg7[%swap3A_691, %swap3A_692], %gather3A_687 {strides = array<i32>} : memref<64x512xf32, #tpu.memory_space<vmem>>, vector<16xf32>,
      %add3A_694 = arith.constant 3072 : i32
      %add3A_695 = vector.broadcast %add3A_694 : i32 to vector<16xi32>
      %add3A_696 = arith.addi %get3A_663, %add3A_695 : vector<16xi32>
      %gather3A_697 = tpu.vector_load_idx %arg5[%add3A_696] : memref<65536xf32, #tpu.memory_space<vmem>>[vector<16xi32>], vector<16xf32>,
      %mul3A_698 = arith.constant 16 : i32
      %mul3A_699 = arith.muli %scan3A_657, %mul3A_698 : i32
      %swap3A_700 = arith.constant 3 : i32
      %swap3A_701 = arith.index_cast %swap3A_700 : i32 to index
      %swap3A_702 = arith.index_cast %mul3A_699 : i32 to index
      %swap3A_703 = tpu.vector_load %arg7[%swap3A_701, %swap3A_702] {strides = array<i32>} : memref<64x512xf32, #tpu.memory_space<vmem>>, vector<16xf32>,
      tpu.vector_store %arg7[%swap3A_701, %swap3A_702], %gather3A_697 {strides = array<i32>} : memref<64x512xf32, #tpu.memory_space<vmem>>, vector<16xf32>,
      %add3A_704 = arith.constant 4096 : i32
      %add3A_705 = vector.broadcast %add3A_704 : i32 to vector<16xi32>
      %add3A_706 = arith.addi %get3A_663, %add3A_705 : vector<16xi32>
      %gather3A_707 = tpu.vector_load_idx %arg5[%add3A_706] : memref<65536xf32, #tpu.memory_space<vmem>>[vector<16xi32>], vector<16xf32>,
      %mul3A_708 = arith.constant 16 : i32
      %mul3A_709 = arith.muli %scan3A_657, %mul3A_708 : i32
      %swap3A_710 = arith.constant 4 : i32
      %swap3A_711 = arith.index_cast %swap3A_710 : i32 to index
      %swap3A_712 = arith.index_cast %mul3A_709 : i32 to index
      %swap3A_713 = tpu.vector_load %arg7[%swap3A_711, %swap3A_712] {strides = array<i32>} : memref<64x512xf32, #tpu.memory_space<vmem>>, vector<16xf32>,
      tpu.vector_store %arg7[%swap3A_711, %swap3A_712], %gather3A_707 {strides = array<i32>} : memref<64x512xf32, #tpu.memory_space<vmem>>, vector<16xf32>,
      %add3A_714 = arith.constant 5120 : i32
      %add3A_715 = vector.broadcast %add3A_714 : i32 to vector<16xi32>
      %add3A_716 = arith.addi %get3A_663, %add3A_715 : vector<16xi32>
      %gather3A_717 = tpu.vector_load_idx %arg5[%add3A_716] : memref<65536xf32, #tpu.memory_space<vmem>>[vector<16xi32>], vector<16xf32>,
      %mul3A_718 = arith.constant 16 : i32
      %mul3A_719 = arith.muli %scan3A_657, %mul3A_718 : i32
      %swap3A_720 = arith.constant 5 : i32
      %swap3A_721 = arith.index_cast %swap3A_720 : i32 to index
      %swap3A_722 = arith.index_cast %mul3A_719 : i32 to index
      %swap3A_723 = tpu.vector_load %arg7[%swap3A_721, %swap3A_722] {strides = array<i32>} : memref<64x512xf32, #tpu.memory_space<vmem>>, vector<16xf32>,
      tpu.vector_store %arg7[%swap3A_721, %swap3A_722], %gather3A_717 {strides = array<i32>} : memref<64x512xf32, #tpu.memory_space<vmem>>, vector<16xf32>,
      %add3A_724 = arith.constant 6144 : i32
      %add3A_725 = vector.broadcast %add3A_724 : i32 to vector<16xi32>
      %add3A_726 = arith.addi %get3A_663, %add3A_725 : vector<16xi32>
      %gather3A_727 = tpu.vector_load_idx %arg5[%add3A_726] : memref<65536xf32, #tpu.memory_space<vmem>>[vector<16xi32>], vector<16xf32>,
      %mul3A_728 = arith.constant 16 : i32
      %mul3A_729 = arith.muli %scan3A_657, %mul3A_728 : i32
      %swap3A_730 = arith.constant 6 : i32
      %swap3A_731 = arith.index_cast %swap3A_730 : i32 to index
      %swap3A_732 = arith.index_cast %mul3A_729 : i32 to index
      %swap3A_733 = tpu.vector_load %arg7[%swap3A_731, %swap3A_732] {strides = array<i32>} : memref<64x512xf32, #tpu.memory_space<vmem>>, vector<16xf32>,
      tpu.vector_store %arg7[%swap3A_731, %swap3A_732], %gather3A_727 {strides = array<i32>} : memref<64x512xf32, #tpu.memory_space<vmem>>, vector<16xf32>,
      %add3A_734 = arith.constant 7168 : i32
      %add3A_735 = vector.broadcast %add3A_734 : i32 to vector<16xi32>
      %add3A_736 = arith.addi %get3A_663, %add3A_735 : vector<16xi32>
      %gather3A_737 = tpu.vector_load_idx %arg5[%add3A_736] : memref<65536xf32, #tpu.memory_space<vmem>>[vector<16xi32>], vector<16xf32>,
      %mul3A_738 = arith.constant 16 : i32
      %mul3A_739 = arith.muli %scan3A_657, %mul3A_738 : i32
      %swap3A_740 = arith.constant 7 : i32
      %swap3A_741 = arith.index_cast %swap3A_740 : i32 to index
      %swap3A_742 = arith.index_cast %mul3A_739 : i32 to index
      %swap3A_743 = tpu.vector_load %arg7[%swap3A_741, %swap3A_742] {strides = array<i32>} : memref<64x512xf32, #tpu.memory_space<vmem>>, vector<16xf32>,
      tpu.vector_store %arg7[%swap3A_741, %swap3A_742], %gather3A_737 {strides = array<i32>} : memref<64x512xf32, #tpu.memory_space<vmem>>, vector<16xf32>,
      %add3A_744 = arith.constant 8192 : i32
      %add3A_745 = vector.broadcast %add3A_744 : i32 to vector<16xi32>
      %add3A_746 = arith.addi %get3A_663, %add3A_745 : vector<16xi32>
      %gather3A_747 = tpu.vector_load_idx %arg5[%add3A_746] : memref<65536xf32, #tpu.memory_space<vmem>>[vector<16xi32>], vector<16xf32>,
      %mul3A_748 = arith.constant 16 : i32
      %mul3A_749 = arith.muli %scan3A_657, %mul3A_748 : i32
      %swap3A_750 = arith.constant 8 : i32
      %swap3A_751 = arith.index_cast %swap3A_750 : i32 to index
      %swap3A_752 = arith.index_cast %mul3A_749 : i32 to index
      %swap3A_753 = tpu.vector_load %arg7[%swap3A_751, %swap3A_752] {strides = array<i32>} : memref<64x512xf32, #tpu.memory_space<vmem>>, vector<16xf32>,
      tpu.vector_store %arg7[%swap3A_751, %swap3A_752], %gather3A_747 {strides = array<i32>} : memref<64x512xf32, #tpu.memory_space<vmem>>, vector<16xf32>,
      %add3A_754 = arith.constant 9216 : i32
      %add3A_755 = vector.broadcast %add3A_754 : i32 to vector<16xi32>
      %add3A_756 = arith.addi %get3A_663, %add3A_755 : vector<16xi32>
      %gather3A_757 = tpu.vector_load_idx %arg5[%add3A_756] : memref<65536xf32, #tpu.memory_space<vmem>>[vector<16xi32>], vector<16xf32>,
      %mul3A_758 = arith.constant 16 : i32
      %mul3A_759 = arith.muli %scan3A_657, %mul3A_758 : i32
      %swap3A_760 = arith.constant 9 : i32
      %swap3A_761 = arith.index_cast %swap3A_760 : i32 to index
      %swap3A_762 = arith.index_cast %mul3A_759 : i32 to index
      %swap3A_763 = tpu.vector_load %arg7[%swap3A_761, %swap3A_762] {strides = array<i32>} : memref<64x512xf32, #tpu.memory_space<vmem>>, vector<16xf32>,
      tpu.vector_store %arg7[%swap3A_761, %swap3A_762], %gather3A_757 {strides = array<i32>} : memref<64x512xf32, #tpu.memory_space<vmem>>, vector<16xf32>,
      %add3A_764 = arith.constant 10240 : i32
      %add3A_765 = vector.broadcast %add3A_764 : i32 to vector<16xi32>
      %add3A_766 = arith.addi %get3A_663, %add3A_765 : vector<16xi32>
      %gather3A_767 = tpu.vector_load_idx %arg5[%add3A_766] : memref<65536xf32, #tpu.memory_space<vmem>>[vector<16xi32>], vector<16xf32>,
      %mul3A_768 = arith.constant 16 : i32
      %mul3A_769 = arith.muli %scan3A_657, %mul3A_768 : i32
      %swap3A_770 = arith.constant 10 : i32
      %swap3A_771 = arith.index_cast %swap3A_770 : i32 to index
      %swap3A_772 = arith.index_cast %mul3A_769 : i32 to index
      %swap3A_773 = tpu.vector_load %arg7[%swap3A_771, %swap3A_772] {strides = array<i32>} : memref<64x512xf32, #tpu.memory_space<vmem>>, vector<16xf32>,
      tpu.vector_store %arg7[%swap3A_771, %swap3A_772], %gather3A_767 {strides = array<i32>} : memref<64x512xf32, #tpu.memory_space<vmem>>, vector<16xf32>,
      %add3A_774 = arith.constant 11264 : i32
      %add3A_775 = vector.broadcast %add3A_774 : i32 to vector<16xi32>
      %add3A_776 = arith.addi %get3A_663, %add3A_775 : vector<16xi32>
      %gather3A_777 = tpu.vector_load_idx %arg5[%add3A_776] : memref<65536xf32, #tpu.memory_space<vmem>>[vector<16xi32>], vector<16xf32>,
      %mul3A_778 = arith.constant 16 : i32
      %mul3A_779 = arith.muli %scan3A_657, %mul3A_778 : i32
      %swap3A_780 = arith.constant 11 : i32
      %swap3A_781 = arith.index_cast %swap3A_780 : i32 to index
      %swap3A_782 = arith.index_cast %mul3A_779 : i32 to index
      %swap3A_783 = tpu.vector_load %arg7[%swap3A_781, %swap3A_782] {strides = array<i32>} : memref<64x512xf32, #tpu.memory_space<vmem>>, vector<16xf32>,
      tpu.vector_store %arg7[%swap3A_781, %swap3A_782], %gather3A_777 {strides = array<i32>} : memref<64x512xf32, #tpu.memory_space<vmem>>, vector<16xf32>,
      %add3A_784 = arith.constant 12288 : i32
      %add3A_785 = vector.broadcast %add3A_784 : i32 to vector<16xi32>
      %add3A_786 = arith.addi %get3A_663, %add3A_785 : vector<16xi32>
      %gather3A_787 = tpu.vector_load_idx %arg5[%add3A_786] : memref<65536xf32, #tpu.memory_space<vmem>>[vector<16xi32>], vector<16xf32>,
      %mul3A_788 = arith.constant 16 : i32
      %mul3A_789 = arith.muli %scan3A_657, %mul3A_788 : i32
      %swap3A_790 = arith.constant 12 : i32
      %swap3A_791 = arith.index_cast %swap3A_790 : i32 to index
      %swap3A_792 = arith.index_cast %mul3A_789 : i32 to index
      %swap3A_793 = tpu.vector_load %arg7[%swap3A_791, %swap3A_792] {strides = array<i32>} : memref<64x512xf32, #tpu.memory_space<vmem>>, vector<16xf32>,
      tpu.vector_store %arg7[%swap3A_791, %swap3A_792], %gather3A_787 {strides = array<i32>} : memref<64x512xf32, #tpu.memory_space<vmem>>, vector<16xf32>,
      %add3A_794 = arith.constant 13312 : i32
      %add3A_795 = vector.broadcast %add3A_794 : i32 to vector<16xi32>
      %add3A_796 = arith.addi %get3A_663, %add3A_795 : vector<16xi32>
      %gather3A_797 = tpu.vector_load_idx %arg5[%add3A_796] : memref<65536xf32, #tpu.memory_space<vmem>>[vector<16xi32>], vector<16xf32>,
      %mul3A_798 = arith.constant 16 : i32
      %mul3A_799 = arith.muli %scan3A_657, %mul3A_798 : i32
      %swap3A_800 = arith.constant 13 : i32
      %swap3A_801 = arith.index_cast %swap3A_800 : i32 to index
      %swap3A_802 = arith.index_cast %mul3A_799 : i32 to index
      %swap3A_803 = tpu.vector_load %arg7[%swap3A_801, %swap3A_802] {strides = array<i32>} : memref<64x512xf32, #tpu.memory_space<vmem>>, vector<16xf32>,
      tpu.vector_store %arg7[%swap3A_801, %swap3A_802], %gather3A_797 {strides = array<i32>} : memref<64x512xf32, #tpu.memory_space<vmem>>, vector<16xf32>,
      %add3A_804 = arith.constant 14336 : i32
      %add3A_805 = vector.broadcast %add3A_804 : i32 to vector<16xi32>
      %add3A_806 = arith.addi %get3A_663, %add3A_805 : vector<16xi32>
      %gather3A_807 = tpu.vector_load_idx %arg5[%add3A_806] : memref<65536xf32, #tpu.memory_space<vmem>>[vector<16xi32>], vector<16xf32>,
      %mul3A_808 = arith.constant 16 : i32
      %mul3A_809 = arith.muli %scan3A_657, %mul3A_808 : i32
      %swap3A_810 = arith.constant 14 : i32
      %swap3A_811 = arith.index_cast %swap3A_810 : i32 to index
      %swap3A_812 = arith.index_cast %mul3A_809 : i32 to index
      %swap3A_813 = tpu.vector_load %arg7[%swap3A_811, %swap3A_812] {strides = array<i32>} : memref<64x512xf32, #tpu.memory_space<vmem>>, vector<16xf32>,
      tpu.vector_store %arg7[%swap3A_811, %swap3A_812], %gather3A_807 {strides = array<i32>} : memref<64x512xf32, #tpu.memory_space<vmem>>, vector<16xf32>,
      %add3A_814 = arith.constant 15360 : i32
      %add3A_815 = vector.broadcast %add3A_814 : i32 to vector<16xi32>
      %add3A_816 = arith.addi %get3A_663, %add3A_815 : vector<16xi32>
      %gather3A_817 = tpu.vector_load_idx %arg5[%add3A_816] : memref<65536xf32, #tpu.memory_space<vmem>>[vector<16xi32>], vector<16xf32>,
      %mul3A_818 = arith.constant 16 : i32
      %mul3A_819 = arith.muli %scan3A_657, %mul3A_818 : i32
      %swap3A_820 = arith.constant 15 : i32
      %swap3A_821 = arith.index_cast %swap3A_820 : i32 to index
      %swap3A_822 = arith.index_cast %mul3A_819 : i32 to index
      %swap3A_823 = tpu.vector_load %arg7[%swap3A_821, %swap3A_822] {strides = array<i32>} : memref<64x512xf32, #tpu.memory_space<vmem>>, vector<16xf32>,
      tpu.vector_store %arg7[%swap3A_821, %swap3A_822], %gather3A_817 {strides = array<i32>} : memref<64x512xf32, #tpu.memory_space<vmem>>, vector<16xf32>,
      %add3A_824 = arith.constant 16384 : i32
      %add3A_825 = vector.broadcast %add3A_824 : i32 to vector<16xi32>
      %add3A_826 = arith.addi %get3A_663, %add3A_825 : vector<16xi32>
      %gather3A_827 = tpu.vector_load_idx %arg5[%add3A_826] : memref<65536xf32, #tpu.memory_space<vmem>>[vector<16xi32>], vector<16xf32>,
      %mul3A_828 = arith.constant 16 : i32
      %mul3A_829 = arith.muli %scan3A_657, %mul3A_828 : i32
      %swap3A_830 = arith.constant 16 : i32
      %swap3A_831 = arith.index_cast %swap3A_830 : i32 to index
      %swap3A_832 = arith.index_cast %mul3A_829 : i32 to index
      %swap3A_833 = tpu.vector_load %arg7[%swap3A_831, %swap3A_832] {strides = array<i32>} : memref<64x512xf32, #tpu.memory_space<vmem>>, vector<16xf32>,
      tpu.vector_store %arg7[%swap3A_831, %swap3A_832], %gather3A_827 {strides = array<i32>} : memref<64x512xf32, #tpu.memory_space<vmem>>, vector<16xf32>,
      %add3A_834 = arith.constant 17408 : i32
      %add3A_835 = vector.broadcast %add3A_834 : i32 to vector<16xi32>
      %add3A_836 = arith.addi %get3A_663, %add3A_835 : vector<16xi32>
      %gather3A_837 = tpu.vector_load_idx %arg5[%add3A_836] : memref<65536xf32, #tpu.memory_space<vmem>>[vector<16xi32>], vector<16xf32>,
      %mul3A_838 = arith.constant 16 : i32
      %mul3A_839 = arith.muli %scan3A_657, %mul3A_838 : i32
      %swap3A_840 = arith.constant 17 : i32
      %swap3A_841 = arith.index_cast %swap3A_840 : i32 to index
      %swap3A_842 = arith.index_cast %mul3A_839 : i32 to index
      %swap3A_843 = tpu.vector_load %arg7[%swap3A_841, %swap3A_842] {strides = array<i32>} : memref<64x512xf32, #tpu.memory_space<vmem>>, vector<16xf32>,
      tpu.vector_store %arg7[%swap3A_841, %swap3A_842], %gather3A_837 {strides = array<i32>} : memref<64x512xf32, #tpu.memory_space<vmem>>, vector<16xf32>,
      %add3A_844 = arith.constant 18432 : i32
      %add3A_845 = vector.broadcast %add3A_844 : i32 to vector<16xi32>
      %add3A_846 = arith.addi %get3A_663, %add3A_845 : vector<16xi32>
      %gather3A_847 = tpu.vector_load_idx %arg5[%add3A_846] : memref<65536xf32, #tpu.memory_space<vmem>>[vector<16xi32>], vector<16xf32>,
      %mul3A_848 = arith.constant 16 : i32
      %mul3A_849 = arith.muli %scan3A_657, %mul3A_848 : i32
      %swap3A_850 = arith.constant 18 : i32
      %swap3A_851 = arith.index_cast %swap3A_850 : i32 to index
      %swap3A_852 = arith.index_cast %mul3A_849 : i32 to index
      %swap3A_853 = tpu.vector_load %arg7[%swap3A_851, %swap3A_852] {strides = array<i32>} : memref<64x512xf32, #tpu.memory_space<vmem>>, vector<16xf32>,
      tpu.vector_store %arg7[%swap3A_851, %swap3A_852], %gather3A_847 {strides = array<i32>} : memref<64x512xf32, #tpu.memory_space<vmem>>, vector<16xf32>,
      %add3A_854 = arith.constant 19456 : i32
      %add3A_855 = vector.broadcast %add3A_854 : i32 to vector<16xi32>
      %add3A_856 = arith.addi %get3A_663, %add3A_855 : vector<16xi32>
      %gather3A_857 = tpu.vector_load_idx %arg5[%add3A_856] : memref<65536xf32, #tpu.memory_space<vmem>>[vector<16xi32>], vector<16xf32>,
      %mul3A_858 = arith.constant 16 : i32
      %mul3A_859 = arith.muli %scan3A_657, %mul3A_858 : i32
      %swap3A_860 = arith.constant 19 : i32
      %swap3A_861 = arith.index_cast %swap3A_860 : i32 to index
      %swap3A_862 = arith.index_cast %mul3A_859 : i32 to index
      %swap3A_863 = tpu.vector_load %arg7[%swap3A_861, %swap3A_862] {strides = array<i32>} : memref<64x512xf32, #tpu.memory_space<vmem>>, vector<16xf32>,
      tpu.vector_store %arg7[%swap3A_861, %swap3A_862], %gather3A_857 {strides = array<i32>} : memref<64x512xf32, #tpu.memory_space<vmem>>, vector<16xf32>,
      %add3A_864 = arith.constant 20480 : i32
      %add3A_865 = vector.broadcast %add3A_864 : i32 to vector<16xi32>
      %add3A_866 = arith.addi %get3A_663, %add3A_865 : vector<16xi32>
      %gather3A_867 = tpu.vector_load_idx %arg5[%add3A_866] : memref<65536xf32, #tpu.memory_space<vmem>>[vector<16xi32>], vector<16xf32>,
      %mul3A_868 = arith.constant 16 : i32
      %mul3A_869 = arith.muli %scan3A_657, %mul3A_868 : i32
      %swap3A_870 = arith.constant 20 : i32
      %swap3A_871 = arith.index_cast %swap3A_870 : i32 to index
      %swap3A_872 = arith.index_cast %mul3A_869 : i32 to index
      %swap3A_873 = tpu.vector_load %arg7[%swap3A_871, %swap3A_872] {strides = array<i32>} : memref<64x512xf32, #tpu.memory_space<vmem>>, vector<16xf32>,
      tpu.vector_store %arg7[%swap3A_871, %swap3A_872], %gather3A_867 {strides = array<i32>} : memref<64x512xf32, #tpu.memory_space<vmem>>, vector<16xf32>,
      %add3A_874 = arith.constant 21504 : i32
      %add3A_875 = vector.broadcast %add3A_874 : i32 to vector<16xi32>
      %add3A_876 = arith.addi %get3A_663, %add3A_875 : vector<16xi32>
      %gather3A_877 = tpu.vector_load_idx %arg5[%add3A_876] : memref<65536xf32, #tpu.memory_space<vmem>>[vector<16xi32>], vector<16xf32>,
      %mul3A_878 = arith.constant 16 : i32
      %mul3A_879 = arith.muli %scan3A_657, %mul3A_878 : i32
      %swap3A_880 = arith.constant 21 : i32
      %swap3A_881 = arith.index_cast %swap3A_880 : i32 to index
      %swap3A_882 = arith.index_cast %mul3A_879 : i32 to index
      %swap3A_883 = tpu.vector_load %arg7[%swap3A_881, %swap3A_882] {strides = array<i32>} : memref<64x512xf32, #tpu.memory_space<vmem>>, vector<16xf32>,
      tpu.vector_store %arg7[%swap3A_881, %swap3A_882], %gather3A_877 {strides = array<i32>} : memref<64x512xf32, #tpu.memory_space<vmem>>, vector<16xf32>,
      %add3A_884 = arith.constant 22528 : i32
      %add3A_885 = vector.broadcast %add3A_884 : i32 to vector<16xi32>
      %add3A_886 = arith.addi %get3A_663, %add3A_885 : vector<16xi32>
      %gather3A_887 = tpu.vector_load_idx %arg5[%add3A_886] : memref<65536xf32, #tpu.memory_space<vmem>>[vector<16xi32>], vector<16xf32>,
      %mul3A_888 = arith.constant 16 : i32
      %mul3A_889 = arith.muli %scan3A_657, %mul3A_888 : i32
      %swap3A_890 = arith.constant 22 : i32
      %swap3A_891 = arith.index_cast %swap3A_890 : i32 to index
      %swap3A_892 = arith.index_cast %mul3A_889 : i32 to index
      %swap3A_893 = tpu.vector_load %arg7[%swap3A_891, %swap3A_892] {strides = array<i32>} : memref<64x512xf32, #tpu.memory_space<vmem>>, vector<16xf32>,
      tpu.vector_store %arg7[%swap3A_891, %swap3A_892], %gather3A_887 {strides = array<i32>} : memref<64x512xf32, #tpu.memory_space<vmem>>, vector<16xf32>,
      %add3A_894 = arith.constant 23552 : i32
      %add3A_895 = vector.broadcast %add3A_894 : i32 to vector<16xi32>
      %add3A_896 = arith.addi %get3A_663, %add3A_895 : vector<16xi32>
      %gather3A_897 = tpu.vector_load_idx %arg5[%add3A_896] : memref<65536xf32, #tpu.memory_space<vmem>>[vector<16xi32>], vector<16xf32>,
      %mul3A_898 = arith.constant 16 : i32
      %mul3A_899 = arith.muli %scan3A_657, %mul3A_898 : i32
      %swap3A_900 = arith.constant 23 : i32
      %swap3A_901 = arith.index_cast %swap3A_900 : i32 to index
      %swap3A_902 = arith.index_cast %mul3A_899 : i32 to index
      %swap3A_903 = tpu.vector_load %arg7[%swap3A_901, %swap3A_902] {strides = array<i32>} : memref<64x512xf32, #tpu.memory_space<vmem>>, vector<16xf32>,
      tpu.vector_store %arg7[%swap3A_901, %swap3A_902], %gather3A_897 {strides = array<i32>} : memref<64x512xf32, #tpu.memory_space<vmem>>, vector<16xf32>,
      %add3A_904 = arith.constant 24576 : i32
      %add3A_905 = vector.broadcast %add3A_904 : i32 to vector<16xi32>
      %add3A_906 = arith.addi %get3A_663, %add3A_905 : vector<16xi32>
      %gather3A_907 = tpu.vector_load_idx %arg5[%add3A_906] : memref<65536xf32, #tpu.memory_space<vmem>>[vector<16xi32>], vector<16xf32>,
      %mul3A_908 = arith.constant 16 : i32
      %mul3A_909 = arith.muli %scan3A_657, %mul3A_908 : i32
      %swap3A_910 = arith.constant 24 : i32
      %swap3A_911 = arith.index_cast %swap3A_910 : i32 to index
      %swap3A_912 = arith.index_cast %mul3A_909 : i32 to index
      %swap3A_913 = tpu.vector_load %arg7[%swap3A_911, %swap3A_912] {strides = array<i32>} : memref<64x512xf32, #tpu.memory_space<vmem>>, vector<16xf32>,
      tpu.vector_store %arg7[%swap3A_911, %swap3A_912], %gather3A_907 {strides = array<i32>} : memref<64x512xf32, #tpu.memory_space<vmem>>, vector<16xf32>,
      %add3A_914 = arith.constant 25600 : i32
      %add3A_915 = vector.broadcast %add3A_914 : i32 to vector<16xi32>
      %add3A_916 = arith.addi %get3A_663, %add3A_915 : vector<16xi32>
      %gather3A_917 = tpu.vector_load_idx %arg5[%add3A_916] : memref<65536xf32, #tpu.memory_space<vmem>>[vector<16xi32>], vector<16xf32>,
      %mul3A_918 = arith.constant 16 : i32
      %mul3A_919 = arith.muli %scan3A_657, %mul3A_918 : i32
      %swap3A_920 = arith.constant 25 : i32
      %swap3A_921 = arith.index_cast %swap3A_920 : i32 to index
      %swap3A_922 = arith.index_cast %mul3A_919 : i32 to index
      %swap3A_923 = tpu.vector_load %arg7[%swap3A_921, %swap3A_922] {strides = array<i32>} : memref<64x512xf32, #tpu.memory_space<vmem>>, vector<16xf32>,
      tpu.vector_store %arg7[%swap3A_921, %swap3A_922], %gather3A_917 {strides = array<i32>} : memref<64x512xf32, #tpu.memory_space<vmem>>, vector<16xf32>,
      %add3A_924 = arith.constant 26624 : i32
      %add3A_925 = vector.broadcast %add3A_924 : i32 to vector<16xi32>
      %add3A_926 = arith.addi %get3A_663, %add3A_925 : vector<16xi32>
      %gather3A_927 = tpu.vector_load_idx %arg5[%add3A_926] : memref<65536xf32, #tpu.memory_space<vmem>>[vector<16xi32>], vector<16xf32>,
      %mul3A_928 = arith.constant 16 : i32
      %mul3A_929 = arith.muli %scan3A_657, %mul3A_928 : i32
      %swap3A_930 = arith.constant 26 : i32
      %swap3A_931 = arith.index_cast %swap3A_930 : i32 to index
      %swap3A_932 = arith.index_cast %mul3A_929 : i32 to index
      %swap3A_933 = tpu.vector_load %arg7[%swap3A_931, %swap3A_932] {strides = array<i32>} : memref<64x512xf32, #tpu.memory_space<vmem>>, vector<16xf32>,
      tpu.vector_store %arg7[%swap3A_931, %swap3A_932], %gather3A_927 {strides = array<i32>} : memref<64x512xf32, #tpu.memory_space<vmem>>, vector<16xf32>,
      %add3A_934 = arith.constant 27648 : i32
      %add3A_935 = vector.broadcast %add3A_934 : i32 to vector<16xi32>
      %add3A_936 = arith.addi %get3A_663, %add3A_935 : vector<16xi32>
      %gather3A_937 = tpu.vector_load_idx %arg5[%add3A_936] : memref<65536xf32, #tpu.memory_space<vmem>>[vector<16xi32>], vector<16xf32>,
      %mul3A_938 = arith.constant 16 : i32
      %mul3A_939 = arith.muli %scan3A_657, %mul3A_938 : i32
      %swap3A_940 = arith.constant 27 : i32
      %swap3A_941 = arith.index_cast %swap3A_940 : i32 to index
      %swap3A_942 = arith.index_cast %mul3A_939 : i32 to index
      %swap3A_943 = tpu.vector_load %arg7[%swap3A_941, %swap3A_942] {strides = array<i32>} : memref<64x512xf32, #tpu.memory_space<vmem>>, vector<16xf32>,
      tpu.vector_store %arg7[%swap3A_941, %swap3A_942], %gather3A_937 {strides = array<i32>} : memref<64x512xf32, #tpu.memory_space<vmem>>, vector<16xf32>,
      %add3A_944 = arith.constant 28672 : i32
      %add3A_945 = vector.broadcast %add3A_944 : i32 to vector<16xi32>
      %add3A_946 = arith.addi %get3A_663, %add3A_945 : vector<16xi32>
      %gather3A_947 = tpu.vector_load_idx %arg5[%add3A_946] : memref<65536xf32, #tpu.memory_space<vmem>>[vector<16xi32>], vector<16xf32>,
      %mul3A_948 = arith.constant 16 : i32
      %mul3A_949 = arith.muli %scan3A_657, %mul3A_948 : i32
      %swap3A_950 = arith.constant 28 : i32
      %swap3A_951 = arith.index_cast %swap3A_950 : i32 to index
      %swap3A_952 = arith.index_cast %mul3A_949 : i32 to index
      %swap3A_953 = tpu.vector_load %arg7[%swap3A_951, %swap3A_952] {strides = array<i32>} : memref<64x512xf32, #tpu.memory_space<vmem>>, vector<16xf32>,
      tpu.vector_store %arg7[%swap3A_951, %swap3A_952], %gather3A_947 {strides = array<i32>} : memref<64x512xf32, #tpu.memory_space<vmem>>, vector<16xf32>,
      %add3A_954 = arith.constant 29696 : i32
      %add3A_955 = vector.broadcast %add3A_954 : i32 to vector<16xi32>
      %add3A_956 = arith.addi %get3A_663, %add3A_955 : vector<16xi32>
      %gather3A_957 = tpu.vector_load_idx %arg5[%add3A_956] : memref<65536xf32, #tpu.memory_space<vmem>>[vector<16xi32>], vector<16xf32>,
      %mul3A_958 = arith.constant 16 : i32
      %mul3A_959 = arith.muli %scan3A_657, %mul3A_958 : i32
      %swap3A_960 = arith.constant 29 : i32
      %swap3A_961 = arith.index_cast %swap3A_960 : i32 to index
      %swap3A_962 = arith.index_cast %mul3A_959 : i32 to index
      %swap3A_963 = tpu.vector_load %arg7[%swap3A_961, %swap3A_962] {strides = array<i32>} : memref<64x512xf32, #tpu.memory_space<vmem>>, vector<16xf32>,
      tpu.vector_store %arg7[%swap3A_961, %swap3A_962], %gather3A_957 {strides = array<i32>} : memref<64x512xf32, #tpu.memory_space<vmem>>, vector<16xf32>,
      %add3A_964 = arith.constant 30720 : i32
      %add3A_965 = vector.broadcast %add3A_964 : i32 to vector<16xi32>
      %add3A_966 = arith.addi %get3A_663, %add3A_965 : vector<16xi32>
      %gather3A_967 = tpu.vector_load_idx %arg5[%add3A_966] : memref<65536xf32, #tpu.memory_space<vmem>>[vector<16xi32>], vector<16xf32>,
      %mul3A_968 = arith.constant 16 : i32
      %mul3A_969 = arith.muli %scan3A_657, %mul3A_968 : i32
      %swap3A_970 = arith.constant 30 : i32
      %swap3A_971 = arith.index_cast %swap3A_970 : i32 to index
      %swap3A_972 = arith.index_cast %mul3A_969 : i32 to index
      %swap3A_973 = tpu.vector_load %arg7[%swap3A_971, %swap3A_972] {strides = array<i32>} : memref<64x512xf32, #tpu.memory_space<vmem>>, vector<16xf32>,
      tpu.vector_store %arg7[%swap3A_971, %swap3A_972], %gather3A_967 {strides = array<i32>} : memref<64x512xf32, #tpu.memory_space<vmem>>, vector<16xf32>,
      %add3A_974 = arith.constant 31744 : i32
      %add3A_975 = vector.broadcast %add3A_974 : i32 to vector<16xi32>
      %add3A_976 = arith.addi %get3A_663, %add3A_975 : vector<16xi32>
      %gather3A_977 = tpu.vector_load_idx %arg5[%add3A_976] : memref<65536xf32, #tpu.memory_space<vmem>>[vector<16xi32>], vector<16xf32>,
      %mul3A_978 = arith.constant 16 : i32
      %mul3A_979 = arith.muli %scan3A_657, %mul3A_978 : i32
      %swap3A_980 = arith.constant 31 : i32
      %swap3A_981 = arith.index_cast %swap3A_980 : i32 to index
      %swap3A_982 = arith.index_cast %mul3A_979 : i32 to index
      %swap3A_983 = tpu.vector_load %arg7[%swap3A_981, %swap3A_982] {strides = array<i32>} : memref<64x512xf32, #tpu.memory_space<vmem>>, vector<16xf32>,
      tpu.vector_store %arg7[%swap3A_981, %swap3A_982], %gather3A_977 {strides = array<i32>} : memref<64x512xf32, #tpu.memory_space<vmem>>, vector<16xf32>,
      %add3A_984 = arith.constant 32768 : i32
      %add3A_985 = vector.broadcast %add3A_984 : i32 to vector<16xi32>
      %add3A_986 = arith.addi %get3A_663, %add3A_985 : vector<16xi32>
      %gather3A_987 = tpu.vector_load_idx %arg5[%add3A_986] : memref<65536xf32, #tpu.memory_space<vmem>>[vector<16xi32>], vector<16xf32>,
      %mul3A_988 = arith.constant 16 : i32
      %mul3A_989 = arith.muli %scan3A_657, %mul3A_988 : i32
      %swap3A_990 = arith.constant 32 : i32
      %swap3A_991 = arith.index_cast %swap3A_990 : i32 to index
      %swap3A_992 = arith.index_cast %mul3A_989 : i32 to index
      %swap3A_993 = tpu.vector_load %arg7[%swap3A_991, %swap3A_992] {strides = array<i32>} : memref<64x512xf32, #tpu.memory_space<vmem>>, vector<16xf32>,
      tpu.vector_store %arg7[%swap3A_991, %swap3A_992], %gather3A_987 {strides = array<i32>} : memref<64x512xf32, #tpu.memory_space<vmem>>, vector<16xf32>,
      %add3A_994 = arith.constant 33792 : i32
      %add3A_995 = vector.broadcast %add3A_994 : i32 to vector<16xi32>
      %add3A_996 = arith.addi %get3A_663, %add3A_995 : vector<16xi32>
      %gather3A_997 = tpu.vector_load_idx %arg5[%add3A_996] : memref<65536xf32, #tpu.memory_space<vmem>>[vector<16xi32>], vector<16xf32>,
      %mul3A_998 = arith.constant 16 : i32
      %mul3A_999 = arith.muli %scan3A_657, %mul3A_998 : i32
      %swap3A_1000 = arith.constant 33 : i32
      %swap3A_1001 = arith.index_cast %swap3A_1000 : i32 to index
      %swap3A_1002 = arith.index_cast %mul3A_999 : i32 to index
      %swap3A_1003 = tpu.vector_load %arg7[%swap3A_1001, %swap3A_1002] {strides = array<i32>} : memref<64x512xf32, #tpu.memory_space<vmem>>, vector<16xf32>,
      tpu.vector_store %arg7[%swap3A_1001, %swap3A_1002], %gather3A_997 {strides = array<i32>} : memref<64x512xf32, #tpu.memory_space<vmem>>, vector<16xf32>,
      %add3A_1004 = arith.constant 34816 : i32
      %add3A_1005 = vector.broadcast %add3A_1004 : i32 to vector<16xi32>
      %add3A_1006 = arith.addi %get3A_663, %add3A_1005 : vector<16xi32>
      %gather3A_1007 = tpu.vector_load_idx %arg5[%add3A_1006] : memref<65536xf32, #tpu.memory_space<vmem>>[vector<16xi32>], vector<16xf32>,
      %mul3A_1008 = arith.constant 16 : i32
      %mul3A_1009 = arith.muli %scan3A_657, %mul3A_1008 : i32
      %swap3A_1010 = arith.constant 34 : i32
      %swap3A_1011 = arith.index_cast %swap3A_1010 : i32 to index
      %swap3A_1012 = arith.index_cast %mul3A_1009 : i32 to index
      %swap3A_1013 = tpu.vector_load %arg7[%swap3A_1011, %swap3A_1012] {strides = array<i32>} : memref<64x512xf32, #tpu.memory_space<vmem>>, vector<16xf32>,
      tpu.vector_store %arg7[%swap3A_1011, %swap3A_1012], %gather3A_1007 {strides = array<i32>} : memref<64x512xf32, #tpu.memory_space<vmem>>, vector<16xf32>,
      %add3A_1014 = arith.constant 35840 : i32
      %add3A_1015 = vector.broadcast %add3A_1014 : i32 to vector<16xi32>
      %add3A_1016 = arith.addi %get3A_663, %add3A_1015 : vector<16xi32>
      %gather3A_1017 = tpu.vector_load_idx %arg5[%add3A_1016] : memref<65536xf32, #tpu.memory_space<vmem>>[vector<16xi32>], vector<16xf32>,
      %mul3A_1018 = arith.constant 16 : i32
      %mul3A_1019 = arith.muli %scan3A_657, %mul3A_1018 : i32
      %swap3A_1020 = arith.constant 35 : i32
      %swap3A_1021 = arith.index_cast %swap3A_1020 : i32 to index
      %swap3A_1022 = arith.index_cast %mul3A_1019 : i32 to index
      %swap3A_1023 = tpu.vector_load %arg7[%swap3A_1021, %swap3A_1022] {strides = array<i32>} : memref<64x512xf32, #tpu.memory_space<vmem>>, vector<16xf32>,
      tpu.vector_store %arg7[%swap3A_1021, %swap3A_1022], %gather3A_1017 {strides = array<i32>} : memref<64x512xf32, #tpu.memory_space<vmem>>, vector<16xf32>,
      %add3A_1024 = arith.constant 36864 : i32
      %add3A_1025 = vector.broadcast %add3A_1024 : i32 to vector<16xi32>
      %add3A_1026 = arith.addi %get3A_663, %add3A_1025 : vector<16xi32>
      %gather3A_1027 = tpu.vector_load_idx %arg5[%add3A_1026] : memref<65536xf32, #tpu.memory_space<vmem>>[vector<16xi32>], vector<16xf32>,
      %mul3A_1028 = arith.constant 16 : i32
      %mul3A_1029 = arith.muli %scan3A_657, %mul3A_1028 : i32
      %swap3A_1030 = arith.constant 36 : i32
      %swap3A_1031 = arith.index_cast %swap3A_1030 : i32 to index
      %swap3A_1032 = arith.index_cast %mul3A_1029 : i32 to index
      %swap3A_1033 = tpu.vector_load %arg7[%swap3A_1031, %swap3A_1032] {strides = array<i32>} : memref<64x512xf32, #tpu.memory_space<vmem>>, vector<16xf32>,
      tpu.vector_store %arg7[%swap3A_1031, %swap3A_1032], %gather3A_1027 {strides = array<i32>} : memref<64x512xf32, #tpu.memory_space<vmem>>, vector<16xf32>,
      %add3A_1034 = arith.constant 37888 : i32
      %add3A_1035 = vector.broadcast %add3A_1034 : i32 to vector<16xi32>
      %add3A_1036 = arith.addi %get3A_663, %add3A_1035 : vector<16xi32>
      %gather3A_1037 = tpu.vector_load_idx %arg5[%add3A_1036] : memref<65536xf32, #tpu.memory_space<vmem>>[vector<16xi32>], vector<16xf32>,
      %mul3A_1038 = arith.constant 16 : i32
      %mul3A_1039 = arith.muli %scan3A_657, %mul3A_1038 : i32
      %swap3A_1040 = arith.constant 37 : i32
      %swap3A_1041 = arith.index_cast %swap3A_1040 : i32 to index
      %swap3A_1042 = arith.index_cast %mul3A_1039 : i32 to index
      %swap3A_1043 = tpu.vector_load %arg7[%swap3A_1041, %swap3A_1042] {strides = array<i32>} : memref<64x512xf32, #tpu.memory_space<vmem>>, vector<16xf32>,
      tpu.vector_store %arg7[%swap3A_1041, %swap3A_1042], %gather3A_1037 {strides = array<i32>} : memref<64x512xf32, #tpu.memory_space<vmem>>, vector<16xf32>,
      %add3A_1044 = arith.constant 38912 : i32
      %add3A_1045 = vector.broadcast %add3A_1044 : i32 to vector<16xi32>
      %add3A_1046 = arith.addi %get3A_663, %add3A_1045 : vector<16xi32>
      %gather3A_1047 = tpu.vector_load_idx %arg5[%add3A_1046] : memref<65536xf32, #tpu.memory_space<vmem>>[vector<16xi32>], vector<16xf32>,
      %mul3A_1048 = arith.constant 16 : i32
      %mul3A_1049 = arith.muli %scan3A_657, %mul3A_1048 : i32
      %swap3A_1050 = arith.constant 38 : i32
      %swap3A_1051 = arith.index_cast %swap3A_1050 : i32 to index
      %swap3A_1052 = arith.index_cast %mul3A_1049 : i32 to index
      %swap3A_1053 = tpu.vector_load %arg7[%swap3A_1051, %swap3A_1052] {strides = array<i32>} : memref<64x512xf32, #tpu.memory_space<vmem>>, vector<16xf32>,
      tpu.vector_store %arg7[%swap3A_1051, %swap3A_1052], %gather3A_1047 {strides = array<i32>} : memref<64x512xf32, #tpu.memory_space<vmem>>, vector<16xf32>,
      %add3A_1054 = arith.constant 39936 : i32
      %add3A_1055 = vector.broadcast %add3A_1054 : i32 to vector<16xi32>
      %add3A_1056 = arith.addi %get3A_663, %add3A_1055 : vector<16xi32>
      %gather3A_1057 = tpu.vector_load_idx %arg5[%add3A_1056] : memref<65536xf32, #tpu.memory_space<vmem>>[vector<16xi32>], vector<16xf32>,
      %mul3A_1058 = arith.constant 16 : i32
      %mul3A_1059 = arith.muli %scan3A_657, %mul3A_1058 : i32
      %swap3A_1060 = arith.constant 39 : i32
      %swap3A_1061 = arith.index_cast %swap3A_1060 : i32 to index
      %swap3A_1062 = arith.index_cast %mul3A_1059 : i32 to index
      %swap3A_1063 = tpu.vector_load %arg7[%swap3A_1061, %swap3A_1062] {strides = array<i32>} : memref<64x512xf32, #tpu.memory_space<vmem>>, vector<16xf32>,
      tpu.vector_store %arg7[%swap3A_1061, %swap3A_1062], %gather3A_1057 {strides = array<i32>} : memref<64x512xf32, #tpu.memory_space<vmem>>, vector<16xf32>,
      %add3A_1064 = arith.constant 40960 : i32
      %add3A_1065 = vector.broadcast %add3A_1064 : i32 to vector<16xi32>
      %add3A_1066 = arith.addi %get3A_663, %add3A_1065 : vector<16xi32>
      %gather3A_1067 = tpu.vector_load_idx %arg5[%add3A_1066] : memref<65536xf32, #tpu.memory_space<vmem>>[vector<16xi32>], vector<16xf32>,
      %mul3A_1068 = arith.constant 16 : i32
      %mul3A_1069 = arith.muli %scan3A_657, %mul3A_1068 : i32
      %swap3A_1070 = arith.constant 40 : i32
      %swap3A_1071 = arith.index_cast %swap3A_1070 : i32 to index
      %swap3A_1072 = arith.index_cast %mul3A_1069 : i32 to index
      %swap3A_1073 = tpu.vector_load %arg7[%swap3A_1071, %swap3A_1072] {strides = array<i32>} : memref<64x512xf32, #tpu.memory_space<vmem>>, vector<16xf32>,
      tpu.vector_store %arg7[%swap3A_1071, %swap3A_1072], %gather3A_1067 {strides = array<i32>} : memref<64x512xf32, #tpu.memory_space<vmem>>, vector<16xf32>,
      %add3A_1074 = arith.constant 41984 : i32
      %add3A_1075 = vector.broadcast %add3A_1074 : i32 to vector<16xi32>
      %add3A_1076 = arith.addi %get3A_663, %add3A_1075 : vector<16xi32>
      %gather3A_1077 = tpu.vector_load_idx %arg5[%add3A_1076] : memref<65536xf32, #tpu.memory_space<vmem>>[vector<16xi32>], vector<16xf32>,
      %mul3A_1078 = arith.constant 16 : i32
      %mul3A_1079 = arith.muli %scan3A_657, %mul3A_1078 : i32
      %swap3A_1080 = arith.constant 41 : i32
      %swap3A_1081 = arith.index_cast %swap3A_1080 : i32 to index
      %swap3A_1082 = arith.index_cast %mul3A_1079 : i32 to index
      %swap3A_1083 = tpu.vector_load %arg7[%swap3A_1081, %swap3A_1082] {strides = array<i32>} : memref<64x512xf32, #tpu.memory_space<vmem>>, vector<16xf32>,
      tpu.vector_store %arg7[%swap3A_1081, %swap3A_1082], %gather3A_1077 {strides = array<i32>} : memref<64x512xf32, #tpu.memory_space<vmem>>, vector<16xf32>,
      %add3A_1084 = arith.constant 43008 : i32
      %add3A_1085 = vector.broadcast %add3A_1084 : i32 to vector<16xi32>
      %add3A_1086 = arith.addi %get3A_663, %add3A_1085 : vector<16xi32>
      %gather3A_1087 = tpu.vector_load_idx %arg5[%add3A_1086] : memref<65536xf32, #tpu.memory_space<vmem>>[vector<16xi32>], vector<16xf32>,
      %mul3A_1088 = arith.constant 16 : i32
      %mul3A_1089 = arith.muli %scan3A_657, %mul3A_1088 : i32
      %swap3A_1090 = arith.constant 42 : i32
      %swap3A_1091 = arith.index_cast %swap3A_1090 : i32 to index
      %swap3A_1092 = arith.index_cast %mul3A_1089 : i32 to index
      %swap3A_1093 = tpu.vector_load %arg7[%swap3A_1091, %swap3A_1092] {strides = array<i32>} : memref<64x512xf32, #tpu.memory_space<vmem>>, vector<16xf32>,
      tpu.vector_store %arg7[%swap3A_1091, %swap3A_1092], %gather3A_1087 {strides = array<i32>} : memref<64x512xf32, #tpu.memory_space<vmem>>, vector<16xf32>,
      %add3A_1094 = arith.constant 44032 : i32
      %add3A_1095 = vector.broadcast %add3A_1094 : i32 to vector<16xi32>
      %add3A_1096 = arith.addi %get3A_663, %add3A_1095 : vector<16xi32>
      %gather3A_1097 = tpu.vector_load_idx %arg5[%add3A_1096] : memref<65536xf32, #tpu.memory_space<vmem>>[vector<16xi32>], vector<16xf32>,
      %mul3A_1098 = arith.constant 16 : i32
      %mul3A_1099 = arith.muli %scan3A_657, %mul3A_1098 : i32
      %swap3A_1100 = arith.constant 43 : i32
      %swap3A_1101 = arith.index_cast %swap3A_1100 : i32 to index
      %swap3A_1102 = arith.index_cast %mul3A_1099 : i32 to index
      %swap3A_1103 = tpu.vector_load %arg7[%swap3A_1101, %swap3A_1102] {strides = array<i32>} : memref<64x512xf32, #tpu.memory_space<vmem>>, vector<16xf32>,
      tpu.vector_store %arg7[%swap3A_1101, %swap3A_1102], %gather3A_1097 {strides = array<i32>} : memref<64x512xf32, #tpu.memory_space<vmem>>, vector<16xf32>,
      %add3A_1104 = arith.constant 45056 : i32
      %add3A_1105 = vector.broadcast %add3A_1104 : i32 to vector<16xi32>
      %add3A_1106 = arith.addi %get3A_663, %add3A_1105 : vector<16xi32>
      %gather3A_1107 = tpu.vector_load_idx %arg5[%add3A_1106] : memref<65536xf32, #tpu.memory_space<vmem>>[vector<16xi32>], vector<16xf32>,
      %mul3A_1108 = arith.constant 16 : i32
      %mul3A_1109 = arith.muli %scan3A_657, %mul3A_1108 : i32
      %swap3A_1110 = arith.constant 44 : i32
      %swap3A_1111 = arith.index_cast %swap3A_1110 : i32 to index
      %swap3A_1112 = arith.index_cast %mul3A_1109 : i32 to index
      %swap3A_1113 = tpu.vector_load %arg7[%swap3A_1111, %swap3A_1112] {strides = array<i32>} : memref<64x512xf32, #tpu.memory_space<vmem>>, vector<16xf32>,
      tpu.vector_store %arg7[%swap3A_1111, %swap3A_1112], %gather3A_1107 {strides = array<i32>} : memref<64x512xf32, #tpu.memory_space<vmem>>, vector<16xf32>,
      %add3A_1114 = arith.constant 46080 : i32
      %add3A_1115 = vector.broadcast %add3A_1114 : i32 to vector<16xi32>
      %add3A_1116 = arith.addi %get3A_663, %add3A_1115 : vector<16xi32>
      %gather3A_1117 = tpu.vector_load_idx %arg5[%add3A_1116] : memref<65536xf32, #tpu.memory_space<vmem>>[vector<16xi32>], vector<16xf32>,
      %mul3A_1118 = arith.constant 16 : i32
      %mul3A_1119 = arith.muli %scan3A_657, %mul3A_1118 : i32
      %swap3A_1120 = arith.constant 45 : i32
      %swap3A_1121 = arith.index_cast %swap3A_1120 : i32 to index
      %swap3A_1122 = arith.index_cast %mul3A_1119 : i32 to index
      %swap3A_1123 = tpu.vector_load %arg7[%swap3A_1121, %swap3A_1122] {strides = array<i32>} : memref<64x512xf32, #tpu.memory_space<vmem>>, vector<16xf32>,
      tpu.vector_store %arg7[%swap3A_1121, %swap3A_1122], %gather3A_1117 {strides = array<i32>} : memref<64x512xf32, #tpu.memory_space<vmem>>, vector<16xf32>,
      %add3A_1124 = arith.constant 47104 : i32
      %add3A_1125 = vector.broadcast %add3A_1124 : i32 to vector<16xi32>
      %add3A_1126 = arith.addi %get3A_663, %add3A_1125 : vector<16xi32>
      %gather3A_1127 = tpu.vector_load_idx %arg5[%add3A_1126] : memref<65536xf32, #tpu.memory_space<vmem>>[vector<16xi32>], vector<16xf32>,
      %mul3A_1128 = arith.constant 16 : i32
      %mul3A_1129 = arith.muli %scan3A_657, %mul3A_1128 : i32
      %swap3A_1130 = arith.constant 46 : i32
      %swap3A_1131 = arith.index_cast %swap3A_1130 : i32 to index
      %swap3A_1132 = arith.index_cast %mul3A_1129 : i32 to index
      %swap3A_1133 = tpu.vector_load %arg7[%swap3A_1131, %swap3A_1132] {strides = array<i32>} : memref<64x512xf32, #tpu.memory_space<vmem>>, vector<16xf32>,
      tpu.vector_store %arg7[%swap3A_1131, %swap3A_1132], %gather3A_1127 {strides = array<i32>} : memref<64x512xf32, #tpu.memory_space<vmem>>, vector<16xf32>,
      %add3A_1134 = arith.constant 48128 : i32
      %add3A_1135 = vector.broadcast %add3A_1134 : i32 to vector<16xi32>
      %add3A_1136 = arith.addi %get3A_663, %add3A_1135 : vector<16xi32>
      %gather3A_1137 = tpu.vector_load_idx %arg5[%add3A_1136] : memref<65536xf32, #tpu.memory_space<vmem>>[vector<16xi32>], vector<16xf32>,
      %mul3A_1138 = arith.constant 16 : i32
      %mul3A_1139 = arith.muli %scan3A_657, %mul3A_1138 : i32
      %swap3A_1140 = arith.constant 47 : i32
      %swap3A_1141 = arith.index_cast %swap3A_1140 : i32 to index
      %swap3A_1142 = arith.index_cast %mul3A_1139 : i32 to index
      %swap3A_1143 = tpu.vector_load %arg7[%swap3A_1141, %swap3A_1142] {strides = array<i32>} : memref<64x512xf32, #tpu.memory_space<vmem>>, vector<16xf32>,
      tpu.vector_store %arg7[%swap3A_1141, %swap3A_1142], %gather3A_1137 {strides = array<i32>} : memref<64x512xf32, #tpu.memory_space<vmem>>, vector<16xf32>,
      %add3A_1144 = arith.constant 49152 : i32
      %add3A_1145 = vector.broadcast %add3A_1144 : i32 to vector<16xi32>
      %add3A_1146 = arith.addi %get3A_663, %add3A_1145 : vector<16xi32>
      %gather3A_1147 = tpu.vector_load_idx %arg5[%add3A_1146] : memref<65536xf32, #tpu.memory_space<vmem>>[vector<16xi32>], vector<16xf32>,
      %mul3A_1148 = arith.constant 16 : i32
      %mul3A_1149 = arith.muli %scan3A_657, %mul3A_1148 : i32
      %swap3A_1150 = arith.constant 48 : i32
      %swap3A_1151 = arith.index_cast %swap3A_1150 : i32 to index
      %swap3A_1152 = arith.index_cast %mul3A_1149 : i32 to index
      %swap3A_1153 = tpu.vector_load %arg7[%swap3A_1151, %swap3A_1152] {strides = array<i32>} : memref<64x512xf32, #tpu.memory_space<vmem>>, vector<16xf32>,
      tpu.vector_store %arg7[%swap3A_1151, %swap3A_1152], %gather3A_1147 {strides = array<i32>} : memref<64x512xf32, #tpu.memory_space<vmem>>, vector<16xf32>,
      %add3A_1154 = arith.constant 50176 : i32
      %add3A_1155 = vector.broadcast %add3A_1154 : i32 to vector<16xi32>
      %add3A_1156 = arith.addi %get3A_663, %add3A_1155 : vector<16xi32>
      %gather3A_1157 = tpu.vector_load_idx %arg5[%add3A_1156] : memref<65536xf32, #tpu.memory_space<vmem>>[vector<16xi32>], vector<16xf32>,
      %mul3A_1158 = arith.constant 16 : i32
      %mul3A_1159 = arith.muli %scan3A_657, %mul3A_1158 : i32
      %swap3A_1160 = arith.constant 49 : i32
      %swap3A_1161 = arith.index_cast %swap3A_1160 : i32 to index
      %swap3A_1162 = arith.index_cast %mul3A_1159 : i32 to index
      %swap3A_1163 = tpu.vector_load %arg7[%swap3A_1161, %swap3A_1162] {strides = array<i32>} : memref<64x512xf32, #tpu.memory_space<vmem>>, vector<16xf32>,
      tpu.vector_store %arg7[%swap3A_1161, %swap3A_1162], %gather3A_1157 {strides = array<i32>} : memref<64x512xf32, #tpu.memory_space<vmem>>, vector<16xf32>,
      %add3A_1164 = arith.constant 51200 : i32
      %add3A_1165 = vector.broadcast %add3A_1164 : i32 to vector<16xi32>
      %add3A_1166 = arith.addi %get3A_663, %add3A_1165 : vector<16xi32>
      %gather3A_1167 = tpu.vector_load_idx %arg5[%add3A_1166] : memref<65536xf32, #tpu.memory_space<vmem>>[vector<16xi32>], vector<16xf32>,
      %mul3A_1168 = arith.constant 16 : i32
      %mul3A_1169 = arith.muli %scan3A_657, %mul3A_1168 : i32
      %swap3A_1170 = arith.constant 50 : i32
      %swap3A_1171 = arith.index_cast %swap3A_1170 : i32 to index
      %swap3A_1172 = arith.index_cast %mul3A_1169 : i32 to index
      %swap3A_1173 = tpu.vector_load %arg7[%swap3A_1171, %swap3A_1172] {strides = array<i32>} : memref<64x512xf32, #tpu.memory_space<vmem>>, vector<16xf32>,
      tpu.vector_store %arg7[%swap3A_1171, %swap3A_1172], %gather3A_1167 {strides = array<i32>} : memref<64x512xf32, #tpu.memory_space<vmem>>, vector<16xf32>,
      %add3A_1174 = arith.constant 52224 : i32
      %add3A_1175 = vector.broadcast %add3A_1174 : i32 to vector<16xi32>
      %add3A_1176 = arith.addi %get3A_663, %add3A_1175 : vector<16xi32>
      %gather3A_1177 = tpu.vector_load_idx %arg5[%add3A_1176] : memref<65536xf32, #tpu.memory_space<vmem>>[vector<16xi32>], vector<16xf32>,
      %mul3A_1178 = arith.constant 16 : i32
      %mul3A_1179 = arith.muli %scan3A_657, %mul3A_1178 : i32
      %swap3A_1180 = arith.constant 51 : i32
      %swap3A_1181 = arith.index_cast %swap3A_1180 : i32 to index
      %swap3A_1182 = arith.index_cast %mul3A_1179 : i32 to index
      %swap3A_1183 = tpu.vector_load %arg7[%swap3A_1181, %swap3A_1182] {strides = array<i32>} : memref<64x512xf32, #tpu.memory_space<vmem>>, vector<16xf32>,
      tpu.vector_store %arg7[%swap3A_1181, %swap3A_1182], %gather3A_1177 {strides = array<i32>} : memref<64x512xf32, #tpu.memory_space<vmem>>, vector<16xf32>,
      %add3A_1184 = arith.constant 53248 : i32
      %add3A_1185 = vector.broadcast %add3A_1184 : i32 to vector<16xi32>
      %add3A_1186 = arith.addi %get3A_663, %add3A_1185 : vector<16xi32>
      %gather3A_1187 = tpu.vector_load_idx %arg5[%add3A_1186] : memref<65536xf32, #tpu.memory_space<vmem>>[vector<16xi32>], vector<16xf32>,
      %mul3A_1188 = arith.constant 16 : i32
      %mul3A_1189 = arith.muli %scan3A_657, %mul3A_1188 : i32
      %swap3A_1190 = arith.constant 52 : i32
      %swap3A_1191 = arith.index_cast %swap3A_1190 : i32 to index
      %swap3A_1192 = arith.index_cast %mul3A_1189 : i32 to index
      %swap3A_1193 = tpu.vector_load %arg7[%swap3A_1191, %swap3A_1192] {strides = array<i32>} : memref<64x512xf32, #tpu.memory_space<vmem>>, vector<16xf32>,
      tpu.vector_store %arg7[%swap3A_1191, %swap3A_1192], %gather3A_1187 {strides = array<i32>} : memref<64x512xf32, #tpu.memory_space<vmem>>, vector<16xf32>,
      %add3A_1194 = arith.constant 54272 : i32
      %add3A_1195 = vector.broadcast %add3A_1194 : i32 to vector<16xi32>
      %add3A_1196 = arith.addi %get3A_663, %add3A_1195 : vector<16xi32>
      %gather3A_1197 = tpu.vector_load_idx %arg5[%add3A_1196] : memref<65536xf32, #tpu.memory_space<vmem>>[vector<16xi32>], vector<16xf32>,
      %mul3A_1198 = arith.constant 16 : i32
      %mul3A_1199 = arith.muli %scan3A_657, %mul3A_1198 : i32
      %swap3A_1200 = arith.constant 53 : i32
      %swap3A_1201 = arith.index_cast %swap3A_1200 : i32 to index
      %swap3A_1202 = arith.index_cast %mul3A_1199 : i32 to index
      %swap3A_1203 = tpu.vector_load %arg7[%swap3A_1201, %swap3A_1202] {strides = array<i32>} : memref<64x512xf32, #tpu.memory_space<vmem>>, vector<16xf32>,
      tpu.vector_store %arg7[%swap3A_1201, %swap3A_1202], %gather3A_1197 {strides = array<i32>} : memref<64x512xf32, #tpu.memory_space<vmem>>, vector<16xf32>,
      %add3A_1204 = arith.constant 55296 : i32
      %add3A_1205 = vector.broadcast %add3A_1204 : i32 to vector<16xi32>
      %add3A_1206 = arith.addi %get3A_663, %add3A_1205 : vector<16xi32>
      %gather3A_1207 = tpu.vector_load_idx %arg5[%add3A_1206] : memref<65536xf32, #tpu.memory_space<vmem>>[vector<16xi32>], vector<16xf32>,
      %mul3A_1208 = arith.constant 16 : i32
      %mul3A_1209 = arith.muli %scan3A_657, %mul3A_1208 : i32
      %swap3A_1210 = arith.constant 54 : i32
      %swap3A_1211 = arith.index_cast %swap3A_1210 : i32 to index
      %swap3A_1212 = arith.index_cast %mul3A_1209 : i32 to index
      %swap3A_1213 = tpu.vector_load %arg7[%swap3A_1211, %swap3A_1212] {strides = array<i32>} : memref<64x512xf32, #tpu.memory_space<vmem>>, vector<16xf32>,
      tpu.vector_store %arg7[%swap3A_1211, %swap3A_1212], %gather3A_1207 {strides = array<i32>} : memref<64x512xf32, #tpu.memory_space<vmem>>, vector<16xf32>,
      %add3A_1214 = arith.constant 56320 : i32
      %add3A_1215 = vector.broadcast %add3A_1214 : i32 to vector<16xi32>
      %add3A_1216 = arith.addi %get3A_663, %add3A_1215 : vector<16xi32>
      %gather3A_1217 = tpu.vector_load_idx %arg5[%add3A_1216] : memref<65536xf32, #tpu.memory_space<vmem>>[vector<16xi32>], vector<16xf32>,
      %mul3A_1218 = arith.constant 16 : i32
      %mul3A_1219 = arith.muli %scan3A_657, %mul3A_1218 : i32
      %swap3A_1220 = arith.constant 55 : i32
      %swap3A_1221 = arith.index_cast %swap3A_1220 : i32 to index
      %swap3A_1222 = arith.index_cast %mul3A_1219 : i32 to index
      %swap3A_1223 = tpu.vector_load %arg7[%swap3A_1221, %swap3A_1222] {strides = array<i32>} : memref<64x512xf32, #tpu.memory_space<vmem>>, vector<16xf32>,
      tpu.vector_store %arg7[%swap3A_1221, %swap3A_1222], %gather3A_1217 {strides = array<i32>} : memref<64x512xf32, #tpu.memory_space<vmem>>, vector<16xf32>,
      %add3A_1224 = arith.constant 57344 : i32
      %add3A_1225 = vector.broadcast %add3A_1224 : i32 to vector<16xi32>
      %add3A_1226 = arith.addi %get3A_663, %add3A_1225 : vector<16xi32>
      %gather3A_1227 = tpu.vector_load_idx %arg5[%add3A_1226] : memref<65536xf32, #tpu.memory_space<vmem>>[vector<16xi32>], vector<16xf32>,
      %mul3A_1228 = arith.constant 16 : i32
      %mul3A_1229 = arith.muli %scan3A_657, %mul3A_1228 : i32
      %swap3A_1230 = arith.constant 56 : i32
      %swap3A_1231 = arith.index_cast %swap3A_1230 : i32 to index
      %swap3A_1232 = arith.index_cast %mul3A_1229 : i32 to index
      %swap3A_1233 = tpu.vector_load %arg7[%swap3A_1231, %swap3A_1232] {strides = array<i32>} : memref<64x512xf32, #tpu.memory_space<vmem>>, vector<16xf32>,
      tpu.vector_store %arg7[%swap3A_1231, %swap3A_1232], %gather3A_1227 {strides = array<i32>} : memref<64x512xf32, #tpu.memory_space<vmem>>, vector<16xf32>,
      %add3A_1234 = arith.constant 58368 : i32
      %add3A_1235 = vector.broadcast %add3A_1234 : i32 to vector<16xi32>
      %add3A_1236 = arith.addi %get3A_663, %add3A_1235 : vector<16xi32>
      %gather3A_1237 = tpu.vector_load_idx %arg5[%add3A_1236] : memref<65536xf32, #tpu.memory_space<vmem>>[vector<16xi32>], vector<16xf32>,
      %mul3A_1238 = arith.constant 16 : i32
      %mul3A_1239 = arith.muli %scan3A_657, %mul3A_1238 : i32
      %swap3A_1240 = arith.constant 57 : i32
      %swap3A_1241 = arith.index_cast %swap3A_1240 : i32 to index
      %swap3A_1242 = arith.index_cast %mul3A_1239 : i32 to index
      %swap3A_1243 = tpu.vector_load %arg7[%swap3A_1241, %swap3A_1242] {strides = array<i32>} : memref<64x512xf32, #tpu.memory_space<vmem>>, vector<16xf32>,
      tpu.vector_store %arg7[%swap3A_1241, %swap3A_1242], %gather3A_1237 {strides = array<i32>} : memref<64x512xf32, #tpu.memory_space<vmem>>, vector<16xf32>,
      %add3A_1244 = arith.constant 59392 : i32
      %add3A_1245 = vector.broadcast %add3A_1244 : i32 to vector<16xi32>
      %add3A_1246 = arith.addi %get3A_663, %add3A_1245 : vector<16xi32>
      %gather3A_1247 = tpu.vector_load_idx %arg5[%add3A_1246] : memref<65536xf32, #tpu.memory_space<vmem>>[vector<16xi32>], vector<16xf32>,
      %mul3A_1248 = arith.constant 16 : i32
      %mul3A_1249 = arith.muli %scan3A_657, %mul3A_1248 : i32
      %swap3A_1250 = arith.constant 58 : i32
      %swap3A_1251 = arith.index_cast %swap3A_1250 : i32 to index
      %swap3A_1252 = arith.index_cast %mul3A_1249 : i32 to index
      %swap3A_1253 = tpu.vector_load %arg7[%swap3A_1251, %swap3A_1252] {strides = array<i32>} : memref<64x512xf32, #tpu.memory_space<vmem>>, vector<16xf32>,
      tpu.vector_store %arg7[%swap3A_1251, %swap3A_1252], %gather3A_1247 {strides = array<i32>} : memref<64x512xf32, #tpu.memory_space<vmem>>, vector<16xf32>,
      %add3A_1254 = arith.constant 60416 : i32
      %add3A_1255 = vector.broadcast %add3A_1254 : i32 to vector<16xi32>
      %add3A_1256 = arith.addi %get3A_663, %add3A_1255 : vector<16xi32>
      %gather3A_1257 = tpu.vector_load_idx %arg5[%add3A_1256] : memref<65536xf32, #tpu.memory_space<vmem>>[vector<16xi32>], vector<16xf32>,
      %mul3A_1258 = arith.constant 16 : i32
      %mul3A_1259 = arith.muli %scan3A_657, %mul3A_1258 : i32
      %swap3A_1260 = arith.constant 59 : i32
      %swap3A_1261 = arith.index_cast %swap3A_1260 : i32 to index
      %swap3A_1262 = arith.index_cast %mul3A_1259 : i32 to index
      %swap3A_1263 = tpu.vector_load %arg7[%swap3A_1261, %swap3A_1262] {strides = array<i32>} : memref<64x512xf32, #tpu.memory_space<vmem>>, vector<16xf32>,
      tpu.vector_store %arg7[%swap3A_1261, %swap3A_1262], %gather3A_1257 {strides = array<i32>} : memref<64x512xf32, #tpu.memory_space<vmem>>, vector<16xf32>,
      %add3A_1264 = arith.constant 61440 : i32
      %add3A_1265 = vector.broadcast %add3A_1264 : i32 to vector<16xi32>
      %add3A_1266 = arith.addi %get3A_663, %add3A_1265 : vector<16xi32>
      %gather3A_1267 = tpu.vector_load_idx %arg5[%add3A_1266] : memref<65536xf32, #tpu.memory_space<vmem>>[vector<16xi32>], vector<16xf32>,
      %mul3A_1268 = arith.constant 16 : i32
      %mul3A_1269 = arith.muli %scan3A_657, %mul3A_1268 : i32
      %swap3A_1270 = arith.constant 60 : i32
      %swap3A_1271 = arith.index_cast %swap3A_1270 : i32 to index
      %swap3A_1272 = arith.index_cast %mul3A_1269 : i32 to index
      %swap3A_1273 = tpu.vector_load %arg7[%swap3A_1271, %swap3A_1272] {strides = array<i32>} : memref<64x512xf32, #tpu.memory_space<vmem>>, vector<16xf32>,
      tpu.vector_store %arg7[%swap3A_1271, %swap3A_1272], %gather3A_1267 {strides = array<i32>} : memref<64x512xf32, #tpu.memory_space<vmem>>, vector<16xf32>,
      %add3A_1274 = arith.constant 62464 : i32
      %add3A_1275 = vector.broadcast %add3A_1274 : i32 to vector<16xi32>
      %add3A_1276 = arith.addi %get3A_663, %add3A_1275 : vector<16xi32>
      %gather3A_1277 = tpu.vector_load_idx %arg5[%add3A_1276] : memref<65536xf32, #tpu.memory_space<vmem>>[vector<16xi32>], vector<16xf32>,
      %mul3A_1278 = arith.constant 16 : i32
      %mul3A_1279 = arith.muli %scan3A_657, %mul3A_1278 : i32
      %swap3A_1280 = arith.constant 61 : i32
      %swap3A_1281 = arith.index_cast %swap3A_1280 : i32 to index
      %swap3A_1282 = arith.index_cast %mul3A_1279 : i32 to index
      %swap3A_1283 = tpu.vector_load %arg7[%swap3A_1281, %swap3A_1282] {strides = array<i32>} : memref<64x512xf32, #tpu.memory_space<vmem>>, vector<16xf32>,
      tpu.vector_store %arg7[%swap3A_1281, %swap3A_1282], %gather3A_1277 {strides = array<i32>} : memref<64x512xf32, #tpu.memory_space<vmem>>, vector<16xf32>,
      %add3A_1284 = arith.constant 63488 : i32
      %add3A_1285 = vector.broadcast %add3A_1284 : i32 to vector<16xi32>
      %add3A_1286 = arith.addi %get3A_663, %add3A_1285 : vector<16xi32>
      %gather3A_1287 = tpu.vector_load_idx %arg5[%add3A_1286] : memref<65536xf32, #tpu.memory_space<vmem>>[vector<16xi32>], vector<16xf32>,
      %mul3A_1288 = arith.constant 16 : i32
      %mul3A_1289 = arith.muli %scan3A_657, %mul3A_1288 : i32
      %swap3A_1290 = arith.constant 62 : i32
      %swap3A_1291 = arith.index_cast %swap3A_1290 : i32 to index
      %swap3A_1292 = arith.index_cast %mul3A_1289 : i32 to index
      %swap3A_1293 = tpu.vector_load %arg7[%swap3A_1291, %swap3A_1292] {strides = array<i32>} : memref<64x512xf32, #tpu.memory_space<vmem>>, vector<16xf32>,
      tpu.vector_store %arg7[%swap3A_1291, %swap3A_1292], %gather3A_1287 {strides = array<i32>} : memref<64x512xf32, #tpu.memory_space<vmem>>, vector<16xf32>,
      %add3A_1294 = arith.constant 64512 : i32
      %add3A_1295 = vector.broadcast %add3A_1294 : i32 to vector<16xi32>
      %add3A_1296 = arith.addi %get3A_663, %add3A_1295 : vector<16xi32>
      %gather3A_1297 = tpu.vector_load_idx %arg5[%add3A_1296] : memref<65536xf32, #tpu.memory_space<vmem>>[vector<16xi32>], vector<16xf32>,
      %mul3A_1298 = arith.constant 16 : i32
      %mul3A_1299 = arith.muli %scan3A_657, %mul3A_1298 : i32
      %swap3A_1300 = arith.constant 63 : i32
      %swap3A_1301 = arith.index_cast %swap3A_1300 : i32 to index
      %swap3A_1302 = arith.index_cast %mul3A_1299 : i32 to index
      %swap3A_1303 = tpu.vector_load %arg7[%swap3A_1301, %swap3A_1302] {strides = array<i32>} : memref<64x512xf32, #tpu.memory_space<vmem>>, vector<16xf32>,
      tpu.vector_store %arg7[%swap3A_1301, %swap3A_1302], %gather3A_1297 {strides = array<i32>} : memref<64x512xf32, #tpu.memory_space<vmem>>, vector<16xf32>,
    }
    %scan3A_5 = arith.constant 32 : i32
    "tpu.region"() ({
      %run_scoped3A = tpu.sem_alloc : memref<!tpu.dma_semaphore, #tpu.memory_space<semaphore_mem>>
      %dma_start3A = arith.constant 0 : i32
      %dma_start3A_12 = arith.constant 0 : i32
      %dma_start3A_13 = tpu.memref_slice %arg4[%add3A, %dma_start3A, %dma_start3A_12] : memref<32x64x1024xf32, #tpu.memory_space<hbm>> -> memref<1x64x512xf32, #tpu.memory_space<hbm>>
      %dma_start3A_14 = tpu.memref_squeeze %dma_start3A_13 : memref<1x64x512xf32, #tpu.memory_space<hbm>> -> memref<64x512xf32, #tpu.memory_space<hbm>>
      %dma_start3A_15 = arith.constant 0 : i32
      %dma_start3A_16 = arith.constant 0 : i32
      %dma_start3A_17 = tpu.memref_slice %arg4[%add3A, %dma_start3A_15, %dma_start3A_16] : memref<32x64x1024xf32, #tpu.memory_space<hbm>> -> memref<1x64x512xf32, #tpu.memory_space<hbm>>
      %dma_start3A_18 = tpu.memref_squeeze %dma_start3A_17 : memref<1x64x512xf32, #tpu.memory_space<hbm>> -> memref<64x512xf32, #tpu.memory_space<hbm>>
      tpu.enqueue_dma source(%arg7 : memref<64x512xf32, #tpu.memory_space<vmem>>) target(%dma_start3A_18 : memref<64x512xf32, #tpu.memory_space<hbm>>) target_semaphore(%run_scoped3A : memref<!tpu.dma_semaphore, #tpu.memory_space<semaphore_mem>>)
      %dma_wait3A = arith.constant 0 : i32
      %dma_wait3A_19 = arith.constant 0 : i32
      %dma_wait3A_20 = tpu.memref_slice %arg4[%add3A, %dma_wait3A, %dma_wait3A_19] : memref<32x64x1024xf32, #tpu.memory_space<hbm>> -> memref<1x64x512xf32, #tpu.memory_space<hbm>>
      %dma_wait3A_21 = tpu.memref_squeeze %dma_wait3A_20 : memref<1x64x512xf32, #tpu.memory_space<hbm>> -> memref<64x512xf32, #tpu.memory_space<hbm>>
      %dma_wait3A_22 = arith.constant 0 : i32
      %dma_wait3A_23 = arith.constant 0 : i32
      %dma_wait3A_24 = tpu.memref_slice %arg4[%add3A, %dma_wait3A_22, %dma_wait3A_23] : memref<32x64x1024xf32, #tpu.memory_space<hbm>> -> memref<1x64x512xf32, #tpu.memory_space<hbm>>
      %dma_wait3A_25 = tpu.memref_squeeze %dma_wait3A_24 : memref<1x64x512xf32, #tpu.memory_space<hbm>> -> memref<64x512xf32, #tpu.memory_space<hbm>>
      tpu.wait_dma2 semaphore(%run_scoped3A : memref<!tpu.dma_semaphore, #tpu.memory_space<semaphore_mem>>) src(%arg7 : memref<64x512xf32, #tpu.memory_space<vmem>>) dst(%dma_wait3A_25 : memref<64x512xf32, #tpu.memory_space<hbm>>)
      tpu.yield
    }) : () -> ()
    %scan3A_6 = arith.constant 0 : i32
    %scan3A_7 = arith.constant 0 : i32
    %scan3A_8 = arith.constant 32 : i32
    %scan3A_9 = arith.addi %scan3A_7, %scan3A_8 : i32
    %scan3A_10 = arith.constant 2 : i32
    scf.for %scan3A_12 = %scan3A_7 to %scan3A_9 step %scan3A_10  : i32 {
      %mul3A_13 = arith.constant 16 : i32
      %mul3A_14 = arith.muli %scan3A_12, %mul3A_13 : i32
      %add3A_15 = arith.constant 512 : i32
      %add3A_16 = arith.addi %add3A_15, %mul3A_14 : i32
      %get3A = arith.index_cast %add3A_16 : i32 to index
      %get3A_17 = tpu.vector_load %arg6[%get3A] {strides = array<i32>} : memref<1024xi32, #tpu.memory_space<vmem>>, vector<16xi32>,
      %add3A_18 = arith.constant 0 : i32
      %add3A_19 = vector.broadcast %add3A_18 : i32 to vector<16xi32>
      %add3A_20 = arith.addi %get3A_17, %add3A_19 : vector<16xi32>
      %gather3A = tpu.vector_load_idx %arg5[%add3A_20] : memref<65536xf32, #tpu.memory_space<vmem>>[vector<16xi32>], vector<16xf32>,
      %mul3A_21 = arith.constant 16 : i32
      %mul3A_22 = arith.muli %scan3A_12, %mul3A_21 : i32
      %swap3A = arith.constant 0 : i32
      %swap3A_23 = arith.index_cast %swap3A : i32 to index
      %swap3A_24 = arith.index_cast %mul3A_22 : i32 to index
      %swap3A_25 = tpu.vector_load %arg7[%swap3A_23, %swap3A_24] {strides = array<i32>} : memref<64x512xf32, #tpu.memory_space<vmem>>, vector<16xf32>,
      tpu.vector_store %arg7[%swap3A_23, %swap3A_24], %gather3A {strides = array<i32>} : memref<64x512xf32, #tpu.memory_space<vmem>>, vector<16xf32>,
      %add3A_26 = arith.constant 1024 : i32
      %add3A_27 = vector.broadcast %add3A_26 : i32 to vector<16xi32>
      %add3A_28 = arith.addi %get3A_17, %add3A_27 : vector<16xi32>
      %gather3A_29 = tpu.vector_load_idx %arg5[%add3A_28] : memref<65536xf32, #tpu.memory_space<vmem>>[vector<16xi32>], vector<16xf32>,
      %mul3A_30 = arith.constant 16 : i32
      %mul3A_31 = arith.muli %scan3A_12, %mul3A_30 : i32
      %swap3A_32 = arith.constant 1 : i32
      %swap3A_33 = arith.index_cast %swap3A_32 : i32 to index
      %swap3A_34 = arith.index_cast %mul3A_31 : i32 to index
      %swap3A_35 = tpu.vector_load %arg7[%swap3A_33, %swap3A_34] {strides = array<i32>} : memref<64x512xf32, #tpu.memory_space<vmem>>, vector<16xf32>,
      tpu.vector_store %arg7[%swap3A_33, %swap3A_34], %gather3A_29 {strides = array<i32>} : memref<64x512xf32, #tpu.memory_space<vmem>>, vector<16xf32>,
      %add3A_36 = arith.constant 2048 : i32
      %add3A_37 = vector.broadcast %add3A_36 : i32 to vector<16xi32>
      %add3A_38 = arith.addi %get3A_17, %add3A_37 : vector<16xi32>
      %gather3A_39 = tpu.vector_load_idx %arg5[%add3A_38] : memref<65536xf32, #tpu.memory_space<vmem>>[vector<16xi32>], vector<16xf32>,
      %mul3A_40 = arith.constant 16 : i32
      %mul3A_41 = arith.muli %scan3A_12, %mul3A_40 : i32
      %swap3A_42 = arith.constant 2 : i32
      %swap3A_43 = arith.index_cast %swap3A_42 : i32 to index
      %swap3A_44 = arith.index_cast %mul3A_41 : i32 to index
      %swap3A_45 = tpu.vector_load %arg7[%swap3A_43, %swap3A_44] {strides = array<i32>} : memref<64x512xf32, #tpu.memory_space<vmem>>, vector<16xf32>,
      tpu.vector_store %arg7[%swap3A_43, %swap3A_44], %gather3A_39 {strides = array<i32>} : memref<64x512xf32, #tpu.memory_space<vmem>>, vector<16xf32>,
      %add3A_46 = arith.constant 3072 : i32
      %add3A_47 = vector.broadcast %add3A_46 : i32 to vector<16xi32>
      %add3A_48 = arith.addi %get3A_17, %add3A_47 : vector<16xi32>
      %gather3A_49 = tpu.vector_load_idx %arg5[%add3A_48] : memref<65536xf32, #tpu.memory_space<vmem>>[vector<16xi32>], vector<16xf32>,
      %mul3A_50 = arith.constant 16 : i32
      %mul3A_51 = arith.muli %scan3A_12, %mul3A_50 : i32
      %swap3A_52 = arith.constant 3 : i32
      %swap3A_53 = arith.index_cast %swap3A_52 : i32 to index
      %swap3A_54 = arith.index_cast %mul3A_51 : i32 to index
      %swap3A_55 = tpu.vector_load %arg7[%swap3A_53, %swap3A_54] {strides = array<i32>} : memref<64x512xf32, #tpu.memory_space<vmem>>, vector<16xf32>,
      tpu.vector_store %arg7[%swap3A_53, %swap3A_54], %gather3A_49 {strides = array<i32>} : memref<64x512xf32, #tpu.memory_space<vmem>>, vector<16xf32>,
      %add3A_56 = arith.constant 4096 : i32
      %add3A_57 = vector.broadcast %add3A_56 : i32 to vector<16xi32>
      %add3A_58 = arith.addi %get3A_17, %add3A_57 : vector<16xi32>
      %gather3A_59 = tpu.vector_load_idx %arg5[%add3A_58] : memref<65536xf32, #tpu.memory_space<vmem>>[vector<16xi32>], vector<16xf32>,
      %mul3A_60 = arith.constant 16 : i32
      %mul3A_61 = arith.muli %scan3A_12, %mul3A_60 : i32
      %swap3A_62 = arith.constant 4 : i32
      %swap3A_63 = arith.index_cast %swap3A_62 : i32 to index
      %swap3A_64 = arith.index_cast %mul3A_61 : i32 to index
      %swap3A_65 = tpu.vector_load %arg7[%swap3A_63, %swap3A_64] {strides = array<i32>} : memref<64x512xf32, #tpu.memory_space<vmem>>, vector<16xf32>,
      tpu.vector_store %arg7[%swap3A_63, %swap3A_64], %gather3A_59 {strides = array<i32>} : memref<64x512xf32, #tpu.memory_space<vmem>>, vector<16xf32>,
      %add3A_66 = arith.constant 5120 : i32
      %add3A_67 = vector.broadcast %add3A_66 : i32 to vector<16xi32>
      %add3A_68 = arith.addi %get3A_17, %add3A_67 : vector<16xi32>
      %gather3A_69 = tpu.vector_load_idx %arg5[%add3A_68] : memref<65536xf32, #tpu.memory_space<vmem>>[vector<16xi32>], vector<16xf32>,
      %mul3A_70 = arith.constant 16 : i32
      %mul3A_71 = arith.muli %scan3A_12, %mul3A_70 : i32
      %swap3A_72 = arith.constant 5 : i32
      %swap3A_73 = arith.index_cast %swap3A_72 : i32 to index
      %swap3A_74 = arith.index_cast %mul3A_71 : i32 to index
      %swap3A_75 = tpu.vector_load %arg7[%swap3A_73, %swap3A_74] {strides = array<i32>} : memref<64x512xf32, #tpu.memory_space<vmem>>, vector<16xf32>,
      tpu.vector_store %arg7[%swap3A_73, %swap3A_74], %gather3A_69 {strides = array<i32>} : memref<64x512xf32, #tpu.memory_space<vmem>>, vector<16xf32>,
      %add3A_76 = arith.constant 6144 : i32
      %add3A_77 = vector.broadcast %add3A_76 : i32 to vector<16xi32>
      %add3A_78 = arith.addi %get3A_17, %add3A_77 : vector<16xi32>
      %gather3A_79 = tpu.vector_load_idx %arg5[%add3A_78] : memref<65536xf32, #tpu.memory_space<vmem>>[vector<16xi32>], vector<16xf32>,
      %mul3A_80 = arith.constant 16 : i32
      %mul3A_81 = arith.muli %scan3A_12, %mul3A_80 : i32
      %swap3A_82 = arith.constant 6 : i32
      %swap3A_83 = arith.index_cast %swap3A_82 : i32 to index
      %swap3A_84 = arith.index_cast %mul3A_81 : i32 to index
      %swap3A_85 = tpu.vector_load %arg7[%swap3A_83, %swap3A_84] {strides = array<i32>} : memref<64x512xf32, #tpu.memory_space<vmem>>, vector<16xf32>,
      tpu.vector_store %arg7[%swap3A_83, %swap3A_84], %gather3A_79 {strides = array<i32>} : memref<64x512xf32, #tpu.memory_space<vmem>>, vector<16xf32>,
      %add3A_86 = arith.constant 7168 : i32
      %add3A_87 = vector.broadcast %add3A_86 : i32 to vector<16xi32>
      %add3A_88 = arith.addi %get3A_17, %add3A_87 : vector<16xi32>
      %gather3A_89 = tpu.vector_load_idx %arg5[%add3A_88] : memref<65536xf32, #tpu.memory_space<vmem>>[vector<16xi32>], vector<16xf32>,
      %mul3A_90 = arith.constant 16 : i32
      %mul3A_91 = arith.muli %scan3A_12, %mul3A_90 : i32
      %swap3A_92 = arith.constant 7 : i32
      %swap3A_93 = arith.index_cast %swap3A_92 : i32 to index
      %swap3A_94 = arith.index_cast %mul3A_91 : i32 to index
      %swap3A_95 = tpu.vector_load %arg7[%swap3A_93, %swap3A_94] {strides = array<i32>} : memref<64x512xf32, #tpu.memory_space<vmem>>, vector<16xf32>,
      tpu.vector_store %arg7[%swap3A_93, %swap3A_94], %gather3A_89 {strides = array<i32>} : memref<64x512xf32, #tpu.memory_space<vmem>>, vector<16xf32>,
      %add3A_96 = arith.constant 8192 : i32
      %add3A_97 = vector.broadcast %add3A_96 : i32 to vector<16xi32>
      %add3A_98 = arith.addi %get3A_17, %add3A_97 : vector<16xi32>
      %gather3A_99 = tpu.vector_load_idx %arg5[%add3A_98] : memref<65536xf32, #tpu.memory_space<vmem>>[vector<16xi32>], vector<16xf32>,
      %mul3A_100 = arith.constant 16 : i32
      %mul3A_101 = arith.muli %scan3A_12, %mul3A_100 : i32
      %swap3A_102 = arith.constant 8 : i32
      %swap3A_103 = arith.index_cast %swap3A_102 : i32 to index
      %swap3A_104 = arith.index_cast %mul3A_101 : i32 to index
      %swap3A_105 = tpu.vector_load %arg7[%swap3A_103, %swap3A_104] {strides = array<i32>} : memref<64x512xf32, #tpu.memory_space<vmem>>, vector<16xf32>,
      tpu.vector_store %arg7[%swap3A_103, %swap3A_104], %gather3A_99 {strides = array<i32>} : memref<64x512xf32, #tpu.memory_space<vmem>>, vector<16xf32>,
      %add3A_106 = arith.constant 9216 : i32
      %add3A_107 = vector.broadcast %add3A_106 : i32 to vector<16xi32>
      %add3A_108 = arith.addi %get3A_17, %add3A_107 : vector<16xi32>
      %gather3A_109 = tpu.vector_load_idx %arg5[%add3A_108] : memref<65536xf32, #tpu.memory_space<vmem>>[vector<16xi32>], vector<16xf32>,
      %mul3A_110 = arith.constant 16 : i32
      %mul3A_111 = arith.muli %scan3A_12, %mul3A_110 : i32
      %swap3A_112 = arith.constant 9 : i32
      %swap3A_113 = arith.index_cast %swap3A_112 : i32 to index
      %swap3A_114 = arith.index_cast %mul3A_111 : i32 to index
      %swap3A_115 = tpu.vector_load %arg7[%swap3A_113, %swap3A_114] {strides = array<i32>} : memref<64x512xf32, #tpu.memory_space<vmem>>, vector<16xf32>,
      tpu.vector_store %arg7[%swap3A_113, %swap3A_114], %gather3A_109 {strides = array<i32>} : memref<64x512xf32, #tpu.memory_space<vmem>>, vector<16xf32>,
      %add3A_116 = arith.constant 10240 : i32
      %add3A_117 = vector.broadcast %add3A_116 : i32 to vector<16xi32>
      %add3A_118 = arith.addi %get3A_17, %add3A_117 : vector<16xi32>
      %gather3A_119 = tpu.vector_load_idx %arg5[%add3A_118] : memref<65536xf32, #tpu.memory_space<vmem>>[vector<16xi32>], vector<16xf32>,
      %mul3A_120 = arith.constant 16 : i32
      %mul3A_121 = arith.muli %scan3A_12, %mul3A_120 : i32
      %swap3A_122 = arith.constant 10 : i32
      %swap3A_123 = arith.index_cast %swap3A_122 : i32 to index
      %swap3A_124 = arith.index_cast %mul3A_121 : i32 to index
      %swap3A_125 = tpu.vector_load %arg7[%swap3A_123, %swap3A_124] {strides = array<i32>} : memref<64x512xf32, #tpu.memory_space<vmem>>, vector<16xf32>,
      tpu.vector_store %arg7[%swap3A_123, %swap3A_124], %gather3A_119 {strides = array<i32>} : memref<64x512xf32, #tpu.memory_space<vmem>>, vector<16xf32>,
      %add3A_126 = arith.constant 11264 : i32
      %add3A_127 = vector.broadcast %add3A_126 : i32 to vector<16xi32>
      %add3A_128 = arith.addi %get3A_17, %add3A_127 : vector<16xi32>
      %gather3A_129 = tpu.vector_load_idx %arg5[%add3A_128] : memref<65536xf32, #tpu.memory_space<vmem>>[vector<16xi32>], vector<16xf32>,
      %mul3A_130 = arith.constant 16 : i32
      %mul3A_131 = arith.muli %scan3A_12, %mul3A_130 : i32
      %swap3A_132 = arith.constant 11 : i32
      %swap3A_133 = arith.index_cast %swap3A_132 : i32 to index
      %swap3A_134 = arith.index_cast %mul3A_131 : i32 to index
      %swap3A_135 = tpu.vector_load %arg7[%swap3A_133, %swap3A_134] {strides = array<i32>} : memref<64x512xf32, #tpu.memory_space<vmem>>, vector<16xf32>,
      tpu.vector_store %arg7[%swap3A_133, %swap3A_134], %gather3A_129 {strides = array<i32>} : memref<64x512xf32, #tpu.memory_space<vmem>>, vector<16xf32>,
      %add3A_136 = arith.constant 12288 : i32
      %add3A_137 = vector.broadcast %add3A_136 : i32 to vector<16xi32>
      %add3A_138 = arith.addi %get3A_17, %add3A_137 : vector<16xi32>
      %gather3A_139 = tpu.vector_load_idx %arg5[%add3A_138] : memref<65536xf32, #tpu.memory_space<vmem>>[vector<16xi32>], vector<16xf32>,
      %mul3A_140 = arith.constant 16 : i32
      %mul3A_141 = arith.muli %scan3A_12, %mul3A_140 : i32
      %swap3A_142 = arith.constant 12 : i32
      %swap3A_143 = arith.index_cast %swap3A_142 : i32 to index
      %swap3A_144 = arith.index_cast %mul3A_141 : i32 to index
      %swap3A_145 = tpu.vector_load %arg7[%swap3A_143, %swap3A_144] {strides = array<i32>} : memref<64x512xf32, #tpu.memory_space<vmem>>, vector<16xf32>,
      tpu.vector_store %arg7[%swap3A_143, %swap3A_144], %gather3A_139 {strides = array<i32>} : memref<64x512xf32, #tpu.memory_space<vmem>>, vector<16xf32>,
      %add3A_146 = arith.constant 13312 : i32
      %add3A_147 = vector.broadcast %add3A_146 : i32 to vector<16xi32>
      %add3A_148 = arith.addi %get3A_17, %add3A_147 : vector<16xi32>
      %gather3A_149 = tpu.vector_load_idx %arg5[%add3A_148] : memref<65536xf32, #tpu.memory_space<vmem>>[vector<16xi32>], vector<16xf32>,
      %mul3A_150 = arith.constant 16 : i32
      %mul3A_151 = arith.muli %scan3A_12, %mul3A_150 : i32
      %swap3A_152 = arith.constant 13 : i32
      %swap3A_153 = arith.index_cast %swap3A_152 : i32 to index
      %swap3A_154 = arith.index_cast %mul3A_151 : i32 to index
      %swap3A_155 = tpu.vector_load %arg7[%swap3A_153, %swap3A_154] {strides = array<i32>} : memref<64x512xf32, #tpu.memory_space<vmem>>, vector<16xf32>,
      tpu.vector_store %arg7[%swap3A_153, %swap3A_154], %gather3A_149 {strides = array<i32>} : memref<64x512xf32, #tpu.memory_space<vmem>>, vector<16xf32>,
      %add3A_156 = arith.constant 14336 : i32
      %add3A_157 = vector.broadcast %add3A_156 : i32 to vector<16xi32>
      %add3A_158 = arith.addi %get3A_17, %add3A_157 : vector<16xi32>
      %gather3A_159 = tpu.vector_load_idx %arg5[%add3A_158] : memref<65536xf32, #tpu.memory_space<vmem>>[vector<16xi32>], vector<16xf32>,
      %mul3A_160 = arith.constant 16 : i32
      %mul3A_161 = arith.muli %scan3A_12, %mul3A_160 : i32
      %swap3A_162 = arith.constant 14 : i32
      %swap3A_163 = arith.index_cast %swap3A_162 : i32 to index
      %swap3A_164 = arith.index_cast %mul3A_161 : i32 to index
      %swap3A_165 = tpu.vector_load %arg7[%swap3A_163, %swap3A_164] {strides = array<i32>} : memref<64x512xf32, #tpu.memory_space<vmem>>, vector<16xf32>,
      tpu.vector_store %arg7[%swap3A_163, %swap3A_164], %gather3A_159 {strides = array<i32>} : memref<64x512xf32, #tpu.memory_space<vmem>>, vector<16xf32>,
      %add3A_166 = arith.constant 15360 : i32
      %add3A_167 = vector.broadcast %add3A_166 : i32 to vector<16xi32>
      %add3A_168 = arith.addi %get3A_17, %add3A_167 : vector<16xi32>
      %gather3A_169 = tpu.vector_load_idx %arg5[%add3A_168] : memref<65536xf32, #tpu.memory_space<vmem>>[vector<16xi32>], vector<16xf32>,
      %mul3A_170 = arith.constant 16 : i32
      %mul3A_171 = arith.muli %scan3A_12, %mul3A_170 : i32
      %swap3A_172 = arith.constant 15 : i32
      %swap3A_173 = arith.index_cast %swap3A_172 : i32 to index
      %swap3A_174 = arith.index_cast %mul3A_171 : i32 to index
      %swap3A_175 = tpu.vector_load %arg7[%swap3A_173, %swap3A_174] {strides = array<i32>} : memref<64x512xf32, #tpu.memory_space<vmem>>, vector<16xf32>,
      tpu.vector_store %arg7[%swap3A_173, %swap3A_174], %gather3A_169 {strides = array<i32>} : memref<64x512xf32, #tpu.memory_space<vmem>>, vector<16xf32>,
      %add3A_176 = arith.constant 16384 : i32
      %add3A_177 = vector.broadcast %add3A_176 : i32 to vector<16xi32>
      %add3A_178 = arith.addi %get3A_17, %add3A_177 : vector<16xi32>
      %gather3A_179 = tpu.vector_load_idx %arg5[%add3A_178] : memref<65536xf32, #tpu.memory_space<vmem>>[vector<16xi32>], vector<16xf32>,
      %mul3A_180 = arith.constant 16 : i32
      %mul3A_181 = arith.muli %scan3A_12, %mul3A_180 : i32
      %swap3A_182 = arith.constant 16 : i32
      %swap3A_183 = arith.index_cast %swap3A_182 : i32 to index
      %swap3A_184 = arith.index_cast %mul3A_181 : i32 to index
      %swap3A_185 = tpu.vector_load %arg7[%swap3A_183, %swap3A_184] {strides = array<i32>} : memref<64x512xf32, #tpu.memory_space<vmem>>, vector<16xf32>,
      tpu.vector_store %arg7[%swap3A_183, %swap3A_184], %gather3A_179 {strides = array<i32>} : memref<64x512xf32, #tpu.memory_space<vmem>>, vector<16xf32>,
      %add3A_186 = arith.constant 17408 : i32
      %add3A_187 = vector.broadcast %add3A_186 : i32 to vector<16xi32>
      %add3A_188 = arith.addi %get3A_17, %add3A_187 : vector<16xi32>
      %gather3A_189 = tpu.vector_load_idx %arg5[%add3A_188] : memref<65536xf32, #tpu.memory_space<vmem>>[vector<16xi32>], vector<16xf32>,
      %mul3A_190 = arith.constant 16 : i32
      %mul3A_191 = arith.muli %scan3A_12, %mul3A_190 : i32
      %swap3A_192 = arith.constant 17 : i32
      %swap3A_193 = arith.index_cast %swap3A_192 : i32 to index
      %swap3A_194 = arith.index_cast %mul3A_191 : i32 to index
      %swap3A_195 = tpu.vector_load %arg7[%swap3A_193, %swap3A_194] {strides = array<i32>} : memref<64x512xf32, #tpu.memory_space<vmem>>, vector<16xf32>,
      tpu.vector_store %arg7[%swap3A_193, %swap3A_194], %gather3A_189 {strides = array<i32>} : memref<64x512xf32, #tpu.memory_space<vmem>>, vector<16xf32>,
      %add3A_196 = arith.constant 18432 : i32
      %add3A_197 = vector.broadcast %add3A_196 : i32 to vector<16xi32>
      %add3A_198 = arith.addi %get3A_17, %add3A_197 : vector<16xi32>
      %gather3A_199 = tpu.vector_load_idx %arg5[%add3A_198] : memref<65536xf32, #tpu.memory_space<vmem>>[vector<16xi32>], vector<16xf32>,
      %mul3A_200 = arith.constant 16 : i32
      %mul3A_201 = arith.muli %scan3A_12, %mul3A_200 : i32
      %swap3A_202 = arith.constant 18 : i32
      %swap3A_203 = arith.index_cast %swap3A_202 : i32 to index
      %swap3A_204 = arith.index_cast %mul3A_201 : i32 to index
      %swap3A_205 = tpu.vector_load %arg7[%swap3A_203, %swap3A_204] {strides = array<i32>} : memref<64x512xf32, #tpu.memory_space<vmem>>, vector<16xf32>,
      tpu.vector_store %arg7[%swap3A_203, %swap3A_204], %gather3A_199 {strides = array<i32>} : memref<64x512xf32, #tpu.memory_space<vmem>>, vector<16xf32>,
      %add3A_206 = arith.constant 19456 : i32
      %add3A_207 = vector.broadcast %add3A_206 : i32 to vector<16xi32>
      %add3A_208 = arith.addi %get3A_17, %add3A_207 : vector<16xi32>
      %gather3A_209 = tpu.vector_load_idx %arg5[%add3A_208] : memref<65536xf32, #tpu.memory_space<vmem>>[vector<16xi32>], vector<16xf32>,
      %mul3A_210 = arith.constant 16 : i32
      %mul3A_211 = arith.muli %scan3A_12, %mul3A_210 : i32
      %swap3A_212 = arith.constant 19 : i32
      %swap3A_213 = arith.index_cast %swap3A_212 : i32 to index
      %swap3A_214 = arith.index_cast %mul3A_211 : i32 to index
      %swap3A_215 = tpu.vector_load %arg7[%swap3A_213, %swap3A_214] {strides = array<i32>} : memref<64x512xf32, #tpu.memory_space<vmem>>, vector<16xf32>,
      tpu.vector_store %arg7[%swap3A_213, %swap3A_214], %gather3A_209 {strides = array<i32>} : memref<64x512xf32, #tpu.memory_space<vmem>>, vector<16xf32>,
      %add3A_216 = arith.constant 20480 : i32
      %add3A_217 = vector.broadcast %add3A_216 : i32 to vector<16xi32>
      %add3A_218 = arith.addi %get3A_17, %add3A_217 : vector<16xi32>
      %gather3A_219 = tpu.vector_load_idx %arg5[%add3A_218] : memref<65536xf32, #tpu.memory_space<vmem>>[vector<16xi32>], vector<16xf32>,
      %mul3A_220 = arith.constant 16 : i32
      %mul3A_221 = arith.muli %scan3A_12, %mul3A_220 : i32
      %swap3A_222 = arith.constant 20 : i32
      %swap3A_223 = arith.index_cast %swap3A_222 : i32 to index
      %swap3A_224 = arith.index_cast %mul3A_221 : i32 to index
      %swap3A_225 = tpu.vector_load %arg7[%swap3A_223, %swap3A_224] {strides = array<i32>} : memref<64x512xf32, #tpu.memory_space<vmem>>, vector<16xf32>,
      tpu.vector_store %arg7[%swap3A_223, %swap3A_224], %gather3A_219 {strides = array<i32>} : memref<64x512xf32, #tpu.memory_space<vmem>>, vector<16xf32>,
      %add3A_226 = arith.constant 21504 : i32
      %add3A_227 = vector.broadcast %add3A_226 : i32 to vector<16xi32>
      %add3A_228 = arith.addi %get3A_17, %add3A_227 : vector<16xi32>
      %gather3A_229 = tpu.vector_load_idx %arg5[%add3A_228] : memref<65536xf32, #tpu.memory_space<vmem>>[vector<16xi32>], vector<16xf32>,
      %mul3A_230 = arith.constant 16 : i32
      %mul3A_231 = arith.muli %scan3A_12, %mul3A_230 : i32
      %swap3A_232 = arith.constant 21 : i32
      %swap3A_233 = arith.index_cast %swap3A_232 : i32 to index
      %swap3A_234 = arith.index_cast %mul3A_231 : i32 to index
      %swap3A_235 = tpu.vector_load %arg7[%swap3A_233, %swap3A_234] {strides = array<i32>} : memref<64x512xf32, #tpu.memory_space<vmem>>, vector<16xf32>,
      tpu.vector_store %arg7[%swap3A_233, %swap3A_234], %gather3A_229 {strides = array<i32>} : memref<64x512xf32, #tpu.memory_space<vmem>>, vector<16xf32>,
      %add3A_236 = arith.constant 22528 : i32
      %add3A_237 = vector.broadcast %add3A_236 : i32 to vector<16xi32>
      %add3A_238 = arith.addi %get3A_17, %add3A_237 : vector<16xi32>
      %gather3A_239 = tpu.vector_load_idx %arg5[%add3A_238] : memref<65536xf32, #tpu.memory_space<vmem>>[vector<16xi32>], vector<16xf32>,
      %mul3A_240 = arith.constant 16 : i32
      %mul3A_241 = arith.muli %scan3A_12, %mul3A_240 : i32
      %swap3A_242 = arith.constant 22 : i32
      %swap3A_243 = arith.index_cast %swap3A_242 : i32 to index
      %swap3A_244 = arith.index_cast %mul3A_241 : i32 to index
      %swap3A_245 = tpu.vector_load %arg7[%swap3A_243, %swap3A_244] {strides = array<i32>} : memref<64x512xf32, #tpu.memory_space<vmem>>, vector<16xf32>,
      tpu.vector_store %arg7[%swap3A_243, %swap3A_244], %gather3A_239 {strides = array<i32>} : memref<64x512xf32, #tpu.memory_space<vmem>>, vector<16xf32>,
      %add3A_246 = arith.constant 23552 : i32
      %add3A_247 = vector.broadcast %add3A_246 : i32 to vector<16xi32>
      %add3A_248 = arith.addi %get3A_17, %add3A_247 : vector<16xi32>
      %gather3A_249 = tpu.vector_load_idx %arg5[%add3A_248] : memref<65536xf32, #tpu.memory_space<vmem>>[vector<16xi32>], vector<16xf32>,
      %mul3A_250 = arith.constant 16 : i32
      %mul3A_251 = arith.muli %scan3A_12, %mul3A_250 : i32
      %swap3A_252 = arith.constant 23 : i32
      %swap3A_253 = arith.index_cast %swap3A_252 : i32 to index
      %swap3A_254 = arith.index_cast %mul3A_251 : i32 to index
      %swap3A_255 = tpu.vector_load %arg7[%swap3A_253, %swap3A_254] {strides = array<i32>} : memref<64x512xf32, #tpu.memory_space<vmem>>, vector<16xf32>,
      tpu.vector_store %arg7[%swap3A_253, %swap3A_254], %gather3A_249 {strides = array<i32>} : memref<64x512xf32, #tpu.memory_space<vmem>>, vector<16xf32>,
      %add3A_256 = arith.constant 24576 : i32
      %add3A_257 = vector.broadcast %add3A_256 : i32 to vector<16xi32>
      %add3A_258 = arith.addi %get3A_17, %add3A_257 : vector<16xi32>
      %gather3A_259 = tpu.vector_load_idx %arg5[%add3A_258] : memref<65536xf32, #tpu.memory_space<vmem>>[vector<16xi32>], vector<16xf32>,
      %mul3A_260 = arith.constant 16 : i32
      %mul3A_261 = arith.muli %scan3A_12, %mul3A_260 : i32
      %swap3A_262 = arith.constant 24 : i32
      %swap3A_263 = arith.index_cast %swap3A_262 : i32 to index
      %swap3A_264 = arith.index_cast %mul3A_261 : i32 to index
      %swap3A_265 = tpu.vector_load %arg7[%swap3A_263, %swap3A_264] {strides = array<i32>} : memref<64x512xf32, #tpu.memory_space<vmem>>, vector<16xf32>,
      tpu.vector_store %arg7[%swap3A_263, %swap3A_264], %gather3A_259 {strides = array<i32>} : memref<64x512xf32, #tpu.memory_space<vmem>>, vector<16xf32>,
      %add3A_266 = arith.constant 25600 : i32
      %add3A_267 = vector.broadcast %add3A_266 : i32 to vector<16xi32>
      %add3A_268 = arith.addi %get3A_17, %add3A_267 : vector<16xi32>
      %gather3A_269 = tpu.vector_load_idx %arg5[%add3A_268] : memref<65536xf32, #tpu.memory_space<vmem>>[vector<16xi32>], vector<16xf32>,
      %mul3A_270 = arith.constant 16 : i32
      %mul3A_271 = arith.muli %scan3A_12, %mul3A_270 : i32
      %swap3A_272 = arith.constant 25 : i32
      %swap3A_273 = arith.index_cast %swap3A_272 : i32 to index
      %swap3A_274 = arith.index_cast %mul3A_271 : i32 to index
      %swap3A_275 = tpu.vector_load %arg7[%swap3A_273, %swap3A_274] {strides = array<i32>} : memref<64x512xf32, #tpu.memory_space<vmem>>, vector<16xf32>,
      tpu.vector_store %arg7[%swap3A_273, %swap3A_274], %gather3A_269 {strides = array<i32>} : memref<64x512xf32, #tpu.memory_space<vmem>>, vector<16xf32>,
      %add3A_276 = arith.constant 26624 : i32
      %add3A_277 = vector.broadcast %add3A_276 : i32 to vector<16xi32>
      %add3A_278 = arith.addi %get3A_17, %add3A_277 : vector<16xi32>
      %gather3A_279 = tpu.vector_load_idx %arg5[%add3A_278] : memref<65536xf32, #tpu.memory_space<vmem>>[vector<16xi32>], vector<16xf32>,
      %mul3A_280 = arith.constant 16 : i32
      %mul3A_281 = arith.muli %scan3A_12, %mul3A_280 : i32
      %swap3A_282 = arith.constant 26 : i32
      %swap3A_283 = arith.index_cast %swap3A_282 : i32 to index
      %swap3A_284 = arith.index_cast %mul3A_281 : i32 to index
      %swap3A_285 = tpu.vector_load %arg7[%swap3A_283, %swap3A_284] {strides = array<i32>} : memref<64x512xf32, #tpu.memory_space<vmem>>, vector<16xf32>,
      tpu.vector_store %arg7[%swap3A_283, %swap3A_284], %gather3A_279 {strides = array<i32>} : memref<64x512xf32, #tpu.memory_space<vmem>>, vector<16xf32>,
      %add3A_286 = arith.constant 27648 : i32
      %add3A_287 = vector.broadcast %add3A_286 : i32 to vector<16xi32>
      %add3A_288 = arith.addi %get3A_17, %add3A_287 : vector<16xi32>
      %gather3A_289 = tpu.vector_load_idx %arg5[%add3A_288] : memref<65536xf32, #tpu.memory_space<vmem>>[vector<16xi32>], vector<16xf32>,
      %mul3A_290 = arith.constant 16 : i32
      %mul3A_291 = arith.muli %scan3A_12, %mul3A_290 : i32
      %swap3A_292 = arith.constant 27 : i32
      %swap3A_293 = arith.index_cast %swap3A_292 : i32 to index
      %swap3A_294 = arith.index_cast %mul3A_291 : i32 to index
      %swap3A_295 = tpu.vector_load %arg7[%swap3A_293, %swap3A_294] {strides = array<i32>} : memref<64x512xf32, #tpu.memory_space<vmem>>, vector<16xf32>,
      tpu.vector_store %arg7[%swap3A_293, %swap3A_294], %gather3A_289 {strides = array<i32>} : memref<64x512xf32, #tpu.memory_space<vmem>>, vector<16xf32>,
      %add3A_296 = arith.constant 28672 : i32
      %add3A_297 = vector.broadcast %add3A_296 : i32 to vector<16xi32>
      %add3A_298 = arith.addi %get3A_17, %add3A_297 : vector<16xi32>
      %gather3A_299 = tpu.vector_load_idx %arg5[%add3A_298] : memref<65536xf32, #tpu.memory_space<vmem>>[vector<16xi32>], vector<16xf32>,
      %mul3A_300 = arith.constant 16 : i32
      %mul3A_301 = arith.muli %scan3A_12, %mul3A_300 : i32
      %swap3A_302 = arith.constant 28 : i32
      %swap3A_303 = arith.index_cast %swap3A_302 : i32 to index
      %swap3A_304 = arith.index_cast %mul3A_301 : i32 to index
      %swap3A_305 = tpu.vector_load %arg7[%swap3A_303, %swap3A_304] {strides = array<i32>} : memref<64x512xf32, #tpu.memory_space<vmem>>, vector<16xf32>,
      tpu.vector_store %arg7[%swap3A_303, %swap3A_304], %gather3A_299 {strides = array<i32>} : memref<64x512xf32, #tpu.memory_space<vmem>>, vector<16xf32>,
      %add3A_306 = arith.constant 29696 : i32
      %add3A_307 = vector.broadcast %add3A_306 : i32 to vector<16xi32>
      %add3A_308 = arith.addi %get3A_17, %add3A_307 : vector<16xi32>
      %gather3A_309 = tpu.vector_load_idx %arg5[%add3A_308] : memref<65536xf32, #tpu.memory_space<vmem>>[vector<16xi32>], vector<16xf32>,
      %mul3A_310 = arith.constant 16 : i32
      %mul3A_311 = arith.muli %scan3A_12, %mul3A_310 : i32
      %swap3A_312 = arith.constant 29 : i32
      %swap3A_313 = arith.index_cast %swap3A_312 : i32 to index
      %swap3A_314 = arith.index_cast %mul3A_311 : i32 to index
      %swap3A_315 = tpu.vector_load %arg7[%swap3A_313, %swap3A_314] {strides = array<i32>} : memref<64x512xf32, #tpu.memory_space<vmem>>, vector<16xf32>,
      tpu.vector_store %arg7[%swap3A_313, %swap3A_314], %gather3A_309 {strides = array<i32>} : memref<64x512xf32, #tpu.memory_space<vmem>>, vector<16xf32>,
      %add3A_316 = arith.constant 30720 : i32
      %add3A_317 = vector.broadcast %add3A_316 : i32 to vector<16xi32>
      %add3A_318 = arith.addi %get3A_17, %add3A_317 : vector<16xi32>
      %gather3A_319 = tpu.vector_load_idx %arg5[%add3A_318] : memref<65536xf32, #tpu.memory_space<vmem>>[vector<16xi32>], vector<16xf32>,
      %mul3A_320 = arith.constant 16 : i32
      %mul3A_321 = arith.muli %scan3A_12, %mul3A_320 : i32
      %swap3A_322 = arith.constant 30 : i32
      %swap3A_323 = arith.index_cast %swap3A_322 : i32 to index
      %swap3A_324 = arith.index_cast %mul3A_321 : i32 to index
      %swap3A_325 = tpu.vector_load %arg7[%swap3A_323, %swap3A_324] {strides = array<i32>} : memref<64x512xf32, #tpu.memory_space<vmem>>, vector<16xf32>,
      tpu.vector_store %arg7[%swap3A_323, %swap3A_324], %gather3A_319 {strides = array<i32>} : memref<64x512xf32, #tpu.memory_space<vmem>>, vector<16xf32>,
      %add3A_326 = arith.constant 31744 : i32
      %add3A_327 = vector.broadcast %add3A_326 : i32 to vector<16xi32>
      %add3A_328 = arith.addi %get3A_17, %add3A_327 : vector<16xi32>
      %gather3A_329 = tpu.vector_load_idx %arg5[%add3A_328] : memref<65536xf32, #tpu.memory_space<vmem>>[vector<16xi32>], vector<16xf32>,
      %mul3A_330 = arith.constant 16 : i32
      %mul3A_331 = arith.muli %scan3A_12, %mul3A_330 : i32
      %swap3A_332 = arith.constant 31 : i32
      %swap3A_333 = arith.index_cast %swap3A_332 : i32 to index
      %swap3A_334 = arith.index_cast %mul3A_331 : i32 to index
      %swap3A_335 = tpu.vector_load %arg7[%swap3A_333, %swap3A_334] {strides = array<i32>} : memref<64x512xf32, #tpu.memory_space<vmem>>, vector<16xf32>,
      tpu.vector_store %arg7[%swap3A_333, %swap3A_334], %gather3A_329 {strides = array<i32>} : memref<64x512xf32, #tpu.memory_space<vmem>>, vector<16xf32>,
      %add3A_336 = arith.constant 32768 : i32
      %add3A_337 = vector.broadcast %add3A_336 : i32 to vector<16xi32>
      %add3A_338 = arith.addi %get3A_17, %add3A_337 : vector<16xi32>
      %gather3A_339 = tpu.vector_load_idx %arg5[%add3A_338] : memref<65536xf32, #tpu.memory_space<vmem>>[vector<16xi32>], vector<16xf32>,
      %mul3A_340 = arith.constant 16 : i32
      %mul3A_341 = arith.muli %scan3A_12, %mul3A_340 : i32
      %swap3A_342 = arith.constant 32 : i32
      %swap3A_343 = arith.index_cast %swap3A_342 : i32 to index
      %swap3A_344 = arith.index_cast %mul3A_341 : i32 to index
      %swap3A_345 = tpu.vector_load %arg7[%swap3A_343, %swap3A_344] {strides = array<i32>} : memref<64x512xf32, #tpu.memory_space<vmem>>, vector<16xf32>,
      tpu.vector_store %arg7[%swap3A_343, %swap3A_344], %gather3A_339 {strides = array<i32>} : memref<64x512xf32, #tpu.memory_space<vmem>>, vector<16xf32>,
      %add3A_346 = arith.constant 33792 : i32
      %add3A_347 = vector.broadcast %add3A_346 : i32 to vector<16xi32>
      %add3A_348 = arith.addi %get3A_17, %add3A_347 : vector<16xi32>
      %gather3A_349 = tpu.vector_load_idx %arg5[%add3A_348] : memref<65536xf32, #tpu.memory_space<vmem>>[vector<16xi32>], vector<16xf32>,
      %mul3A_350 = arith.constant 16 : i32
      %mul3A_351 = arith.muli %scan3A_12, %mul3A_350 : i32
      %swap3A_352 = arith.constant 33 : i32
      %swap3A_353 = arith.index_cast %swap3A_352 : i32 to index
      %swap3A_354 = arith.index_cast %mul3A_351 : i32 to index
      %swap3A_355 = tpu.vector_load %arg7[%swap3A_353, %swap3A_354] {strides = array<i32>} : memref<64x512xf32, #tpu.memory_space<vmem>>, vector<16xf32>,
      tpu.vector_store %arg7[%swap3A_353, %swap3A_354], %gather3A_349 {strides = array<i32>} : memref<64x512xf32, #tpu.memory_space<vmem>>, vector<16xf32>,
      %add3A_356 = arith.constant 34816 : i32
      %add3A_357 = vector.broadcast %add3A_356 : i32 to vector<16xi32>
      %add3A_358 = arith.addi %get3A_17, %add3A_357 : vector<16xi32>
      %gather3A_359 = tpu.vector_load_idx %arg5[%add3A_358] : memref<65536xf32, #tpu.memory_space<vmem>>[vector<16xi32>], vector<16xf32>,
      %mul3A_360 = arith.constant 16 : i32
      %mul3A_361 = arith.muli %scan3A_12, %mul3A_360 : i32
      %swap3A_362 = arith.constant 34 : i32
      %swap3A_363 = arith.index_cast %swap3A_362 : i32 to index
      %swap3A_364 = arith.index_cast %mul3A_361 : i32 to index
      %swap3A_365 = tpu.vector_load %arg7[%swap3A_363, %swap3A_364] {strides = array<i32>} : memref<64x512xf32, #tpu.memory_space<vmem>>, vector<16xf32>,
      tpu.vector_store %arg7[%swap3A_363, %swap3A_364], %gather3A_359 {strides = array<i32>} : memref<64x512xf32, #tpu.memory_space<vmem>>, vector<16xf32>,
      %add3A_366 = arith.constant 35840 : i32
      %add3A_367 = vector.broadcast %add3A_366 : i32 to vector<16xi32>
      %add3A_368 = arith.addi %get3A_17, %add3A_367 : vector<16xi32>
      %gather3A_369 = tpu.vector_load_idx %arg5[%add3A_368] : memref<65536xf32, #tpu.memory_space<vmem>>[vector<16xi32>], vector<16xf32>,
      %mul3A_370 = arith.constant 16 : i32
      %mul3A_371 = arith.muli %scan3A_12, %mul3A_370 : i32
      %swap3A_372 = arith.constant 35 : i32
      %swap3A_373 = arith.index_cast %swap3A_372 : i32 to index
      %swap3A_374 = arith.index_cast %mul3A_371 : i32 to index
      %swap3A_375 = tpu.vector_load %arg7[%swap3A_373, %swap3A_374] {strides = array<i32>} : memref<64x512xf32, #tpu.memory_space<vmem>>, vector<16xf32>,
      tpu.vector_store %arg7[%swap3A_373, %swap3A_374], %gather3A_369 {strides = array<i32>} : memref<64x512xf32, #tpu.memory_space<vmem>>, vector<16xf32>,
      %add3A_376 = arith.constant 36864 : i32
      %add3A_377 = vector.broadcast %add3A_376 : i32 to vector<16xi32>
      %add3A_378 = arith.addi %get3A_17, %add3A_377 : vector<16xi32>
      %gather3A_379 = tpu.vector_load_idx %arg5[%add3A_378] : memref<65536xf32, #tpu.memory_space<vmem>>[vector<16xi32>], vector<16xf32>,
      %mul3A_380 = arith.constant 16 : i32
      %mul3A_381 = arith.muli %scan3A_12, %mul3A_380 : i32
      %swap3A_382 = arith.constant 36 : i32
      %swap3A_383 = arith.index_cast %swap3A_382 : i32 to index
      %swap3A_384 = arith.index_cast %mul3A_381 : i32 to index
      %swap3A_385 = tpu.vector_load %arg7[%swap3A_383, %swap3A_384] {strides = array<i32>} : memref<64x512xf32, #tpu.memory_space<vmem>>, vector<16xf32>,
      tpu.vector_store %arg7[%swap3A_383, %swap3A_384], %gather3A_379 {strides = array<i32>} : memref<64x512xf32, #tpu.memory_space<vmem>>, vector<16xf32>,
      %add3A_386 = arith.constant 37888 : i32
      %add3A_387 = vector.broadcast %add3A_386 : i32 to vector<16xi32>
      %add3A_388 = arith.addi %get3A_17, %add3A_387 : vector<16xi32>
      %gather3A_389 = tpu.vector_load_idx %arg5[%add3A_388] : memref<65536xf32, #tpu.memory_space<vmem>>[vector<16xi32>], vector<16xf32>,
      %mul3A_390 = arith.constant 16 : i32
      %mul3A_391 = arith.muli %scan3A_12, %mul3A_390 : i32
      %swap3A_392 = arith.constant 37 : i32
      %swap3A_393 = arith.index_cast %swap3A_392 : i32 to index
      %swap3A_394 = arith.index_cast %mul3A_391 : i32 to index
      %swap3A_395 = tpu.vector_load %arg7[%swap3A_393, %swap3A_394] {strides = array<i32>} : memref<64x512xf32, #tpu.memory_space<vmem>>, vector<16xf32>,
      tpu.vector_store %arg7[%swap3A_393, %swap3A_394], %gather3A_389 {strides = array<i32>} : memref<64x512xf32, #tpu.memory_space<vmem>>, vector<16xf32>,
      %add3A_396 = arith.constant 38912 : i32
      %add3A_397 = vector.broadcast %add3A_396 : i32 to vector<16xi32>
      %add3A_398 = arith.addi %get3A_17, %add3A_397 : vector<16xi32>
      %gather3A_399 = tpu.vector_load_idx %arg5[%add3A_398] : memref<65536xf32, #tpu.memory_space<vmem>>[vector<16xi32>], vector<16xf32>,
      %mul3A_400 = arith.constant 16 : i32
      %mul3A_401 = arith.muli %scan3A_12, %mul3A_400 : i32
      %swap3A_402 = arith.constant 38 : i32
      %swap3A_403 = arith.index_cast %swap3A_402 : i32 to index
      %swap3A_404 = arith.index_cast %mul3A_401 : i32 to index
      %swap3A_405 = tpu.vector_load %arg7[%swap3A_403, %swap3A_404] {strides = array<i32>} : memref<64x512xf32, #tpu.memory_space<vmem>>, vector<16xf32>,
      tpu.vector_store %arg7[%swap3A_403, %swap3A_404], %gather3A_399 {strides = array<i32>} : memref<64x512xf32, #tpu.memory_space<vmem>>, vector<16xf32>,
      %add3A_406 = arith.constant 39936 : i32
      %add3A_407 = vector.broadcast %add3A_406 : i32 to vector<16xi32>
      %add3A_408 = arith.addi %get3A_17, %add3A_407 : vector<16xi32>
      %gather3A_409 = tpu.vector_load_idx %arg5[%add3A_408] : memref<65536xf32, #tpu.memory_space<vmem>>[vector<16xi32>], vector<16xf32>,
      %mul3A_410 = arith.constant 16 : i32
      %mul3A_411 = arith.muli %scan3A_12, %mul3A_410 : i32
      %swap3A_412 = arith.constant 39 : i32
      %swap3A_413 = arith.index_cast %swap3A_412 : i32 to index
      %swap3A_414 = arith.index_cast %mul3A_411 : i32 to index
      %swap3A_415 = tpu.vector_load %arg7[%swap3A_413, %swap3A_414] {strides = array<i32>} : memref<64x512xf32, #tpu.memory_space<vmem>>, vector<16xf32>,
      tpu.vector_store %arg7[%swap3A_413, %swap3A_414], %gather3A_409 {strides = array<i32>} : memref<64x512xf32, #tpu.memory_space<vmem>>, vector<16xf32>,
      %add3A_416 = arith.constant 40960 : i32
      %add3A_417 = vector.broadcast %add3A_416 : i32 to vector<16xi32>
      %add3A_418 = arith.addi %get3A_17, %add3A_417 : vector<16xi32>
      %gather3A_419 = tpu.vector_load_idx %arg5[%add3A_418] : memref<65536xf32, #tpu.memory_space<vmem>>[vector<16xi32>], vector<16xf32>,
      %mul3A_420 = arith.constant 16 : i32
      %mul3A_421 = arith.muli %scan3A_12, %mul3A_420 : i32
      %swap3A_422 = arith.constant 40 : i32
      %swap3A_423 = arith.index_cast %swap3A_422 : i32 to index
      %swap3A_424 = arith.index_cast %mul3A_421 : i32 to index
      %swap3A_425 = tpu.vector_load %arg7[%swap3A_423, %swap3A_424] {strides = array<i32>} : memref<64x512xf32, #tpu.memory_space<vmem>>, vector<16xf32>,
      tpu.vector_store %arg7[%swap3A_423, %swap3A_424], %gather3A_419 {strides = array<i32>} : memref<64x512xf32, #tpu.memory_space<vmem>>, vector<16xf32>,
      %add3A_426 = arith.constant 41984 : i32
      %add3A_427 = vector.broadcast %add3A_426 : i32 to vector<16xi32>
      %add3A_428 = arith.addi %get3A_17, %add3A_427 : vector<16xi32>
      %gather3A_429 = tpu.vector_load_idx %arg5[%add3A_428] : memref<65536xf32, #tpu.memory_space<vmem>>[vector<16xi32>], vector<16xf32>,
      %mul3A_430 = arith.constant 16 : i32
      %mul3A_431 = arith.muli %scan3A_12, %mul3A_430 : i32
      %swap3A_432 = arith.constant 41 : i32
      %swap3A_433 = arith.index_cast %swap3A_432 : i32 to index
      %swap3A_434 = arith.index_cast %mul3A_431 : i32 to index
      %swap3A_435 = tpu.vector_load %arg7[%swap3A_433, %swap3A_434] {strides = array<i32>} : memref<64x512xf32, #tpu.memory_space<vmem>>, vector<16xf32>,
      tpu.vector_store %arg7[%swap3A_433, %swap3A_434], %gather3A_429 {strides = array<i32>} : memref<64x512xf32, #tpu.memory_space<vmem>>, vector<16xf32>,
      %add3A_436 = arith.constant 43008 : i32
      %add3A_437 = vector.broadcast %add3A_436 : i32 to vector<16xi32>
      %add3A_438 = arith.addi %get3A_17, %add3A_437 : vector<16xi32>
      %gather3A_439 = tpu.vector_load_idx %arg5[%add3A_438] : memref<65536xf32, #tpu.memory_space<vmem>>[vector<16xi32>], vector<16xf32>,
      %mul3A_440 = arith.constant 16 : i32
      %mul3A_441 = arith.muli %scan3A_12, %mul3A_440 : i32
      %swap3A_442 = arith.constant 42 : i32
      %swap3A_443 = arith.index_cast %swap3A_442 : i32 to index
      %swap3A_444 = arith.index_cast %mul3A_441 : i32 to index
      %swap3A_445 = tpu.vector_load %arg7[%swap3A_443, %swap3A_444] {strides = array<i32>} : memref<64x512xf32, #tpu.memory_space<vmem>>, vector<16xf32>,
      tpu.vector_store %arg7[%swap3A_443, %swap3A_444], %gather3A_439 {strides = array<i32>} : memref<64x512xf32, #tpu.memory_space<vmem>>, vector<16xf32>,
      %add3A_446 = arith.constant 44032 : i32
      %add3A_447 = vector.broadcast %add3A_446 : i32 to vector<16xi32>
      %add3A_448 = arith.addi %get3A_17, %add3A_447 : vector<16xi32>
      %gather3A_449 = tpu.vector_load_idx %arg5[%add3A_448] : memref<65536xf32, #tpu.memory_space<vmem>>[vector<16xi32>], vector<16xf32>,
      %mul3A_450 = arith.constant 16 : i32
      %mul3A_451 = arith.muli %scan3A_12, %mul3A_450 : i32
      %swap3A_452 = arith.constant 43 : i32
      %swap3A_453 = arith.index_cast %swap3A_452 : i32 to index
      %swap3A_454 = arith.index_cast %mul3A_451 : i32 to index
      %swap3A_455 = tpu.vector_load %arg7[%swap3A_453, %swap3A_454] {strides = array<i32>} : memref<64x512xf32, #tpu.memory_space<vmem>>, vector<16xf32>,
      tpu.vector_store %arg7[%swap3A_453, %swap3A_454], %gather3A_449 {strides = array<i32>} : memref<64x512xf32, #tpu.memory_space<vmem>>, vector<16xf32>,
      %add3A_456 = arith.constant 45056 : i32
      %add3A_457 = vector.broadcast %add3A_456 : i32 to vector<16xi32>
      %add3A_458 = arith.addi %get3A_17, %add3A_457 : vector<16xi32>
      %gather3A_459 = tpu.vector_load_idx %arg5[%add3A_458] : memref<65536xf32, #tpu.memory_space<vmem>>[vector<16xi32>], vector<16xf32>,
      %mul3A_460 = arith.constant 16 : i32
      %mul3A_461 = arith.muli %scan3A_12, %mul3A_460 : i32
      %swap3A_462 = arith.constant 44 : i32
      %swap3A_463 = arith.index_cast %swap3A_462 : i32 to index
      %swap3A_464 = arith.index_cast %mul3A_461 : i32 to index
      %swap3A_465 = tpu.vector_load %arg7[%swap3A_463, %swap3A_464] {strides = array<i32>} : memref<64x512xf32, #tpu.memory_space<vmem>>, vector<16xf32>,
      tpu.vector_store %arg7[%swap3A_463, %swap3A_464], %gather3A_459 {strides = array<i32>} : memref<64x512xf32, #tpu.memory_space<vmem>>, vector<16xf32>,
      %add3A_466 = arith.constant 46080 : i32
      %add3A_467 = vector.broadcast %add3A_466 : i32 to vector<16xi32>
      %add3A_468 = arith.addi %get3A_17, %add3A_467 : vector<16xi32>
      %gather3A_469 = tpu.vector_load_idx %arg5[%add3A_468] : memref<65536xf32, #tpu.memory_space<vmem>>[vector<16xi32>], vector<16xf32>,
      %mul3A_470 = arith.constant 16 : i32
      %mul3A_471 = arith.muli %scan3A_12, %mul3A_470 : i32
      %swap3A_472 = arith.constant 45 : i32
      %swap3A_473 = arith.index_cast %swap3A_472 : i32 to index
      %swap3A_474 = arith.index_cast %mul3A_471 : i32 to index
      %swap3A_475 = tpu.vector_load %arg7[%swap3A_473, %swap3A_474] {strides = array<i32>} : memref<64x512xf32, #tpu.memory_space<vmem>>, vector<16xf32>,
      tpu.vector_store %arg7[%swap3A_473, %swap3A_474], %gather3A_469 {strides = array<i32>} : memref<64x512xf32, #tpu.memory_space<vmem>>, vector<16xf32>,
      %add3A_476 = arith.constant 47104 : i32
      %add3A_477 = vector.broadcast %add3A_476 : i32 to vector<16xi32>
      %add3A_478 = arith.addi %get3A_17, %add3A_477 : vector<16xi32>
      %gather3A_479 = tpu.vector_load_idx %arg5[%add3A_478] : memref<65536xf32, #tpu.memory_space<vmem>>[vector<16xi32>], vector<16xf32>,
      %mul3A_480 = arith.constant 16 : i32
      %mul3A_481 = arith.muli %scan3A_12, %mul3A_480 : i32
      %swap3A_482 = arith.constant 46 : i32
      %swap3A_483 = arith.index_cast %swap3A_482 : i32 to index
      %swap3A_484 = arith.index_cast %mul3A_481 : i32 to index
      %swap3A_485 = tpu.vector_load %arg7[%swap3A_483, %swap3A_484] {strides = array<i32>} : memref<64x512xf32, #tpu.memory_space<vmem>>, vector<16xf32>,
      tpu.vector_store %arg7[%swap3A_483, %swap3A_484], %gather3A_479 {strides = array<i32>} : memref<64x512xf32, #tpu.memory_space<vmem>>, vector<16xf32>,
      %add3A_486 = arith.constant 48128 : i32
      %add3A_487 = vector.broadcast %add3A_486 : i32 to vector<16xi32>
      %add3A_488 = arith.addi %get3A_17, %add3A_487 : vector<16xi32>
      %gather3A_489 = tpu.vector_load_idx %arg5[%add3A_488] : memref<65536xf32, #tpu.memory_space<vmem>>[vector<16xi32>], vector<16xf32>,
      %mul3A_490 = arith.constant 16 : i32
      %mul3A_491 = arith.muli %scan3A_12, %mul3A_490 : i32
      %swap3A_492 = arith.constant 47 : i32
      %swap3A_493 = arith.index_cast %swap3A_492 : i32 to index
      %swap3A_494 = arith.index_cast %mul3A_491 : i32 to index
      %swap3A_495 = tpu.vector_load %arg7[%swap3A_493, %swap3A_494] {strides = array<i32>} : memref<64x512xf32, #tpu.memory_space<vmem>>, vector<16xf32>,
      tpu.vector_store %arg7[%swap3A_493, %swap3A_494], %gather3A_489 {strides = array<i32>} : memref<64x512xf32, #tpu.memory_space<vmem>>, vector<16xf32>,
      %add3A_496 = arith.constant 49152 : i32
      %add3A_497 = vector.broadcast %add3A_496 : i32 to vector<16xi32>
      %add3A_498 = arith.addi %get3A_17, %add3A_497 : vector<16xi32>
      %gather3A_499 = tpu.vector_load_idx %arg5[%add3A_498] : memref<65536xf32, #tpu.memory_space<vmem>>[vector<16xi32>], vector<16xf32>,
      %mul3A_500 = arith.constant 16 : i32
      %mul3A_501 = arith.muli %scan3A_12, %mul3A_500 : i32
      %swap3A_502 = arith.constant 48 : i32
      %swap3A_503 = arith.index_cast %swap3A_502 : i32 to index
      %swap3A_504 = arith.index_cast %mul3A_501 : i32 to index
      %swap3A_505 = tpu.vector_load %arg7[%swap3A_503, %swap3A_504] {strides = array<i32>} : memref<64x512xf32, #tpu.memory_space<vmem>>, vector<16xf32>,
      tpu.vector_store %arg7[%swap3A_503, %swap3A_504], %gather3A_499 {strides = array<i32>} : memref<64x512xf32, #tpu.memory_space<vmem>>, vector<16xf32>,
      %add3A_506 = arith.constant 50176 : i32
      %add3A_507 = vector.broadcast %add3A_506 : i32 to vector<16xi32>
      %add3A_508 = arith.addi %get3A_17, %add3A_507 : vector<16xi32>
      %gather3A_509 = tpu.vector_load_idx %arg5[%add3A_508] : memref<65536xf32, #tpu.memory_space<vmem>>[vector<16xi32>], vector<16xf32>,
      %mul3A_510 = arith.constant 16 : i32
      %mul3A_511 = arith.muli %scan3A_12, %mul3A_510 : i32
      %swap3A_512 = arith.constant 49 : i32
      %swap3A_513 = arith.index_cast %swap3A_512 : i32 to index
      %swap3A_514 = arith.index_cast %mul3A_511 : i32 to index
      %swap3A_515 = tpu.vector_load %arg7[%swap3A_513, %swap3A_514] {strides = array<i32>} : memref<64x512xf32, #tpu.memory_space<vmem>>, vector<16xf32>,
      tpu.vector_store %arg7[%swap3A_513, %swap3A_514], %gather3A_509 {strides = array<i32>} : memref<64x512xf32, #tpu.memory_space<vmem>>, vector<16xf32>,
      %add3A_516 = arith.constant 51200 : i32
      %add3A_517 = vector.broadcast %add3A_516 : i32 to vector<16xi32>
      %add3A_518 = arith.addi %get3A_17, %add3A_517 : vector<16xi32>
      %gather3A_519 = tpu.vector_load_idx %arg5[%add3A_518] : memref<65536xf32, #tpu.memory_space<vmem>>[vector<16xi32>], vector<16xf32>,
      %mul3A_520 = arith.constant 16 : i32
      %mul3A_521 = arith.muli %scan3A_12, %mul3A_520 : i32
      %swap3A_522 = arith.constant 50 : i32
      %swap3A_523 = arith.index_cast %swap3A_522 : i32 to index
      %swap3A_524 = arith.index_cast %mul3A_521 : i32 to index
      %swap3A_525 = tpu.vector_load %arg7[%swap3A_523, %swap3A_524] {strides = array<i32>} : memref<64x512xf32, #tpu.memory_space<vmem>>, vector<16xf32>,
      tpu.vector_store %arg7[%swap3A_523, %swap3A_524], %gather3A_519 {strides = array<i32>} : memref<64x512xf32, #tpu.memory_space<vmem>>, vector<16xf32>,
      %add3A_526 = arith.constant 52224 : i32
      %add3A_527 = vector.broadcast %add3A_526 : i32 to vector<16xi32>
      %add3A_528 = arith.addi %get3A_17, %add3A_527 : vector<16xi32>
      %gather3A_529 = tpu.vector_load_idx %arg5[%add3A_528] : memref<65536xf32, #tpu.memory_space<vmem>>[vector<16xi32>], vector<16xf32>,
      %mul3A_530 = arith.constant 16 : i32
      %mul3A_531 = arith.muli %scan3A_12, %mul3A_530 : i32
      %swap3A_532 = arith.constant 51 : i32
      %swap3A_533 = arith.index_cast %swap3A_532 : i32 to index
      %swap3A_534 = arith.index_cast %mul3A_531 : i32 to index
      %swap3A_535 = tpu.vector_load %arg7[%swap3A_533, %swap3A_534] {strides = array<i32>} : memref<64x512xf32, #tpu.memory_space<vmem>>, vector<16xf32>,
      tpu.vector_store %arg7[%swap3A_533, %swap3A_534], %gather3A_529 {strides = array<i32>} : memref<64x512xf32, #tpu.memory_space<vmem>>, vector<16xf32>,
      %add3A_536 = arith.constant 53248 : i32
      %add3A_537 = vector.broadcast %add3A_536 : i32 to vector<16xi32>
      %add3A_538 = arith.addi %get3A_17, %add3A_537 : vector<16xi32>
      %gather3A_539 = tpu.vector_load_idx %arg5[%add3A_538] : memref<65536xf32, #tpu.memory_space<vmem>>[vector<16xi32>], vector<16xf32>,
      %mul3A_540 = arith.constant 16 : i32
      %mul3A_541 = arith.muli %scan3A_12, %mul3A_540 : i32
      %swap3A_542 = arith.constant 52 : i32
      %swap3A_543 = arith.index_cast %swap3A_542 : i32 to index
      %swap3A_544 = arith.index_cast %mul3A_541 : i32 to index
      %swap3A_545 = tpu.vector_load %arg7[%swap3A_543, %swap3A_544] {strides = array<i32>} : memref<64x512xf32, #tpu.memory_space<vmem>>, vector<16xf32>,
      tpu.vector_store %arg7[%swap3A_543, %swap3A_544], %gather3A_539 {strides = array<i32>} : memref<64x512xf32, #tpu.memory_space<vmem>>, vector<16xf32>,
      %add3A_546 = arith.constant 54272 : i32
      %add3A_547 = vector.broadcast %add3A_546 : i32 to vector<16xi32>
      %add3A_548 = arith.addi %get3A_17, %add3A_547 : vector<16xi32>
      %gather3A_549 = tpu.vector_load_idx %arg5[%add3A_548] : memref<65536xf32, #tpu.memory_space<vmem>>[vector<16xi32>], vector<16xf32>,
      %mul3A_550 = arith.constant 16 : i32
      %mul3A_551 = arith.muli %scan3A_12, %mul3A_550 : i32
      %swap3A_552 = arith.constant 53 : i32
      %swap3A_553 = arith.index_cast %swap3A_552 : i32 to index
      %swap3A_554 = arith.index_cast %mul3A_551 : i32 to index
      %swap3A_555 = tpu.vector_load %arg7[%swap3A_553, %swap3A_554] {strides = array<i32>} : memref<64x512xf32, #tpu.memory_space<vmem>>, vector<16xf32>,
      tpu.vector_store %arg7[%swap3A_553, %swap3A_554], %gather3A_549 {strides = array<i32>} : memref<64x512xf32, #tpu.memory_space<vmem>>, vector<16xf32>,
      %add3A_556 = arith.constant 55296 : i32
      %add3A_557 = vector.broadcast %add3A_556 : i32 to vector<16xi32>
      %add3A_558 = arith.addi %get3A_17, %add3A_557 : vector<16xi32>
      %gather3A_559 = tpu.vector_load_idx %arg5[%add3A_558] : memref<65536xf32, #tpu.memory_space<vmem>>[vector<16xi32>], vector<16xf32>,
      %mul3A_560 = arith.constant 16 : i32
      %mul3A_561 = arith.muli %scan3A_12, %mul3A_560 : i32
      %swap3A_562 = arith.constant 54 : i32
      %swap3A_563 = arith.index_cast %swap3A_562 : i32 to index
      %swap3A_564 = arith.index_cast %mul3A_561 : i32 to index
      %swap3A_565 = tpu.vector_load %arg7[%swap3A_563, %swap3A_564] {strides = array<i32>} : memref<64x512xf32, #tpu.memory_space<vmem>>, vector<16xf32>,
      tpu.vector_store %arg7[%swap3A_563, %swap3A_564], %gather3A_559 {strides = array<i32>} : memref<64x512xf32, #tpu.memory_space<vmem>>, vector<16xf32>,
      %add3A_566 = arith.constant 56320 : i32
      %add3A_567 = vector.broadcast %add3A_566 : i32 to vector<16xi32>
      %add3A_568 = arith.addi %get3A_17, %add3A_567 : vector<16xi32>
      %gather3A_569 = tpu.vector_load_idx %arg5[%add3A_568] : memref<65536xf32, #tpu.memory_space<vmem>>[vector<16xi32>], vector<16xf32>,
      %mul3A_570 = arith.constant 16 : i32
      %mul3A_571 = arith.muli %scan3A_12, %mul3A_570 : i32
      %swap3A_572 = arith.constant 55 : i32
      %swap3A_573 = arith.index_cast %swap3A_572 : i32 to index
      %swap3A_574 = arith.index_cast %mul3A_571 : i32 to index
      %swap3A_575 = tpu.vector_load %arg7[%swap3A_573, %swap3A_574] {strides = array<i32>} : memref<64x512xf32, #tpu.memory_space<vmem>>, vector<16xf32>,
      tpu.vector_store %arg7[%swap3A_573, %swap3A_574], %gather3A_569 {strides = array<i32>} : memref<64x512xf32, #tpu.memory_space<vmem>>, vector<16xf32>,
      %add3A_576 = arith.constant 57344 : i32
      %add3A_577 = vector.broadcast %add3A_576 : i32 to vector<16xi32>
      %add3A_578 = arith.addi %get3A_17, %add3A_577 : vector<16xi32>
      %gather3A_579 = tpu.vector_load_idx %arg5[%add3A_578] : memref<65536xf32, #tpu.memory_space<vmem>>[vector<16xi32>], vector<16xf32>,
      %mul3A_580 = arith.constant 16 : i32
      %mul3A_581 = arith.muli %scan3A_12, %mul3A_580 : i32
      %swap3A_582 = arith.constant 56 : i32
      %swap3A_583 = arith.index_cast %swap3A_582 : i32 to index
      %swap3A_584 = arith.index_cast %mul3A_581 : i32 to index
      %swap3A_585 = tpu.vector_load %arg7[%swap3A_583, %swap3A_584] {strides = array<i32>} : memref<64x512xf32, #tpu.memory_space<vmem>>, vector<16xf32>,
      tpu.vector_store %arg7[%swap3A_583, %swap3A_584], %gather3A_579 {strides = array<i32>} : memref<64x512xf32, #tpu.memory_space<vmem>>, vector<16xf32>,
      %add3A_586 = arith.constant 58368 : i32
      %add3A_587 = vector.broadcast %add3A_586 : i32 to vector<16xi32>
      %add3A_588 = arith.addi %get3A_17, %add3A_587 : vector<16xi32>
      %gather3A_589 = tpu.vector_load_idx %arg5[%add3A_588] : memref<65536xf32, #tpu.memory_space<vmem>>[vector<16xi32>], vector<16xf32>,
      %mul3A_590 = arith.constant 16 : i32
      %mul3A_591 = arith.muli %scan3A_12, %mul3A_590 : i32
      %swap3A_592 = arith.constant 57 : i32
      %swap3A_593 = arith.index_cast %swap3A_592 : i32 to index
      %swap3A_594 = arith.index_cast %mul3A_591 : i32 to index
      %swap3A_595 = tpu.vector_load %arg7[%swap3A_593, %swap3A_594] {strides = array<i32>} : memref<64x512xf32, #tpu.memory_space<vmem>>, vector<16xf32>,
      tpu.vector_store %arg7[%swap3A_593, %swap3A_594], %gather3A_589 {strides = array<i32>} : memref<64x512xf32, #tpu.memory_space<vmem>>, vector<16xf32>,
      %add3A_596 = arith.constant 59392 : i32
      %add3A_597 = vector.broadcast %add3A_596 : i32 to vector<16xi32>
      %add3A_598 = arith.addi %get3A_17, %add3A_597 : vector<16xi32>
      %gather3A_599 = tpu.vector_load_idx %arg5[%add3A_598] : memref<65536xf32, #tpu.memory_space<vmem>>[vector<16xi32>], vector<16xf32>,
      %mul3A_600 = arith.constant 16 : i32
      %mul3A_601 = arith.muli %scan3A_12, %mul3A_600 : i32
      %swap3A_602 = arith.constant 58 : i32
      %swap3A_603 = arith.index_cast %swap3A_602 : i32 to index
      %swap3A_604 = arith.index_cast %mul3A_601 : i32 to index
      %swap3A_605 = tpu.vector_load %arg7[%swap3A_603, %swap3A_604] {strides = array<i32>} : memref<64x512xf32, #tpu.memory_space<vmem>>, vector<16xf32>,
      tpu.vector_store %arg7[%swap3A_603, %swap3A_604], %gather3A_599 {strides = array<i32>} : memref<64x512xf32, #tpu.memory_space<vmem>>, vector<16xf32>,
      %add3A_606 = arith.constant 60416 : i32
      %add3A_607 = vector.broadcast %add3A_606 : i32 to vector<16xi32>
      %add3A_608 = arith.addi %get3A_17, %add3A_607 : vector<16xi32>
      %gather3A_609 = tpu.vector_load_idx %arg5[%add3A_608] : memref<65536xf32, #tpu.memory_space<vmem>>[vector<16xi32>], vector<16xf32>,
      %mul3A_610 = arith.constant 16 : i32
      %mul3A_611 = arith.muli %scan3A_12, %mul3A_610 : i32
      %swap3A_612 = arith.constant 59 : i32
      %swap3A_613 = arith.index_cast %swap3A_612 : i32 to index
      %swap3A_614 = arith.index_cast %mul3A_611 : i32 to index
      %swap3A_615 = tpu.vector_load %arg7[%swap3A_613, %swap3A_614] {strides = array<i32>} : memref<64x512xf32, #tpu.memory_space<vmem>>, vector<16xf32>,
      tpu.vector_store %arg7[%swap3A_613, %swap3A_614], %gather3A_609 {strides = array<i32>} : memref<64x512xf32, #tpu.memory_space<vmem>>, vector<16xf32>,
      %add3A_616 = arith.constant 61440 : i32
      %add3A_617 = vector.broadcast %add3A_616 : i32 to vector<16xi32>
      %add3A_618 = arith.addi %get3A_17, %add3A_617 : vector<16xi32>
      %gather3A_619 = tpu.vector_load_idx %arg5[%add3A_618] : memref<65536xf32, #tpu.memory_space<vmem>>[vector<16xi32>], vector<16xf32>,
      %mul3A_620 = arith.constant 16 : i32
      %mul3A_621 = arith.muli %scan3A_12, %mul3A_620 : i32
      %swap3A_622 = arith.constant 60 : i32
      %swap3A_623 = arith.index_cast %swap3A_622 : i32 to index
      %swap3A_624 = arith.index_cast %mul3A_621 : i32 to index
      %swap3A_625 = tpu.vector_load %arg7[%swap3A_623, %swap3A_624] {strides = array<i32>} : memref<64x512xf32, #tpu.memory_space<vmem>>, vector<16xf32>,
      tpu.vector_store %arg7[%swap3A_623, %swap3A_624], %gather3A_619 {strides = array<i32>} : memref<64x512xf32, #tpu.memory_space<vmem>>, vector<16xf32>,
      %add3A_626 = arith.constant 62464 : i32
      %add3A_627 = vector.broadcast %add3A_626 : i32 to vector<16xi32>
      %add3A_628 = arith.addi %get3A_17, %add3A_627 : vector<16xi32>
      %gather3A_629 = tpu.vector_load_idx %arg5[%add3A_628] : memref<65536xf32, #tpu.memory_space<vmem>>[vector<16xi32>], vector<16xf32>,
      %mul3A_630 = arith.constant 16 : i32
      %mul3A_631 = arith.muli %scan3A_12, %mul3A_630 : i32
      %swap3A_632 = arith.constant 61 : i32
      %swap3A_633 = arith.index_cast %swap3A_632 : i32 to index
      %swap3A_634 = arith.index_cast %mul3A_631 : i32 to index
      %swap3A_635 = tpu.vector_load %arg7[%swap3A_633, %swap3A_634] {strides = array<i32>} : memref<64x512xf32, #tpu.memory_space<vmem>>, vector<16xf32>,
      tpu.vector_store %arg7[%swap3A_633, %swap3A_634], %gather3A_629 {strides = array<i32>} : memref<64x512xf32, #tpu.memory_space<vmem>>, vector<16xf32>,
      %add3A_636 = arith.constant 63488 : i32
      %add3A_637 = vector.broadcast %add3A_636 : i32 to vector<16xi32>
      %add3A_638 = arith.addi %get3A_17, %add3A_637 : vector<16xi32>
      %gather3A_639 = tpu.vector_load_idx %arg5[%add3A_638] : memref<65536xf32, #tpu.memory_space<vmem>>[vector<16xi32>], vector<16xf32>,
      %mul3A_640 = arith.constant 16 : i32
      %mul3A_641 = arith.muli %scan3A_12, %mul3A_640 : i32
      %swap3A_642 = arith.constant 62 : i32
      %swap3A_643 = arith.index_cast %swap3A_642 : i32 to index
      %swap3A_644 = arith.index_cast %mul3A_641 : i32 to index
      %swap3A_645 = tpu.vector_load %arg7[%swap3A_643, %swap3A_644] {strides = array<i32>} : memref<64x512xf32, #tpu.memory_space<vmem>>, vector<16xf32>,
      tpu.vector_store %arg7[%swap3A_643, %swap3A_644], %gather3A_639 {strides = array<i32>} : memref<64x512xf32, #tpu.memory_space<vmem>>, vector<16xf32>,
      %add3A_646 = arith.constant 64512 : i32
      %add3A_647 = vector.broadcast %add3A_646 : i32 to vector<16xi32>
      %add3A_648 = arith.addi %get3A_17, %add3A_647 : vector<16xi32>
      %gather3A_649 = tpu.vector_load_idx %arg5[%add3A_648] : memref<65536xf32, #tpu.memory_space<vmem>>[vector<16xi32>], vector<16xf32>,
      %mul3A_650 = arith.constant 16 : i32
      %mul3A_651 = arith.muli %scan3A_12, %mul3A_650 : i32
      %swap3A_652 = arith.constant 63 : i32
      %swap3A_653 = arith.index_cast %swap3A_652 : i32 to index
      %swap3A_654 = arith.index_cast %mul3A_651 : i32 to index
      %swap3A_655 = tpu.vector_load %arg7[%swap3A_653, %swap3A_654] {strides = array<i32>} : memref<64x512xf32, #tpu.memory_space<vmem>>, vector<16xf32>,
      tpu.vector_store %arg7[%swap3A_653, %swap3A_654], %gather3A_649 {strides = array<i32>} : memref<64x512xf32, #tpu.memory_space<vmem>>, vector<16xf32>,
      %scan3A_656 = arith.constant 1 : i32
      %scan3A_657 = arith.addi %scan3A_12, %scan3A_656 : i32
      %mul3A_658 = arith.constant 16 : i32
      %mul3A_659 = arith.muli %scan3A_657, %mul3A_658 : i32
      %add3A_660 = arith.constant 512 : i32
      %add3A_661 = arith.addi %add3A_660, %mul3A_659 : i32
      %get3A_662 = arith.index_cast %add3A_661 : i32 to index
      %get3A_663 = tpu.vector_load %arg6[%get3A_662] {strides = array<i32>} : memref<1024xi32, #tpu.memory_space<vmem>>, vector<16xi32>,
      %add3A_664 = arith.constant 0 : i32
      %add3A_665 = vector.broadcast %add3A_664 : i32 to vector<16xi32>
      %add3A_666 = arith.addi %get3A_663, %add3A_665 : vector<16xi32>
      %gather3A_667 = tpu.vector_load_idx %arg5[%add3A_666] : memref<65536xf32, #tpu.memory_space<vmem>>[vector<16xi32>], vector<16xf32>,
      %mul3A_668 = arith.constant 16 : i32
      %mul3A_669 = arith.muli %scan3A_657, %mul3A_668 : i32
      %swap3A_670 = arith.constant 0 : i32
      %swap3A_671 = arith.index_cast %swap3A_670 : i32 to index
      %swap3A_672 = arith.index_cast %mul3A_669 : i32 to index
      %swap3A_673 = tpu.vector_load %arg7[%swap3A_671, %swap3A_672] {strides = array<i32>} : memref<64x512xf32, #tpu.memory_space<vmem>>, vector<16xf32>,
      tpu.vector_store %arg7[%swap3A_671, %swap3A_672], %gather3A_667 {strides = array<i32>} : memref<64x512xf32, #tpu.memory_space<vmem>>, vector<16xf32>,
      %add3A_674 = arith.constant 1024 : i32
      %add3A_675 = vector.broadcast %add3A_674 : i32 to vector<16xi32>
      %add3A_676 = arith.addi %get3A_663, %add3A_675 : vector<16xi32>
      %gather3A_677 = tpu.vector_load_idx %arg5[%add3A_676] : memref<65536xf32, #tpu.memory_space<vmem>>[vector<16xi32>], vector<16xf32>,
      %mul3A_678 = arith.constant 16 : i32
      %mul3A_679 = arith.muli %scan3A_657, %mul3A_678 : i32
      %swap3A_680 = arith.constant 1 : i32
      %swap3A_681 = arith.index_cast %swap3A_680 : i32 to index
      %swap3A_682 = arith.index_cast %mul3A_679 : i32 to index
      %swap3A_683 = tpu.vector_load %arg7[%swap3A_681, %swap3A_682] {strides = array<i32>} : memref<64x512xf32, #tpu.memory_space<vmem>>, vector<16xf32>,
      tpu.vector_store %arg7[%swap3A_681, %swap3A_682], %gather3A_677 {strides = array<i32>} : memref<64x512xf32, #tpu.memory_space<vmem>>, vector<16xf32>,
      %add3A_684 = arith.constant 2048 : i32
      %add3A_685 = vector.broadcast %add3A_684 : i32 to vector<16xi32>
      %add3A_686 = arith.addi %get3A_663, %add3A_685 : vector<16xi32>
      %gather3A_687 = tpu.vector_load_idx %arg5[%add3A_686] : memref<65536xf32, #tpu.memory_space<vmem>>[vector<16xi32>], vector<16xf32>,
      %mul3A_688 = arith.constant 16 : i32
      %mul3A_689 = arith.muli %scan3A_657, %mul3A_688 : i32
      %swap3A_690 = arith.constant 2 : i32
      %swap3A_691 = arith.index_cast %swap3A_690 : i32 to index
      %swap3A_692 = arith.index_cast %mul3A_689 : i32 to index
      %swap3A_693 = tpu.vector_load %arg7[%swap3A_691, %swap3A_692] {strides = array<i32>} : memref<64x512xf32, #tpu.memory_space<vmem>>, vector<16xf32>,
      tpu.vector_store %arg7[%swap3A_691, %swap3A_692], %gather3A_687 {strides = array<i32>} : memref<64x512xf32, #tpu.memory_space<vmem>>, vector<16xf32>,
      %add3A_694 = arith.constant 3072 : i32
      %add3A_695 = vector.broadcast %add3A_694 : i32 to vector<16xi32>
      %add3A_696 = arith.addi %get3A_663, %add3A_695 : vector<16xi32>
      %gather3A_697 = tpu.vector_load_idx %arg5[%add3A_696] : memref<65536xf32, #tpu.memory_space<vmem>>[vector<16xi32>], vector<16xf32>,
      %mul3A_698 = arith.constant 16 : i32
      %mul3A_699 = arith.muli %scan3A_657, %mul3A_698 : i32
      %swap3A_700 = arith.constant 3 : i32
      %swap3A_701 = arith.index_cast %swap3A_700 : i32 to index
      %swap3A_702 = arith.index_cast %mul3A_699 : i32 to index
      %swap3A_703 = tpu.vector_load %arg7[%swap3A_701, %swap3A_702] {strides = array<i32>} : memref<64x512xf32, #tpu.memory_space<vmem>>, vector<16xf32>,
      tpu.vector_store %arg7[%swap3A_701, %swap3A_702], %gather3A_697 {strides = array<i32>} : memref<64x512xf32, #tpu.memory_space<vmem>>, vector<16xf32>,
      %add3A_704 = arith.constant 4096 : i32
      %add3A_705 = vector.broadcast %add3A_704 : i32 to vector<16xi32>
      %add3A_706 = arith.addi %get3A_663, %add3A_705 : vector<16xi32>
      %gather3A_707 = tpu.vector_load_idx %arg5[%add3A_706] : memref<65536xf32, #tpu.memory_space<vmem>>[vector<16xi32>], vector<16xf32>,
      %mul3A_708 = arith.constant 16 : i32
      %mul3A_709 = arith.muli %scan3A_657, %mul3A_708 : i32
      %swap3A_710 = arith.constant 4 : i32
      %swap3A_711 = arith.index_cast %swap3A_710 : i32 to index
      %swap3A_712 = arith.index_cast %mul3A_709 : i32 to index
      %swap3A_713 = tpu.vector_load %arg7[%swap3A_711, %swap3A_712] {strides = array<i32>} : memref<64x512xf32, #tpu.memory_space<vmem>>, vector<16xf32>,
      tpu.vector_store %arg7[%swap3A_711, %swap3A_712], %gather3A_707 {strides = array<i32>} : memref<64x512xf32, #tpu.memory_space<vmem>>, vector<16xf32>,
      %add3A_714 = arith.constant 5120 : i32
      %add3A_715 = vector.broadcast %add3A_714 : i32 to vector<16xi32>
      %add3A_716 = arith.addi %get3A_663, %add3A_715 : vector<16xi32>
      %gather3A_717 = tpu.vector_load_idx %arg5[%add3A_716] : memref<65536xf32, #tpu.memory_space<vmem>>[vector<16xi32>], vector<16xf32>,
      %mul3A_718 = arith.constant 16 : i32
      %mul3A_719 = arith.muli %scan3A_657, %mul3A_718 : i32
      %swap3A_720 = arith.constant 5 : i32
      %swap3A_721 = arith.index_cast %swap3A_720 : i32 to index
      %swap3A_722 = arith.index_cast %mul3A_719 : i32 to index
      %swap3A_723 = tpu.vector_load %arg7[%swap3A_721, %swap3A_722] {strides = array<i32>} : memref<64x512xf32, #tpu.memory_space<vmem>>, vector<16xf32>,
      tpu.vector_store %arg7[%swap3A_721, %swap3A_722], %gather3A_717 {strides = array<i32>} : memref<64x512xf32, #tpu.memory_space<vmem>>, vector<16xf32>,
      %add3A_724 = arith.constant 6144 : i32
      %add3A_725 = vector.broadcast %add3A_724 : i32 to vector<16xi32>
      %add3A_726 = arith.addi %get3A_663, %add3A_725 : vector<16xi32>
      %gather3A_727 = tpu.vector_load_idx %arg5[%add3A_726] : memref<65536xf32, #tpu.memory_space<vmem>>[vector<16xi32>], vector<16xf32>,
      %mul3A_728 = arith.constant 16 : i32
      %mul3A_729 = arith.muli %scan3A_657, %mul3A_728 : i32
      %swap3A_730 = arith.constant 6 : i32
      %swap3A_731 = arith.index_cast %swap3A_730 : i32 to index
      %swap3A_732 = arith.index_cast %mul3A_729 : i32 to index
      %swap3A_733 = tpu.vector_load %arg7[%swap3A_731, %swap3A_732] {strides = array<i32>} : memref<64x512xf32, #tpu.memory_space<vmem>>, vector<16xf32>,
      tpu.vector_store %arg7[%swap3A_731, %swap3A_732], %gather3A_727 {strides = array<i32>} : memref<64x512xf32, #tpu.memory_space<vmem>>, vector<16xf32>,
      %add3A_734 = arith.constant 7168 : i32
      %add3A_735 = vector.broadcast %add3A_734 : i32 to vector<16xi32>
      %add3A_736 = arith.addi %get3A_663, %add3A_735 : vector<16xi32>
      %gather3A_737 = tpu.vector_load_idx %arg5[%add3A_736] : memref<65536xf32, #tpu.memory_space<vmem>>[vector<16xi32>], vector<16xf32>,
      %mul3A_738 = arith.constant 16 : i32
      %mul3A_739 = arith.muli %scan3A_657, %mul3A_738 : i32
      %swap3A_740 = arith.constant 7 : i32
      %swap3A_741 = arith.index_cast %swap3A_740 : i32 to index
      %swap3A_742 = arith.index_cast %mul3A_739 : i32 to index
      %swap3A_743 = tpu.vector_load %arg7[%swap3A_741, %swap3A_742] {strides = array<i32>} : memref<64x512xf32, #tpu.memory_space<vmem>>, vector<16xf32>,
      tpu.vector_store %arg7[%swap3A_741, %swap3A_742], %gather3A_737 {strides = array<i32>} : memref<64x512xf32, #tpu.memory_space<vmem>>, vector<16xf32>,
      %add3A_744 = arith.constant 8192 : i32
      %add3A_745 = vector.broadcast %add3A_744 : i32 to vector<16xi32>
      %add3A_746 = arith.addi %get3A_663, %add3A_745 : vector<16xi32>
      %gather3A_747 = tpu.vector_load_idx %arg5[%add3A_746] : memref<65536xf32, #tpu.memory_space<vmem>>[vector<16xi32>], vector<16xf32>,
      %mul3A_748 = arith.constant 16 : i32
      %mul3A_749 = arith.muli %scan3A_657, %mul3A_748 : i32
      %swap3A_750 = arith.constant 8 : i32
      %swap3A_751 = arith.index_cast %swap3A_750 : i32 to index
      %swap3A_752 = arith.index_cast %mul3A_749 : i32 to index
      %swap3A_753 = tpu.vector_load %arg7[%swap3A_751, %swap3A_752] {strides = array<i32>} : memref<64x512xf32, #tpu.memory_space<vmem>>, vector<16xf32>,
      tpu.vector_store %arg7[%swap3A_751, %swap3A_752], %gather3A_747 {strides = array<i32>} : memref<64x512xf32, #tpu.memory_space<vmem>>, vector<16xf32>,
      %add3A_754 = arith.constant 9216 : i32
      %add3A_755 = vector.broadcast %add3A_754 : i32 to vector<16xi32>
      %add3A_756 = arith.addi %get3A_663, %add3A_755 : vector<16xi32>
      %gather3A_757 = tpu.vector_load_idx %arg5[%add3A_756] : memref<65536xf32, #tpu.memory_space<vmem>>[vector<16xi32>], vector<16xf32>,
      %mul3A_758 = arith.constant 16 : i32
      %mul3A_759 = arith.muli %scan3A_657, %mul3A_758 : i32
      %swap3A_760 = arith.constant 9 : i32
      %swap3A_761 = arith.index_cast %swap3A_760 : i32 to index
      %swap3A_762 = arith.index_cast %mul3A_759 : i32 to index
      %swap3A_763 = tpu.vector_load %arg7[%swap3A_761, %swap3A_762] {strides = array<i32>} : memref<64x512xf32, #tpu.memory_space<vmem>>, vector<16xf32>,
      tpu.vector_store %arg7[%swap3A_761, %swap3A_762], %gather3A_757 {strides = array<i32>} : memref<64x512xf32, #tpu.memory_space<vmem>>, vector<16xf32>,
      %add3A_764 = arith.constant 10240 : i32
      %add3A_765 = vector.broadcast %add3A_764 : i32 to vector<16xi32>
      %add3A_766 = arith.addi %get3A_663, %add3A_765 : vector<16xi32>
      %gather3A_767 = tpu.vector_load_idx %arg5[%add3A_766] : memref<65536xf32, #tpu.memory_space<vmem>>[vector<16xi32>], vector<16xf32>,
      %mul3A_768 = arith.constant 16 : i32
      %mul3A_769 = arith.muli %scan3A_657, %mul3A_768 : i32
      %swap3A_770 = arith.constant 10 : i32
      %swap3A_771 = arith.index_cast %swap3A_770 : i32 to index
      %swap3A_772 = arith.index_cast %mul3A_769 : i32 to index
      %swap3A_773 = tpu.vector_load %arg7[%swap3A_771, %swap3A_772] {strides = array<i32>} : memref<64x512xf32, #tpu.memory_space<vmem>>, vector<16xf32>,
      tpu.vector_store %arg7[%swap3A_771, %swap3A_772], %gather3A_767 {strides = array<i32>} : memref<64x512xf32, #tpu.memory_space<vmem>>, vector<16xf32>,
      %add3A_774 = arith.constant 11264 : i32
      %add3A_775 = vector.broadcast %add3A_774 : i32 to vector<16xi32>
      %add3A_776 = arith.addi %get3A_663, %add3A_775 : vector<16xi32>
      %gather3A_777 = tpu.vector_load_idx %arg5[%add3A_776] : memref<65536xf32, #tpu.memory_space<vmem>>[vector<16xi32>], vector<16xf32>,
      %mul3A_778 = arith.constant 16 : i32
      %mul3A_779 = arith.muli %scan3A_657, %mul3A_778 : i32
      %swap3A_780 = arith.constant 11 : i32
      %swap3A_781 = arith.index_cast %swap3A_780 : i32 to index
      %swap3A_782 = arith.index_cast %mul3A_779 : i32 to index
      %swap3A_783 = tpu.vector_load %arg7[%swap3A_781, %swap3A_782] {strides = array<i32>} : memref<64x512xf32, #tpu.memory_space<vmem>>, vector<16xf32>,
      tpu.vector_store %arg7[%swap3A_781, %swap3A_782], %gather3A_777 {strides = array<i32>} : memref<64x512xf32, #tpu.memory_space<vmem>>, vector<16xf32>,
      %add3A_784 = arith.constant 12288 : i32
      %add3A_785 = vector.broadcast %add3A_784 : i32 to vector<16xi32>
      %add3A_786 = arith.addi %get3A_663, %add3A_785 : vector<16xi32>
      %gather3A_787 = tpu.vector_load_idx %arg5[%add3A_786] : memref<65536xf32, #tpu.memory_space<vmem>>[vector<16xi32>], vector<16xf32>,
      %mul3A_788 = arith.constant 16 : i32
      %mul3A_789 = arith.muli %scan3A_657, %mul3A_788 : i32
      %swap3A_790 = arith.constant 12 : i32
      %swap3A_791 = arith.index_cast %swap3A_790 : i32 to index
      %swap3A_792 = arith.index_cast %mul3A_789 : i32 to index
      %swap3A_793 = tpu.vector_load %arg7[%swap3A_791, %swap3A_792] {strides = array<i32>} : memref<64x512xf32, #tpu.memory_space<vmem>>, vector<16xf32>,
      tpu.vector_store %arg7[%swap3A_791, %swap3A_792], %gather3A_787 {strides = array<i32>} : memref<64x512xf32, #tpu.memory_space<vmem>>, vector<16xf32>,
      %add3A_794 = arith.constant 13312 : i32
      %add3A_795 = vector.broadcast %add3A_794 : i32 to vector<16xi32>
      %add3A_796 = arith.addi %get3A_663, %add3A_795 : vector<16xi32>
      %gather3A_797 = tpu.vector_load_idx %arg5[%add3A_796] : memref<65536xf32, #tpu.memory_space<vmem>>[vector<16xi32>], vector<16xf32>,
      %mul3A_798 = arith.constant 16 : i32
      %mul3A_799 = arith.muli %scan3A_657, %mul3A_798 : i32
      %swap3A_800 = arith.constant 13 : i32
      %swap3A_801 = arith.index_cast %swap3A_800 : i32 to index
      %swap3A_802 = arith.index_cast %mul3A_799 : i32 to index
      %swap3A_803 = tpu.vector_load %arg7[%swap3A_801, %swap3A_802] {strides = array<i32>} : memref<64x512xf32, #tpu.memory_space<vmem>>, vector<16xf32>,
      tpu.vector_store %arg7[%swap3A_801, %swap3A_802], %gather3A_797 {strides = array<i32>} : memref<64x512xf32, #tpu.memory_space<vmem>>, vector<16xf32>,
      %add3A_804 = arith.constant 14336 : i32
      %add3A_805 = vector.broadcast %add3A_804 : i32 to vector<16xi32>
      %add3A_806 = arith.addi %get3A_663, %add3A_805 : vector<16xi32>
      %gather3A_807 = tpu.vector_load_idx %arg5[%add3A_806] : memref<65536xf32, #tpu.memory_space<vmem>>[vector<16xi32>], vector<16xf32>,
      %mul3A_808 = arith.constant 16 : i32
      %mul3A_809 = arith.muli %scan3A_657, %mul3A_808 : i32
      %swap3A_810 = arith.constant 14 : i32
      %swap3A_811 = arith.index_cast %swap3A_810 : i32 to index
      %swap3A_812 = arith.index_cast %mul3A_809 : i32 to index
      %swap3A_813 = tpu.vector_load %arg7[%swap3A_811, %swap3A_812] {strides = array<i32>} : memref<64x512xf32, #tpu.memory_space<vmem>>, vector<16xf32>,
      tpu.vector_store %arg7[%swap3A_811, %swap3A_812], %gather3A_807 {strides = array<i32>} : memref<64x512xf32, #tpu.memory_space<vmem>>, vector<16xf32>,
      %add3A_814 = arith.constant 15360 : i32
      %add3A_815 = vector.broadcast %add3A_814 : i32 to vector<16xi32>
      %add3A_816 = arith.addi %get3A_663, %add3A_815 : vector<16xi32>
      %gather3A_817 = tpu.vector_load_idx %arg5[%add3A_816] : memref<65536xf32, #tpu.memory_space<vmem>>[vector<16xi32>], vector<16xf32>,
      %mul3A_818 = arith.constant 16 : i32
      %mul3A_819 = arith.muli %scan3A_657, %mul3A_818 : i32
      %swap3A_820 = arith.constant 15 : i32
      %swap3A_821 = arith.index_cast %swap3A_820 : i32 to index
      %swap3A_822 = arith.index_cast %mul3A_819 : i32 to index
      %swap3A_823 = tpu.vector_load %arg7[%swap3A_821, %swap3A_822] {strides = array<i32>} : memref<64x512xf32, #tpu.memory_space<vmem>>, vector<16xf32>,
      tpu.vector_store %arg7[%swap3A_821, %swap3A_822], %gather3A_817 {strides = array<i32>} : memref<64x512xf32, #tpu.memory_space<vmem>>, vector<16xf32>,
      %add3A_824 = arith.constant 16384 : i32
      %add3A_825 = vector.broadcast %add3A_824 : i32 to vector<16xi32>
      %add3A_826 = arith.addi %get3A_663, %add3A_825 : vector<16xi32>
      %gather3A_827 = tpu.vector_load_idx %arg5[%add3A_826] : memref<65536xf32, #tpu.memory_space<vmem>>[vector<16xi32>], vector<16xf32>,
      %mul3A_828 = arith.constant 16 : i32
      %mul3A_829 = arith.muli %scan3A_657, %mul3A_828 : i32
      %swap3A_830 = arith.constant 16 : i32
      %swap3A_831 = arith.index_cast %swap3A_830 : i32 to index
      %swap3A_832 = arith.index_cast %mul3A_829 : i32 to index
      %swap3A_833 = tpu.vector_load %arg7[%swap3A_831, %swap3A_832] {strides = array<i32>} : memref<64x512xf32, #tpu.memory_space<vmem>>, vector<16xf32>,
      tpu.vector_store %arg7[%swap3A_831, %swap3A_832], %gather3A_827 {strides = array<i32>} : memref<64x512xf32, #tpu.memory_space<vmem>>, vector<16xf32>,
      %add3A_834 = arith.constant 17408 : i32
      %add3A_835 = vector.broadcast %add3A_834 : i32 to vector<16xi32>
      %add3A_836 = arith.addi %get3A_663, %add3A_835 : vector<16xi32>
      %gather3A_837 = tpu.vector_load_idx %arg5[%add3A_836] : memref<65536xf32, #tpu.memory_space<vmem>>[vector<16xi32>], vector<16xf32>,
      %mul3A_838 = arith.constant 16 : i32
      %mul3A_839 = arith.muli %scan3A_657, %mul3A_838 : i32
      %swap3A_840 = arith.constant 17 : i32
      %swap3A_841 = arith.index_cast %swap3A_840 : i32 to index
      %swap3A_842 = arith.index_cast %mul3A_839 : i32 to index
      %swap3A_843 = tpu.vector_load %arg7[%swap3A_841, %swap3A_842] {strides = array<i32>} : memref<64x512xf32, #tpu.memory_space<vmem>>, vector<16xf32>,
      tpu.vector_store %arg7[%swap3A_841, %swap3A_842], %gather3A_837 {strides = array<i32>} : memref<64x512xf32, #tpu.memory_space<vmem>>, vector<16xf32>,
      %add3A_844 = arith.constant 18432 : i32
      %add3A_845 = vector.broadcast %add3A_844 : i32 to vector<16xi32>
      %add3A_846 = arith.addi %get3A_663, %add3A_845 : vector<16xi32>
      %gather3A_847 = tpu.vector_load_idx %arg5[%add3A_846] : memref<65536xf32, #tpu.memory_space<vmem>>[vector<16xi32>], vector<16xf32>,
      %mul3A_848 = arith.constant 16 : i32
      %mul3A_849 = arith.muli %scan3A_657, %mul3A_848 : i32
      %swap3A_850 = arith.constant 18 : i32
      %swap3A_851 = arith.index_cast %swap3A_850 : i32 to index
      %swap3A_852 = arith.index_cast %mul3A_849 : i32 to index
      %swap3A_853 = tpu.vector_load %arg7[%swap3A_851, %swap3A_852] {strides = array<i32>} : memref<64x512xf32, #tpu.memory_space<vmem>>, vector<16xf32>,
      tpu.vector_store %arg7[%swap3A_851, %swap3A_852], %gather3A_847 {strides = array<i32>} : memref<64x512xf32, #tpu.memory_space<vmem>>, vector<16xf32>,
      %add3A_854 = arith.constant 19456 : i32
      %add3A_855 = vector.broadcast %add3A_854 : i32 to vector<16xi32>
      %add3A_856 = arith.addi %get3A_663, %add3A_855 : vector<16xi32>
      %gather3A_857 = tpu.vector_load_idx %arg5[%add3A_856] : memref<65536xf32, #tpu.memory_space<vmem>>[vector<16xi32>], vector<16xf32>,
      %mul3A_858 = arith.constant 16 : i32
      %mul3A_859 = arith.muli %scan3A_657, %mul3A_858 : i32
      %swap3A_860 = arith.constant 19 : i32
      %swap3A_861 = arith.index_cast %swap3A_860 : i32 to index
      %swap3A_862 = arith.index_cast %mul3A_859 : i32 to index
      %swap3A_863 = tpu.vector_load %arg7[%swap3A_861, %swap3A_862] {strides = array<i32>} : memref<64x512xf32, #tpu.memory_space<vmem>>, vector<16xf32>,
      tpu.vector_store %arg7[%swap3A_861, %swap3A_862], %gather3A_857 {strides = array<i32>} : memref<64x512xf32, #tpu.memory_space<vmem>>, vector<16xf32>,
      %add3A_864 = arith.constant 20480 : i32
      %add3A_865 = vector.broadcast %add3A_864 : i32 to vector<16xi32>
      %add3A_866 = arith.addi %get3A_663, %add3A_865 : vector<16xi32>
      %gather3A_867 = tpu.vector_load_idx %arg5[%add3A_866] : memref<65536xf32, #tpu.memory_space<vmem>>[vector<16xi32>], vector<16xf32>,
      %mul3A_868 = arith.constant 16 : i32
      %mul3A_869 = arith.muli %scan3A_657, %mul3A_868 : i32
      %swap3A_870 = arith.constant 20 : i32
      %swap3A_871 = arith.index_cast %swap3A_870 : i32 to index
      %swap3A_872 = arith.index_cast %mul3A_869 : i32 to index
      %swap3A_873 = tpu.vector_load %arg7[%swap3A_871, %swap3A_872] {strides = array<i32>} : memref<64x512xf32, #tpu.memory_space<vmem>>, vector<16xf32>,
      tpu.vector_store %arg7[%swap3A_871, %swap3A_872], %gather3A_867 {strides = array<i32>} : memref<64x512xf32, #tpu.memory_space<vmem>>, vector<16xf32>,
      %add3A_874 = arith.constant 21504 : i32
      %add3A_875 = vector.broadcast %add3A_874 : i32 to vector<16xi32>
      %add3A_876 = arith.addi %get3A_663, %add3A_875 : vector<16xi32>
      %gather3A_877 = tpu.vector_load_idx %arg5[%add3A_876] : memref<65536xf32, #tpu.memory_space<vmem>>[vector<16xi32>], vector<16xf32>,
      %mul3A_878 = arith.constant 16 : i32
      %mul3A_879 = arith.muli %scan3A_657, %mul3A_878 : i32
      %swap3A_880 = arith.constant 21 : i32
      %swap3A_881 = arith.index_cast %swap3A_880 : i32 to index
      %swap3A_882 = arith.index_cast %mul3A_879 : i32 to index
      %swap3A_883 = tpu.vector_load %arg7[%swap3A_881, %swap3A_882] {strides = array<i32>} : memref<64x512xf32, #tpu.memory_space<vmem>>, vector<16xf32>,
      tpu.vector_store %arg7[%swap3A_881, %swap3A_882], %gather3A_877 {strides = array<i32>} : memref<64x512xf32, #tpu.memory_space<vmem>>, vector<16xf32>,
      %add3A_884 = arith.constant 22528 : i32
      %add3A_885 = vector.broadcast %add3A_884 : i32 to vector<16xi32>
      %add3A_886 = arith.addi %get3A_663, %add3A_885 : vector<16xi32>
      %gather3A_887 = tpu.vector_load_idx %arg5[%add3A_886] : memref<65536xf32, #tpu.memory_space<vmem>>[vector<16xi32>], vector<16xf32>,
      %mul3A_888 = arith.constant 16 : i32
      %mul3A_889 = arith.muli %scan3A_657, %mul3A_888 : i32
      %swap3A_890 = arith.constant 22 : i32
      %swap3A_891 = arith.index_cast %swap3A_890 : i32 to index
      %swap3A_892 = arith.index_cast %mul3A_889 : i32 to index
      %swap3A_893 = tpu.vector_load %arg7[%swap3A_891, %swap3A_892] {strides = array<i32>} : memref<64x512xf32, #tpu.memory_space<vmem>>, vector<16xf32>,
      tpu.vector_store %arg7[%swap3A_891, %swap3A_892], %gather3A_887 {strides = array<i32>} : memref<64x512xf32, #tpu.memory_space<vmem>>, vector<16xf32>,
      %add3A_894 = arith.constant 23552 : i32
      %add3A_895 = vector.broadcast %add3A_894 : i32 to vector<16xi32>
      %add3A_896 = arith.addi %get3A_663, %add3A_895 : vector<16xi32>
      %gather3A_897 = tpu.vector_load_idx %arg5[%add3A_896] : memref<65536xf32, #tpu.memory_space<vmem>>[vector<16xi32>], vector<16xf32>,
      %mul3A_898 = arith.constant 16 : i32
      %mul3A_899 = arith.muli %scan3A_657, %mul3A_898 : i32
      %swap3A_900 = arith.constant 23 : i32
      %swap3A_901 = arith.index_cast %swap3A_900 : i32 to index
      %swap3A_902 = arith.index_cast %mul3A_899 : i32 to index
      %swap3A_903 = tpu.vector_load %arg7[%swap3A_901, %swap3A_902] {strides = array<i32>} : memref<64x512xf32, #tpu.memory_space<vmem>>, vector<16xf32>,
      tpu.vector_store %arg7[%swap3A_901, %swap3A_902], %gather3A_897 {strides = array<i32>} : memref<64x512xf32, #tpu.memory_space<vmem>>, vector<16xf32>,
      %add3A_904 = arith.constant 24576 : i32
      %add3A_905 = vector.broadcast %add3A_904 : i32 to vector<16xi32>
      %add3A_906 = arith.addi %get3A_663, %add3A_905 : vector<16xi32>
      %gather3A_907 = tpu.vector_load_idx %arg5[%add3A_906] : memref<65536xf32, #tpu.memory_space<vmem>>[vector<16xi32>], vector<16xf32>,
      %mul3A_908 = arith.constant 16 : i32
      %mul3A_909 = arith.muli %scan3A_657, %mul3A_908 : i32
      %swap3A_910 = arith.constant 24 : i32
      %swap3A_911 = arith.index_cast %swap3A_910 : i32 to index
      %swap3A_912 = arith.index_cast %mul3A_909 : i32 to index
      %swap3A_913 = tpu.vector_load %arg7[%swap3A_911, %swap3A_912] {strides = array<i32>} : memref<64x512xf32, #tpu.memory_space<vmem>>, vector<16xf32>,
      tpu.vector_store %arg7[%swap3A_911, %swap3A_912], %gather3A_907 {strides = array<i32>} : memref<64x512xf32, #tpu.memory_space<vmem>>, vector<16xf32>,
      %add3A_914 = arith.constant 25600 : i32
      %add3A_915 = vector.broadcast %add3A_914 : i32 to vector<16xi32>
      %add3A_916 = arith.addi %get3A_663, %add3A_915 : vector<16xi32>
      %gather3A_917 = tpu.vector_load_idx %arg5[%add3A_916] : memref<65536xf32, #tpu.memory_space<vmem>>[vector<16xi32>], vector<16xf32>,
      %mul3A_918 = arith.constant 16 : i32
      %mul3A_919 = arith.muli %scan3A_657, %mul3A_918 : i32
      %swap3A_920 = arith.constant 25 : i32
      %swap3A_921 = arith.index_cast %swap3A_920 : i32 to index
      %swap3A_922 = arith.index_cast %mul3A_919 : i32 to index
      %swap3A_923 = tpu.vector_load %arg7[%swap3A_921, %swap3A_922] {strides = array<i32>} : memref<64x512xf32, #tpu.memory_space<vmem>>, vector<16xf32>,
      tpu.vector_store %arg7[%swap3A_921, %swap3A_922], %gather3A_917 {strides = array<i32>} : memref<64x512xf32, #tpu.memory_space<vmem>>, vector<16xf32>,
      %add3A_924 = arith.constant 26624 : i32
      %add3A_925 = vector.broadcast %add3A_924 : i32 to vector<16xi32>
      %add3A_926 = arith.addi %get3A_663, %add3A_925 : vector<16xi32>
      %gather3A_927 = tpu.vector_load_idx %arg5[%add3A_926] : memref<65536xf32, #tpu.memory_space<vmem>>[vector<16xi32>], vector<16xf32>,
      %mul3A_928 = arith.constant 16 : i32
      %mul3A_929 = arith.muli %scan3A_657, %mul3A_928 : i32
      %swap3A_930 = arith.constant 26 : i32
      %swap3A_931 = arith.index_cast %swap3A_930 : i32 to index
      %swap3A_932 = arith.index_cast %mul3A_929 : i32 to index
      %swap3A_933 = tpu.vector_load %arg7[%swap3A_931, %swap3A_932] {strides = array<i32>} : memref<64x512xf32, #tpu.memory_space<vmem>>, vector<16xf32>,
      tpu.vector_store %arg7[%swap3A_931, %swap3A_932], %gather3A_927 {strides = array<i32>} : memref<64x512xf32, #tpu.memory_space<vmem>>, vector<16xf32>,
      %add3A_934 = arith.constant 27648 : i32
      %add3A_935 = vector.broadcast %add3A_934 : i32 to vector<16xi32>
      %add3A_936 = arith.addi %get3A_663, %add3A_935 : vector<16xi32>
      %gather3A_937 = tpu.vector_load_idx %arg5[%add3A_936] : memref<65536xf32, #tpu.memory_space<vmem>>[vector<16xi32>], vector<16xf32>,
      %mul3A_938 = arith.constant 16 : i32
      %mul3A_939 = arith.muli %scan3A_657, %mul3A_938 : i32
      %swap3A_940 = arith.constant 27 : i32
      %swap3A_941 = arith.index_cast %swap3A_940 : i32 to index
      %swap3A_942 = arith.index_cast %mul3A_939 : i32 to index
      %swap3A_943 = tpu.vector_load %arg7[%swap3A_941, %swap3A_942] {strides = array<i32>} : memref<64x512xf32, #tpu.memory_space<vmem>>, vector<16xf32>,
      tpu.vector_store %arg7[%swap3A_941, %swap3A_942], %gather3A_937 {strides = array<i32>} : memref<64x512xf32, #tpu.memory_space<vmem>>, vector<16xf32>,
      %add3A_944 = arith.constant 28672 : i32
      %add3A_945 = vector.broadcast %add3A_944 : i32 to vector<16xi32>
      %add3A_946 = arith.addi %get3A_663, %add3A_945 : vector<16xi32>
      %gather3A_947 = tpu.vector_load_idx %arg5[%add3A_946] : memref<65536xf32, #tpu.memory_space<vmem>>[vector<16xi32>], vector<16xf32>,
      %mul3A_948 = arith.constant 16 : i32
      %mul3A_949 = arith.muli %scan3A_657, %mul3A_948 : i32
      %swap3A_950 = arith.constant 28 : i32
      %swap3A_951 = arith.index_cast %swap3A_950 : i32 to index
      %swap3A_952 = arith.index_cast %mul3A_949 : i32 to index
      %swap3A_953 = tpu.vector_load %arg7[%swap3A_951, %swap3A_952] {strides = array<i32>} : memref<64x512xf32, #tpu.memory_space<vmem>>, vector<16xf32>,
      tpu.vector_store %arg7[%swap3A_951, %swap3A_952], %gather3A_947 {strides = array<i32>} : memref<64x512xf32, #tpu.memory_space<vmem>>, vector<16xf32>,
      %add3A_954 = arith.constant 29696 : i32
      %add3A_955 = vector.broadcast %add3A_954 : i32 to vector<16xi32>
      %add3A_956 = arith.addi %get3A_663, %add3A_955 : vector<16xi32>
      %gather3A_957 = tpu.vector_load_idx %arg5[%add3A_956] : memref<65536xf32, #tpu.memory_space<vmem>>[vector<16xi32>], vector<16xf32>,
      %mul3A_958 = arith.constant 16 : i32
      %mul3A_959 = arith.muli %scan3A_657, %mul3A_958 : i32
      %swap3A_960 = arith.constant 29 : i32
      %swap3A_961 = arith.index_cast %swap3A_960 : i32 to index
      %swap3A_962 = arith.index_cast %mul3A_959 : i32 to index
      %swap3A_963 = tpu.vector_load %arg7[%swap3A_961, %swap3A_962] {strides = array<i32>} : memref<64x512xf32, #tpu.memory_space<vmem>>, vector<16xf32>,
      tpu.vector_store %arg7[%swap3A_961, %swap3A_962], %gather3A_957 {strides = array<i32>} : memref<64x512xf32, #tpu.memory_space<vmem>>, vector<16xf32>,
      %add3A_964 = arith.constant 30720 : i32
      %add3A_965 = vector.broadcast %add3A_964 : i32 to vector<16xi32>
      %add3A_966 = arith.addi %get3A_663, %add3A_965 : vector<16xi32>
      %gather3A_967 = tpu.vector_load_idx %arg5[%add3A_966] : memref<65536xf32, #tpu.memory_space<vmem>>[vector<16xi32>], vector<16xf32>,
      %mul3A_968 = arith.constant 16 : i32
      %mul3A_969 = arith.muli %scan3A_657, %mul3A_968 : i32
      %swap3A_970 = arith.constant 30 : i32
      %swap3A_971 = arith.index_cast %swap3A_970 : i32 to index
      %swap3A_972 = arith.index_cast %mul3A_969 : i32 to index
      %swap3A_973 = tpu.vector_load %arg7[%swap3A_971, %swap3A_972] {strides = array<i32>} : memref<64x512xf32, #tpu.memory_space<vmem>>, vector<16xf32>,
      tpu.vector_store %arg7[%swap3A_971, %swap3A_972], %gather3A_967 {strides = array<i32>} : memref<64x512xf32, #tpu.memory_space<vmem>>, vector<16xf32>,
      %add3A_974 = arith.constant 31744 : i32
      %add3A_975 = vector.broadcast %add3A_974 : i32 to vector<16xi32>
      %add3A_976 = arith.addi %get3A_663, %add3A_975 : vector<16xi32>
      %gather3A_977 = tpu.vector_load_idx %arg5[%add3A_976] : memref<65536xf32, #tpu.memory_space<vmem>>[vector<16xi32>], vector<16xf32>,
      %mul3A_978 = arith.constant 16 : i32
      %mul3A_979 = arith.muli %scan3A_657, %mul3A_978 : i32
      %swap3A_980 = arith.constant 31 : i32
      %swap3A_981 = arith.index_cast %swap3A_980 : i32 to index
      %swap3A_982 = arith.index_cast %mul3A_979 : i32 to index
      %swap3A_983 = tpu.vector_load %arg7[%swap3A_981, %swap3A_982] {strides = array<i32>} : memref<64x512xf32, #tpu.memory_space<vmem>>, vector<16xf32>,
      tpu.vector_store %arg7[%swap3A_981, %swap3A_982], %gather3A_977 {strides = array<i32>} : memref<64x512xf32, #tpu.memory_space<vmem>>, vector<16xf32>,
      %add3A_984 = arith.constant 32768 : i32
      %add3A_985 = vector.broadcast %add3A_984 : i32 to vector<16xi32>
      %add3A_986 = arith.addi %get3A_663, %add3A_985 : vector<16xi32>
      %gather3A_987 = tpu.vector_load_idx %arg5[%add3A_986] : memref<65536xf32, #tpu.memory_space<vmem>>[vector<16xi32>], vector<16xf32>,
      %mul3A_988 = arith.constant 16 : i32
      %mul3A_989 = arith.muli %scan3A_657, %mul3A_988 : i32
      %swap3A_990 = arith.constant 32 : i32
      %swap3A_991 = arith.index_cast %swap3A_990 : i32 to index
      %swap3A_992 = arith.index_cast %mul3A_989 : i32 to index
      %swap3A_993 = tpu.vector_load %arg7[%swap3A_991, %swap3A_992] {strides = array<i32>} : memref<64x512xf32, #tpu.memory_space<vmem>>, vector<16xf32>,
      tpu.vector_store %arg7[%swap3A_991, %swap3A_992], %gather3A_987 {strides = array<i32>} : memref<64x512xf32, #tpu.memory_space<vmem>>, vector<16xf32>,
      %add3A_994 = arith.constant 33792 : i32
      %add3A_995 = vector.broadcast %add3A_994 : i32 to vector<16xi32>
      %add3A_996 = arith.addi %get3A_663, %add3A_995 : vector<16xi32>
      %gather3A_997 = tpu.vector_load_idx %arg5[%add3A_996] : memref<65536xf32, #tpu.memory_space<vmem>>[vector<16xi32>], vector<16xf32>,
      %mul3A_998 = arith.constant 16 : i32
      %mul3A_999 = arith.muli %scan3A_657, %mul3A_998 : i32
      %swap3A_1000 = arith.constant 33 : i32
      %swap3A_1001 = arith.index_cast %swap3A_1000 : i32 to index
      %swap3A_1002 = arith.index_cast %mul3A_999 : i32 to index
      %swap3A_1003 = tpu.vector_load %arg7[%swap3A_1001, %swap3A_1002] {strides = array<i32>} : memref<64x512xf32, #tpu.memory_space<vmem>>, vector<16xf32>,
      tpu.vector_store %arg7[%swap3A_1001, %swap3A_1002], %gather3A_997 {strides = array<i32>} : memref<64x512xf32, #tpu.memory_space<vmem>>, vector<16xf32>,
      %add3A_1004 = arith.constant 34816 : i32
      %add3A_1005 = vector.broadcast %add3A_1004 : i32 to vector<16xi32>
      %add3A_1006 = arith.addi %get3A_663, %add3A_1005 : vector<16xi32>
      %gather3A_1007 = tpu.vector_load_idx %arg5[%add3A_1006] : memref<65536xf32, #tpu.memory_space<vmem>>[vector<16xi32>], vector<16xf32>,
      %mul3A_1008 = arith.constant 16 : i32
      %mul3A_1009 = arith.muli %scan3A_657, %mul3A_1008 : i32
      %swap3A_1010 = arith.constant 34 : i32
      %swap3A_1011 = arith.index_cast %swap3A_1010 : i32 to index
      %swap3A_1012 = arith.index_cast %mul3A_1009 : i32 to index
      %swap3A_1013 = tpu.vector_load %arg7[%swap3A_1011, %swap3A_1012] {strides = array<i32>} : memref<64x512xf32, #tpu.memory_space<vmem>>, vector<16xf32>,
      tpu.vector_store %arg7[%swap3A_1011, %swap3A_1012], %gather3A_1007 {strides = array<i32>} : memref<64x512xf32, #tpu.memory_space<vmem>>, vector<16xf32>,
      %add3A_1014 = arith.constant 35840 : i32
      %add3A_1015 = vector.broadcast %add3A_1014 : i32 to vector<16xi32>
      %add3A_1016 = arith.addi %get3A_663, %add3A_1015 : vector<16xi32>
      %gather3A_1017 = tpu.vector_load_idx %arg5[%add3A_1016] : memref<65536xf32, #tpu.memory_space<vmem>>[vector<16xi32>], vector<16xf32>,
      %mul3A_1018 = arith.constant 16 : i32
      %mul3A_1019 = arith.muli %scan3A_657, %mul3A_1018 : i32
      %swap3A_1020 = arith.constant 35 : i32
      %swap3A_1021 = arith.index_cast %swap3A_1020 : i32 to index
      %swap3A_1022 = arith.index_cast %mul3A_1019 : i32 to index
      %swap3A_1023 = tpu.vector_load %arg7[%swap3A_1021, %swap3A_1022] {strides = array<i32>} : memref<64x512xf32, #tpu.memory_space<vmem>>, vector<16xf32>,
      tpu.vector_store %arg7[%swap3A_1021, %swap3A_1022], %gather3A_1017 {strides = array<i32>} : memref<64x512xf32, #tpu.memory_space<vmem>>, vector<16xf32>,
      %add3A_1024 = arith.constant 36864 : i32
      %add3A_1025 = vector.broadcast %add3A_1024 : i32 to vector<16xi32>
      %add3A_1026 = arith.addi %get3A_663, %add3A_1025 : vector<16xi32>
      %gather3A_1027 = tpu.vector_load_idx %arg5[%add3A_1026] : memref<65536xf32, #tpu.memory_space<vmem>>[vector<16xi32>], vector<16xf32>,
      %mul3A_1028 = arith.constant 16 : i32
      %mul3A_1029 = arith.muli %scan3A_657, %mul3A_1028 : i32
      %swap3A_1030 = arith.constant 36 : i32
      %swap3A_1031 = arith.index_cast %swap3A_1030 : i32 to index
      %swap3A_1032 = arith.index_cast %mul3A_1029 : i32 to index
      %swap3A_1033 = tpu.vector_load %arg7[%swap3A_1031, %swap3A_1032] {strides = array<i32>} : memref<64x512xf32, #tpu.memory_space<vmem>>, vector<16xf32>,
      tpu.vector_store %arg7[%swap3A_1031, %swap3A_1032], %gather3A_1027 {strides = array<i32>} : memref<64x512xf32, #tpu.memory_space<vmem>>, vector<16xf32>,
      %add3A_1034 = arith.constant 37888 : i32
      %add3A_1035 = vector.broadcast %add3A_1034 : i32 to vector<16xi32>
      %add3A_1036 = arith.addi %get3A_663, %add3A_1035 : vector<16xi32>
      %gather3A_1037 = tpu.vector_load_idx %arg5[%add3A_1036] : memref<65536xf32, #tpu.memory_space<vmem>>[vector<16xi32>], vector<16xf32>,
      %mul3A_1038 = arith.constant 16 : i32
      %mul3A_1039 = arith.muli %scan3A_657, %mul3A_1038 : i32
      %swap3A_1040 = arith.constant 37 : i32
      %swap3A_1041 = arith.index_cast %swap3A_1040 : i32 to index
      %swap3A_1042 = arith.index_cast %mul3A_1039 : i32 to index
      %swap3A_1043 = tpu.vector_load %arg7[%swap3A_1041, %swap3A_1042] {strides = array<i32>} : memref<64x512xf32, #tpu.memory_space<vmem>>, vector<16xf32>,
      tpu.vector_store %arg7[%swap3A_1041, %swap3A_1042], %gather3A_1037 {strides = array<i32>} : memref<64x512xf32, #tpu.memory_space<vmem>>, vector<16xf32>,
      %add3A_1044 = arith.constant 38912 : i32
      %add3A_1045 = vector.broadcast %add3A_1044 : i32 to vector<16xi32>
      %add3A_1046 = arith.addi %get3A_663, %add3A_1045 : vector<16xi32>
      %gather3A_1047 = tpu.vector_load_idx %arg5[%add3A_1046] : memref<65536xf32, #tpu.memory_space<vmem>>[vector<16xi32>], vector<16xf32>,
      %mul3A_1048 = arith.constant 16 : i32
      %mul3A_1049 = arith.muli %scan3A_657, %mul3A_1048 : i32
      %swap3A_1050 = arith.constant 38 : i32
      %swap3A_1051 = arith.index_cast %swap3A_1050 : i32 to index
      %swap3A_1052 = arith.index_cast %mul3A_1049 : i32 to index
      %swap3A_1053 = tpu.vector_load %arg7[%swap3A_1051, %swap3A_1052] {strides = array<i32>} : memref<64x512xf32, #tpu.memory_space<vmem>>, vector<16xf32>,
      tpu.vector_store %arg7[%swap3A_1051, %swap3A_1052], %gather3A_1047 {strides = array<i32>} : memref<64x512xf32, #tpu.memory_space<vmem>>, vector<16xf32>,
      %add3A_1054 = arith.constant 39936 : i32
      %add3A_1055 = vector.broadcast %add3A_1054 : i32 to vector<16xi32>
      %add3A_1056 = arith.addi %get3A_663, %add3A_1055 : vector<16xi32>
      %gather3A_1057 = tpu.vector_load_idx %arg5[%add3A_1056] : memref<65536xf32, #tpu.memory_space<vmem>>[vector<16xi32>], vector<16xf32>,
      %mul3A_1058 = arith.constant 16 : i32
      %mul3A_1059 = arith.muli %scan3A_657, %mul3A_1058 : i32
      %swap3A_1060 = arith.constant 39 : i32
      %swap3A_1061 = arith.index_cast %swap3A_1060 : i32 to index
      %swap3A_1062 = arith.index_cast %mul3A_1059 : i32 to index
      %swap3A_1063 = tpu.vector_load %arg7[%swap3A_1061, %swap3A_1062] {strides = array<i32>} : memref<64x512xf32, #tpu.memory_space<vmem>>, vector<16xf32>,
      tpu.vector_store %arg7[%swap3A_1061, %swap3A_1062], %gather3A_1057 {strides = array<i32>} : memref<64x512xf32, #tpu.memory_space<vmem>>, vector<16xf32>,
      %add3A_1064 = arith.constant 40960 : i32
      %add3A_1065 = vector.broadcast %add3A_1064 : i32 to vector<16xi32>
      %add3A_1066 = arith.addi %get3A_663, %add3A_1065 : vector<16xi32>
      %gather3A_1067 = tpu.vector_load_idx %arg5[%add3A_1066] : memref<65536xf32, #tpu.memory_space<vmem>>[vector<16xi32>], vector<16xf32>,
      %mul3A_1068 = arith.constant 16 : i32
      %mul3A_1069 = arith.muli %scan3A_657, %mul3A_1068 : i32
      %swap3A_1070 = arith.constant 40 : i32
      %swap3A_1071 = arith.index_cast %swap3A_1070 : i32 to index
      %swap3A_1072 = arith.index_cast %mul3A_1069 : i32 to index
      %swap3A_1073 = tpu.vector_load %arg7[%swap3A_1071, %swap3A_1072] {strides = array<i32>} : memref<64x512xf32, #tpu.memory_space<vmem>>, vector<16xf32>,
      tpu.vector_store %arg7[%swap3A_1071, %swap3A_1072], %gather3A_1067 {strides = array<i32>} : memref<64x512xf32, #tpu.memory_space<vmem>>, vector<16xf32>,
      %add3A_1074 = arith.constant 41984 : i32
      %add3A_1075 = vector.broadcast %add3A_1074 : i32 to vector<16xi32>
      %add3A_1076 = arith.addi %get3A_663, %add3A_1075 : vector<16xi32>
      %gather3A_1077 = tpu.vector_load_idx %arg5[%add3A_1076] : memref<65536xf32, #tpu.memory_space<vmem>>[vector<16xi32>], vector<16xf32>,
      %mul3A_1078 = arith.constant 16 : i32
      %mul3A_1079 = arith.muli %scan3A_657, %mul3A_1078 : i32
      %swap3A_1080 = arith.constant 41 : i32
      %swap3A_1081 = arith.index_cast %swap3A_1080 : i32 to index
      %swap3A_1082 = arith.index_cast %mul3A_1079 : i32 to index
      %swap3A_1083 = tpu.vector_load %arg7[%swap3A_1081, %swap3A_1082] {strides = array<i32>} : memref<64x512xf32, #tpu.memory_space<vmem>>, vector<16xf32>,
      tpu.vector_store %arg7[%swap3A_1081, %swap3A_1082], %gather3A_1077 {strides = array<i32>} : memref<64x512xf32, #tpu.memory_space<vmem>>, vector<16xf32>,
      %add3A_1084 = arith.constant 43008 : i32
      %add3A_1085 = vector.broadcast %add3A_1084 : i32 to vector<16xi32>
      %add3A_1086 = arith.addi %get3A_663, %add3A_1085 : vector<16xi32>
      %gather3A_1087 = tpu.vector_load_idx %arg5[%add3A_1086] : memref<65536xf32, #tpu.memory_space<vmem>>[vector<16xi32>], vector<16xf32>,
      %mul3A_1088 = arith.constant 16 : i32
      %mul3A_1089 = arith.muli %scan3A_657, %mul3A_1088 : i32
      %swap3A_1090 = arith.constant 42 : i32
      %swap3A_1091 = arith.index_cast %swap3A_1090 : i32 to index
      %swap3A_1092 = arith.index_cast %mul3A_1089 : i32 to index
      %swap3A_1093 = tpu.vector_load %arg7[%swap3A_1091, %swap3A_1092] {strides = array<i32>} : memref<64x512xf32, #tpu.memory_space<vmem>>, vector<16xf32>,
      tpu.vector_store %arg7[%swap3A_1091, %swap3A_1092], %gather3A_1087 {strides = array<i32>} : memref<64x512xf32, #tpu.memory_space<vmem>>, vector<16xf32>,
      %add3A_1094 = arith.constant 44032 : i32
      %add3A_1095 = vector.broadcast %add3A_1094 : i32 to vector<16xi32>
      %add3A_1096 = arith.addi %get3A_663, %add3A_1095 : vector<16xi32>
      %gather3A_1097 = tpu.vector_load_idx %arg5[%add3A_1096] : memref<65536xf32, #tpu.memory_space<vmem>>[vector<16xi32>], vector<16xf32>,
      %mul3A_1098 = arith.constant 16 : i32
      %mul3A_1099 = arith.muli %scan3A_657, %mul3A_1098 : i32
      %swap3A_1100 = arith.constant 43 : i32
      %swap3A_1101 = arith.index_cast %swap3A_1100 : i32 to index
      %swap3A_1102 = arith.index_cast %mul3A_1099 : i32 to index
      %swap3A_1103 = tpu.vector_load %arg7[%swap3A_1101, %swap3A_1102] {strides = array<i32>} : memref<64x512xf32, #tpu.memory_space<vmem>>, vector<16xf32>,
      tpu.vector_store %arg7[%swap3A_1101, %swap3A_1102], %gather3A_1097 {strides = array<i32>} : memref<64x512xf32, #tpu.memory_space<vmem>>, vector<16xf32>,
      %add3A_1104 = arith.constant 45056 : i32
      %add3A_1105 = vector.broadcast %add3A_1104 : i32 to vector<16xi32>
      %add3A_1106 = arith.addi %get3A_663, %add3A_1105 : vector<16xi32>
      %gather3A_1107 = tpu.vector_load_idx %arg5[%add3A_1106] : memref<65536xf32, #tpu.memory_space<vmem>>[vector<16xi32>], vector<16xf32>,
      %mul3A_1108 = arith.constant 16 : i32
      %mul3A_1109 = arith.muli %scan3A_657, %mul3A_1108 : i32
      %swap3A_1110 = arith.constant 44 : i32
      %swap3A_1111 = arith.index_cast %swap3A_1110 : i32 to index
      %swap3A_1112 = arith.index_cast %mul3A_1109 : i32 to index
      %swap3A_1113 = tpu.vector_load %arg7[%swap3A_1111, %swap3A_1112] {strides = array<i32>} : memref<64x512xf32, #tpu.memory_space<vmem>>, vector<16xf32>,
      tpu.vector_store %arg7[%swap3A_1111, %swap3A_1112], %gather3A_1107 {strides = array<i32>} : memref<64x512xf32, #tpu.memory_space<vmem>>, vector<16xf32>,
      %add3A_1114 = arith.constant 46080 : i32
      %add3A_1115 = vector.broadcast %add3A_1114 : i32 to vector<16xi32>
      %add3A_1116 = arith.addi %get3A_663, %add3A_1115 : vector<16xi32>
      %gather3A_1117 = tpu.vector_load_idx %arg5[%add3A_1116] : memref<65536xf32, #tpu.memory_space<vmem>>[vector<16xi32>], vector<16xf32>,
      %mul3A_1118 = arith.constant 16 : i32
      %mul3A_1119 = arith.muli %scan3A_657, %mul3A_1118 : i32
      %swap3A_1120 = arith.constant 45 : i32
      %swap3A_1121 = arith.index_cast %swap3A_1120 : i32 to index
      %swap3A_1122 = arith.index_cast %mul3A_1119 : i32 to index
      %swap3A_1123 = tpu.vector_load %arg7[%swap3A_1121, %swap3A_1122] {strides = array<i32>} : memref<64x512xf32, #tpu.memory_space<vmem>>, vector<16xf32>,
      tpu.vector_store %arg7[%swap3A_1121, %swap3A_1122], %gather3A_1117 {strides = array<i32>} : memref<64x512xf32, #tpu.memory_space<vmem>>, vector<16xf32>,
      %add3A_1124 = arith.constant 47104 : i32
      %add3A_1125 = vector.broadcast %add3A_1124 : i32 to vector<16xi32>
      %add3A_1126 = arith.addi %get3A_663, %add3A_1125 : vector<16xi32>
      %gather3A_1127 = tpu.vector_load_idx %arg5[%add3A_1126] : memref<65536xf32, #tpu.memory_space<vmem>>[vector<16xi32>], vector<16xf32>,
      %mul3A_1128 = arith.constant 16 : i32
      %mul3A_1129 = arith.muli %scan3A_657, %mul3A_1128 : i32
      %swap3A_1130 = arith.constant 46 : i32
      %swap3A_1131 = arith.index_cast %swap3A_1130 : i32 to index
      %swap3A_1132 = arith.index_cast %mul3A_1129 : i32 to index
      %swap3A_1133 = tpu.vector_load %arg7[%swap3A_1131, %swap3A_1132] {strides = array<i32>} : memref<64x512xf32, #tpu.memory_space<vmem>>, vector<16xf32>,
      tpu.vector_store %arg7[%swap3A_1131, %swap3A_1132], %gather3A_1127 {strides = array<i32>} : memref<64x512xf32, #tpu.memory_space<vmem>>, vector<16xf32>,
      %add3A_1134 = arith.constant 48128 : i32
      %add3A_1135 = vector.broadcast %add3A_1134 : i32 to vector<16xi32>
      %add3A_1136 = arith.addi %get3A_663, %add3A_1135 : vector<16xi32>
      %gather3A_1137 = tpu.vector_load_idx %arg5[%add3A_1136] : memref<65536xf32, #tpu.memory_space<vmem>>[vector<16xi32>], vector<16xf32>,
      %mul3A_1138 = arith.constant 16 : i32
      %mul3A_1139 = arith.muli %scan3A_657, %mul3A_1138 : i32
      %swap3A_1140 = arith.constant 47 : i32
      %swap3A_1141 = arith.index_cast %swap3A_1140 : i32 to index
      %swap3A_1142 = arith.index_cast %mul3A_1139 : i32 to index
      %swap3A_1143 = tpu.vector_load %arg7[%swap3A_1141, %swap3A_1142] {strides = array<i32>} : memref<64x512xf32, #tpu.memory_space<vmem>>, vector<16xf32>,
      tpu.vector_store %arg7[%swap3A_1141, %swap3A_1142], %gather3A_1137 {strides = array<i32>} : memref<64x512xf32, #tpu.memory_space<vmem>>, vector<16xf32>,
      %add3A_1144 = arith.constant 49152 : i32
      %add3A_1145 = vector.broadcast %add3A_1144 : i32 to vector<16xi32>
      %add3A_1146 = arith.addi %get3A_663, %add3A_1145 : vector<16xi32>
      %gather3A_1147 = tpu.vector_load_idx %arg5[%add3A_1146] : memref<65536xf32, #tpu.memory_space<vmem>>[vector<16xi32>], vector<16xf32>,
      %mul3A_1148 = arith.constant 16 : i32
      %mul3A_1149 = arith.muli %scan3A_657, %mul3A_1148 : i32
      %swap3A_1150 = arith.constant 48 : i32
      %swap3A_1151 = arith.index_cast %swap3A_1150 : i32 to index
      %swap3A_1152 = arith.index_cast %mul3A_1149 : i32 to index
      %swap3A_1153 = tpu.vector_load %arg7[%swap3A_1151, %swap3A_1152] {strides = array<i32>} : memref<64x512xf32, #tpu.memory_space<vmem>>, vector<16xf32>,
      tpu.vector_store %arg7[%swap3A_1151, %swap3A_1152], %gather3A_1147 {strides = array<i32>} : memref<64x512xf32, #tpu.memory_space<vmem>>, vector<16xf32>,
      %add3A_1154 = arith.constant 50176 : i32
      %add3A_1155 = vector.broadcast %add3A_1154 : i32 to vector<16xi32>
      %add3A_1156 = arith.addi %get3A_663, %add3A_1155 : vector<16xi32>
      %gather3A_1157 = tpu.vector_load_idx %arg5[%add3A_1156] : memref<65536xf32, #tpu.memory_space<vmem>>[vector<16xi32>], vector<16xf32>,
      %mul3A_1158 = arith.constant 16 : i32
      %mul3A_1159 = arith.muli %scan3A_657, %mul3A_1158 : i32
      %swap3A_1160 = arith.constant 49 : i32
      %swap3A_1161 = arith.index_cast %swap3A_1160 : i32 to index
      %swap3A_1162 = arith.index_cast %mul3A_1159 : i32 to index
      %swap3A_1163 = tpu.vector_load %arg7[%swap3A_1161, %swap3A_1162] {strides = array<i32>} : memref<64x512xf32, #tpu.memory_space<vmem>>, vector<16xf32>,
      tpu.vector_store %arg7[%swap3A_1161, %swap3A_1162], %gather3A_1157 {strides = array<i32>} : memref<64x512xf32, #tpu.memory_space<vmem>>, vector<16xf32>,
      %add3A_1164 = arith.constant 51200 : i32
      %add3A_1165 = vector.broadcast %add3A_1164 : i32 to vector<16xi32>
      %add3A_1166 = arith.addi %get3A_663, %add3A_1165 : vector<16xi32>
      %gather3A_1167 = tpu.vector_load_idx %arg5[%add3A_1166] : memref<65536xf32, #tpu.memory_space<vmem>>[vector<16xi32>], vector<16xf32>,
      %mul3A_1168 = arith.constant 16 : i32
      %mul3A_1169 = arith.muli %scan3A_657, %mul3A_1168 : i32
      %swap3A_1170 = arith.constant 50 : i32
      %swap3A_1171 = arith.index_cast %swap3A_1170 : i32 to index
      %swap3A_1172 = arith.index_cast %mul3A_1169 : i32 to index
      %swap3A_1173 = tpu.vector_load %arg7[%swap3A_1171, %swap3A_1172] {strides = array<i32>} : memref<64x512xf32, #tpu.memory_space<vmem>>, vector<16xf32>,
      tpu.vector_store %arg7[%swap3A_1171, %swap3A_1172], %gather3A_1167 {strides = array<i32>} : memref<64x512xf32, #tpu.memory_space<vmem>>, vector<16xf32>,
      %add3A_1174 = arith.constant 52224 : i32
      %add3A_1175 = vector.broadcast %add3A_1174 : i32 to vector<16xi32>
      %add3A_1176 = arith.addi %get3A_663, %add3A_1175 : vector<16xi32>
      %gather3A_1177 = tpu.vector_load_idx %arg5[%add3A_1176] : memref<65536xf32, #tpu.memory_space<vmem>>[vector<16xi32>], vector<16xf32>,
      %mul3A_1178 = arith.constant 16 : i32
      %mul3A_1179 = arith.muli %scan3A_657, %mul3A_1178 : i32
      %swap3A_1180 = arith.constant 51 : i32
      %swap3A_1181 = arith.index_cast %swap3A_1180 : i32 to index
      %swap3A_1182 = arith.index_cast %mul3A_1179 : i32 to index
      %swap3A_1183 = tpu.vector_load %arg7[%swap3A_1181, %swap3A_1182] {strides = array<i32>} : memref<64x512xf32, #tpu.memory_space<vmem>>, vector<16xf32>,
      tpu.vector_store %arg7[%swap3A_1181, %swap3A_1182], %gather3A_1177 {strides = array<i32>} : memref<64x512xf32, #tpu.memory_space<vmem>>, vector<16xf32>,
      %add3A_1184 = arith.constant 53248 : i32
      %add3A_1185 = vector.broadcast %add3A_1184 : i32 to vector<16xi32>
      %add3A_1186 = arith.addi %get3A_663, %add3A_1185 : vector<16xi32>
      %gather3A_1187 = tpu.vector_load_idx %arg5[%add3A_1186] : memref<65536xf32, #tpu.memory_space<vmem>>[vector<16xi32>], vector<16xf32>,
      %mul3A_1188 = arith.constant 16 : i32
      %mul3A_1189 = arith.muli %scan3A_657, %mul3A_1188 : i32
      %swap3A_1190 = arith.constant 52 : i32
      %swap3A_1191 = arith.index_cast %swap3A_1190 : i32 to index
      %swap3A_1192 = arith.index_cast %mul3A_1189 : i32 to index
      %swap3A_1193 = tpu.vector_load %arg7[%swap3A_1191, %swap3A_1192] {strides = array<i32>} : memref<64x512xf32, #tpu.memory_space<vmem>>, vector<16xf32>,
      tpu.vector_store %arg7[%swap3A_1191, %swap3A_1192], %gather3A_1187 {strides = array<i32>} : memref<64x512xf32, #tpu.memory_space<vmem>>, vector<16xf32>,
      %add3A_1194 = arith.constant 54272 : i32
      %add3A_1195 = vector.broadcast %add3A_1194 : i32 to vector<16xi32>
      %add3A_1196 = arith.addi %get3A_663, %add3A_1195 : vector<16xi32>
      %gather3A_1197 = tpu.vector_load_idx %arg5[%add3A_1196] : memref<65536xf32, #tpu.memory_space<vmem>>[vector<16xi32>], vector<16xf32>,
      %mul3A_1198 = arith.constant 16 : i32
      %mul3A_1199 = arith.muli %scan3A_657, %mul3A_1198 : i32
      %swap3A_1200 = arith.constant 53 : i32
      %swap3A_1201 = arith.index_cast %swap3A_1200 : i32 to index
      %swap3A_1202 = arith.index_cast %mul3A_1199 : i32 to index
      %swap3A_1203 = tpu.vector_load %arg7[%swap3A_1201, %swap3A_1202] {strides = array<i32>} : memref<64x512xf32, #tpu.memory_space<vmem>>, vector<16xf32>,
      tpu.vector_store %arg7[%swap3A_1201, %swap3A_1202], %gather3A_1197 {strides = array<i32>} : memref<64x512xf32, #tpu.memory_space<vmem>>, vector<16xf32>,
      %add3A_1204 = arith.constant 55296 : i32
      %add3A_1205 = vector.broadcast %add3A_1204 : i32 to vector<16xi32>
      %add3A_1206 = arith.addi %get3A_663, %add3A_1205 : vector<16xi32>
      %gather3A_1207 = tpu.vector_load_idx %arg5[%add3A_1206] : memref<65536xf32, #tpu.memory_space<vmem>>[vector<16xi32>], vector<16xf32>,
      %mul3A_1208 = arith.constant 16 : i32
      %mul3A_1209 = arith.muli %scan3A_657, %mul3A_1208 : i32
      %swap3A_1210 = arith.constant 54 : i32
      %swap3A_1211 = arith.index_cast %swap3A_1210 : i32 to index
      %swap3A_1212 = arith.index_cast %mul3A_1209 : i32 to index
      %swap3A_1213 = tpu.vector_load %arg7[%swap3A_1211, %swap3A_1212] {strides = array<i32>} : memref<64x512xf32, #tpu.memory_space<vmem>>, vector<16xf32>,
      tpu.vector_store %arg7[%swap3A_1211, %swap3A_1212], %gather3A_1207 {strides = array<i32>} : memref<64x512xf32, #tpu.memory_space<vmem>>, vector<16xf32>,
      %add3A_1214 = arith.constant 56320 : i32
      %add3A_1215 = vector.broadcast %add3A_1214 : i32 to vector<16xi32>
      %add3A_1216 = arith.addi %get3A_663, %add3A_1215 : vector<16xi32>
      %gather3A_1217 = tpu.vector_load_idx %arg5[%add3A_1216] : memref<65536xf32, #tpu.memory_space<vmem>>[vector<16xi32>], vector<16xf32>,
      %mul3A_1218 = arith.constant 16 : i32
      %mul3A_1219 = arith.muli %scan3A_657, %mul3A_1218 : i32
      %swap3A_1220 = arith.constant 55 : i32
      %swap3A_1221 = arith.index_cast %swap3A_1220 : i32 to index
      %swap3A_1222 = arith.index_cast %mul3A_1219 : i32 to index
      %swap3A_1223 = tpu.vector_load %arg7[%swap3A_1221, %swap3A_1222] {strides = array<i32>} : memref<64x512xf32, #tpu.memory_space<vmem>>, vector<16xf32>,
      tpu.vector_store %arg7[%swap3A_1221, %swap3A_1222], %gather3A_1217 {strides = array<i32>} : memref<64x512xf32, #tpu.memory_space<vmem>>, vector<16xf32>,
      %add3A_1224 = arith.constant 57344 : i32
      %add3A_1225 = vector.broadcast %add3A_1224 : i32 to vector<16xi32>
      %add3A_1226 = arith.addi %get3A_663, %add3A_1225 : vector<16xi32>
      %gather3A_1227 = tpu.vector_load_idx %arg5[%add3A_1226] : memref<65536xf32, #tpu.memory_space<vmem>>[vector<16xi32>], vector<16xf32>,
      %mul3A_1228 = arith.constant 16 : i32
      %mul3A_1229 = arith.muli %scan3A_657, %mul3A_1228 : i32
      %swap3A_1230 = arith.constant 56 : i32
      %swap3A_1231 = arith.index_cast %swap3A_1230 : i32 to index
      %swap3A_1232 = arith.index_cast %mul3A_1229 : i32 to index
      %swap3A_1233 = tpu.vector_load %arg7[%swap3A_1231, %swap3A_1232] {strides = array<i32>} : memref<64x512xf32, #tpu.memory_space<vmem>>, vector<16xf32>,
      tpu.vector_store %arg7[%swap3A_1231, %swap3A_1232], %gather3A_1227 {strides = array<i32>} : memref<64x512xf32, #tpu.memory_space<vmem>>, vector<16xf32>,
      %add3A_1234 = arith.constant 58368 : i32
      %add3A_1235 = vector.broadcast %add3A_1234 : i32 to vector<16xi32>
      %add3A_1236 = arith.addi %get3A_663, %add3A_1235 : vector<16xi32>
      %gather3A_1237 = tpu.vector_load_idx %arg5[%add3A_1236] : memref<65536xf32, #tpu.memory_space<vmem>>[vector<16xi32>], vector<16xf32>,
      %mul3A_1238 = arith.constant 16 : i32
      %mul3A_1239 = arith.muli %scan3A_657, %mul3A_1238 : i32
      %swap3A_1240 = arith.constant 57 : i32
      %swap3A_1241 = arith.index_cast %swap3A_1240 : i32 to index
      %swap3A_1242 = arith.index_cast %mul3A_1239 : i32 to index
      %swap3A_1243 = tpu.vector_load %arg7[%swap3A_1241, %swap3A_1242] {strides = array<i32>} : memref<64x512xf32, #tpu.memory_space<vmem>>, vector<16xf32>,
      tpu.vector_store %arg7[%swap3A_1241, %swap3A_1242], %gather3A_1237 {strides = array<i32>} : memref<64x512xf32, #tpu.memory_space<vmem>>, vector<16xf32>,
      %add3A_1244 = arith.constant 59392 : i32
      %add3A_1245 = vector.broadcast %add3A_1244 : i32 to vector<16xi32>
      %add3A_1246 = arith.addi %get3A_663, %add3A_1245 : vector<16xi32>
      %gather3A_1247 = tpu.vector_load_idx %arg5[%add3A_1246] : memref<65536xf32, #tpu.memory_space<vmem>>[vector<16xi32>], vector<16xf32>,
      %mul3A_1248 = arith.constant 16 : i32
      %mul3A_1249 = arith.muli %scan3A_657, %mul3A_1248 : i32
      %swap3A_1250 = arith.constant 58 : i32
      %swap3A_1251 = arith.index_cast %swap3A_1250 : i32 to index
      %swap3A_1252 = arith.index_cast %mul3A_1249 : i32 to index
      %swap3A_1253 = tpu.vector_load %arg7[%swap3A_1251, %swap3A_1252] {strides = array<i32>} : memref<64x512xf32, #tpu.memory_space<vmem>>, vector<16xf32>,
      tpu.vector_store %arg7[%swap3A_1251, %swap3A_1252], %gather3A_1247 {strides = array<i32>} : memref<64x512xf32, #tpu.memory_space<vmem>>, vector<16xf32>,
      %add3A_1254 = arith.constant 60416 : i32
      %add3A_1255 = vector.broadcast %add3A_1254 : i32 to vector<16xi32>
      %add3A_1256 = arith.addi %get3A_663, %add3A_1255 : vector<16xi32>
      %gather3A_1257 = tpu.vector_load_idx %arg5[%add3A_1256] : memref<65536xf32, #tpu.memory_space<vmem>>[vector<16xi32>], vector<16xf32>,
      %mul3A_1258 = arith.constant 16 : i32
      %mul3A_1259 = arith.muli %scan3A_657, %mul3A_1258 : i32
      %swap3A_1260 = arith.constant 59 : i32
      %swap3A_1261 = arith.index_cast %swap3A_1260 : i32 to index
      %swap3A_1262 = arith.index_cast %mul3A_1259 : i32 to index
      %swap3A_1263 = tpu.vector_load %arg7[%swap3A_1261, %swap3A_1262] {strides = array<i32>} : memref<64x512xf32, #tpu.memory_space<vmem>>, vector<16xf32>,
      tpu.vector_store %arg7[%swap3A_1261, %swap3A_1262], %gather3A_1257 {strides = array<i32>} : memref<64x512xf32, #tpu.memory_space<vmem>>, vector<16xf32>,
      %add3A_1264 = arith.constant 61440 : i32
      %add3A_1265 = vector.broadcast %add3A_1264 : i32 to vector<16xi32>
      %add3A_1266 = arith.addi %get3A_663, %add3A_1265 : vector<16xi32>
      %gather3A_1267 = tpu.vector_load_idx %arg5[%add3A_1266] : memref<65536xf32, #tpu.memory_space<vmem>>[vector<16xi32>], vector<16xf32>,
      %mul3A_1268 = arith.constant 16 : i32
      %mul3A_1269 = arith.muli %scan3A_657, %mul3A_1268 : i32
      %swap3A_1270 = arith.constant 60 : i32
      %swap3A_1271 = arith.index_cast %swap3A_1270 : i32 to index
      %swap3A_1272 = arith.index_cast %mul3A_1269 : i32 to index
      %swap3A_1273 = tpu.vector_load %arg7[%swap3A_1271, %swap3A_1272] {strides = array<i32>} : memref<64x512xf32, #tpu.memory_space<vmem>>, vector<16xf32>,
      tpu.vector_store %arg7[%swap3A_1271, %swap3A_1272], %gather3A_1267 {strides = array<i32>} : memref<64x512xf32, #tpu.memory_space<vmem>>, vector<16xf32>,
      %add3A_1274 = arith.constant 62464 : i32
      %add3A_1275 = vector.broadcast %add3A_1274 : i32 to vector<16xi32>
      %add3A_1276 = arith.addi %get3A_663, %add3A_1275 : vector<16xi32>
      %gather3A_1277 = tpu.vector_load_idx %arg5[%add3A_1276] : memref<65536xf32, #tpu.memory_space<vmem>>[vector<16xi32>], vector<16xf32>,
      %mul3A_1278 = arith.constant 16 : i32
      %mul3A_1279 = arith.muli %scan3A_657, %mul3A_1278 : i32
      %swap3A_1280 = arith.constant 61 : i32
      %swap3A_1281 = arith.index_cast %swap3A_1280 : i32 to index
      %swap3A_1282 = arith.index_cast %mul3A_1279 : i32 to index
      %swap3A_1283 = tpu.vector_load %arg7[%swap3A_1281, %swap3A_1282] {strides = array<i32>} : memref<64x512xf32, #tpu.memory_space<vmem>>, vector<16xf32>,
      tpu.vector_store %arg7[%swap3A_1281, %swap3A_1282], %gather3A_1277 {strides = array<i32>} : memref<64x512xf32, #tpu.memory_space<vmem>>, vector<16xf32>,
      %add3A_1284 = arith.constant 63488 : i32
      %add3A_1285 = vector.broadcast %add3A_1284 : i32 to vector<16xi32>
      %add3A_1286 = arith.addi %get3A_663, %add3A_1285 : vector<16xi32>
      %gather3A_1287 = tpu.vector_load_idx %arg5[%add3A_1286] : memref<65536xf32, #tpu.memory_space<vmem>>[vector<16xi32>], vector<16xf32>,
      %mul3A_1288 = arith.constant 16 : i32
      %mul3A_1289 = arith.muli %scan3A_657, %mul3A_1288 : i32
      %swap3A_1290 = arith.constant 62 : i32
      %swap3A_1291 = arith.index_cast %swap3A_1290 : i32 to index
      %swap3A_1292 = arith.index_cast %mul3A_1289 : i32 to index
      %swap3A_1293 = tpu.vector_load %arg7[%swap3A_1291, %swap3A_1292] {strides = array<i32>} : memref<64x512xf32, #tpu.memory_space<vmem>>, vector<16xf32>,
      tpu.vector_store %arg7[%swap3A_1291, %swap3A_1292], %gather3A_1287 {strides = array<i32>} : memref<64x512xf32, #tpu.memory_space<vmem>>, vector<16xf32>,
      %add3A_1294 = arith.constant 64512 : i32
      %add3A_1295 = vector.broadcast %add3A_1294 : i32 to vector<16xi32>
      %add3A_1296 = arith.addi %get3A_663, %add3A_1295 : vector<16xi32>
      %gather3A_1297 = tpu.vector_load_idx %arg5[%add3A_1296] : memref<65536xf32, #tpu.memory_space<vmem>>[vector<16xi32>], vector<16xf32>,
      %mul3A_1298 = arith.constant 16 : i32
      %mul3A_1299 = arith.muli %scan3A_657, %mul3A_1298 : i32
      %swap3A_1300 = arith.constant 63 : i32
      %swap3A_1301 = arith.index_cast %swap3A_1300 : i32 to index
      %swap3A_1302 = arith.index_cast %mul3A_1299 : i32 to index
      %swap3A_1303 = tpu.vector_load %arg7[%swap3A_1301, %swap3A_1302] {strides = array<i32>} : memref<64x512xf32, #tpu.memory_space<vmem>>, vector<16xf32>,
      tpu.vector_store %arg7[%swap3A_1301, %swap3A_1302], %gather3A_1297 {strides = array<i32>} : memref<64x512xf32, #tpu.memory_space<vmem>>, vector<16xf32>,
    }
    %scan3A_11 = arith.constant 32 : i32
    "tpu.region"() ({
      %run_scoped3A = tpu.sem_alloc : memref<!tpu.dma_semaphore, #tpu.memory_space<semaphore_mem>>
      %dma_start3A = arith.constant 0 : i32
      %dma_start3A_12 = arith.constant 512 : i32
      %dma_start3A_13 = tpu.memref_slice %arg4[%add3A, %dma_start3A, %dma_start3A_12] : memref<32x64x1024xf32, #tpu.memory_space<hbm>> -> memref<1x64x512xf32, #tpu.memory_space<hbm>>
      %dma_start3A_14 = tpu.memref_squeeze %dma_start3A_13 : memref<1x64x512xf32, #tpu.memory_space<hbm>> -> memref<64x512xf32, #tpu.memory_space<hbm>>
      %dma_start3A_15 = arith.constant 0 : i32
      %dma_start3A_16 = arith.constant 512 : i32
      %dma_start3A_17 = tpu.memref_slice %arg4[%add3A, %dma_start3A_15, %dma_start3A_16] : memref<32x64x1024xf32, #tpu.memory_space<hbm>> -> memref<1x64x512xf32, #tpu.memory_space<hbm>>
      %dma_start3A_18 = tpu.memref_squeeze %dma_start3A_17 : memref<1x64x512xf32, #tpu.memory_space<hbm>> -> memref<64x512xf32, #tpu.memory_space<hbm>>
      tpu.enqueue_dma source(%arg7 : memref<64x512xf32, #tpu.memory_space<vmem>>) target(%dma_start3A_18 : memref<64x512xf32, #tpu.memory_space<hbm>>) target_semaphore(%run_scoped3A : memref<!tpu.dma_semaphore, #tpu.memory_space<semaphore_mem>>)
      %dma_wait3A = arith.constant 0 : i32
      %dma_wait3A_19 = arith.constant 512 : i32
      %dma_wait3A_20 = tpu.memref_slice %arg4[%add3A, %dma_wait3A, %dma_wait3A_19] : memref<32x64x1024xf32, #tpu.memory_space<hbm>> -> memref<1x64x512xf32, #tpu.memory_space<hbm>>
      %dma_wait3A_21 = tpu.memref_squeeze %dma_wait3A_20 : memref<1x64x512xf32, #tpu.memory_space<hbm>> -> memref<64x512xf32, #tpu.memory_space<hbm>>
      %dma_wait3A_22 = arith.constant 0 : i32
      %dma_wait3A_23 = arith.constant 512 : i32
      %dma_wait3A_24 = tpu.memref_slice %arg4[%add3A, %dma_wait3A_22, %dma_wait3A_23] : memref<32x64x1024xf32, #tpu.memory_space<hbm>> -> memref<1x64x512xf32, #tpu.memory_space<hbm>>
      %dma_wait3A_25 = tpu.memref_squeeze %dma_wait3A_24 : memref<1x64x512xf32, #tpu.memory_space<hbm>> -> memref<64x512xf32, #tpu.memory_space<hbm>>
      tpu.wait_dma2 semaphore(%run_scoped3A : memref<!tpu.dma_semaphore, #tpu.memory_space<semaphore_mem>>) src(%arg7 : memref<64x512xf32, #tpu.memory_space<vmem>>) dst(%dma_wait3A_25 : memref<64x512xf32, #tpu.memory_space<hbm>>)
      tpu.yield
    }) : () -> ()
    return
  }
}

module attributes {stable_mosaic.version = 14 : i64} {
  func.func @_vq_tc_kernel(%arg0: i32, %arg1: memref<4x64x1024xf32, #tpu.memory_space<vmem>>, %arg2: memref<1024x64xf32, #tpu.memory_space<vmem>>, %arg3: memref<1024x1xi32, #tpu.memory_space<vmem>>, %arg4: memref<4x8x128xi32, #tpu.memory_space<vmem>>, %arg5: memref<1x1xf32, #tpu.memory_space<vmem>>) attributes {dimension_semantics = [#tpu.dimension_semantics<arbitrary>], iteration_bounds = array<i64: 8>, scalar_prefetch = 0 : i64, scratch_operands = 0 : i64, tpu.core_type = #tpu.core_type<tc>, window_params = [{transform_indices = @transform_0, window_bounds = array<i64: 4, 64, 1024>}, {pipeline_mode = #tpu.pipeline_mode<synchronous>, transform_indices = @transform_1, window_bounds = array<i64: 1024, 64>}, {pipeline_mode = #tpu.pipeline_mode<synchronous>, transform_indices = @transform_2, window_bounds = array<i64: 1024, 1>}, {transform_indices = @transform_3, window_bounds = array<i64: 4, 8, 128>}, {pipeline_mode = #tpu.pipeline_mode<synchronous>, transform_indices = @transform_4, window_bounds = array<i64: 1, 1>}]} {
    %get3A = arith.constant 0 : index
    %get3A_0 = arith.constant 0 : index
    %get3A_1 = vector.load %arg2[%get3A, %get3A_0] : memref<1024x64xf32, #tpu.memory_space<vmem>>, vector<1024x64xf32>
    %get3A_2 = arith.constant 0 : index
    %get3A_3 = arith.constant 0 : index
    %get3A_4 = vector.load %arg3[%get3A_2, %get3A_3] : memref<1024x1xi32, #tpu.memory_space<vmem>>, vector<1024x1xi32>
    %mul3A = arith.mulf %get3A_1, %get3A_1 : vector<1024x64xf32>
    %reduce_sum3A = arith.constant dense<0.000000e+00> : vector<1024xf32>
    %reduce_sum3A_5 = vector.multi_reduction <add>, %mul3A, %reduce_sum3A [1] : vector<1024x64xf32> to vector<1024xf32>
    %broadcast_in_dim3A = vector.shape_cast %reduce_sum3A_5 : vector<1024xf32> to vector<1x1024xf32>
    %add3A = arith.addf %get3A_1, %get3A_1 : vector<1024x64xf32>
    %broadcast_in_dim3A_6 = arith.constant 0.000000e+00 : f32
    %broadcast_in_dim3A_7 = vector.broadcast %broadcast_in_dim3A_6 : f32 to vector<1x1xf32>
    %get3A_8 = arith.constant 0 : index
    %get3A_9 = arith.constant 0 : index
    %get3A_10 = arith.constant 0 : index
    %get3A_11 = vector.load %arg1[%get3A_8, %get3A_9, %get3A_10] : memref<4x64x1024xf32, #tpu.memory_space<vmem>>, vector<1x64x1024xf32>
    %get3A_12 = vector.shape_cast %get3A_11 : vector<1x64x1024xf32> to vector<64x1024xf32>
    %transpose3A = tpu.transpose %get3A_12, [1, 0] : vector<64x1024xf32> -> vector<1024x64xf32>
    %mul3A_13 = arith.mulf %transpose3A, %transpose3A : vector<1024x64xf32>
    %reduce_sum3A_14 = arith.constant dense<0.000000e+00> : vector<1024xf32>
    %reduce_sum3A_15 = vector.multi_reduction <add>, %mul3A_13, %reduce_sum3A_14 [1] : vector<1024x64xf32> to vector<1024xf32>
    %broadcast_in_dim3A_16 = vector.shape_cast %reduce_sum3A_15 : vector<1024xf32> to vector<1024x1xf32>
    %dot_general3A = arith.constant dense<0.000000e+00> : vector<1024x1024xf32>
    %dot_general3A_17 = tpu.matmul %transpose3A, %add3A, %dot_general3A {dimension_numbers = #tpu.dot_dimension_numbers<[1], [1], [0], [0], [0, 0, 1, 0], [], []>, transpose_lhs_hint = false} : vector<1024x64xf32>, vector<1024x64xf32>, vector<1024x1024xf32> -> vector<1024x1024xf32>
    %add3A_18 = vector.broadcast %broadcast_in_dim3A_16 : vector<1024x1xf32> to vector<1024x1024xf32>
    %add3A_19 = vector.broadcast %broadcast_in_dim3A : vector<1x1024xf32> to vector<1024x1024xf32>
    %add3A_20 = arith.addf %add3A_18, %add3A_19 : vector<1024x1024xf32>
    %sub3A = arith.subf %add3A_20, %dot_general3A_17 : vector<1024x1024xf32>
    %max3A = arith.constant 0.000000e+00 : f32
    %max3A_21 = vector.broadcast %max3A : f32 to vector<1024x1024xf32>
    %max3A_22 = arith.maximumf %sub3A, %max3A_21 : vector<1024x1024xf32>
    %sqrt3A = math.sqrt %max3A_22 : vector<1024x1024xf32>
    %reduce_min3A = arith.constant dense<0x7F800000> : vector<1024xf32>
    %reduce_min3A_23 = vector.multi_reduction <minimumf>, %sqrt3A, %reduce_min3A [1] : vector<1024x1024xf32> to vector<1024xf32>
    %broadcast_in_dim3A_24 = vector.shape_cast %reduce_min3A_23 : vector<1024xf32> to vector<1024x1xf32>
    %eq3A = vector.broadcast %broadcast_in_dim3A_24 : vector<1024x1xf32> to vector<1024x1024xf32>
    %eq3A_25 = arith.cmpf oeq, %sqrt3A, %eq3A : vector<1024x1024xf32>
    %transpose3A_26 = tpu.transpose %get3A_4, [1, 0] : vector<1024x1xi32> -> vector<1x1024xi32>
    %jit3A = arith.constant 1024 : i32
    %broadcast_in_dim3A_27 = vector.shape_cast %transpose3A_26 : vector<1x1024xi32> to vector<1x1024xi32>
    %broadcast_in_dim3A_28 = vector.broadcast %broadcast_in_dim3A_27 : vector<1x1024xi32> to vector<1024x1024xi32>
    %broadcast_in_dim3A_29 = vector.broadcast %jit3A : i32 to vector<1024x1024xi32>
    %select_n3A = arith.select %eq3A_25, %broadcast_in_dim3A_28, %broadcast_in_dim3A_29 : vector<1024x1024xi1>, vector<1024x1024xi32>
    %reduce_min3A_30 = arith.constant dense<2147483647> : vector<1024xi32>
    %reduce_min3A_31 = vector.multi_reduction <minsi>, %select_n3A, %reduce_min3A_30 [1] : vector<1024x1024xi32> to vector<1024xi32>
    %reshape3A = vector.shape_cast %reduce_min3A_31 : vector<1024xi32> to vector<8x128xi32>
    %swap3A = arith.constant 0 : index
    %swap3A_32 = arith.constant 0 : index
    %swap3A_33 = arith.constant 0 : index
    %swap3A_34 = vector.load %arg4[%swap3A, %swap3A_32, %swap3A_33] : memref<4x8x128xi32, #tpu.memory_space<vmem>>, vector<1x8x128xi32>
    %swap3A_35 = vector.shape_cast %swap3A_34 : vector<1x8x128xi32> to vector<8x128xi32>
    %swap3A_36 = vector.shape_cast %reshape3A : vector<8x128xi32> to vector<1x8x128xi32>
    tpu.vector_store %arg4[%swap3A, %swap3A_32, %swap3A_33], %swap3A_36 {strides = array<i32>} : memref<4x8x128xi32, #tpu.memory_space<vmem>>, vector<1x8x128xi32>,
    %mul3A_37 = arith.mulf %broadcast_in_dim3A_24, %broadcast_in_dim3A_24 : vector<1024x1xf32>
    %reduce_sum3A_38 = vector.shape_cast %mul3A_37 : vector<1024x1xf32> to vector<1x1024x1xf32>
    %reduce_sum3A_39 = arith.constant dense<0.000000e+00> : vector<1xf32>
    %reduce_sum3A_40 = vector.multi_reduction <add>, %reduce_sum3A_38, %reduce_sum3A_39 [1, 2] : vector<1x1024x1xf32> to vector<1xf32>
    %reduce_sum3A_41 = vector.shape_cast %reduce_sum3A_40 : vector<1xf32> to vector<1x1x1xf32>
    %reduce_sum3A_42 = vector.extract %reduce_sum3A_41[0, 0, 0] : f32 from vector<1x1x1xf32>
    %reshape3A_43 = vector.broadcast %reduce_sum3A_42 : f32 to vector<1x1xf32>
    %add3A_44 = arith.addf %broadcast_in_dim3A_7, %reshape3A_43 : vector<1x1xf32>
    %get3A_45 = arith.constant 1 : index
    %get3A_46 = arith.constant 0 : index
    %get3A_47 = arith.constant 0 : index
    %get3A_48 = vector.load %arg1[%get3A_45, %get3A_46, %get3A_47] : memref<4x64x1024xf32, #tpu.memory_space<vmem>>, vector<1x64x1024xf32>
    %get3A_49 = vector.shape_cast %get3A_48 : vector<1x64x1024xf32> to vector<64x1024xf32>
    %transpose3A_50 = tpu.transpose %get3A_49, [1, 0] : vector<64x1024xf32> -> vector<1024x64xf32>
    %mul3A_51 = arith.mulf %transpose3A_50, %transpose3A_50 : vector<1024x64xf32>
    %reduce_sum3A_52 = arith.constant dense<0.000000e+00> : vector<1024xf32>
    %reduce_sum3A_53 = vector.multi_reduction <add>, %mul3A_51, %reduce_sum3A_52 [1] : vector<1024x64xf32> to vector<1024xf32>
    %broadcast_in_dim3A_54 = vector.shape_cast %reduce_sum3A_53 : vector<1024xf32> to vector<1024x1xf32>
    %dot_general3A_55 = arith.constant dense<0.000000e+00> : vector<1024x1024xf32>
    %dot_general3A_56 = tpu.matmul %transpose3A_50, %add3A, %dot_general3A_55 {dimension_numbers = #tpu.dot_dimension_numbers<[1], [1], [0], [0], [0, 0, 1, 0], [], []>, transpose_lhs_hint = false} : vector<1024x64xf32>, vector<1024x64xf32>, vector<1024x1024xf32> -> vector<1024x1024xf32>
    %add3A_57 = vector.broadcast %broadcast_in_dim3A_54 : vector<1024x1xf32> to vector<1024x1024xf32>
    %add3A_58 = vector.broadcast %broadcast_in_dim3A : vector<1x1024xf32> to vector<1024x1024xf32>
    %add3A_59 = arith.addf %add3A_57, %add3A_58 : vector<1024x1024xf32>
    %sub3A_60 = arith.subf %add3A_59, %dot_general3A_56 : vector<1024x1024xf32>
    %max3A_61 = arith.constant 0.000000e+00 : f32
    %max3A_62 = vector.broadcast %max3A_61 : f32 to vector<1024x1024xf32>
    %max3A_63 = arith.maximumf %sub3A_60, %max3A_62 : vector<1024x1024xf32>
    %sqrt3A_64 = math.sqrt %max3A_63 : vector<1024x1024xf32>
    %reduce_min3A_65 = arith.constant dense<0x7F800000> : vector<1024xf32>
    %reduce_min3A_66 = vector.multi_reduction <minimumf>, %sqrt3A_64, %reduce_min3A_65 [1] : vector<1024x1024xf32> to vector<1024xf32>
    %broadcast_in_dim3A_67 = vector.shape_cast %reduce_min3A_66 : vector<1024xf32> to vector<1024x1xf32>
    %eq3A_68 = vector.broadcast %broadcast_in_dim3A_67 : vector<1024x1xf32> to vector<1024x1024xf32>
    %eq3A_69 = arith.cmpf oeq, %sqrt3A_64, %eq3A_68 : vector<1024x1024xf32>
    %transpose3A_70 = tpu.transpose %get3A_4, [1, 0] : vector<1024x1xi32> -> vector<1x1024xi32>
    %jit3A_71 = arith.constant 1024 : i32
    %broadcast_in_dim3A_72 = vector.shape_cast %transpose3A_70 : vector<1x1024xi32> to vector<1x1024xi32>
    %broadcast_in_dim3A_73 = vector.broadcast %broadcast_in_dim3A_72 : vector<1x1024xi32> to vector<1024x1024xi32>
    %broadcast_in_dim3A_74 = vector.broadcast %jit3A_71 : i32 to vector<1024x1024xi32>
    %select_n3A_75 = arith.select %eq3A_69, %broadcast_in_dim3A_73, %broadcast_in_dim3A_74 : vector<1024x1024xi1>, vector<1024x1024xi32>
    %reduce_min3A_76 = arith.constant dense<2147483647> : vector<1024xi32>
    %reduce_min3A_77 = vector.multi_reduction <minsi>, %select_n3A_75, %reduce_min3A_76 [1] : vector<1024x1024xi32> to vector<1024xi32>
    %reshape3A_78 = vector.shape_cast %reduce_min3A_77 : vector<1024xi32> to vector<8x128xi32>
    %swap3A_79 = arith.constant 1 : index
    %swap3A_80 = arith.constant 0 : index
    %swap3A_81 = arith.constant 0 : index
    %swap3A_82 = vector.load %arg4[%swap3A_79, %swap3A_80, %swap3A_81] : memref<4x8x128xi32, #tpu.memory_space<vmem>>, vector<1x8x128xi32>
    %swap3A_83 = vector.shape_cast %swap3A_82 : vector<1x8x128xi32> to vector<8x128xi32>
    %swap3A_84 = vector.shape_cast %reshape3A_78 : vector<8x128xi32> to vector<1x8x128xi32>
    tpu.vector_store %arg4[%swap3A_79, %swap3A_80, %swap3A_81], %swap3A_84 {strides = array<i32>} : memref<4x8x128xi32, #tpu.memory_space<vmem>>, vector<1x8x128xi32>,
    %mul3A_85 = arith.mulf %broadcast_in_dim3A_67, %broadcast_in_dim3A_67 : vector<1024x1xf32>
    %reduce_sum3A_86 = vector.shape_cast %mul3A_85 : vector<1024x1xf32> to vector<1x1024x1xf32>
    %reduce_sum3A_87 = arith.constant dense<0.000000e+00> : vector<1xf32>
    %reduce_sum3A_88 = vector.multi_reduction <add>, %reduce_sum3A_86, %reduce_sum3A_87 [1, 2] : vector<1x1024x1xf32> to vector<1xf32>
    %reduce_sum3A_89 = vector.shape_cast %reduce_sum3A_88 : vector<1xf32> to vector<1x1x1xf32>
    %reduce_sum3A_90 = vector.extract %reduce_sum3A_89[0, 0, 0] : f32 from vector<1x1x1xf32>
    %reshape3A_91 = vector.broadcast %reduce_sum3A_90 : f32 to vector<1x1xf32>
    %add3A_92 = arith.addf %add3A_44, %reshape3A_91 : vector<1x1xf32>
    %get3A_93 = arith.constant 2 : index
    %get3A_94 = arith.constant 0 : index
    %get3A_95 = arith.constant 0 : index
    %get3A_96 = vector.load %arg1[%get3A_93, %get3A_94, %get3A_95] : memref<4x64x1024xf32, #tpu.memory_space<vmem>>, vector<1x64x1024xf32>
    %get3A_97 = vector.shape_cast %get3A_96 : vector<1x64x1024xf32> to vector<64x1024xf32>
    %transpose3A_98 = tpu.transpose %get3A_97, [1, 0] : vector<64x1024xf32> -> vector<1024x64xf32>
    %mul3A_99 = arith.mulf %transpose3A_98, %transpose3A_98 : vector<1024x64xf32>
    %reduce_sum3A_100 = arith.constant dense<0.000000e+00> : vector<1024xf32>
    %reduce_sum3A_101 = vector.multi_reduction <add>, %mul3A_99, %reduce_sum3A_100 [1] : vector<1024x64xf32> to vector<1024xf32>
    %broadcast_in_dim3A_102 = vector.shape_cast %reduce_sum3A_101 : vector<1024xf32> to vector<1024x1xf32>
    %dot_general3A_103 = arith.constant dense<0.000000e+00> : vector<1024x1024xf32>
    %dot_general3A_104 = tpu.matmul %transpose3A_98, %add3A, %dot_general3A_103 {dimension_numbers = #tpu.dot_dimension_numbers<[1], [1], [0], [0], [0, 0, 1, 0], [], []>, transpose_lhs_hint = false} : vector<1024x64xf32>, vector<1024x64xf32>, vector<1024x1024xf32> -> vector<1024x1024xf32>
    %add3A_105 = vector.broadcast %broadcast_in_dim3A_102 : vector<1024x1xf32> to vector<1024x1024xf32>
    %add3A_106 = vector.broadcast %broadcast_in_dim3A : vector<1x1024xf32> to vector<1024x1024xf32>
    %add3A_107 = arith.addf %add3A_105, %add3A_106 : vector<1024x1024xf32>
    %sub3A_108 = arith.subf %add3A_107, %dot_general3A_104 : vector<1024x1024xf32>
    %max3A_109 = arith.constant 0.000000e+00 : f32
    %max3A_110 = vector.broadcast %max3A_109 : f32 to vector<1024x1024xf32>
    %max3A_111 = arith.maximumf %sub3A_108, %max3A_110 : vector<1024x1024xf32>
    %sqrt3A_112 = math.sqrt %max3A_111 : vector<1024x1024xf32>
    %reduce_min3A_113 = arith.constant dense<0x7F800000> : vector<1024xf32>
    %reduce_min3A_114 = vector.multi_reduction <minimumf>, %sqrt3A_112, %reduce_min3A_113 [1] : vector<1024x1024xf32> to vector<1024xf32>
    %broadcast_in_dim3A_115 = vector.shape_cast %reduce_min3A_114 : vector<1024xf32> to vector<1024x1xf32>
    %eq3A_116 = vector.broadcast %broadcast_in_dim3A_115 : vector<1024x1xf32> to vector<1024x1024xf32>
    %eq3A_117 = arith.cmpf oeq, %sqrt3A_112, %eq3A_116 : vector<1024x1024xf32>
    %transpose3A_118 = tpu.transpose %get3A_4, [1, 0] : vector<1024x1xi32> -> vector<1x1024xi32>
    %jit3A_119 = arith.constant 1024 : i32
    %broadcast_in_dim3A_120 = vector.shape_cast %transpose3A_118 : vector<1x1024xi32> to vector<1x1024xi32>
    %broadcast_in_dim3A_121 = vector.broadcast %broadcast_in_dim3A_120 : vector<1x1024xi32> to vector<1024x1024xi32>
    %broadcast_in_dim3A_122 = vector.broadcast %jit3A_119 : i32 to vector<1024x1024xi32>
    %select_n3A_123 = arith.select %eq3A_117, %broadcast_in_dim3A_121, %broadcast_in_dim3A_122 : vector<1024x1024xi1>, vector<1024x1024xi32>
    %reduce_min3A_124 = arith.constant dense<2147483647> : vector<1024xi32>
    %reduce_min3A_125 = vector.multi_reduction <minsi>, %select_n3A_123, %reduce_min3A_124 [1] : vector<1024x1024xi32> to vector<1024xi32>
    %reshape3A_126 = vector.shape_cast %reduce_min3A_125 : vector<1024xi32> to vector<8x128xi32>
    %swap3A_127 = arith.constant 2 : index
    %swap3A_128 = arith.constant 0 : index
    %swap3A_129 = arith.constant 0 : index
    %swap3A_130 = vector.load %arg4[%swap3A_127, %swap3A_128, %swap3A_129] : memref<4x8x128xi32, #tpu.memory_space<vmem>>, vector<1x8x128xi32>
    %swap3A_131 = vector.shape_cast %swap3A_130 : vector<1x8x128xi32> to vector<8x128xi32>
    %swap3A_132 = vector.shape_cast %reshape3A_126 : vector<8x128xi32> to vector<1x8x128xi32>
    tpu.vector_store %arg4[%swap3A_127, %swap3A_128, %swap3A_129], %swap3A_132 {strides = array<i32>} : memref<4x8x128xi32, #tpu.memory_space<vmem>>, vector<1x8x128xi32>,
    %mul3A_133 = arith.mulf %broadcast_in_dim3A_115, %broadcast_in_dim3A_115 : vector<1024x1xf32>
    %reduce_sum3A_134 = vector.shape_cast %mul3A_133 : vector<1024x1xf32> to vector<1x1024x1xf32>
    %reduce_sum3A_135 = arith.constant dense<0.000000e+00> : vector<1xf32>
    %reduce_sum3A_136 = vector.multi_reduction <add>, %reduce_sum3A_134, %reduce_sum3A_135 [1, 2] : vector<1x1024x1xf32> to vector<1xf32>
    %reduce_sum3A_137 = vector.shape_cast %reduce_sum3A_136 : vector<1xf32> to vector<1x1x1xf32>
    %reduce_sum3A_138 = vector.extract %reduce_sum3A_137[0, 0, 0] : f32 from vector<1x1x1xf32>
    %reshape3A_139 = vector.broadcast %reduce_sum3A_138 : f32 to vector<1x1xf32>
    %add3A_140 = arith.addf %add3A_92, %reshape3A_139 : vector<1x1xf32>
    %get3A_141 = arith.constant 3 : index
    %get3A_142 = arith.constant 0 : index
    %get3A_143 = arith.constant 0 : index
    %get3A_144 = vector.load %arg1[%get3A_141, %get3A_142, %get3A_143] : memref<4x64x1024xf32, #tpu.memory_space<vmem>>, vector<1x64x1024xf32>
    %get3A_145 = vector.shape_cast %get3A_144 : vector<1x64x1024xf32> to vector<64x1024xf32>
    %transpose3A_146 = tpu.transpose %get3A_145, [1, 0] : vector<64x1024xf32> -> vector<1024x64xf32>
    %mul3A_147 = arith.mulf %transpose3A_146, %transpose3A_146 : vector<1024x64xf32>
    %reduce_sum3A_148 = arith.constant dense<0.000000e+00> : vector<1024xf32>
    %reduce_sum3A_149 = vector.multi_reduction <add>, %mul3A_147, %reduce_sum3A_148 [1] : vector<1024x64xf32> to vector<1024xf32>
    %broadcast_in_dim3A_150 = vector.shape_cast %reduce_sum3A_149 : vector<1024xf32> to vector<1024x1xf32>
    %dot_general3A_151 = arith.constant dense<0.000000e+00> : vector<1024x1024xf32>
    %dot_general3A_152 = tpu.matmul %transpose3A_146, %add3A, %dot_general3A_151 {dimension_numbers = #tpu.dot_dimension_numbers<[1], [1], [0], [0], [0, 0, 1, 0], [], []>, transpose_lhs_hint = false} : vector<1024x64xf32>, vector<1024x64xf32>, vector<1024x1024xf32> -> vector<1024x1024xf32>
    %add3A_153 = vector.broadcast %broadcast_in_dim3A_150 : vector<1024x1xf32> to vector<1024x1024xf32>
    %add3A_154 = vector.broadcast %broadcast_in_dim3A : vector<1x1024xf32> to vector<1024x1024xf32>
    %add3A_155 = arith.addf %add3A_153, %add3A_154 : vector<1024x1024xf32>
    %sub3A_156 = arith.subf %add3A_155, %dot_general3A_152 : vector<1024x1024xf32>
    %max3A_157 = arith.constant 0.000000e+00 : f32
    %max3A_158 = vector.broadcast %max3A_157 : f32 to vector<1024x1024xf32>
    %max3A_159 = arith.maximumf %sub3A_156, %max3A_158 : vector<1024x1024xf32>
    %sqrt3A_160 = math.sqrt %max3A_159 : vector<1024x1024xf32>
    %reduce_min3A_161 = arith.constant dense<0x7F800000> : vector<1024xf32>
    %reduce_min3A_162 = vector.multi_reduction <minimumf>, %sqrt3A_160, %reduce_min3A_161 [1] : vector<1024x1024xf32> to vector<1024xf32>
    %broadcast_in_dim3A_163 = vector.shape_cast %reduce_min3A_162 : vector<1024xf32> to vector<1024x1xf32>
    %eq3A_164 = vector.broadcast %broadcast_in_dim3A_163 : vector<1024x1xf32> to vector<1024x1024xf32>
    %eq3A_165 = arith.cmpf oeq, %sqrt3A_160, %eq3A_164 : vector<1024x1024xf32>
    %transpose3A_166 = tpu.transpose %get3A_4, [1, 0] : vector<1024x1xi32> -> vector<1x1024xi32>
    %jit3A_167 = arith.constant 1024 : i32
    %broadcast_in_dim3A_168 = vector.shape_cast %transpose3A_166 : vector<1x1024xi32> to vector<1x1024xi32>
    %broadcast_in_dim3A_169 = vector.broadcast %broadcast_in_dim3A_168 : vector<1x1024xi32> to vector<1024x1024xi32>
    %broadcast_in_dim3A_170 = vector.broadcast %jit3A_167 : i32 to vector<1024x1024xi32>
    %select_n3A_171 = arith.select %eq3A_165, %broadcast_in_dim3A_169, %broadcast_in_dim3A_170 : vector<1024x1024xi1>, vector<1024x1024xi32>
    %reduce_min3A_172 = arith.constant dense<2147483647> : vector<1024xi32>
    %reduce_min3A_173 = vector.multi_reduction <minsi>, %select_n3A_171, %reduce_min3A_172 [1] : vector<1024x1024xi32> to vector<1024xi32>
    %reshape3A_174 = vector.shape_cast %reduce_min3A_173 : vector<1024xi32> to vector<8x128xi32>
    %swap3A_175 = arith.constant 3 : index
    %swap3A_176 = arith.constant 0 : index
    %swap3A_177 = arith.constant 0 : index
    %swap3A_178 = vector.load %arg4[%swap3A_175, %swap3A_176, %swap3A_177] : memref<4x8x128xi32, #tpu.memory_space<vmem>>, vector<1x8x128xi32>
    %swap3A_179 = vector.shape_cast %swap3A_178 : vector<1x8x128xi32> to vector<8x128xi32>
    %swap3A_180 = vector.shape_cast %reshape3A_174 : vector<8x128xi32> to vector<1x8x128xi32>
    tpu.vector_store %arg4[%swap3A_175, %swap3A_176, %swap3A_177], %swap3A_180 {strides = array<i32>} : memref<4x8x128xi32, #tpu.memory_space<vmem>>, vector<1x8x128xi32>,
    %mul3A_181 = arith.mulf %broadcast_in_dim3A_163, %broadcast_in_dim3A_163 : vector<1024x1xf32>
    %reduce_sum3A_182 = vector.shape_cast %mul3A_181 : vector<1024x1xf32> to vector<1x1024x1xf32>
    %reduce_sum3A_183 = arith.constant dense<0.000000e+00> : vector<1xf32>
    %reduce_sum3A_184 = vector.multi_reduction <add>, %reduce_sum3A_182, %reduce_sum3A_183 [1, 2] : vector<1x1024x1xf32> to vector<1xf32>
    %reduce_sum3A_185 = vector.shape_cast %reduce_sum3A_184 : vector<1xf32> to vector<1x1x1xf32>
    %reduce_sum3A_186 = vector.extract %reduce_sum3A_185[0, 0, 0] : f32 from vector<1x1x1xf32>
    %reshape3A_187 = vector.broadcast %reduce_sum3A_186 : f32 to vector<1x1xf32>
    %add3A_188 = arith.addf %add3A_140, %reshape3A_187 : vector<1x1xf32>
    %eq3A_189 = arith.constant 0 : i32
    %eq3A_190 = arith.cmpi eq, %arg0, %eq3A_189 : i32
    %convert_element_type3A = arith.extui %eq3A_190 : i1 to i32
    %cond3A = arith.constant 0 : i32
    %cond3A_191 = arith.cmpi ne, %convert_element_type3A, %cond3A : i32
    scf.if %cond3A_191 {
      %broadcast_in_dim3A_199 = arith.constant 0.000000e+00 : f32
      %broadcast_in_dim3A_200 = vector.broadcast %broadcast_in_dim3A_199 : f32 to vector<1x1xf32>
      %swap3A_201 = arith.constant 0 : index
      %swap3A_202 = arith.constant 0 : index
      %swap3A_203 = vector.load %arg5[%swap3A_201, %swap3A_202] : memref<1x1xf32, #tpu.memory_space<vmem>>, vector<1x1xf32>
      tpu.vector_store %arg5[%swap3A_201, %swap3A_202], %broadcast_in_dim3A_200 {strides = array<i32>} : memref<1x1xf32, #tpu.memory_space<vmem>>, vector<1x1xf32>,
    } else {
    }
    %get3A_192 = arith.constant 0 : index
    %get3A_193 = arith.constant 0 : index
    %get3A_194 = vector.load %arg5[%get3A_192, %get3A_193] : memref<1x1xf32, #tpu.memory_space<vmem>>, vector<1x1xf32>
    %add3A_195 = arith.addf %get3A_194, %add3A_188 : vector<1x1xf32>
    %swap3A_196 = arith.constant 0 : index
    %swap3A_197 = arith.constant 0 : index
    %swap3A_198 = vector.load %arg5[%swap3A_196, %swap3A_197] : memref<1x1xf32, #tpu.memory_space<vmem>>, vector<1x1xf32>
    tpu.vector_store %arg5[%swap3A_196, %swap3A_197], %add3A_195 {strides = array<i32>} : memref<1x1xf32, #tpu.memory_space<vmem>>, vector<1x1xf32>,
    return
  }
  func.func @transform_0(%arg0: i32) -> (i32, i32, i32) {
    %c0_i32 = arith.constant 0 : i32
    %c0_i32_0 = arith.constant 0 : i32
    %c0_i32_1 = arith.constant 0 : i32
    return %arg0, %c0_i32, %c0_i32_0 : i32, i32, i32
  }
  func.func @transform_1(%arg0: i32) -> (i32, i32) {
    %c0_i32 = arith.constant 0 : i32
    %c0_i32_0 = arith.constant 0 : i32
    %c0_i32_1 = arith.constant 0 : i32
    return %c0_i32, %c0_i32_0 : i32, i32
  }
  func.func @transform_2(%arg0: i32) -> (i32, i32) {
    %c0_i32 = arith.constant 0 : i32
    %c0_i32_0 = arith.constant 0 : i32
    %c0_i32_1 = arith.constant 0 : i32
    return %c0_i32, %c0_i32_0 : i32, i32
  }
  func.func @transform_3(%arg0: i32) -> (i32, i32, i32) {
    %c0_i32 = arith.constant 0 : i32
    %c0_i32_0 = arith.constant 0 : i32
    %c0_i32_1 = arith.constant 0 : i32
    return %arg0, %c0_i32, %c0_i32_0 : i32, i32, i32
  }
  func.func @transform_4(%arg0: i32) -> (i32, i32) {
    %c0_i32 = arith.constant 0 : i32
    %c0_i32_0 = arith.constant 0 : i32
    %c0_i32_1 = arith.constant 0 : i32
    return %c0_i32, %c0_i32_0 : i32, i32
  }
}

</mosaic_0001>

<sc_bundles>
// kernel: kernel.4.cloned.1.call-start
scs
__scs_entry_jumppad:
0x0: {  	(pc) =	sbr.rel $0x88, $3  }
0x1: {  	(tag) =	ssettag $0x0;
	lr =	simm.s32 $0x1  }
0x2: {  	[smem:$0x3F9F] =	sst lr;
	_ =	strace $0xD0000000  }
0x3: {  	_ = 	snop  }
0x4: {  	_ = 	snop  }
0x5: {  	_ = 	snop  }
0x6: {  	_ = 	snop  }
0x7: {  	_ = 	snop  }
__scs_overlays_trampoline_lowered:
0x8: {  	[smem:$0x3FAE] =	sst s0  }
0x9: {  	[smem:$0x3FAF] =	sst s1  }
0xa: {  	[smem:$0x3FB0] =	sst s2  }
0xb: {  	[smem:$0x3FB1] =	sst s3  }
0xc: {  	[smem:$0x3FB2] =	sst s4  }
0xd: {  	[smem:$0x3FB3] =	sst s5  }
0xe: {  	[smem:$0x3FB4] =	sst s6  }
0xf: {  	[smem:$0x3FB5] =	sst s7  }
0x10: {  	[smem:$0x3FB6] =	sst s8  }
0x11: {  	[smem:$0x3FB7] =	sst s9;
	s0 =	simm.s32 @!p0 $0x0  }
0x12: {  	s1 =	sld [smem:$0x3F9D];
	s0 =	simm.s32 @p0 $0x1  }
0x13: {  	[smem:$0x3FB8] =	sst s0;
	s0 =	simm.s32 @!p1 $0x0  }
0x14: {  	s2 =	sld [smem:$0x3F9C];
	s0 =	simm.s32 @p1 $0x1  }
0x15: {  	[smem:$0x3FB9] =	sst s0;
	s0 =	simm.s32 @!p2 $0x0  }
0x16: {  	s3 =	sld [smem:$0x3FDB];
	s0 =	simm.s32 @p2 $0x1  }
0x17: {  	s4 =	simm.s32 $0x1BF5;
	[smem:$0x3FBB] =	sst s0  }
0x18: {  	s0 =	sld [smem:$0x3F9E];
	_ =	swait.ge [sflag:s4], $0x0  }
0x19: {  	s7 =	sld [smem:$0x3F9F]  }
0x1a: {  	s8 =	sadd.s32 $0xFFFFE003, lr  }
0x1b: {  	s9 =	sadd.s32 $0xFFFFFEF7, lr;
	s5 =	simm.s32 $0xFFFFFFFF;
	p2 =	slt.u32 s8, $0xFFFFF086  }
0x1c: {  	p1 =	slt.u32 s9, $0xF7A;
	s5 =	simm.s32 @!p2 $0x0  }
0x1d: {  	s5 =	simm.s32 @p1 $0x1;
	p0 =	seq.s32 s7, s2  }
0x1e: {  	s7 =	smul.u32 @!p0 $0xF7A, s2;
	p2 =	seq.s32 @!p0 s5, $0x0  }
0x1f: {  	s9 =	smul.u32 $0xF7A, s1;
	s8 =	simm.s32 @!p0 $0x1BF5;
	p2 =	por !p2, p0  }
0x20: {  	[sflag:s8] =	ssyncset.s32 @!p0 $0xFFFFF086;
	s6 =	sadd.s32 @!p0 s3, s7;
	s7 =	simm.s32 @!p0 $0x108  }
0x21: {  	s3 =	sadd.s32 s3, s9;
	s6 =	sadd.s32 @!p0 $0x88, s6;
	s7 =	simm.s32 @p2 $0x1082  }
0x22: {  	[simem:s7], [sflag:s8] =	dma.local @!p0 [hbm:s6], $0xF7A  }
0x23: {  	s9 =	sor.u32 $0xD0000000, s2;
	s6 =	simm.s32 $0x108;
	_ =	swait.ge @!p0 [sflag:s8], $0x0  }
0x24: {  	s3 =	sadd.s32 $0x88, s3;
	s6 =	simm.s32 @!p1 $0x1082;
	[sflag:s4] =	ssyncset.s32 $0xFFFFF086  }
0x25: {  	[simem:s6], [sflag:s4] =	dma.local [hbm:s3], $0xF7A  }
0x26: {  	[smem:$0x3F9F] =	sst s1;
	(tag) =	ssettag s2;
	_ =	strace s9  }
0x27: {  	s1 =	sld [smem:$0x3FAF]  }
0x28: {  	s2 =	sld [smem:$0x3FB0]  }
0x29: {  	s4 =	sld [smem:$0x3FB2]  }
0x2a: {  	p0 =	seq.s32 s5, $0x0;
	s5 =	sld [smem:$0x3FB3]  }
0x2b: {  	s6 =	sld [smem:$0x3FB4]  }
0x2c: {  	s7 =	sld [smem:$0x3FB5]  }
0x2d: {  	s3 =	simm.s32 $0x108;
	s8 =	sld [smem:$0x3FB6]  }
0x2e: {  	s3 =	simm.s32 @!p0 $0x1082;
	s9 =	sld [smem:$0x3FB7]  }
0x2f: {  	lr =	sadd.s32 s0, s3;
	s0 =	sld [smem:$0x3FAE]  }
0x30: {  	s3 =	sld [smem:$0x3FB1]  }
0x31: {  	[smem:$0x3FBA] =	sst s10  }
0x32: {  	s10 =	sld [smem:$0x3FB8];
	_ =	sdelay $0x3  }
0x33: {  	p0 =	seq.s32 s10, $0x1;
	s10 =	sld [smem:$0x3FBA];
	_ =	sdelay $0x3  }
0x34: {  	[smem:$0x3FBA] =	sst s10  }
0x35: {  	s10 =	sld [smem:$0x3FB9];
	_ =	sdelay $0x3  }
0x36: {  	p1 =	seq.s32 s10, $0x1;
	s10 =	sld [smem:$0x3FBA];
	_ =	sdelay $0x3  }
0x37: {  	[smem:$0x3FBA] =	sst s10  }
0x38: {  	s10 =	sld [smem:$0x3FBB]  }
0x39: {  	_ = 	snop;
	(pc) =	sbr.ind lr, $3  }
0x3a: {  	_ = 	snop  }
0x3b: {  	_ = 	snop  }
0x3c: {  	p2 =	seq.s32 s10, $0x1;
	s10 =	sld [smem:$0x3FBA]  }
0x3d: {  	_ =	shalt  }
0x3e: {  	_ =	shalt  }
0x3f: {  	_ =	shalt  }
0x40: {  	_ =	shalt  }
0x41: {  	_ =	shalt  }
0x42: {  	_ =	shalt  }
0x43: {  	_ =	shalt  }
0x44: {  	_ =	shalt  }
0x45: {  	_ =	shalt  }
0x46: {  	_ =	shalt  }
0x47: {  	_ =	shalt  }
0x48: {  	_ =	shalt  }
0x49: {  	_ =	shalt  }
0x4a: {  	_ =	shalt  }
0x4b: {  	_ =	shalt  }
0x4c: {  	_ =	shalt  }
0x4d: {  	_ =	shalt  }
0x4e: {  	_ =	shalt  }
0x4f: {  	_ =	shalt  }
0x50: {  	_ =	shalt  }
0x51: {  	_ =	shalt  }
0x52: {  	_ =	shalt  }
0x53: {  	_ =	shalt  }
0x54: {  	_ =	shalt  }
0x55: {  	_ =	shalt  }
0x56: {  	_ =	shalt  }
0x57: {  	_ =	shalt  }
0x58: {  	_ =	shalt  }
0x59: {  	_ =	shalt  }
0x5a: {  	_ =	shalt  }
0x5b: {  	_ =	shalt  }
0x5c: {  	_ =	shalt  }
0x5d: {  	_ =	shalt  }
0x5e: {  	_ =	shalt  }
0x5f: {  	_ =	shalt  }
0x60: {  	_ =	shalt  }
0x61: {  	_ =	shalt  }
0x62: {  	_ =	shalt  }
0x63: {  	_ =	shalt  }
0x64: {  	_ =	shalt  }
0x65: {  	_ =	shalt  }
0x66: {  	_ =	shalt  }
0x67: {  	_ =	shalt  }
0x68: {  	_ =	shalt  }
0x69: {  	_ =	shalt  }
0x6a: {  	_ =	shalt  }
0x6b: {  	_ =	shalt  }
0x6c: {  	_ =	shalt  }
0x6d: {  	_ =	shalt  }
0x6e: {  	_ =	shalt  }
0x6f: {  	_ =	shalt  }
0x70: {  	_ =	shalt  }
0x71: {  	_ =	shalt  }
0x72: {  	_ =	shalt  }
0x73: {  	_ =	shalt  }
0x74: {  	_ =	shalt  }
0x75: {  	_ =	shalt  }
0x76: {  	_ =	shalt  }
0x77: {  	_ =	shalt  }
0x78: {  	_ =	shalt  }
0x79: {  	_ =	shalt  }
0x7a: {  	_ =	shalt  }
0x7b: {  	_ =	shalt  }
0x7c: {  	_ =	shalt  }
0x7d: {  	_ =	shalt  }
0x7e: {  	_ =	shalt  }
0x7f: {  	_ =	shalt  }
0x80: {  	_ =	shalt  }
0x81: {  	_ =	shalt  }
0x82: {  	_ =	shalt  }
0x83: {  	_ =	shalt  }
0x84: {  	_ =	shalt  }
0x85: {  	_ =	shalt  }
0x86: {  	_ =	shalt  }
0x87: {  	_ =	shalt  }
.Lfunc_end0:
.L_simem_size_0:
called_computation_lowered:
.L_overlay_start_0:
0x88: {  	s2 =	sld [smem:$0x3FD9]  }
0x89: {  	s3 =	sld [smem:$0x3FFE];
	_ =	sdelay $0x1  }
0x8a: {  	s1 =	srdreg.scid  }
0x8b: {  	s0 =	sand.u32 $0x1, s1  }
0x8c: {  	s14 =	sshll.u32 s0, $0xA;
	s2 =	sadd.s32 s3, s2  }
0x8d: {  	s2 =	sadd.s32 s2, s14  }
0x8e: {  	[smem:$0x3FC6] =	sst s2  }
0x8f: {  	_ = 	snop  }
0x90: {  	s2 =	sld [smem:$0x3FD0];
	_ =	sdelay $0x2  }
0x91: {  	s15 =	simm.s32 $0xA;
	s4 =	simm.s32 $0x10  }
0x92: {  	[smem:s4], [sflag:s15] =	dma.local [hbm:s2], $0x1  }
0x93: {  	_ =	swait.eq [sflag:s15], $0x1  }
0x94: {  	[sflag:s15] =	ssyncset.done $0x0  }
0x95: {  	[sflag:s15] =	ssyncadd.s32 $0xFFFFFFFF  }
0x96: {  	s16 =	sld [smem:$0x10];
	(tm) =	ssettm $0x1  }
0x97: {  	s17 =	sld [smem:$0x3FFB];
	_ =	sdelay $0x3  }
0x98: {  	_ =	strace s17  }
0x99: {  	s3 =	sld [smem:$0x3FFC];
	_ =	sdelay $0x3  }
0x9a: {  	_ =	strace s3  }
0x9b: {  	s3 =	sld [smem:$0x3FFD];
	_ =	sdelay $0x3  }
0x9c: {  	_ =	strace s3  }
0x9d: {  	_ =	strace $0x8FFFFFFF  }
0x9e: {  	s18 =	sld [smem:$0x3FDB];
	_ =	sdelay $0x1  }
0x9f: {  	s19 =	simm.s32 $_scs_section_size  }
0xa0: {  	s5 =	simm.s32 $_size__tile_overlayer_lowered;
	s6 =	simm.s32 $_tile_overlayer_lowered  }
0xa1: {  	s22 =	simm.s32 $0x1BFF;
	s21 =	sshll.u32 s6, $0x1;
	s3 =	sadd.s32 s19, s18  }
0xa2: {  	s7 =	simm.s32 $0x0;
	s20 =	sshll.u32 s5, $0x1;
	s5 =	sadd.s32 s21, s3  }
0xa3: {  	[timem:s7], [sflag:s22] =	dma.local [hbm:s5], s20  }
0xa4: {  	_ =	swait.ge [sflag:s22], s20  }
0xa5: {  	s4 =	ssub.s32 $0x0, s20;
	[sflag:s22] =	ssyncset.done $0x0  }
0xa6: {  	[sflag:s22] =	ssyncadd.s32 s4;
	_ =	sdelay $0x1  }
0xa7: {  	s23 =	simm.s32 $0x1B8B  }
0xa8: {  	_ =	swait.ge [sflag:s23], $0x1  }
0xa9: {  	[sflag:s23] =	ssyncset.done $0x0  }
0xaa: {  	s25 =	simm.s32 $0x1B8E;
	s24 =	sld [smem:$0x3FFE];
	[sflag:s23] =	ssyncadd.s32 $0xFFFFFFFF  }
0xab: {  	s26 =	simm.s32 $execute0_lowered;
	[smem:$0x3FD2] =	sst s25  }
0xac: {  	s5 =	sshll.u32 s26, $0x1;
	_ =	strace $0x80000046;
	[dreg:$0x1] =	wrdreg $0xFFFFFFFF  }
0xad: {  	s28 =	simm.s32 $_size_execute0_lowered;
	s3 =	sadd.s32 s3, s5;
	[dreg:$0x0] =	wrdreg $0x0  }
0xae: {  	s5 =	sshll.u32 s28, $0x1;
	[dreg:$0x2] =	wrdreg s3  }
0xaf: {  	[dreg:$0x3] =	wrdreg s5  }
0xb0: {  	[dreg:$0x4] =	wrdreg $0xC0  }
0xb1: {  	_ =	task [dreg:s7], $0x5FFFF  }
0xb2: {  	[dreg:$0x1] =	wrdreg $0xFFFFFFFF  }
0xb3: {  	[dreg:$0x0] =	wrdreg $0x60  }
0xb4: {  	[dreg:$0x2] =	wrdreg s16  }
0xb5: {  	[dreg:$0x3] =	wrdreg s24  }
0xb6: {  	[dreg:$0x4] =	wrdreg $0x9  }
0xb7: {  	_ =	task.clear_ibuf [dreg:s7], $0x5FFFF;
	_ =	strace $0x90000046  }
0xb8: {  	s29 =	simm.s32 $0x9;
	_ =	strace $0x80000048  }
0xb9: {  	_ =	swait.ge [sflag:s29], $0x1  }
0xba: {  	[sflag:s29] =	ssyncadd.s32 $0xFFFFFFFF  }
0xbb: {  	_ =	strace $0x90000048  }
0xbc: {  	_ =	sfence  }
0xbd: {  	s30 =	sld [smem:$0x0];
	_ =	sdelay $0x2  }
0xbe: {  	s31 =	sshll.u32 s1, $0xD;
	s1 =	sshrl.u32 s1, $0x2  }
0xbf: {  	s3 =	sand.u32 $0x4000, s31;
	s1 =	sadd.s32 s1, s30  }
0xc0: {  	s0 =	sor.u32 s3, s0;
	s1 =	sshll.u32 s1, $0x11  }
0xc1: {  	s0 =	sor.u32 s1, s0  }
0xc2: {  	s0 =	sadd.s32 $0x8F2B, s0  }
0xc3: {  	[sflag:s0] =	ssyncadd.remote.s32 $0x1  }
0xc4: {  	_ =	sfence.sel $0xFFFF  }
0xc5: {  	[dreg:$0x0] =	wrdreg $0xFFFFFFFF;
	(pc) =	sbr.abs _section_cstart, $3  }
0xc6: {  	[dreg:$0x1] =	wrdreg $0xFFFFFFFF  }
0xc7: {  	_ =	task.clear_ibuf [dreg:s7], $0x2FFFF;
	_ =	strace $0x9FFFFFFF  }
0xc8: {  	(tm) =	ssettm $0x7FFFFFFF  }
0xc9: {  	_ =	shalt  }
tec
execute0_lowered:
.L_overlay_start_1:
0x0: {  	(tag) =	ssettag $0x1  }
0x1: {  	s0 =	rddreg [dreg:$0x1]  }
0x2: {  	s3 =	simm.s32 $0x0;
	s4 =	stileid.u32;
	s1 =	srdreg.scid  }
0x3: {  	s2 =	sshll.u32 s4, $0x8;
	s1 =	sand.u32 $0x1, s1;
	s4 =	sshll.u32 s4, $0x1  }
0x4: {  	[smem:$0x7FF] =	sst s3;
	s2 =	sand.u32 $0xC00, s2;
	s4 =	sor.u32 s1, s4  }
0x5: {  	_ =	strace $0x80000047;
	s5 =	sshll.u32 s4, $0x4;
	s4 =	sshll.u32 s4, $0xD  }
0x6: {  	s1 =	ssub.s32 $0x2, s1;
	s2 =	sadd.s32 s2, s0;
	s0 =	sadd.s32 s4, s0  }
0x7: {  	s29 =	sshrl.u32 s1, $0x1;
	s5 =	sand.u32 $0x70, s5;
	s30 =	sadd.s32 $0x1600, s0  }
0x8: {  	s1 =	ssub.s32 s1, s29;
	s0 =	sadd.s32 $0x1800, s0;
	[dreg:$0x4] =	wrdreg s30  }
0x9: {  	s2 =	sadd.s32 s5, s2;
	s31 =	smax.u32 s1, $0x1;
	[dreg:$0x5] =	wrdreg s0  }
0xa: {  	s2 =	sadd.s32 $0x600, s2;
	[dreg:$0x6] =	wrdreg s31  }
0xb: {  	s1 =	simm.s32 $0x1;
	[dreg:$0x3] =	wrdreg s2;
	s2 =	simm.s32 $0x0  }
.LBB2_1:
0xc: {  	[dreg:$0x7] =	wrdreg s2  }
0xd: {  	s0 =	rddreg [dreg:$0x0]  }
0xe: {  	[tilespmem:s3], [sflag:$0x1] =	stream.linear.gather [hbm4b:s0+s3], $0x10000, $0x38;
	[tilespmem:$0x18400] =	vst v63  }
0xf: {  	_ =	swait.ge [sflag:s1], $0x10000  }
0x10: {  	s15 =	simm.s32 $0x10000;
	s31 =	simm.s32 $0x80;
	[sflag:s1] =	ssyncset.done $0x0  }
0x11: {  	s4 =	simm.s32 $0x400;
	s30 =	rddreg [dreg:$0x3];
	[sflag:s1] =	ssyncadd.s32 $0xFFFF0000  }
0x12: {  	[tilespmem:s15], [sflag:$0x1] =	stream.strided.gather [hbm4b:s30+s31], $0x400, s4, s31, $0x38;
	[tilespmem:$0x18400] =	vst v63  }
0x13: {  	_ =	swait.ge [sflag:s1], $0x400  }
0x14: {  	s16 =	simm.s32 $0xFFFFFFFE;
	s17 =	simm.s32 $0x0;
	[sflag:s1] =	ssyncset.done $0x0  }
0x15: {  	s18 =	simm.s32 $0x0;
	s19 =	simm.s32 $0x0;
	[sflag:s1] =	ssyncadd.s32 $0xFFFFFC00  }
.LBB2_2:
0x16: {  	v0 =	vld [tilespmem:s15+$0x0];
	_ =	sdelay $0x7  }
0x17: {  	v1 =	vld.idx.msk [tilespmem:v0+s3+$0x0], $0xffff  }
0x18: {  	v2 =	vadd.s32 $0x400, v0  }
0x19: {  	s26 =	sand.u32 $0xC00, s19  }
0x1a: {  	s24 =	sand.u32 $0x60, s17;
	s0 =	sadd.s32 $0x10400, s26  }
0x1b: {  	[dreg:$0x8] =	wrdreg s0;
	s0 =	sor.u32 s24, s0  }
0x1c: {  	[tilespmem:s0+$0x0] =	vst v1  }
0x1d: {  	v1 =	vld.idx.msk [tilespmem:v2+s3+$0x0], $0xffff  }
0x1e: {  	v61 =	vadd.s32 $0x800, v0;
	_ =	sdelay $0x3  }
0x1f: {  	[tilespmem:s0+$0x80] =	vst v1  }
0x20: {  	v1 =	vld.idx.msk [tilespmem:v61+s3+$0x0], $0xffff  }
0x21: {  	v62 =	vadd.s32 $0xC00, v0;
	_ =	sdelay $0x3  }
0x22: {  	[tilespmem:s0+$0x100] =	vst v1  }
0x23: {  	v1 =	vld.idx.msk [tilespmem:v62+s3+$0x0], $0xffff  }
0x24: {  	v63 =	vadd.s32 $0x1000, v0;
	_ =	sdelay $0x3  }
0x25: {  	[tilespmem:s0+$0x180] =	vst v1  }
0x26: {  	v1 =	vld.idx.msk [tilespmem:v63+s3+$0x0], $0xffff  }
0x27: {  	v4 =	vadd.s32 $0x1400, v0;
	_ =	sdelay $0x3  }
0x28: {  	[tilespmem:s0+$0x200] =	vst v1  }
0x29: {  	v1 =	vld.idx.msk [tilespmem:v4+s3+$0x0], $0xffff  }
0x2a: {  	v5 =	vadd.s32 $0x1800, v0;
	_ =	sdelay $0x3  }
0x2b: {  	[tilespmem:s0+$0x280] =	vst v1  }
0x2c: {  	v1 =	vld.idx.msk [tilespmem:v5+s3+$0x0], $0xffff  }
0x2d: {  	s25 =	sand.u32 $0x3, s18;
	v6 =	vadd.s32 $0x1C00, v0  }
0x2e: {  	s0 =	sshll.u32 s25, $0x5  }
0x2f: {  	s0 =	sadd.s32 s0, s19  }
0x30: {  	[dreg:$0x9] =	wrdreg s0;
	s0 =	sor.u32 $0x300, s0  }
0x31: {  	[tilespmem:s0+$0x10400] =	vst v1  }
0x32: {  	v1 =	vld.idx.msk [tilespmem:v6+s3+$0x0], $0xffff  }
0x33: {  	v7 =	vadd.s32 $0x2000, v0;
	_ =	sdelay $0x1  }
0x34: {  	s28 =	sor.u32 s19, s17  }
0x35: {  	s0 =	sor.u32 $0x380, s28  }
0x36: {  	[tilespmem:s0+$0x10400] =	vst v1  }
0x37: {  	v1 =	vld.idx.msk [tilespmem:v7+s3+$0x0], $0xffff  }
0x38: {  	v8 =	vadd.s32 $0x2400, v0;
	_ =	sdelay $0x1  }
0x39: {  	s29 =	sadd.s32 $0x11400, s26  }
0x3a: {  	s0 =	sor.u32 s24, s29  }
0x3b: {  	[tilespmem:s0+$0x0] =	vst v1  }
0x3c: {  	v1 =	vld.idx.msk [tilespmem:v8+s3+$0x0], $0xffff  }
0x3d: {  	v9 =	vadd.s32 $0x2800, v0;
	_ =	sdelay $0x1  }
0x3e: {  	s30 =	sadd.s32 $0x11480, s26  }
0x3f: {  	s0 =	sor.u32 s24, s30  }
0x40: {  	[tilespmem:s0+$0x0] =	vst v1  }
0x41: {  	v1 =	vld.idx.msk [tilespmem:v9+s3+$0x0], $0xffff  }
0x42: {  	v10 =	vadd.s32 $0x2C00, v0;
	_ =	sdelay $0x1  }
0x43: {  	s31 =	sadd.s32 $0x11500, s26  }
0x44: {  	s0 =	sor.u32 s24, s31  }
0x45: {  	[tilespmem:s0+$0x0] =	vst v1  }
0x46: {  	v1 =	vld.idx.msk [tilespmem:v10+s3+$0x0], $0xffff  }
0x47: {  	v11 =	vadd.s32 $0x3000, v0;
	_ =	sdelay $0x1  }
0x48: {  	s1 =	sadd.s32 $0x11580, s26  }
0x49: {  	s0 =	sor.u32 s24, s1  }
0x4a: {  	[tilespmem:s0+$0x0] =	vst v1  }
0x4b: {  	v1 =	vld.idx.msk [tilespmem:v11+s3+$0x0], $0xffff  }
0x4c: {  	v12 =	vadd.s32 $0x3400, v0;
	_ =	sdelay $0x1  }
0x4d: {  	s2 =	sadd.s32 $0x11600, s26  }
0x4e: {  	s0 =	sor.u32 s24, s2  }
0x4f: {  	[tilespmem:s0+$0x0] =	vst v1  }
0x50: {  	v1 =	vld.idx.msk [tilespmem:v12+s3+$0x0], $0xffff  }
0x51: {  	v13 =	vadd.s32 $0x3800, v0;
	_ =	sdelay $0x1  }
0x52: {  	s4 =	sadd.s32 $0x11680, s26  }
0x53: {  	s0 =	sor.u32 s24, s4  }
0x54: {  	[tilespmem:s0+$0x0] =	vst v1  }
0x55: {  	v1 =	vld.idx.msk [tilespmem:v13+s3+$0x0], $0xffff  }
0x56: {  	v14 =	vadd.s32 $0x3C00, v0;
	_ =	sdelay $0x1  }
0x57: {  	s5 =	sadd.s32 $0x11700, s26  }
0x58: {  	s0 =	sor.u32 s24, s5  }
0x59: {  	[tilespmem:s0+$0x0] =	vst v1  }
0x5a: {  	v1 =	vld.idx.msk [tilespmem:v14+s3+$0x0], $0xffff  }
0x5b: {  	v15 =	vadd.s32 $0x4000, v0;
	_ =	sdelay $0x1  }
0x5c: {  	s6 =	sadd.s32 $0x11780, s26  }
0x5d: {  	s0 =	sor.u32 s24, s6  }
0x5e: {  	[tilespmem:s0+$0x0] =	vst v1  }
0x5f: {  	v1 =	vld.idx.msk [tilespmem:v15+s3+$0x0], $0xffff  }
0x60: {  	v16 =	vadd.s32 $0x4400, v0;
	_ =	sdelay $0x1  }
0x61: {  	s7 =	sadd.s32 $0x12400, s26  }
0x62: {  	s0 =	sor.u32 s24, s7  }
0x63: {  	[tilespmem:s0+$0x0] =	vst v1  }
0x64: {  	v1 =	vld.idx.msk [tilespmem:v16+s3+$0x0], $0xffff  }
0x65: {  	v17 =	vadd.s32 $0x4800, v0;
	_ =	sdelay $0x1  }
0x66: {  	s8 =	sadd.s32 $0x12480, s26  }
0x67: {  	s0 =	sor.u32 s24, s8  }
0x68: {  	[tilespmem:s0+$0x0] =	vst v1  }
0x69: {  	v1 =	vld.idx.msk [tilespmem:v17+s3+$0x0], $0xffff  }
0x6a: {  	v18 =	vadd.s32 $0x4C00, v0;
	_ =	sdelay $0x1  }
0x6b: {  	s9 =	sadd.s32 $0x12500, s26  }
0x6c: {  	s0 =	sor.u32 s24, s9  }
0x6d: {  	[tilespmem:s0+$0x0] =	vst v1  }
0x6e: {  	v1 =	vld.idx.msk [tilespmem:v18+s3+$0x0], $0xffff  }
0x6f: {  	v19 =	vadd.s32 $0x5000, v0;
	_ =	sdelay $0x1  }
0x70: {  	s10 =	sadd.s32 $0x12580, s26  }
0x71: {  	s0 =	sor.u32 s24, s10  }
0x72: {  	[tilespmem:s0+$0x0] =	vst v1  }
0x73: {  	v1 =	vld.idx.msk [tilespmem:v19+s3+$0x0], $0xffff  }
0x74: {  	v20 =	vadd.s32 $0x5400, v0;
	_ =	sdelay $0x1  }
0x75: {  	s11 =	sadd.s32 $0x12600, s26  }
0x76: {  	s0 =	sor.u32 s24, s11  }
0x77: {  	[tilespmem:s0+$0x0] =	vst v1  }
0x78: {  	v1 =	vld.idx.msk [tilespmem:v20+s3+$0x0], $0xffff  }
0x79: {  	v21 =	vadd.s32 $0x5800, v0;
	_ =	sdelay $0x1  }
0x7a: {  	s12 =	sadd.s32 $0x12680, s26  }
0x7b: {  	s0 =	sor.u32 s24, s12  }
0x7c: {  	[tilespmem:s0+$0x0] =	vst v1  }
0x7d: {  	v1 =	vld.idx.msk [tilespmem:v21+s3+$0x0], $0xffff  }
0x7e: {  	v22 =	vadd.s32 $0x5C00, v0;
	_ =	sdelay $0x1  }
0x7f: {  	s13 =	sadd.s32 $0x12700, s26  }
0x80: {  	s0 =	sor.u32 s24, s13  }
0x81: {  	[tilespmem:s0+$0x0] =	vst v1  }
0x82: {  	v1 =	vld.idx.msk [tilespmem:v22+s3+$0x0], $0xffff  }
0x83: {  	v23 =	vadd.s32 $0x6000, v0;
	_ =	sdelay $0x1  }
0x84: {  	s14 =	sadd.s32 $0x12780, s26  }
0x85: {  	s0 =	sor.u32 s24, s14  }
0x86: {  	[tilespmem:s0+$0x0] =	vst v1  }
0x87: {  	v1 =	vld.idx.msk [tilespmem:v23+s3+$0x0], $0xffff  }
0x88: {  	v24 =	vadd.s32 $0x6400, v0;
	_ =	sdelay $0x1  }
0x89: {  	s20 =	sadd.s32 $0x13400, s26  }
0x8a: {  	s0 =	sor.u32 s24, s20  }
0x8b: {  	[tilespmem:s0+$0x0] =	vst v1  }
0x8c: {  	v1 =	vld.idx.msk [tilespmem:v24+s3+$0x0], $0xffff  }
0x8d: {  	v25 =	vadd.s32 $0x6800, v0;
	_ =	sdelay $0x1  }
0x8e: {  	s21 =	sadd.s32 $0x13480, s26  }
0x8f: {  	s0 =	sor.u32 s24, s21  }
0x90: {  	[tilespmem:s0+$0x0] =	vst v1  }
0x91: {  	v1 =	vld.idx.msk [tilespmem:v25+s3+$0x0], $0xffff  }
0x92: {  	v26 =	vadd.s32 $0x6C00, v0;
	_ =	sdelay $0x1  }
0x93: {  	s22 =	sadd.s32 $0x13500, s26  }
0x94: {  	s0 =	sor.u32 s24, s22  }
0x95: {  	[tilespmem:s0+$0x0] =	vst v1  }
0x96: {  	v1 =	vld.idx.msk [tilespmem:v26+s3+$0x0], $0xffff  }
0x97: {  	v27 =	vadd.s32 $0x7000, v0;
	_ =	sdelay $0x1  }
0x98: {  	s23 =	sadd.s32 $0x13580, s26  }
0x99: {  	s0 =	sor.u32 s24, s23  }
0x9a: {  	[tilespmem:s0+$0x0] =	vst v1  }
0x9b: {  	v1 =	vld.idx.msk [tilespmem:v27+s3+$0x0], $0xffff  }
0x9c: {  	v28 =	vadd.s32 $0x7400, v0;
	_ =	sdelay $0x1  }
0x9d: {  	s25 =	sadd.s32 $0x13600, s26  }
0x9e: {  	s0 =	sor.u32 s24, s25  }
0x9f: {  	[tilespmem:s0+$0x0] =	vst v1  }
0xa0: {  	v1 =	vld.idx.msk [tilespmem:v28+s3+$0x0], $0xffff  }
0xa1: {  	v29 =	vadd.s32 $0x7800, v0;
	_ =	sdelay $0x1  }
0xa2: {  	s28 =	sadd.s32 $0x13680, s26  }
0xa3: {  	s0 =	sor.u32 s24, s28  }
0xa4: {  	[tilespmem:s0+$0x0] =	vst v1  }
0xa5: {  	v1 =	vld.idx.msk [tilespmem:v29+s3+$0x0], $0xffff  }
0xa6: {  	v30 =	vadd.s32 $0x7C00, v0;
	_ =	sdelay $0x1  }
0xa7: {  	[dreg:$0xa] =	wrdreg s29;
	s29 =	sadd.s32 $0x13700, s26  }
0xa8: {  	s0 =	sor.u32 s24, s29  }
0xa9: {  	[tilespmem:s0+$0x0] =	vst v1  }
0xaa: {  	v1 =	vld.idx.msk [tilespmem:v30+s3+$0x0], $0xffff  }
0xab: {  	v31 =	vadd.s32 $0x8000, v0;
	_ =	sdelay $0x1  }
0xac: {  	[dreg:$0xb] =	wrdreg s30;
	s30 =	sadd.s32 $0x13780, s26  }
0xad: {  	s0 =	sor.u32 s24, s30  }
0xae: {  	[tilespmem:s0+$0x0] =	vst v1  }
0xaf: {  	v1 =	vld.idx.msk [tilespmem:v31+s3+$0x0], $0xffff  }
0xb0: {  	v32 =	vadd.s32 $0x8400, v0;
	_ =	sdelay $0x1  }
0xb1: {  	[dreg:$0xd] =	wrdreg s31;
	s31 =	sadd.s32 $0x14400, s26  }
0xb2: {  	s0 =	sor.u32 s24, s31  }
0xb3: {  	[tilespmem:s0+$0x0] =	vst v1  }
0xb4: {  	v1 =	vld.idx.msk [tilespmem:v32+s3+$0x0], $0xffff  }
0xb5: {  	v33 =	vadd.s32 $0x8800, v0;
	_ =	sdelay $0x1  }
0xb6: {  	[dreg:$0xf] =	wrdreg s1;
	s1 =	sadd.s32 $0x14480, s26  }
0xb7: {  	s0 =	sor.u32 s24, s1  }
0xb8: {  	[tilespmem:s0+$0x0] =	vst v1  }
0xb9: {  	v1 =	vld.idx.msk [tilespmem:v33+s3+$0x0], $0xffff  }
0xba: {  	v34 =	vadd.s32 $0x8C00, v0;
	_ =	sdelay $0x1  }
0xbb: {  	[dreg:$0x11] =	wrdreg s2;
	s2 =	sadd.s32 $0x14500, s26  }
0xbc: {  	s0 =	sor.u32 s24, s2  }
0xbd: {  	[tilespmem:s0+$0x0] =	vst v1  }
0xbe: {  	v1 =	vld.idx.msk [tilespmem:v34+s3+$0x0], $0xffff  }
0xbf: {  	v35 =	vadd.s32 $0x9000, v0;
	_ =	sdelay $0x1  }
0xc0: {  	[dreg:$0x13] =	wrdreg s4;
	s4 =	sadd.s32 $0x14580, s26  }
0xc1: {  	s0 =	sor.u32 s24, s4  }
0xc2: {  	[tilespmem:s0+$0x0] =	vst v1  }
0xc3: {  	v1 =	vld.idx.msk [tilespmem:v35+s3+$0x0], $0xffff  }
0xc4: {  	v36 =	vadd.s32 $0x9400, v0;
	_ =	sdelay $0x1  }
0xc5: {  	[dreg:$0x15] =	wrdreg s5;
	s5 =	sadd.s32 $0x14600, s26  }
0xc6: {  	s0 =	sor.u32 s24, s5  }
0xc7: {  	[tilespmem:s0+$0x0] =	vst v1  }
0xc8: {  	v1 =	vld.idx.msk [tilespmem:v36+s3+$0x0], $0xffff  }
0xc9: {  	v37 =	vadd.s32 $0x9800, v0;
	_ =	sdelay $0x1  }
0xca: {  	[dreg:$0x17] =	wrdreg s6;
	s6 =	sadd.s32 $0x14680, s26  }
0xcb: {  	s0 =	sor.u32 s24, s6  }
0xcc: {  	[tilespmem:s0+$0x0] =	vst v1  }
0xcd: {  	v1 =	vld.idx.msk [tilespmem:v37+s3+$0x0], $0xffff  }
0xce: {  	v38 =	vadd.s32 $0x9C00, v0;
	_ =	sdelay $0x1  }
0xcf: {  	[dreg:$0x19] =	wrdreg s7;
	s7 =	sadd.s32 $0x14700, s26  }
0xd0: {  	s0 =	sor.u32 s24, s7  }
0xd1: {  	[tilespmem:s0+$0x0] =	vst v1  }
0xd2: {  	v1 =	vld.idx.msk [tilespmem:v38+s3+$0x0], $0xffff  }
0xd3: {  	v39 =	vadd.s32 $0xA000, v0;
	_ =	sdelay $0x1  }
0xd4: {  	[dreg:$0x1b] =	wrdreg s8;
	s8 =	sadd.s32 $0x14780, s26  }
0xd5: {  	s0 =	sor.u32 s24, s8  }
0xd6: {  	[tilespmem:s0+$0x0] =	vst v1  }
0xd7: {  	v1 =	vld.idx.msk [tilespmem:v39+s3+$0x0], $0xffff  }
0xd8: {  	v40 =	vadd.s32 $0xA400, v0;
	_ =	sdelay $0x1  }
0xd9: {  	[dreg:$0x1d] =	wrdreg s9;
	s9 =	sadd.s32 $0x15400, s26  }
0xda: {  	s0 =	sor.u32 s24, s9  }
0xdb: {  	[tilespmem:s0+$0x0] =	vst v1  }
0xdc: {  	v1 =	vld.idx.msk [tilespmem:v40+s3+$0x0], $0xffff  }
0xdd: {  	v41 =	vadd.s32 $0xA800, v0;
	_ =	sdelay $0x1  }
0xde: {  	[dreg:$0x1f] =	wrdreg s10;
	s10 =	sadd.s32 $0x15480, s26  }
0xdf: {  	s0 =	sor.u32 s24, s10  }
0xe0: {  	[tilespmem:s0+$0x0] =	vst v1  }
0xe1: {  	v1 =	vld.idx.msk [tilespmem:v41+s3+$0x0], $0xffff  }
0xe2: {  	v42 =	vadd.s32 $0xAC00, v0;
	_ =	sdelay $0x1  }
0xe3: {  	[smem:$0x7F3] =	sst s30;
	s30 =	sadd.s32 $0x15500, s26  }
0xe4: {  	[smem:$0x7E8] =	sst s11;
	s11 =	sor.u32 s24, s30  }
0xe5: {  	[tilespmem:s11+$0x0] =	vst v1  }
0xe6: {  	v1 =	vld.idx.msk [tilespmem:v42+s3+$0x0], $0xffff  }
0xe7: {  	v43 =	vadd.s32 $0xB000, v0;
	_ =	sdelay $0x1  }
0xe8: {  	[smem:$0x7F2] =	sst s29;
	s29 =	sadd.s32 $0x15580, s26  }
0xe9: {  	[smem:$0x7E9] =	sst s12;
	s12 =	sor.u32 s24, s29  }
0xea: {  	[tilespmem:s12+$0x0] =	vst v1  }
0xeb: {  	v1 =	vld.idx.msk [tilespmem:v43+s3+$0x0], $0xffff  }
0xec: {  	v44 =	vadd.s32 $0xB400, v0;
	_ =	sdelay $0x1  }
0xed: {  	[smem:$0x7F1] =	sst s28;
	s28 =	sadd.s32 $0x15600, s26  }
0xee: {  	[smem:$0x7EA] =	sst s13;
	s13 =	sor.u32 s24, s28  }
0xef: {  	[tilespmem:s13+$0x0] =	vst v1  }
0xf0: {  	v1 =	vld.idx.msk [tilespmem:v44+s3+$0x0], $0xffff  }
0xf1: {  	v45 =	vadd.s32 $0xB800, v0;
	_ =	sdelay $0x1  }
0xf2: {  	[smem:$0x7F0] =	sst s25;
	s25 =	sadd.s32 $0x15680, s26  }
0xf3: {  	[smem:$0x7EB] =	sst s14;
	s14 =	sor.u32 s24, s25  }
0xf4: {  	[tilespmem:s14+$0x0] =	vst v1  }
0xf5: {  	v1 =	vld.idx.msk [tilespmem:v45+s3+$0x0], $0xffff  }
0xf6: {  	v46 =	vadd.s32 $0xBC00, v0;
	_ =	sdelay $0x1  }
0xf7: {  	[smem:$0x7EF] =	sst s23;
	s23 =	sadd.s32 $0x15700, s26  }
0xf8: {  	[smem:$0x7EC] =	sst s20;
	s20 =	sor.u32 s24, s23  }
0xf9: {  	[tilespmem:s20+$0x0] =	vst v1  }
0xfa: {  	v1 =	vld.idx.msk [tilespmem:v46+s3+$0x0], $0xffff  }
0xfb: {  	v47 =	vadd.s32 $0xC000, v0;
	_ =	sdelay $0x1  }
0xfc: {  	[smem:$0x7EE] =	sst s22;
	s22 =	sadd.s32 $0x15780, s26  }
0xfd: {  	[smem:$0x7ED] =	sst s21;
	s21 =	sor.u32 s24, s22  }
0xfe: {  	[tilespmem:s21+$0x0] =	vst v1  }
0xff: {  	v1 =	vld.idx.msk [tilespmem:v47+s3+$0x0], $0xffff  }
0x100: {  	v48 =	vadd.s32 $0xC400, v0;
	_ =	sdelay $0x1  }
0x101: {  	s21 =	sadd.s32 $0x16400, s26  }
0x102: {  	[smem:$0x7F4] =	sst s31;
	s31 =	sor.u32 s24, s21  }
0x103: {  	[tilespmem:s31+$0x0] =	vst v1  }
0x104: {  	v1 =	vld.idx.msk [tilespmem:v48+s3+$0x0], $0xffff  }
0x105: {  	v49 =	vadd.s32 $0xC800, v0;
	_ =	sdelay $0x1  }
0x106: {  	s20 =	sadd.s32 $0x16480, s26  }
0x107: {  	[smem:$0x7F5] =	sst s1;
	s1 =	sor.u32 s24, s20  }
0x108: {  	[tilespmem:s1+$0x0] =	vst v1  }
0x109: {  	v1 =	vld.idx.msk [tilespmem:v49+s3+$0x0], $0xffff  }
0x10a: {  	v50 =	vadd.s32 $0xCC00, v0;
	_ =	sdelay $0x1  }
0x10b: {  	s14 =	sadd.s32 $0x16500, s26  }
0x10c: {  	[smem:$0x7F6] =	sst s2;
	s2 =	sor.u32 s24, s14  }
0x10d: {  	[tilespmem:s2+$0x0] =	vst v1  }
0x10e: {  	v1 =	vld.idx.msk [tilespmem:v50+s3+$0x0], $0xffff  }
0x10f: {  	v51 =	vadd.s32 $0xD000, v0;
	_ =	sdelay $0x1  }
0x110: {  	s13 =	sadd.s32 $0x16580, s26  }
0x111: {  	[smem:$0x7F7] =	sst s4;
	s4 =	sor.u32 s24, s13  }
0x112: {  	[tilespmem:s4+$0x0] =	vst v1  }
0x113: {  	v1 =	vld.idx.msk [tilespmem:v51+s3+$0x0], $0xffff  }
0x114: {  	v52 =	vadd.s32 $0xD400, v0;
	_ =	sdelay $0x1  }
0x115: {  	s12 =	sadd.s32 $0x16600, s26  }
0x116: {  	[smem:$0x7F8] =	sst s5;
	s5 =	sor.u32 s24, s12  }
0x117: {  	[tilespmem:s5+$0x0] =	vst v1  }
0x118: {  	v1 =	vld.idx.msk [tilespmem:v52+s3+$0x0], $0xffff  }
0x119: {  	v53 =	vadd.s32 $0xD800, v0;
	_ =	sdelay $0x1  }
0x11a: {  	s11 =	sadd.s32 $0x16680, s26  }
0x11b: {  	[smem:$0x7F9] =	sst s6;
	s6 =	sor.u32 s24, s11  }
0x11c: {  	[tilespmem:s6+$0x0] =	vst v1  }
0x11d: {  	v1 =	vld.idx.msk [tilespmem:v53+s3+$0x0], $0xffff  }
0x11e: {  	v54 =	vadd.s32 $0xDC00, v0;
	_ =	sdelay $0x1  }
0x11f: {  	[smem:$0x7FD] =	sst s10;
	s10 =	sadd.s32 $0x16700, s26  }
0x120: {  	[smem:$0x7FA] =	sst s7;
	s7 =	sor.u32 s24, s10  }
0x121: {  	[tilespmem:s7+$0x0] =	vst v1  }
0x122: {  	v1 =	vld.idx.msk [tilespmem:v54+s3+$0x0], $0xffff  }
0x123: {  	v55 =	vadd.s32 $0xE000, v0;
	_ =	sdelay $0x1  }
0x124: {  	[smem:$0x7FC] =	sst s9;
	s9 =	sadd.s32 $0x16780, s26  }
0x125: {  	[smem:$0x7FB] =	sst s8;
	s8 =	sor.u32 s24, s9  }
0x126: {  	[tilespmem:s8+$0x0] =	vst v1  }
0x127: {  	v1 =	vld.idx.msk [tilespmem:v55+s3+$0x0], $0xffff  }
0x128: {  	v56 =	vadd.s32 $0xE400, v0;
	_ =	sdelay $0x1  }
0x129: {  	s8 =	sadd.s32 $0x17400, s26  }
0x12a: {  	s31 =	sor.u32 s24, s8  }
0x12b: {  	[tilespmem:s31+$0x0] =	vst v1  }
0x12c: {  	v1 =	vld.idx.msk [tilespmem:v56+s3+$0x0], $0xffff  }
0x12d: {  	v57 =	vadd.s32 $0xE800, v0;
	_ =	sdelay $0x1  }
0x12e: {  	s7 =	sadd.s32 $0x17480, s26  }
0x12f: {  	s1 =	sor.u32 s24, s7  }
0x130: {  	[tilespmem:s1+$0x0] =	vst v1  }
0x131: {  	v1 =	vld.idx.msk [tilespmem:v57+s3+$0x0], $0xffff  }
0x132: {  	v58 =	vadd.s32 $0xEC00, v0;
	_ =	sdelay $0x1  }
0x133: {  	s6 =	sadd.s32 $0x17500, s26  }
0x134: {  	s2 =	sor.u32 s24, s6  }
0x135: {  	[tilespmem:s2+$0x0] =	vst v1  }
0x136: {  	v1 =	vld.idx.msk [tilespmem:v58+s3+$0x0], $0xffff  }
0x137: {  	v59 =	vadd.s32 $0xF000, v0;
	_ =	sdelay $0x1  }
0x138: {  	s5 =	sadd.s32 $0x17580, s26  }
0x139: {  	s4 =	sor.u32 s24, s5  }
0x13a: {  	[tilespmem:s4+$0x0] =	vst v1  }
0x13b: {  	v1 =	vld.idx.msk [tilespmem:v59+s3+$0x0], $0xffff  }
0x13c: {  	v60 =	vadd.s32 $0xF400, v0;
	_ =	sdelay $0x1  }
0x13d: {  	s4 =	sadd.s32 $0x17600, s26  }
0x13e: {  	s31 =	sor.u32 s24, s4  }
0x13f: {  	[tilespmem:s31+$0x0] =	vst v1  }
0x140: {  	v1 =	vld.idx.msk [tilespmem:v60+s3+$0x0], $0xffff  }
0x141: {  	v61 =	vadd.s32 $0xF800, v0;
	_ =	sdelay $0x1  }
0x142: {  	s2 =	sadd.s32 $0x17680, s26  }
0x143: {  	s1 =	sor.u32 s24, s2  }
0x144: {  	[tilespmem:s1+$0x0] =	vst v1  }
0x145: {  	v1 =	vld.idx.msk [tilespmem:v61+s3+$0x0], $0xffff  }
0x146: {  	v0 =	vadd.s32 $0xFC00, v0;
	_ =	sdelay $0x1  }
0x147: {  	s1 =	sadd.s32 $0x17700, s26  }
0x148: {  	s31 =	sor.u32 s24, s1  }
0x149: {  	[tilespmem:s31+$0x0] =	vst v1  }
0x14a: {  	v0 =	vld.idx.msk [tilespmem:v0+s3+$0x0], $0xffff;
	_ =	sdelay $0x2  }
0x14b: {  	s26 =	sadd.s32 $0x17780, s26  }
0x14c: {  	s0 =	sand.u32 $0x180, s17;
	s31 =	sor.u32 s24, s26;
	s24 =	sor.u32 $0x10, s24  }
0x14d: {  	s0 =	sor.u32 s24, s0;
	[tilespmem:s31+$0x0] =	vst v0  }
0x14e: {  	v0 =	vld [tilespmem:s0+$0x10000];
	_ =	sdelay $0x7  }
0x14f: {  	v1 =	vld.idx.msk [tilespmem:v0+s3+$0x0], $0xffff  }
0x150: {  	v62 =	vadd.s32 $0x400, v0;
	_ =	sdelay $0x1  }
0x151: {  	s31 =	rddreg [dreg:$0x8]  }
0x152: {  	s0 =	sor.u32 s24, s31  }
0x153: {  	[tilespmem:s0+$0x0] =	vst v1  }
0x154: {  	v1 =	vld.idx.msk [tilespmem:v62+s3+$0x0], $0xffff  }
0x155: {  	v63 =	vadd.s32 $0x800, v0;
	_ =	sdelay $0x3  }
0x156: {  	[tilespmem:s0+$0x80] =	vst v1  }
0x157: {  	v1 =	vld.idx.msk [tilespmem:v63+s3+$0x0], $0xffff  }
0x158: {  	v4 =	vadd.s32 $0xC00, v0;
	_ =	sdelay $0x3  }
0x159: {  	[tilespmem:s0+$0x100] =	vst v1  }
0x15a: {  	v1 =	vld.idx.msk [tilespmem:v4+s3+$0x0], $0xffff  }
0x15b: {  	v5 =	vadd.s32 $0x1000, v0;
	_ =	sdelay $0x3  }
0x15c: {  	[tilespmem:s0+$0x180] =	vst v1  }
0x15d: {  	v1 =	vld.idx.msk [tilespmem:v5+s3+$0x0], $0xffff  }
0x15e: {  	v6 =	vadd.s32 $0x1400, v0;
	_ =	sdelay $0x3  }
0x15f: {  	[tilespmem:s0+$0x200] =	vst v1  }
0x160: {  	v1 =	vld.idx.msk [tilespmem:v6+s3+$0x0], $0xffff  }
0x161: {  	v7 =	vadd.s32 $0x1800, v0;
	_ =	sdelay $0x3  }
0x162: {  	[tilespmem:s0+$0x280] =	vst v1  }
0x163: {  	v1 =	vld.idx.msk [tilespmem:v7+s3+$0x0], $0xffff  }
0x164: {  	v8 =	vadd.s32 $0x1C00, v0  }
0x165: {  	s31 =	rddreg [dreg:$0x9]  }
0x166: {  	s0 =	sadd.s32 $0x10, s31  }
0x167: {  	s31 =	sor.u32 $0x300, s0  }
0x168: {  	[tilespmem:s31+$0x10400] =	vst v1  }
0x169: {  	v1 =	vld.idx.msk [tilespmem:v8+s3+$0x0], $0xffff  }
0x16a: {  	v9 =	vadd.s32 $0x2000, v0;
	_ =	sdelay $0x2  }
0x16b: {  	s0 =	sor.u32 $0x380, s0  }
0x16c: {  	[tilespmem:s0+$0x10400] =	vst v1  }
0x16d: {  	v1 =	vld.idx.msk [tilespmem:v9+s3+$0x0], $0xffff  }
0x16e: {  	v10 =	vadd.s32 $0x2400, v0;
	_ =	sdelay $0x1  }
0x16f: {  	s31 =	rddreg [dreg:$0xa]  }
0x170: {  	s0 =	sor.u32 s24, s31  }
0x171: {  	[tilespmem:s0+$0x0] =	vst v1  }
0x172: {  	v1 =	vld.idx.msk [tilespmem:v10+s3+$0x0], $0xffff  }
0x173: {  	v11 =	vadd.s32 $0x2800, v0;
	_ =	sdelay $0x1  }
0x174: {  	s31 =	rddreg [dreg:$0xb]  }
0x175: {  	s0 =	sor.u32 s24, s31  }
0x176: {  	[tilespmem:s0+$0x0] =	vst v1  }
0x177: {  	v1 =	vld.idx.msk [tilespmem:v11+s3+$0x0], $0xffff  }
0x178: {  	v12 =	vadd.s32 $0x2C00, v0;
	_ =	sdelay $0x1  }
0x179: {  	s31 =	rddreg [dreg:$0xd]  }
0x17a: {  	s0 =	sor.u32 s24, s31  }
0x17b: {  	[tilespmem:s0+$0x0] =	vst v1  }
0x17c: {  	v1 =	vld.idx.msk [tilespmem:v12+s3+$0x0], $0xffff  }
0x17d: {  	v13 =	vadd.s32 $0x3000, v0;
	_ =	sdelay $0x1  }
0x17e: {  	s31 =	rddreg [dreg:$0xf]  }
0x17f: {  	s0 =	sor.u32 s24, s31  }
0x180: {  	[tilespmem:s0+$0x0] =	vst v1  }
0x181: {  	v1 =	vld.idx.msk [tilespmem:v13+s3+$0x0], $0xffff  }
0x182: {  	v14 =	vadd.s32 $0x3400, v0;
	_ =	sdelay $0x1  }
0x183: {  	s31 =	rddreg [dreg:$0x11]  }
0x184: {  	s0 =	sor.u32 s24, s31  }
0x185: {  	[tilespmem:s0+$0x0] =	vst v1  }
0x186: {  	v1 =	vld.idx.msk [tilespmem:v14+s3+$0x0], $0xffff  }
0x187: {  	v15 =	vadd.s32 $0x3800, v0;
	_ =	sdelay $0x1  }
0x188: {  	s31 =	rddreg [dreg:$0x13]  }
0x189: {  	s0 =	sor.u32 s24, s31  }
0x18a: {  	[tilespmem:s0+$0x0] =	vst v1  }
0x18b: {  	v1 =	vld.idx.msk [tilespmem:v15+s3+$0x0], $0xffff  }
0x18c: {  	v16 =	vadd.s32 $0x3C00, v0;
	_ =	sdelay $0x1  }
0x18d: {  	s31 =	rddreg [dreg:$0x15]  }
0x18e: {  	s0 =	sor.u32 s24, s31  }
0x18f: {  	[tilespmem:s0+$0x0] =	vst v1  }
0x190: {  	v1 =	vld.idx.msk [tilespmem:v16+s3+$0x0], $0xffff  }
0x191: {  	v17 =	vadd.s32 $0x4000, v0;
	_ =	sdelay $0x1  }
0x192: {  	s31 =	rddreg [dreg:$0x17]  }
0x193: {  	s0 =	sor.u32 s24, s31  }
0x194: {  	[tilespmem:s0+$0x0] =	vst v1  }
0x195: {  	v1 =	vld.idx.msk [tilespmem:v17+s3+$0x0], $0xffff  }
0x196: {  	v18 =	vadd.s32 $0x4400, v0;
	_ =	sdelay $0x1  }
0x197: {  	s31 =	rddreg [dreg:$0x19]  }
0x198: {  	s0 =	sor.u32 s24, s31  }
0x199: {  	[tilespmem:s0+$0x0] =	vst v1  }
0x19a: {  	v1 =	vld.idx.msk [tilespmem:v18+s3+$0x0], $0xffff  }
0x19b: {  	v19 =	vadd.s32 $0x4800, v0;
	_ =	sdelay $0x1  }
0x19c: {  	s31 =	rddreg [dreg:$0x1b]  }
0x19d: {  	s0 =	sor.u32 s24, s31  }
0x19e: {  	[tilespmem:s0+$0x0] =	vst v1  }
0x19f: {  	v1 =	vld.idx.msk [tilespmem:v19+s3+$0x0], $0xffff  }
0x1a0: {  	v20 =	vadd.s32 $0x4C00, v0;
	_ =	sdelay $0x1  }
0x1a1: {  	s31 =	rddreg [dreg:$0x1d]  }
0x1a2: {  	s0 =	sor.u32 s24, s31  }
0x1a3: {  	[tilespmem:s0+$0x0] =	vst v1  }
0x1a4: {  	v1 =	vld.idx.msk [tilespmem:v20+s3+$0x0], $0xffff  }
0x1a5: {  	v21 =	vadd.s32 $0x5000, v0;
	_ =	sdelay $0x1  }
0x1a6: {  	s31 =	rddreg [dreg:$0x1f]  }
0x1a7: {  	s0 =	sor.u32 s24, s31  }
0x1a8: {  	[tilespmem:s0+$0x0] =	vst v1  }
0x1a9: {  	v1 =	vld.idx.msk [tilespmem:v21+s3+$0x0], $0xffff  }
0x1aa: {  	v22 =	vadd.s32 $0x5400, v0;
	s31 =	sld [smem:$0x7E8];
	_ =	sdelay $0x2  }
0x1ab: {  	s0 =	sor.u32 s24, s31  }
0x1ac: {  	[tilespmem:s0+$0x0] =	vst v1  }
0x1ad: {  	v1 =	vld.idx.msk [tilespmem:v22+s3+$0x0], $0xffff  }
0x1ae: {  	v23 =	vadd.s32 $0x5800, v0;
	s31 =	sld [smem:$0x7E9];
	_ =	sdelay $0x2  }
0x1af: {  	s0 =	sor.u32 s24, s31  }
0x1b0: {  	[tilespmem:s0+$0x0] =	vst v1  }
0x1b1: {  	v1 =	vld.idx.msk [tilespmem:v23+s3+$0x0], $0xffff  }
0x1b2: {  	v24 =	vadd.s32 $0x5C00, v0;
	s31 =	sld [smem:$0x7EA];
	_ =	sdelay $0x2  }
0x1b3: {  	s0 =	sor.u32 s24, s31  }
0x1b4: {  	[tilespmem:s0+$0x0] =	vst v1  }
0x1b5: {  	v1 =	vld.idx.msk [tilespmem:v24+s3+$0x0], $0xffff  }
0x1b6: {  	v25 =	vadd.s32 $0x6000, v0;
	s31 =	sld [smem:$0x7EB];
	_ =	sdelay $0x2  }
0x1b7: {  	s0 =	sor.u32 s24, s31  }
0x1b8: {  	[tilespmem:s0+$0x0] =	vst v1  }
0x1b9: {  	v1 =	vld.idx.msk [tilespmem:v25+s3+$0x0], $0xffff  }
0x1ba: {  	v26 =	vadd.s32 $0x6400, v0;
	s31 =	sld [smem:$0x7EC];
	_ =	sdelay $0x2  }
0x1bb: {  	s0 =	sor.u32 s24, s31  }
0x1bc: {  	[tilespmem:s0+$0x0] =	vst v1  }
0x1bd: {  	v1 =	vld.idx.msk [tilespmem:v26+s3+$0x0], $0xffff  }
0x1be: {  	v27 =	vadd.s32 $0x6800, v0;
	s31 =	sld [smem:$0x7ED];
	_ =	sdelay $0x2  }
0x1bf: {  	s0 =	sor.u32 s24, s31  }
0x1c0: {  	[tilespmem:s0+$0x0] =	vst v1  }
0x1c1: {  	v1 =	vld.idx.msk [tilespmem:v27+s3+$0x0], $0xffff  }
0x1c2: {  	v28 =	vadd.s32 $0x6C00, v0;
	s31 =	sld [smem:$0x7EE];
	_ =	sdelay $0x2  }
0x1c3: {  	s0 =	sor.u32 s24, s31  }
0x1c4: {  	[tilespmem:s0+$0x0] =	vst v1  }
0x1c5: {  	v1 =	vld.idx.msk [tilespmem:v28+s3+$0x0], $0xffff  }
0x1c6: {  	v29 =	vadd.s32 $0x7000, v0;
	s31 =	sld [smem:$0x7EF];
	_ =	sdelay $0x2  }
0x1c7: {  	s0 =	sor.u32 s24, s31  }
0x1c8: {  	[tilespmem:s0+$0x0] =	vst v1  }
0x1c9: {  	v1 =	vld.idx.msk [tilespmem:v29+s3+$0x0], $0xffff  }
0x1ca: {  	v30 =	vadd.s32 $0x7400, v0;
	s31 =	sld [smem:$0x7F0];
	_ =	sdelay $0x2  }
0x1cb: {  	s0 =	sor.u32 s24, s31  }
0x1cc: {  	[tilespmem:s0+$0x0] =	vst v1  }
0x1cd: {  	v1 =	vld.idx.msk [tilespmem:v30+s3+$0x0], $0xffff  }
0x1ce: {  	v31 =	vadd.s32 $0x7800, v0;
	s31 =	sld [smem:$0x7F1];
	_ =	sdelay $0x2  }
0x1cf: {  	s0 =	sor.u32 s24, s31  }
0x1d0: {  	[tilespmem:s0+$0x0] =	vst v1  }
0x1d1: {  	v1 =	vld.idx.msk [tilespmem:v31+s3+$0x0], $0xffff  }
0x1d2: {  	v32 =	vadd.s32 $0x7C00, v0;
	s31 =	sld [smem:$0x7F2];
	_ =	sdelay $0x2  }
0x1d3: {  	s0 =	sor.u32 s24, s31  }
0x1d4: {  	[tilespmem:s0+$0x0] =	vst v1  }
0x1d5: {  	v1 =	vld.idx.msk [tilespmem:v32+s3+$0x0], $0xffff  }
0x1d6: {  	v33 =	vadd.s32 $0x8000, v0;
	s31 =	sld [smem:$0x7F3];
	_ =	sdelay $0x2  }
0x1d7: {  	s0 =	sor.u32 s24, s31  }
0x1d8: {  	[tilespmem:s0+$0x0] =	vst v1  }
0x1d9: {  	v1 =	vld.idx.msk [tilespmem:v33+s3+$0x0], $0xffff  }
0x1da: {  	v34 =	vadd.s32 $0x8400, v0;
	s31 =	sld [smem:$0x7F4];
	_ =	sdelay $0x2  }
0x1db: {  	s0 =	sor.u32 s24, s31  }
0x1dc: {  	[tilespmem:s0+$0x0] =	vst v1  }
0x1dd: {  	v1 =	vld.idx.msk [tilespmem:v34+s3+$0x0], $0xffff  }
0x1de: {  	v35 =	vadd.s32 $0x8800, v0;
	s31 =	sld [smem:$0x7F5];
	_ =	sdelay $0x2  }
0x1df: {  	s0 =	sor.u32 s24, s31  }
0x1e0: {  	[tilespmem:s0+$0x0] =	vst v1  }
0x1e1: {  	v1 =	vld.idx.msk [tilespmem:v35+s3+$0x0], $0xffff  }
0x1e2: {  	v36 =	vadd.s32 $0x8C00, v0;
	s31 =	sld [smem:$0x7F6];
	_ =	sdelay $0x2  }
0x1e3: {  	s0 =	sor.u32 s24, s31  }
0x1e4: {  	[tilespmem:s0+$0x0] =	vst v1  }
0x1e5: {  	v1 =	vld.idx.msk [tilespmem:v36+s3+$0x0], $0xffff  }
0x1e6: {  	v37 =	vadd.s32 $0x9000, v0;
	s31 =	sld [smem:$0x7F7];
	_ =	sdelay $0x2  }
0x1e7: {  	s0 =	sor.u32 s24, s31  }
0x1e8: {  	[tilespmem:s0+$0x0] =	vst v1  }
0x1e9: {  	v1 =	vld.idx.msk [tilespmem:v37+s3+$0x0], $0xffff  }
0x1ea: {  	v38 =	vadd.s32 $0x9400, v0;
	s31 =	sld [smem:$0x7F8];
	_ =	sdelay $0x2  }
0x1eb: {  	s0 =	sor.u32 s24, s31  }
0x1ec: {  	[tilespmem:s0+$0x0] =	vst v1  }
0x1ed: {  	v1 =	vld.idx.msk [tilespmem:v38+s3+$0x0], $0xffff  }
0x1ee: {  	v39 =	vadd.s32 $0x9800, v0;
	s31 =	sld [smem:$0x7F9];
	_ =	sdelay $0x2  }
0x1ef: {  	s0 =	sor.u32 s24, s31  }
0x1f0: {  	[tilespmem:s0+$0x0] =	vst v1  }
0x1f1: {  	v1 =	vld.idx.msk [tilespmem:v39+s3+$0x0], $0xffff  }
0x1f2: {  	v40 =	vadd.s32 $0x9C00, v0;
	s31 =	sld [smem:$0x7FA];
	_ =	sdelay $0x2  }
0x1f3: {  	s0 =	sor.u32 s24, s31  }
0x1f4: {  	[tilespmem:s0+$0x0] =	vst v1  }
0x1f5: {  	v1 =	vld.idx.msk [tilespmem:v40+s3+$0x0], $0xffff  }
0x1f6: {  	v41 =	vadd.s32 $0xA000, v0;
	s31 =	sld [smem:$0x7FB];
	_ =	sdelay $0x2  }
0x1f7: {  	s0 =	sor.u32 s24, s31  }
0x1f8: {  	[tilespmem:s0+$0x0] =	vst v1  }
0x1f9: {  	v1 =	vld.idx.msk [tilespmem:v41+s3+$0x0], $0xffff  }
0x1fa: {  	v42 =	vadd.s32 $0xA400, v0;
	s31 =	sld [smem:$0x7FC];
	_ =	sdelay $0x2  }
0x1fb: {  	s0 =	sor.u32 s24, s31  }
0x1fc: {  	[tilespmem:s0+$0x0] =	vst v1  }
0x1fd: {  	v1 =	vld.idx.msk [tilespmem:v42+s3+$0x0], $0xffff  }
0x1fe: {  	v43 =	vadd.s32 $0xA800, v0;
	s31 =	sld [smem:$0x7FD];
	_ =	sdelay $0x2  }
0x1ff: {  	s0 =	sor.u32 s24, s31  }
0x200: {  	[tilespmem:s0+$0x0] =	vst v1  }
0x201: {  	v1 =	vld.idx.msk [tilespmem:v43+s3+$0x0], $0xffff  }
0x202: {  	v44 =	vadd.s32 $0xAC00, v0;
	_ =	sdelay $0x2  }
0x203: {  	s31 =	sor.u32 s24, s30  }
0x204: {  	[tilespmem:s31+$0x0] =	vst v1  }
0x205: {  	v1 =	vld.idx.msk [tilespmem:v44+s3+$0x0], $0xffff  }
0x206: {  	v45 =	vadd.s32 $0xB000, v0;
	_ =	sdelay $0x2  }
0x207: {  	s29 =	sor.u32 s24, s29  }
0x208: {  	[tilespmem:s29+$0x0] =	vst v1  }
0x209: {  	v1 =	vld.idx.msk [tilespmem:v45+s3+$0x0], $0xffff  }
0x20a: {  	v46 =	vadd.s32 $0xB400, v0;
	_ =	sdelay $0x2  }
0x20b: {  	s30 =	sor.u32 s24, s28  }
0x20c: {  	[tilespmem:s30+$0x0] =	vst v1  }
0x20d: {  	v1 =	vld.idx.msk [tilespmem:v46+s3+$0x0], $0xffff  }
0x20e: {  	v47 =	vadd.s32 $0xB800, v0;
	_ =	sdelay $0x2  }
0x20f: {  	s31 =	sor.u32 s24, s25  }
0x210: {  	[tilespmem:s31+$0x0] =	vst v1  }
0x211: {  	v1 =	vld.idx.msk [tilespmem:v47+s3+$0x0], $0xffff  }
0x212: {  	v48 =	vadd.s32 $0xBC00, v0;
	_ =	sdelay $0x2  }
0x213: {  	s23 =	sor.u32 s24, s23  }
0x214: {  	[tilespmem:s23+$0x0] =	vst v1  }
0x215: {  	v1 =	vld.idx.msk [tilespmem:v48+s3+$0x0], $0xffff  }
0x216: {  	v49 =	vadd.s32 $0xC000, v0;
	_ =	sdelay $0x2  }
0x217: {  	s25 =	sor.u32 s24, s22  }
0x218: {  	[tilespmem:s25+$0x0] =	vst v1  }
0x219: {  	v1 =	vld.idx.msk [tilespmem:v49+s3+$0x0], $0xffff  }
0x21a: {  	v50 =	vadd.s32 $0xC400, v0;
	_ =	sdelay $0x2  }
0x21b: {  	s28 =	sor.u32 s24, s21  }
0x21c: {  	[tilespmem:s28+$0x0] =	vst v1  }
0x21d: {  	v1 =	vld.idx.msk [tilespmem:v50+s3+$0x0], $0xffff  }
0x21e: {  	v51 =	vadd.s32 $0xC800, v0;
	_ =	sdelay $0x2  }
0x21f: {  	s29 =	sor.u32 s24, s20  }
0x220: {  	[tilespmem:s29+$0x0] =	vst v1  }
0x221: {  	v1 =	vld.idx.msk [tilespmem:v51+s3+$0x0], $0xffff  }
0x222: {  	v52 =	vadd.s32 $0xCC00, v0;
	_ =	sdelay $0x2  }
0x223: {  	s30 =	sor.u32 s24, s14  }
0x224: {  	[tilespmem:s30+$0x0] =	vst v1  }
0x225: {  	v1 =	vld.idx.msk [tilespmem:v52+s3+$0x0], $0xffff  }
0x226: {  	v53 =	vadd.s32 $0xD000, v0;
	_ =	sdelay $0x2  }
0x227: {  	s31 =	sor.u32 s24, s13  }
0x228: {  	[tilespmem:s31+$0x0] =	vst v1  }
0x229: {  	v1 =	vld.idx.msk [tilespmem:v53+s3+$0x0], $0xffff  }
0x22a: {  	v54 =	vadd.s32 $0xD400, v0;
	_ =	sdelay $0x2  }
0x22b: {  	s12 =	sor.u32 s24, s12  }
0x22c: {  	[tilespmem:s12+$0x0] =	vst v1  }
0x22d: {  	v1 =	vld.idx.msk [tilespmem:v54+s3+$0x0], $0xffff  }
0x22e: {  	v55 =	vadd.s32 $0xD800, v0;
	_ =	sdelay $0x2  }
0x22f: {  	s13 =	sor.u32 s24, s11  }
0x230: {  	[tilespmem:s13+$0x0] =	vst v1  }
0x231: {  	v1 =	vld.idx.msk [tilespmem:v55+s3+$0x0], $0xffff  }
0x232: {  	v56 =	vadd.s32 $0xDC00, v0;
	_ =	sdelay $0x2  }
0x233: {  	s14 =	sor.u32 s24, s10  }
0x234: {  	[tilespmem:s14+$0x0] =	vst v1  }
0x235: {  	v1 =	vld.idx.msk [tilespmem:v56+s3+$0x0], $0xffff  }
0x236: {  	v57 =	vadd.s32 $0xE000, v0;
	_ =	sdelay $0x2  }
0x237: {  	s20 =	sor.u32 s24, s9  }
0x238: {  	[tilespmem:s20+$0x0] =	vst v1  }
0x239: {  	v1 =	vld.idx.msk [tilespmem:v57+s3+$0x0], $0xffff  }
0x23a: {  	v58 =	vadd.s32 $0xE400, v0;
	_ =	sdelay $0x2  }
0x23b: {  	s21 =	sor.u32 s24, s8  }
0x23c: {  	[tilespmem:s21+$0x0] =	vst v1  }
0x23d: {  	v1 =	vld.idx.msk [tilespmem:v58+s3+$0x0], $0xffff  }
0x23e: {  	v59 =	vadd.s32 $0xE800, v0;
	_ =	sdelay $0x2  }
0x23f: {  	s22 =	sor.u32 s24, s7  }
0x240: {  	[tilespmem:s22+$0x0] =	vst v1  }
0x241: {  	v1 =	vld.idx.msk [tilespmem:v59+s3+$0x0], $0xffff  }
0x242: {  	v60 =	vadd.s32 $0xEC00, v0;
	_ =	sdelay $0x2  }
0x243: {  	s23 =	sor.u32 s24, s6  }
0x244: {  	[tilespmem:s23+$0x0] =	vst v1  }
0x245: {  	v1 =	vld.idx.msk [tilespmem:v60+s3+$0x0], $0xffff  }
0x246: {  	v61 =	vadd.s32 $0xF000, v0;
	_ =	sdelay $0x2  }
0x247: {  	s25 =	sor.u32 s24, s5  }
0x248: {  	[tilespmem:s25+$0x0] =	vst v1  }
0x249: {  	v1 =	vld.idx.msk [tilespmem:v61+s3+$0x0], $0xffff  }
0x24a: {  	v62 =	vadd.s32 $0xF400, v0;
	_ =	sdelay $0x2  }
0x24b: {  	s28 =	sor.u32 s24, s4  }
0x24c: {  	[tilespmem:s28+$0x0] =	vst v1  }
0x24d: {  	v1 =	vld.idx.msk [tilespmem:v62+s3+$0x0], $0xffff  }
0x24e: {  	v63 =	vadd.s32 $0xF800, v0;
	_ =	sdelay $0x2  }
0x24f: {  	s29 =	sor.u32 s24, s2  }
0x250: {  	[tilespmem:s29+$0x0] =	vst v1  }
0x251: {  	v1 =	vld.idx.msk [tilespmem:v63+s3+$0x0], $0xffff  }
0x252: {  	v0 =	vadd.s32 $0xFC00, v0;
	_ =	sdelay $0x2  }
0x253: {  	s30 =	sor.u32 s24, s1  }
0x254: {  	s16 =	sadd.s32 $0x2, s16;
	[tilespmem:s30+$0x0] =	vst v1  }
0x255: {  	p0 =	slt.u32 s16, $0x1E;
	v0 =	vld.idx.msk [tilespmem:v0+s3+$0x0], $0xffff  }
.Ltmp0:
0x256: {  	_ = 	snop;
	(pc) =	sbr.rel @p0 .LBB2_2-.Ltmp0, $3  }
0x257: {  	_ =	sdelay $0x1  }
0x258: {  	s18 =	sadd.s32 $0x1, s18;
	s31 =	sor.u32 s24, s26  }
0x259: {  	s15 =	sadd.s32 $0x20, s15;
	s19 =	sadd.s32 $0x100, s19;
	s17 =	sadd.s32 $0x20, s17;
	[tilespmem:s31+$0x0] =	vst v0  }
0x25a: {  	s0 =	rddreg [dreg:$0x4];
	s1 =	simm.s32 $0x1000  }
0x25b: {  	s2 =	simm.s32 $0x2000;
	s4 =	simm.s32 $0x10400;
	s31 =	simm.s32 $0x1  }
0x25c: {  	[hbm4b:s0+s1] =	stream.strided.scatter [tilespmem:s4], [sflag:$0x1], $0x8000, s2, s1, $0x38;
	[tilespmem:$0x18400] =	vst v63  }
0x25d: {  	s15 =	simm.s32 $0xFFFFFFFE;
	_ =	swait.ge [sflag:s31], $0x8000  }
0x25e: {  	s16 =	simm.s32 $0x0;
	s17 =	simm.s32 $0x10210;
	[sflag:s31] =	ssyncset.done $0x0  }
0x25f: {  	s18 =	simm.s32 $0x0;
	s19 =	simm.s32 $0x0;
	[sflag:s31] =	ssyncadd.s32 $0xFFFF8000  }
.LBB2_4:
0x260: {  	s0 =	sand.u32 $0x1E0, s16  }
0x261: {  	v0 =	vld [tilespmem:s0+$0x10200];
	_ =	sdelay $0x7  }
0x262: {  	v1 =	vld.idx.msk [tilespmem:v0+s3+$0x0], $0xffff  }
0x263: {  	v2 =	vadd.s32 $0x400, v0  }
0x264: {  	s24 =	sand.u32 $0xC00, s19  }
0x265: {  	s20 =	sand.u32 $0x60, s16;
	s30 =	sadd.s32 $0x10400, s24  }
0x266: {  	s23 =	sor.u32 s20, s30  }
0x267: {  	[tilespmem:s23+$0x0] =	vst v1  }
0x268: {  	v1 =	vld.idx.msk [tilespmem:v2+s3+$0x0], $0xffff  }
0x269: {  	v61 =	vadd.s32 $0x800, v0;
	_ =	sdelay $0x3  }
0x26a: {  	[tilespmem:s23+$0x80] =	vst v1  }
0x26b: {  	v1 =	vld.idx.msk [tilespmem:v61+s3+$0x0], $0xffff  }
0x26c: {  	v62 =	vadd.s32 $0xC00, v0;
	_ =	sdelay $0x3  }
0x26d: {  	[tilespmem:s23+$0x100] =	vst v1  }
0x26e: {  	v1 =	vld.idx.msk [tilespmem:v62+s3+$0x0], $0xffff  }
0x26f: {  	v63 =	vadd.s32 $0x1000, v0;
	_ =	sdelay $0x3  }
0x270: {  	[tilespmem:s23+$0x180] =	vst v1  }
0x271: {  	v1 =	vld.idx.msk [tilespmem:v63+s3+$0x0], $0xffff  }
0x272: {  	v4 =	vadd.s32 $0x1400, v0;
	_ =	sdelay $0x3  }
0x273: {  	[tilespmem:s23+$0x200] =	vst v1  }
0x274: {  	v1 =	vld.idx.msk [tilespmem:v4+s3+$0x0], $0xffff  }
0x275: {  	v5 =	vadd.s32 $0x1800, v0;
	_ =	sdelay $0x3  }
0x276: {  	[tilespmem:s23+$0x280] =	vst v1  }
0x277: {  	v1 =	vld.idx.msk [tilespmem:v5+s3+$0x0], $0xffff  }
0x278: {  	s25 =	sand.u32 $0x3, s18;
	v6 =	vadd.s32 $0x1C00, v0  }
0x279: {  	s0 =	sshll.u32 s25, $0x5  }
0x27a: {  	s0 =	sadd.s32 s0, s19  }
0x27b: {  	[dreg:$0xc] =	wrdreg s0;
	s0 =	sor.u32 $0x300, s0  }
0x27c: {  	[tilespmem:s0+$0x10400] =	vst v1  }
0x27d: {  	v1 =	vld.idx.msk [tilespmem:v6+s3+$0x0], $0xffff  }
0x27e: {  	v7 =	vadd.s32 $0x2000, v0;
	_ =	sdelay $0x1  }
0x27f: {  	s26 =	sor.u32 s19, s16  }
0x280: {  	s0 =	sor.u32 $0x380, s26  }
0x281: {  	[tilespmem:s0+$0x10400] =	vst v1  }
0x282: {  	v1 =	vld.idx.msk [tilespmem:v7+s3+$0x0], $0xffff  }
0x283: {  	v8 =	vadd.s32 $0x2400, v0;
	_ =	sdelay $0x1  }
0x284: {  	s28 =	sadd.s32 $0x11400, s24  }
0x285: {  	s0 =	sor.u32 s20, s28  }
0x286: {  	[tilespmem:s0+$0x0] =	vst v1  }
0x287: {  	v1 =	vld.idx.msk [tilespmem:v8+s3+$0x0], $0xffff  }
0x288: {  	v9 =	vadd.s32 $0x2800, v0;
	_ =	sdelay $0x1  }
0x289: {  	s29 =	sadd.s32 $0x11480, s24  }
0x28a: {  	s0 =	sor.u32 s20, s29  }
0x28b: {  	[tilespmem:s0+$0x0] =	vst v1  }
0x28c: {  	v1 =	vld.idx.msk [tilespmem:v9+s3+$0x0], $0xffff  }
0x28d: {  	v10 =	vadd.s32 $0x2C00, v0;
	_ =	sdelay $0x1  }
0x28e: {  	s31 =	sadd.s32 $0x11500, s24  }
0x28f: {  	s0 =	sor.u32 s20, s31  }
0x290: {  	[tilespmem:s0+$0x0] =	vst v1  }
0x291: {  	v1 =	vld.idx.msk [tilespmem:v10+s3+$0x0], $0xffff  }
0x292: {  	v11 =	vadd.s32 $0x3000, v0;
	_ =	sdelay $0x1  }
0x293: {  	s1 =	sadd.s32 $0x11580, s24  }
0x294: {  	s0 =	sor.u32 s20, s1  }
0x295: {  	[tilespmem:s0+$0x0] =	vst v1  }
0x296: {  	v1 =	vld.idx.msk [tilespmem:v11+s3+$0x0], $0xffff  }
0x297: {  	v12 =	vadd.s32 $0x3400, v0;
	_ =	sdelay $0x1  }
0x298: {  	s2 =	sadd.s32 $0x11600, s24  }
0x299: {  	s0 =	sor.u32 s20, s2  }
0x29a: {  	[tilespmem:s0+$0x0] =	vst v1  }
0x29b: {  	v1 =	vld.idx.msk [tilespmem:v12+s3+$0x0], $0xffff  }
0x29c: {  	v13 =	vadd.s32 $0x3800, v0;
	_ =	sdelay $0x1  }
0x29d: {  	s4 =	sadd.s32 $0x11680, s24  }
0x29e: {  	s0 =	sor.u32 s20, s4  }
0x29f: {  	[tilespmem:s0+$0x0] =	vst v1  }
0x2a0: {  	v1 =	vld.idx.msk [tilespmem:v13+s3+$0x0], $0xffff  }
0x2a1: {  	v14 =	vadd.s32 $0x3C00, v0;
	_ =	sdelay $0x1  }
0x2a2: {  	s5 =	sadd.s32 $0x11700, s24  }
0x2a3: {  	s0 =	sor.u32 s20, s5  }
0x2a4: {  	[tilespmem:s0+$0x0] =	vst v1  }
0x2a5: {  	v1 =	vld.idx.msk [tilespmem:v14+s3+$0x0], $0xffff  }
0x2a6: {  	v15 =	vadd.s32 $0x4000, v0;
	_ =	sdelay $0x1  }
0x2a7: {  	s6 =	sadd.s32 $0x11780, s24  }
0x2a8: {  	s0 =	sor.u32 s20, s6  }
0x2a9: {  	[tilespmem:s0+$0x0] =	vst v1  }
0x2aa: {  	v1 =	vld.idx.msk [tilespmem:v15+s3+$0x0], $0xffff  }
0x2ab: {  	v16 =	vadd.s32 $0x4400, v0;
	_ =	sdelay $0x1  }
0x2ac: {  	s7 =	sadd.s32 $0x12400, s24  }
0x2ad: {  	s0 =	sor.u32 s20, s7  }
0x2ae: {  	[tilespmem:s0+$0x0] =	vst v1  }
0x2af: {  	v1 =	vld.idx.msk [tilespmem:v16+s3+$0x0], $0xffff  }
0x2b0: {  	v17 =	vadd.s32 $0x4800, v0;
	_ =	sdelay $0x1  }
0x2b1: {  	s8 =	sadd.s32 $0x12480, s24  }
0x2b2: {  	s0 =	sor.u32 s20, s8  }
0x2b3: {  	[tilespmem:s0+$0x0] =	vst v1  }
0x2b4: {  	v1 =	vld.idx.msk [tilespmem:v17+s3+$0x0], $0xffff  }
0x2b5: {  	v18 =	vadd.s32 $0x4C00, v0;
	_ =	sdelay $0x1  }
0x2b6: {  	s9 =	sadd.s32 $0x12500, s24  }
0x2b7: {  	s0 =	sor.u32 s20, s9  }
0x2b8: {  	[tilespmem:s0+$0x0] =	vst v1  }
0x2b9: {  	v1 =	vld.idx.msk [tilespmem:v18+s3+$0x0], $0xffff  }
0x2ba: {  	v19 =	vadd.s32 $0x5000, v0;
	_ =	sdelay $0x1  }
0x2bb: {  	s10 =	sadd.s32 $0x12580, s24  }
0x2bc: {  	s0 =	sor.u32 s20, s10  }
0x2bd: {  	[tilespmem:s0+$0x0] =	vst v1  }
0x2be: {  	v1 =	vld.idx.msk [tilespmem:v19+s3+$0x0], $0xffff  }
0x2bf: {  	v20 =	vadd.s32 $0x5400, v0;
	_ =	sdelay $0x1  }
0x2c0: {  	s11 =	sadd.s32 $0x12600, s24  }
0x2c1: {  	s0 =	sor.u32 s20, s11  }
0x2c2: {  	[tilespmem:s0+$0x0] =	vst v1  }
0x2c3: {  	v1 =	vld.idx.msk [tilespmem:v20+s3+$0x0], $0xffff  }
0x2c4: {  	v21 =	vadd.s32 $0x5800, v0;
	_ =	sdelay $0x1  }
0x2c5: {  	s12 =	sadd.s32 $0x12680, s24  }
0x2c6: {  	s0 =	sor.u32 s20, s12  }
0x2c7: {  	[tilespmem:s0+$0x0] =	vst v1  }
0x2c8: {  	v1 =	vld.idx.msk [tilespmem:v21+s3+$0x0], $0xffff  }
0x2c9: {  	v22 =	vadd.s32 $0x5C00, v0;
	_ =	sdelay $0x1  }
0x2ca: {  	s13 =	sadd.s32 $0x12700, s24  }
0x2cb: {  	s0 =	sor.u32 s20, s13  }
0x2cc: {  	[tilespmem:s0+$0x0] =	vst v1  }
0x2cd: {  	v1 =	vld.idx.msk [tilespmem:v22+s3+$0x0], $0xffff  }
0x2ce: {  	v23 =	vadd.s32 $0x6000, v0;
	_ =	sdelay $0x1  }
0x2cf: {  	s14 =	sadd.s32 $0x12780, s24  }
0x2d0: {  	s0 =	sor.u32 s20, s14  }
0x2d1: {  	[tilespmem:s0+$0x0] =	vst v1  }
0x2d2: {  	v1 =	vld.idx.msk [tilespmem:v23+s3+$0x0], $0xffff  }
0x2d3: {  	v24 =	vadd.s32 $0x6400, v0;
	_ =	sdelay $0x1  }
0x2d4: {  	s21 =	sadd.s32 $0x13400, s24  }
0x2d5: {  	s0 =	sor.u32 s20, s21  }
0x2d6: {  	[tilespmem:s0+$0x0] =	vst v1  }
0x2d7: {  	v1 =	vld.idx.msk [tilespmem:v24+s3+$0x0], $0xffff  }
0x2d8: {  	v25 =	vadd.s32 $0x6800, v0;
	_ =	sdelay $0x1  }
0x2d9: {  	s22 =	sadd.s32 $0x13480, s24  }
0x2da: {  	s0 =	sor.u32 s20, s22  }
0x2db: {  	[tilespmem:s0+$0x0] =	vst v1  }
0x2dc: {  	v1 =	vld.idx.msk [tilespmem:v25+s3+$0x0], $0xffff  }
0x2dd: {  	v26 =	vadd.s32 $0x6C00, v0;
	_ =	sdelay $0x1  }
0x2de: {  	s23 =	sadd.s32 $0x13500, s24  }
0x2df: {  	s0 =	sor.u32 s20, s23  }
0x2e0: {  	[tilespmem:s0+$0x0] =	vst v1  }
0x2e1: {  	v1 =	vld.idx.msk [tilespmem:v26+s3+$0x0], $0xffff  }
0x2e2: {  	v27 =	vadd.s32 $0x7000, v0;
	_ =	sdelay $0x1  }
0x2e3: {  	s25 =	sadd.s32 $0x13580, s24  }
0x2e4: {  	s0 =	sor.u32 s20, s25  }
0x2e5: {  	[tilespmem:s0+$0x0] =	vst v1  }
0x2e6: {  	v1 =	vld.idx.msk [tilespmem:v27+s3+$0x0], $0xffff  }
0x2e7: {  	v28 =	vadd.s32 $0x7400, v0;
	_ =	sdelay $0x1  }
0x2e8: {  	s26 =	sadd.s32 $0x13600, s24  }
0x2e9: {  	s0 =	sor.u32 s20, s26  }
0x2ea: {  	[tilespmem:s0+$0x0] =	vst v1  }
0x2eb: {  	v1 =	vld.idx.msk [tilespmem:v28+s3+$0x0], $0xffff  }
0x2ec: {  	v29 =	vadd.s32 $0x7800, v0;
	_ =	sdelay $0x1  }
0x2ed: {  	[dreg:$0xe] =	wrdreg s28;
	s28 =	sadd.s32 $0x13680, s24  }
0x2ee: {  	s0 =	sor.u32 s20, s28  }
0x2ef: {  	[tilespmem:s0+$0x0] =	vst v1  }
0x2f0: {  	v1 =	vld.idx.msk [tilespmem:v29+s3+$0x0], $0xffff  }
0x2f1: {  	v30 =	vadd.s32 $0x7C00, v0;
	_ =	sdelay $0x1  }
0x2f2: {  	[dreg:$0x10] =	wrdreg s29;
	s29 =	sadd.s32 $0x13700, s24  }
0x2f3: {  	s0 =	sor.u32 s20, s29  }
0x2f4: {  	[tilespmem:s0+$0x0] =	vst v1  }
0x2f5: {  	v1 =	vld.idx.msk [tilespmem:v30+s3+$0x0], $0xffff  }
0x2f6: {  	v31 =	vadd.s32 $0x8000, v0;
	_ =	sdelay $0x1  }
0x2f7: {  	[dreg:$0x12] =	wrdreg s31;
	s31 =	sadd.s32 $0x13780, s24  }
0x2f8: {  	s0 =	sor.u32 s20, s31  }
0x2f9: {  	[tilespmem:s0+$0x0] =	vst v1  }
0x2fa: {  	v1 =	vld.idx.msk [tilespmem:v31+s3+$0x0], $0xffff  }
0x2fb: {  	v32 =	vadd.s32 $0x8400, v0;
	_ =	sdelay $0x1  }
0x2fc: {  	[dreg:$0x14] =	wrdreg s1;
	s1 =	sadd.s32 $0x14400, s24  }
0x2fd: {  	s0 =	sor.u32 s20, s1  }
0x2fe: {  	[tilespmem:s0+$0x0] =	vst v1  }
0x2ff: {  	v1 =	vld.idx.msk [tilespmem:v32+s3+$0x0], $0xffff  }
0x300: {  	v33 =	vadd.s32 $0x8800, v0;
	_ =	sdelay $0x1  }
0x301: {  	[dreg:$0x16] =	wrdreg s2;
	s2 =	sadd.s32 $0x14480, s24  }
0x302: {  	s0 =	sor.u32 s20, s2  }
0x303: {  	[tilespmem:s0+$0x0] =	vst v1  }
0x304: {  	v1 =	vld.idx.msk [tilespmem:v33+s3+$0x0], $0xffff  }
0x305: {  	v34 =	vadd.s32 $0x8C00, v0;
	_ =	sdelay $0x1  }
0x306: {  	[dreg:$0x18] =	wrdreg s4;
	s4 =	sadd.s32 $0x14500, s24  }
0x307: {  	s0 =	sor.u32 s20, s4  }
0x308: {  	[tilespmem:s0+$0x0] =	vst v1  }
0x309: {  	v1 =	vld.idx.msk [tilespmem:v34+s3+$0x0], $0xffff  }
0x30a: {  	v35 =	vadd.s32 $0x9000, v0;
	_ =	sdelay $0x1  }
0x30b: {  	[dreg:$0x1a] =	wrdreg s5;
	s5 =	sadd.s32 $0x14580, s24  }
0x30c: {  	s0 =	sor.u32 s20, s5  }
0x30d: {  	[tilespmem:s0+$0x0] =	vst v1  }
0x30e: {  	v1 =	vld.idx.msk [tilespmem:v35+s3+$0x0], $0xffff  }
0x30f: {  	v36 =	vadd.s32 $0x9400, v0;
	_ =	sdelay $0x1  }
0x310: {  	[dreg:$0x1c] =	wrdreg s6;
	s6 =	sadd.s32 $0x14600, s24  }
0x311: {  	s0 =	sor.u32 s20, s6  }
0x312: {  	[tilespmem:s0+$0x0] =	vst v1  }
0x313: {  	v1 =	vld.idx.msk [tilespmem:v36+s3+$0x0], $0xffff  }
0x314: {  	v37 =	vadd.s32 $0x9800, v0;
	_ =	sdelay $0x1  }
0x315: {  	[dreg:$0x1e] =	wrdreg s7;
	s7 =	sadd.s32 $0x14680, s24  }
0x316: {  	s0 =	sor.u32 s20, s7  }
0x317: {  	[tilespmem:s0+$0x0] =	vst v1  }
0x318: {  	v1 =	vld.idx.msk [tilespmem:v37+s3+$0x0], $0xffff  }
0x319: {  	v38 =	vadd.s32 $0x9C00, v0;
	_ =	sdelay $0x1  }
0x31a: {  	[smem:$0x7CF] =	sst s8;
	s8 =	sadd.s32 $0x14700, s24  }
0x31b: {  	s0 =	sor.u32 s20, s8  }
0x31c: {  	[tilespmem:s0+$0x0] =	vst v1  }
0x31d: {  	v1 =	vld.idx.msk [tilespmem:v38+s3+$0x0], $0xffff  }
0x31e: {  	v39 =	vadd.s32 $0xA000, v0;
	_ =	sdelay $0x1  }
0x31f: {  	[smem:$0x7D0] =	sst s9;
	s9 =	sadd.s32 $0x14780, s24  }
0x320: {  	s0 =	sor.u32 s20, s9  }
0x321: {  	[tilespmem:s0+$0x0] =	vst v1  }
0x322: {  	v1 =	vld.idx.msk [tilespmem:v39+s3+$0x0], $0xffff  }
0x323: {  	v40 =	vadd.s32 $0xA400, v0;
	_ =	sdelay $0x1  }
0x324: {  	[smem:$0x7D1] =	sst s10;
	s10 =	sadd.s32 $0x15400, s24  }
0x325: {  	s0 =	sor.u32 s20, s10  }
0x326: {  	[tilespmem:s0+$0x0] =	vst v1  }
0x327: {  	v1 =	vld.idx.msk [tilespmem:v40+s3+$0x0], $0xffff  }
0x328: {  	v41 =	vadd.s32 $0xA800, v0;
	_ =	sdelay $0x1  }
0x329: {  	[smem:$0x7D2] =	sst s11;
	s11 =	sadd.s32 $0x15480, s24  }
0x32a: {  	s0 =	sor.u32 s20, s11  }
0x32b: {  	[tilespmem:s0+$0x0] =	vst v1  }
0x32c: {  	v1 =	vld.idx.msk [tilespmem:v41+s3+$0x0], $0xffff  }
0x32d: {  	v42 =	vadd.s32 $0xAC00, v0;
	_ =	sdelay $0x1  }
0x32e: {  	[smem:$0x7DC] =	sst s29;
	s29 =	sadd.s32 $0x15500, s24  }
0x32f: {  	[smem:$0x7D3] =	sst s12;
	s12 =	sor.u32 s20, s29  }
0x330: {  	[tilespmem:s12+$0x0] =	vst v1  }
0x331: {  	v1 =	vld.idx.msk [tilespmem:v42+s3+$0x0], $0xffff  }
0x332: {  	v43 =	vadd.s32 $0xB000, v0;
	_ =	sdelay $0x1  }
0x333: {  	[smem:$0x7DB] =	sst s28;
	s28 =	sadd.s32 $0x15580, s24  }
0x334: {  	[smem:$0x7D4] =	sst s13;
	s13 =	sor.u32 s20, s28  }
0x335: {  	[tilespmem:s13+$0x0] =	vst v1  }
0x336: {  	v1 =	vld.idx.msk [tilespmem:v43+s3+$0x0], $0xffff  }
0x337: {  	v44 =	vadd.s32 $0xB400, v0;
	_ =	sdelay $0x1  }
0x338: {  	[smem:$0x7DA] =	sst s26;
	s26 =	sadd.s32 $0x15600, s24  }
0x339: {  	[smem:$0x7D5] =	sst s14;
	s14 =	sor.u32 s20, s26  }
0x33a: {  	[tilespmem:s14+$0x0] =	vst v1  }
0x33b: {  	v1 =	vld.idx.msk [tilespmem:v44+s3+$0x0], $0xffff  }
0x33c: {  	v45 =	vadd.s32 $0xB800, v0;
	_ =	sdelay $0x1  }
0x33d: {  	[smem:$0x7D9] =	sst s25;
	s25 =	sadd.s32 $0x15680, s24  }
0x33e: {  	[smem:$0x7D6] =	sst s21;
	s21 =	sor.u32 s20, s25  }
0x33f: {  	[tilespmem:s21+$0x0] =	vst v1  }
0x340: {  	v1 =	vld.idx.msk [tilespmem:v45+s3+$0x0], $0xffff  }
0x341: {  	v46 =	vadd.s32 $0xBC00, v0;
	_ =	sdelay $0x1  }
0x342: {  	[smem:$0x7D8] =	sst s23;
	s23 =	sadd.s32 $0x15700, s24  }
0x343: {  	[smem:$0x7D7] =	sst s22;
	s22 =	sor.u32 s20, s23  }
0x344: {  	[tilespmem:s22+$0x0] =	vst v1  }
0x345: {  	v1 =	vld.idx.msk [tilespmem:v46+s3+$0x0], $0xffff  }
0x346: {  	v47 =	vadd.s32 $0xC000, v0;
	_ =	sdelay $0x1  }
0x347: {  	s22 =	sadd.s32 $0x15780, s24  }
0x348: {  	[smem:$0x7DD] =	sst s31;
	s31 =	sor.u32 s20, s22  }
0x349: {  	[tilespmem:s31+$0x0] =	vst v1  }
0x34a: {  	v1 =	vld.idx.msk [tilespmem:v47+s3+$0x0], $0xffff  }
0x34b: {  	v48 =	vadd.s32 $0xC400, v0;
	_ =	sdelay $0x1  }
0x34c: {  	s21 =	sadd.s32 $0x16400, s24  }
0x34d: {  	[smem:$0x7DE] =	sst s1;
	s1 =	sor.u32 s20, s21  }
0x34e: {  	[tilespmem:s1+$0x0] =	vst v1  }
0x34f: {  	v1 =	vld.idx.msk [tilespmem:v48+s3+$0x0], $0xffff  }
0x350: {  	v49 =	vadd.s32 $0xC800, v0;
	_ =	sdelay $0x1  }
0x351: {  	s14 =	sadd.s32 $0x16480, s24  }
0x352: {  	[smem:$0x7DF] =	sst s2;
	s2 =	sor.u32 s20, s14  }
0x353: {  	[tilespmem:s2+$0x0] =	vst v1  }
0x354: {  	v1 =	vld.idx.msk [tilespmem:v49+s3+$0x0], $0xffff  }
0x355: {  	v50 =	vadd.s32 $0xCC00, v0;
	_ =	sdelay $0x1  }
0x356: {  	s13 =	sadd.s32 $0x16500, s24  }
0x357: {  	[smem:$0x7E0] =	sst s4;
	s4 =	sor.u32 s20, s13  }
0x358: {  	[tilespmem:s4+$0x0] =	vst v1  }
0x359: {  	v1 =	vld.idx.msk [tilespmem:v50+s3+$0x0], $0xffff  }
0x35a: {  	v51 =	vadd.s32 $0xD000, v0;
	_ =	sdelay $0x1  }
0x35b: {  	s12 =	sadd.s32 $0x16580, s24  }
0x35c: {  	[smem:$0x7E1] =	sst s5;
	s5 =	sor.u32 s20, s12  }
0x35d: {  	[tilespmem:s5+$0x0] =	vst v1  }
0x35e: {  	v1 =	vld.idx.msk [tilespmem:v51+s3+$0x0], $0xffff  }
0x35f: {  	v52 =	vadd.s32 $0xD400, v0;
	_ =	sdelay $0x1  }
0x360: {  	[smem:$0x7E7] =	sst s11;
	s11 =	sadd.s32 $0x16600, s24  }
0x361: {  	[smem:$0x7E2] =	sst s6;
	s6 =	sor.u32 s20, s11  }
0x362: {  	[tilespmem:s6+$0x0] =	vst v1  }
0x363: {  	v1 =	vld.idx.msk [tilespmem:v52+s3+$0x0], $0xffff  }
0x364: {  	v53 =	vadd.s32 $0xD800, v0;
	_ =	sdelay $0x1  }
0x365: {  	[smem:$0x7E6] =	sst s10;
	s10 =	sadd.s32 $0x16680, s24  }
0x366: {  	[smem:$0x7E3] =	sst s7;
	s7 =	sor.u32 s20, s10  }
0x367: {  	[tilespmem:s7+$0x0] =	vst v1  }
0x368: {  	v1 =	vld.idx.msk [tilespmem:v53+s3+$0x0], $0xffff  }
0x369: {  	v54 =	vadd.s32 $0xDC00, v0;
	_ =	sdelay $0x1  }
0x36a: {  	[smem:$0x7E5] =	sst s9;
	s9 =	sadd.s32 $0x16700, s24  }
0x36b: {  	[smem:$0x7E4] =	sst s8;
	s8 =	sor.u32 s20, s9  }
0x36c: {  	[tilespmem:s8+$0x0] =	vst v1  }
0x36d: {  	v1 =	vld.idx.msk [tilespmem:v54+s3+$0x0], $0xffff  }
0x36e: {  	v55 =	vadd.s32 $0xE000, v0;
	_ =	sdelay $0x1  }
0x36f: {  	s8 =	sadd.s32 $0x16780, s24  }
0x370: {  	s31 =	sor.u32 s20, s8  }
0x371: {  	[tilespmem:s31+$0x0] =	vst v1  }
0x372: {  	v1 =	vld.idx.msk [tilespmem:v55+s3+$0x0], $0xffff  }
0x373: {  	v56 =	vadd.s32 $0xE400, v0;
	_ =	sdelay $0x1  }
0x374: {  	s7 =	sadd.s32 $0x17400, s24  }
0x375: {  	s1 =	sor.u32 s20, s7  }
0x376: {  	[tilespmem:s1+$0x0] =	vst v1  }
0x377: {  	v1 =	vld.idx.msk [tilespmem:v56+s3+$0x0], $0xffff  }
0x378: {  	v57 =	vadd.s32 $0xE800, v0;
	_ =	sdelay $0x1  }
0x379: {  	s6 =	sadd.s32 $0x17480, s24  }
0x37a: {  	s2 =	sor.u32 s20, s6  }
0x37b: {  	[tilespmem:s2+$0x0] =	vst v1  }
0x37c: {  	v1 =	vld.idx.msk [tilespmem:v57+s3+$0x0], $0xffff  }
0x37d: {  	v58 =	vadd.s32 $0xEC00, v0;
	_ =	sdelay $0x1  }
0x37e: {  	s5 =	sadd.s32 $0x17500, s24  }
0x37f: {  	s4 =	sor.u32 s20, s5  }
0x380: {  	[tilespmem:s4+$0x0] =	vst v1  }
0x381: {  	v1 =	vld.idx.msk [tilespmem:v58+s3+$0x0], $0xffff  }
0x382: {  	v59 =	vadd.s32 $0xF000, v0;
	_ =	sdelay $0x1  }
0x383: {  	s4 =	sadd.s32 $0x17580, s24  }
0x384: {  	s31 =	sor.u32 s20, s4  }
0x385: {  	[tilespmem:s31+$0x0] =	vst v1  }
0x386: {  	v1 =	vld.idx.msk [tilespmem:v59+s3+$0x0], $0xffff  }
0x387: {  	v60 =	vadd.s32 $0xF400, v0;
	_ =	sdelay $0x1  }
0x388: {  	s2 =	sadd.s32 $0x17600, s24  }
0x389: {  	s1 =	sor.u32 s20, s2  }
0x38a: {  	[tilespmem:s1+$0x0] =	vst v1  }
0x38b: {  	v1 =	vld.idx.msk [tilespmem:v60+s3+$0x0], $0xffff  }
0x38c: {  	v61 =	vadd.s32 $0xF800, v0;
	_ =	sdelay $0x1  }
0x38d: {  	s1 =	sadd.s32 $0x17680, s24  }
0x38e: {  	s31 =	sor.u32 s20, s1  }
0x38f: {  	[tilespmem:s31+$0x0] =	vst v1  }
0x390: {  	v1 =	vld.idx.msk [tilespmem:v61+s3+$0x0], $0xffff  }
0x391: {  	v0 =	vadd.s32 $0xFC00, v0;
	_ =	sdelay $0x1  }
0x392: {  	s0 =	sadd.s32 $0x17700, s24  }
0x393: {  	s31 =	sor.u32 s20, s0  }
0x394: {  	[tilespmem:s31+$0x0] =	vst v1  }
0x395: {  	v0 =	vld.idx.msk [tilespmem:v0+s3+$0x0], $0xffff;
	_ =	sdelay $0x2  }
0x396: {  	s24 =	sadd.s32 $0x17780, s24  }
0x397: {  	s31 =	sor.u32 s20, s24  }
0x398: {  	[tilespmem:s31+$0x0] =	vst v0  }
0x399: {  	v0 =	vld [tilespmem:s17+$0x0];
	_ =	sdelay $0x7  }
0x39a: {  	v1 =	vld.idx.msk [tilespmem:v0+s3+$0x0], $0xffff  }
0x39b: {  	v62 =	vadd.s32 $0x400, v0;
	_ =	sdelay $0x1  }
0x39c: {  	s20 =	sor.u32 $0x10, s20  }
0x39d: {  	s30 =	sor.u32 s20, s30  }
0x39e: {  	[tilespmem:s30+$0x0] =	vst v1  }
0x39f: {  	v1 =	vld.idx.msk [tilespmem:v62+s3+$0x0], $0xffff  }
0x3a0: {  	v63 =	vadd.s32 $0x800, v0;
	_ =	sdelay $0x3  }
0x3a1: {  	[tilespmem:s30+$0x80] =	vst v1  }
0x3a2: {  	v1 =	vld.idx.msk [tilespmem:v63+s3+$0x0], $0xffff  }
0x3a3: {  	v4 =	vadd.s32 $0xC00, v0;
	_ =	sdelay $0x3  }
0x3a4: {  	[tilespmem:s30+$0x100] =	vst v1  }
0x3a5: {  	v1 =	vld.idx.msk [tilespmem:v4+s3+$0x0], $0xffff  }
0x3a6: {  	v5 =	vadd.s32 $0x1000, v0;
	_ =	sdelay $0x3  }
0x3a7: {  	[tilespmem:s30+$0x180] =	vst v1  }
0x3a8: {  	v1 =	vld.idx.msk [tilespmem:v5+s3+$0x0], $0xffff  }
0x3a9: {  	v6 =	vadd.s32 $0x1400, v0;
	_ =	sdelay $0x3  }
0x3aa: {  	[tilespmem:s30+$0x200] =	vst v1  }
0x3ab: {  	v1 =	vld.idx.msk [tilespmem:v6+s3+$0x0], $0xffff  }
0x3ac: {  	v7 =	vadd.s32 $0x1800, v0;
	_ =	sdelay $0x3  }
0x3ad: {  	[tilespmem:s30+$0x280] =	vst v1  }
0x3ae: {  	v1 =	vld.idx.msk [tilespmem:v7+s3+$0x0], $0xffff  }
0x3af: {  	v8 =	vadd.s32 $0x1C00, v0  }
0x3b0: {  	s31 =	rddreg [dreg:$0xc]  }
0x3b1: {  	s31 =	sadd.s32 $0x10, s31  }
0x3b2: {  	s30 =	sor.u32 $0x300, s31  }
0x3b3: {  	[tilespmem:s30+$0x10400] =	vst v1  }
0x3b4: {  	v1 =	vld.idx.msk [tilespmem:v8+s3+$0x0], $0xffff  }
0x3b5: {  	v9 =	vadd.s32 $0x2000, v0;
	_ =	sdelay $0x2  }
0x3b6: {  	s31 =	sor.u32 $0x380, s31  }
0x3b7: {  	[tilespmem:s31+$0x10400] =	vst v1  }
0x3b8: {  	v1 =	vld.idx.msk [tilespmem:v9+s3+$0x0], $0xffff  }
0x3b9: {  	v10 =	vadd.s32 $0x2400, v0;
	_ =	sdelay $0x1  }
0x3ba: {  	s31 =	rddreg [dreg:$0xe]  }
0x3bb: {  	s30 =	sor.u32 s20, s31  }
0x3bc: {  	[tilespmem:s30+$0x0] =	vst v1  }
0x3bd: {  	v1 =	vld.idx.msk [tilespmem:v10+s3+$0x0], $0xffff  }
0x3be: {  	v11 =	vadd.s32 $0x2800, v0;
	_ =	sdelay $0x1  }
0x3bf: {  	s31 =	rddreg [dreg:$0x10]  }
0x3c0: {  	s30 =	sor.u32 s20, s31  }
0x3c1: {  	[tilespmem:s30+$0x0] =	vst v1  }
0x3c2: {  	v1 =	vld.idx.msk [tilespmem:v11+s3+$0x0], $0xffff  }
0x3c3: {  	v12 =	vadd.s32 $0x2C00, v0;
	_ =	sdelay $0x1  }
0x3c4: {  	s31 =	rddreg [dreg:$0x12]  }
0x3c5: {  	s30 =	sor.u32 s20, s31  }
0x3c6: {  	[tilespmem:s30+$0x0] =	vst v1  }
0x3c7: {  	v1 =	vld.idx.msk [tilespmem:v12+s3+$0x0], $0xffff  }
0x3c8: {  	v13 =	vadd.s32 $0x3000, v0;
	_ =	sdelay $0x1  }
0x3c9: {  	s31 =	rddreg [dreg:$0x14]  }
0x3ca: {  	s30 =	sor.u32 s20, s31  }
0x3cb: {  	[tilespmem:s30+$0x0] =	vst v1  }
0x3cc: {  	v1 =	vld.idx.msk [tilespmem:v13+s3+$0x0], $0xffff  }
0x3cd: {  	v14 =	vadd.s32 $0x3400, v0;
	_ =	sdelay $0x1  }
0x3ce: {  	s31 =	rddreg [dreg:$0x16]  }
0x3cf: {  	s30 =	sor.u32 s20, s31  }
0x3d0: {  	[tilespmem:s30+$0x0] =	vst v1  }
0x3d1: {  	v1 =	vld.idx.msk [tilespmem:v14+s3+$0x0], $0xffff  }
0x3d2: {  	v15 =	vadd.s32 $0x3800, v0;
	_ =	sdelay $0x1  }
0x3d3: {  	s31 =	rddreg [dreg:$0x18]  }
0x3d4: {  	s30 =	sor.u32 s20, s31  }
0x3d5: {  	[tilespmem:s30+$0x0] =	vst v1  }
0x3d6: {  	v1 =	vld.idx.msk [tilespmem:v15+s3+$0x0], $0xffff  }
0x3d7: {  	v16 =	vadd.s32 $0x3C00, v0;
	_ =	sdelay $0x1  }
0x3d8: {  	s31 =	rddreg [dreg:$0x1a]  }
0x3d9: {  	s30 =	sor.u32 s20, s31  }
0x3da: {  	[tilespmem:s30+$0x0] =	vst v1  }
0x3db: {  	v1 =	vld.idx.msk [tilespmem:v16+s3+$0x0], $0xffff  }
0x3dc: {  	v17 =	vadd.s32 $0x4000, v0;
	_ =	sdelay $0x1  }
0x3dd: {  	s31 =	rddreg [dreg:$0x1c]  }
0x3de: {  	s30 =	sor.u32 s20, s31  }
0x3df: {  	[tilespmem:s30+$0x0] =	vst v1  }
0x3e0: {  	v1 =	vld.idx.msk [tilespmem:v17+s3+$0x0], $0xffff  }
0x3e1: {  	v18 =	vadd.s32 $0x4400, v0;
	_ =	sdelay $0x1  }
0x3e2: {  	s31 =	rddreg [dreg:$0x1e]  }
0x3e3: {  	s30 =	sor.u32 s20, s31  }
0x3e4: {  	[tilespmem:s30+$0x0] =	vst v1  }
0x3e5: {  	v1 =	vld.idx.msk [tilespmem:v18+s3+$0x0], $0xffff  }
0x3e6: {  	v19 =	vadd.s32 $0x4800, v0;
	s31 =	sld [smem:$0x7CF];
	_ =	sdelay $0x2  }
0x3e7: {  	s30 =	sor.u32 s20, s31  }
0x3e8: {  	[tilespmem:s30+$0x0] =	vst v1  }
0x3e9: {  	v1 =	vld.idx.msk [tilespmem:v19+s3+$0x0], $0xffff  }
0x3ea: {  	v20 =	vadd.s32 $0x4C00, v0;
	s31 =	sld [smem:$0x7D0];
	_ =	sdelay $0x2  }
0x3eb: {  	s30 =	sor.u32 s20, s31  }
0x3ec: {  	[tilespmem:s30+$0x0] =	vst v1  }
0x3ed: {  	v1 =	vld.idx.msk [tilespmem:v20+s3+$0x0], $0xffff  }
0x3ee: {  	v21 =	vadd.s32 $0x5000, v0;
	s31 =	sld [smem:$0x7D1];
	_ =	sdelay $0x2  }
0x3ef: {  	s30 =	sor.u32 s20, s31  }
0x3f0: {  	[tilespmem:s30+$0x0] =	vst v1  }
0x3f1: {  	v1 =	vld.idx.msk [tilespmem:v21+s3+$0x0], $0xffff  }
0x3f2: {  	v22 =	vadd.s32 $0x5400, v0;
	s31 =	sld [smem:$0x7D2];
	_ =	sdelay $0x2  }
0x3f3: {  	s30 =	sor.u32 s20, s31  }
0x3f4: {  	[tilespmem:s30+$0x0] =	vst v1  }
0x3f5: {  	v1 =	vld.idx.msk [tilespmem:v22+s3+$0x0], $0xffff  }
0x3f6: {  	v23 =	vadd.s32 $0x5800, v0;
	s31 =	sld [smem:$0x7D3];
	_ =	sdelay $0x2  }
0x3f7: {  	s30 =	sor.u32 s20, s31  }
0x3f8: {  	[tilespmem:s30+$0x0] =	vst v1  }
0x3f9: {  	v1 =	vld.idx.msk [tilespmem:v23+s3+$0x0], $0xffff  }
0x3fa: {  	v24 =	vadd.s32 $0x5C00, v0;
	s31 =	sld [smem:$0x7D4];
	_ =	sdelay $0x2  }
0x3fb: {  	s30 =	sor.u32 s20, s31  }
0x3fc: {  	[tilespmem:s30+$0x0] =	vst v1  }
0x3fd: {  	v1 =	vld.idx.msk [tilespmem:v24+s3+$0x0], $0xffff  }
0x3fe: {  	v25 =	vadd.s32 $0x6000, v0;
	s31 =	sld [smem:$0x7D5];
	_ =	sdelay $0x2  }
0x3ff: {  	s30 =	sor.u32 s20, s31  }
0x400: {  	[tilespmem:s30+$0x0] =	vst v1  }
0x401: {  	v1 =	vld.idx.msk [tilespmem:v25+s3+$0x0], $0xffff  }
0x402: {  	v26 =	vadd.s32 $0x6400, v0;
	s31 =	sld [smem:$0x7D6];
	_ =	sdelay $0x2  }
0x403: {  	s30 =	sor.u32 s20, s31  }
0x404: {  	[tilespmem:s30+$0x0] =	vst v1  }
0x405: {  	v1 =	vld.idx.msk [tilespmem:v26+s3+$0x0], $0xffff  }
0x406: {  	v27 =	vadd.s32 $0x6800, v0;
	s31 =	sld [smem:$0x7D7];
	_ =	sdelay $0x2  }
0x407: {  	s30 =	sor.u32 s20, s31  }
0x408: {  	[tilespmem:s30+$0x0] =	vst v1  }
0x409: {  	v1 =	vld.idx.msk [tilespmem:v27+s3+$0x0], $0xffff  }
0x40a: {  	v28 =	vadd.s32 $0x6C00, v0;
	s31 =	sld [smem:$0x7D8];
	_ =	sdelay $0x2  }
0x40b: {  	s30 =	sor.u32 s20, s31  }
0x40c: {  	[tilespmem:s30+$0x0] =	vst v1  }
0x40d: {  	v1 =	vld.idx.msk [tilespmem:v28+s3+$0x0], $0xffff  }
0x40e: {  	v29 =	vadd.s32 $0x7000, v0;
	s31 =	sld [smem:$0x7D9];
	_ =	sdelay $0x2  }
0x40f: {  	s30 =	sor.u32 s20, s31  }
0x410: {  	[tilespmem:s30+$0x0] =	vst v1  }
0x411: {  	v1 =	vld.idx.msk [tilespmem:v29+s3+$0x0], $0xffff  }
0x412: {  	v30 =	vadd.s32 $0x7400, v0;
	s31 =	sld [smem:$0x7DA];
	_ =	sdelay $0x2  }
0x413: {  	s30 =	sor.u32 s20, s31  }
0x414: {  	[tilespmem:s30+$0x0] =	vst v1  }
0x415: {  	v1 =	vld.idx.msk [tilespmem:v30+s3+$0x0], $0xffff  }
0x416: {  	v31 =	vadd.s32 $0x7800, v0;
	s31 =	sld [smem:$0x7DB];
	_ =	sdelay $0x2  }
0x417: {  	s30 =	sor.u32 s20, s31  }
0x418: {  	[tilespmem:s30+$0x0] =	vst v1  }
0x419: {  	v1 =	vld.idx.msk [tilespmem:v31+s3+$0x0], $0xffff  }
0x41a: {  	v32 =	vadd.s32 $0x7C00, v0;
	s31 =	sld [smem:$0x7DC];
	_ =	sdelay $0x2  }
0x41b: {  	s30 =	sor.u32 s20, s31  }
0x41c: {  	[tilespmem:s30+$0x0] =	vst v1  }
0x41d: {  	v1 =	vld.idx.msk [tilespmem:v32+s3+$0x0], $0xffff  }
0x41e: {  	v33 =	vadd.s32 $0x8000, v0;
	s31 =	sld [smem:$0x7DD];
	_ =	sdelay $0x2  }
0x41f: {  	s30 =	sor.u32 s20, s31  }
0x420: {  	[tilespmem:s30+$0x0] =	vst v1  }
0x421: {  	v1 =	vld.idx.msk [tilespmem:v33+s3+$0x0], $0xffff  }
0x422: {  	v34 =	vadd.s32 $0x8400, v0;
	s31 =	sld [smem:$0x7DE];
	_ =	sdelay $0x2  }
0x423: {  	s30 =	sor.u32 s20, s31  }
0x424: {  	[tilespmem:s30+$0x0] =	vst v1  }
0x425: {  	v1 =	vld.idx.msk [tilespmem:v34+s3+$0x0], $0xffff  }
0x426: {  	v35 =	vadd.s32 $0x8800, v0;
	s31 =	sld [smem:$0x7DF];
	_ =	sdelay $0x2  }
0x427: {  	s30 =	sor.u32 s20, s31  }
0x428: {  	[tilespmem:s30+$0x0] =	vst v1  }
0x429: {  	v1 =	vld.idx.msk [tilespmem:v35+s3+$0x0], $0xffff  }
0x42a: {  	v36 =	vadd.s32 $0x8C00, v0;
	s31 =	sld [smem:$0x7E0];
	_ =	sdelay $0x2  }
0x42b: {  	s30 =	sor.u32 s20, s31  }
0x42c: {  	[tilespmem:s30+$0x0] =	vst v1  }
0x42d: {  	v1 =	vld.idx.msk [tilespmem:v36+s3+$0x0], $0xffff  }
0x42e: {  	v37 =	vadd.s32 $0x9000, v0;
	s31 =	sld [smem:$0x7E1];
	_ =	sdelay $0x2  }
0x42f: {  	s30 =	sor.u32 s20, s31  }
0x430: {  	[tilespmem:s30+$0x0] =	vst v1  }
0x431: {  	v1 =	vld.idx.msk [tilespmem:v37+s3+$0x0], $0xffff  }
0x432: {  	v38 =	vadd.s32 $0x9400, v0;
	s31 =	sld [smem:$0x7E2];
	_ =	sdelay $0x2  }
0x433: {  	s30 =	sor.u32 s20, s31  }
0x434: {  	[tilespmem:s30+$0x0] =	vst v1  }
0x435: {  	v1 =	vld.idx.msk [tilespmem:v38+s3+$0x0], $0xffff  }
0x436: {  	v39 =	vadd.s32 $0x9800, v0;
	s31 =	sld [smem:$0x7E3];
	_ =	sdelay $0x2  }
0x437: {  	s30 =	sor.u32 s20, s31  }
0x438: {  	[tilespmem:s30+$0x0] =	vst v1  }
0x439: {  	v1 =	vld.idx.msk [tilespmem:v39+s3+$0x0], $0xffff  }
0x43a: {  	v40 =	vadd.s32 $0x9C00, v0;
	s31 =	sld [smem:$0x7E4];
	_ =	sdelay $0x2  }
0x43b: {  	s30 =	sor.u32 s20, s31  }
0x43c: {  	[tilespmem:s30+$0x0] =	vst v1  }
0x43d: {  	v1 =	vld.idx.msk [tilespmem:v40+s3+$0x0], $0xffff  }
0x43e: {  	v41 =	vadd.s32 $0xA000, v0;
	s31 =	sld [smem:$0x7E5];
	_ =	sdelay $0x2  }
0x43f: {  	s30 =	sor.u32 s20, s31  }
0x440: {  	[tilespmem:s30+$0x0] =	vst v1  }
0x441: {  	v1 =	vld.idx.msk [tilespmem:v41+s3+$0x0], $0xffff  }
0x442: {  	v42 =	vadd.s32 $0xA400, v0;
	s31 =	sld [smem:$0x7E6];
	_ =	sdelay $0x2  }
0x443: {  	s30 =	sor.u32 s20, s31  }
0x444: {  	[tilespmem:s30+$0x0] =	vst v1  }
0x445: {  	v1 =	vld.idx.msk [tilespmem:v42+s3+$0x0], $0xffff  }
0x446: {  	v43 =	vadd.s32 $0xA800, v0;
	s31 =	sld [smem:$0x7E7];
	_ =	sdelay $0x2  }
0x447: {  	s30 =	sor.u32 s20, s31  }
0x448: {  	[tilespmem:s30+$0x0] =	vst v1  }
0x449: {  	v1 =	vld.idx.msk [tilespmem:v43+s3+$0x0], $0xffff  }
0x44a: {  	v44 =	vadd.s32 $0xAC00, v0;
	_ =	sdelay $0x2  }
0x44b: {  	s29 =	sor.u32 s20, s29  }
0x44c: {  	[tilespmem:s29+$0x0] =	vst v1  }
0x44d: {  	v1 =	vld.idx.msk [tilespmem:v44+s3+$0x0], $0xffff  }
0x44e: {  	v45 =	vadd.s32 $0xB000, v0;
	_ =	sdelay $0x2  }
0x44f: {  	s28 =	sor.u32 s20, s28  }
0x450: {  	[tilespmem:s28+$0x0] =	vst v1  }
0x451: {  	v1 =	vld.idx.msk [tilespmem:v45+s3+$0x0], $0xffff  }
0x452: {  	v46 =	vadd.s32 $0xB400, v0;
	_ =	sdelay $0x2  }
0x453: {  	s26 =	sor.u32 s20, s26  }
0x454: {  	[tilespmem:s26+$0x0] =	vst v1  }
0x455: {  	v1 =	vld.idx.msk [tilespmem:v46+s3+$0x0], $0xffff  }
0x456: {  	v47 =	vadd.s32 $0xB800, v0;
	_ =	sdelay $0x2  }
0x457: {  	s25 =	sor.u32 s20, s25  }
0x458: {  	[tilespmem:s25+$0x0] =	vst v1  }
0x459: {  	v1 =	vld.idx.msk [tilespmem:v47+s3+$0x0], $0xffff  }
0x45a: {  	v48 =	vadd.s32 $0xBC00, v0;
	_ =	sdelay $0x2  }
0x45b: {  	s23 =	sor.u32 s20, s23  }
0x45c: {  	[tilespmem:s23+$0x0] =	vst v1  }
0x45d: {  	v1 =	vld.idx.msk [tilespmem:v48+s3+$0x0], $0xffff  }
0x45e: {  	v49 =	vadd.s32 $0xC000, v0;
	_ =	sdelay $0x2  }
0x45f: {  	s22 =	sor.u32 s20, s22  }
0x460: {  	[tilespmem:s22+$0x0] =	vst v1  }
0x461: {  	v1 =	vld.idx.msk [tilespmem:v49+s3+$0x0], $0xffff  }
0x462: {  	v50 =	vadd.s32 $0xC400, v0;
	_ =	sdelay $0x2  }
0x463: {  	s21 =	sor.u32 s20, s21  }
0x464: {  	[tilespmem:s21+$0x0] =	vst v1  }
0x465: {  	v1 =	vld.idx.msk [tilespmem:v50+s3+$0x0], $0xffff  }
0x466: {  	v51 =	vadd.s32 $0xC800, v0;
	_ =	sdelay $0x2  }
0x467: {  	s14 =	sor.u32 s20, s14  }
0x468: {  	[tilespmem:s14+$0x0] =	vst v1  }
0x469: {  	v1 =	vld.idx.msk [tilespmem:v51+s3+$0x0], $0xffff  }
0x46a: {  	v52 =	vadd.s32 $0xCC00, v0;
	_ =	sdelay $0x2  }
0x46b: {  	s13 =	sor.u32 s20, s13  }
0x46c: {  	[tilespmem:s13+$0x0] =	vst v1  }
0x46d: {  	v1 =	vld.idx.msk [tilespmem:v52+s3+$0x0], $0xffff  }
0x46e: {  	v53 =	vadd.s32 $0xD000, v0;
	_ =	sdelay $0x2  }
0x46f: {  	s12 =	sor.u32 s20, s12  }
0x470: {  	[tilespmem:s12+$0x0] =	vst v1  }
0x471: {  	v1 =	vld.idx.msk [tilespmem:v53+s3+$0x0], $0xffff  }
0x472: {  	v54 =	vadd.s32 $0xD400, v0;
	_ =	sdelay $0x2  }
0x473: {  	s11 =	sor.u32 s20, s11  }
0x474: {  	[tilespmem:s11+$0x0] =	vst v1  }
0x475: {  	v1 =	vld.idx.msk [tilespmem:v54+s3+$0x0], $0xffff  }
0x476: {  	v55 =	vadd.s32 $0xD800, v0;
	_ =	sdelay $0x2  }
0x477: {  	s10 =	sor.u32 s20, s10  }
0x478: {  	[tilespmem:s10+$0x0] =	vst v1  }
0x479: {  	v1 =	vld.idx.msk [tilespmem:v55+s3+$0x0], $0xffff  }
0x47a: {  	v56 =	vadd.s32 $0xDC00, v0;
	_ =	sdelay $0x2  }
0x47b: {  	s9 =	sor.u32 s20, s9  }
0x47c: {  	[tilespmem:s9+$0x0] =	vst v1  }
0x47d: {  	v1 =	vld.idx.msk [tilespmem:v56+s3+$0x0], $0xffff  }
0x47e: {  	v57 =	vadd.s32 $0xE000, v0;
	_ =	sdelay $0x2  }
0x47f: {  	s8 =	sor.u32 s20, s8  }
0x480: {  	[tilespmem:s8+$0x0] =	vst v1  }
0x481: {  	v1 =	vld.idx.msk [tilespmem:v57+s3+$0x0], $0xffff  }
0x482: {  	v58 =	vadd.s32 $0xE400, v0;
	_ =	sdelay $0x2  }
0x483: {  	s7 =	sor.u32 s20, s7  }
0x484: {  	[tilespmem:s7+$0x0] =	vst v1  }
0x485: {  	v1 =	vld.idx.msk [tilespmem:v58+s3+$0x0], $0xffff  }
0x486: {  	v59 =	vadd.s32 $0xE800, v0;
	_ =	sdelay $0x2  }
0x487: {  	s6 =	sor.u32 s20, s6  }
0x488: {  	[tilespmem:s6+$0x0] =	vst v1  }
0x489: {  	v1 =	vld.idx.msk [tilespmem:v59+s3+$0x0], $0xffff  }
0x48a: {  	v60 =	vadd.s32 $0xEC00, v0;
	_ =	sdelay $0x2  }
0x48b: {  	s5 =	sor.u32 s20, s5  }
0x48c: {  	[tilespmem:s5+$0x0] =	vst v1  }
0x48d: {  	v1 =	vld.idx.msk [tilespmem:v60+s3+$0x0], $0xffff  }
0x48e: {  	v61 =	vadd.s32 $0xF000, v0;
	_ =	sdelay $0x2  }
0x48f: {  	s4 =	sor.u32 s20, s4  }
0x490: {  	[tilespmem:s4+$0x0] =	vst v1  }
0x491: {  	v1 =	vld.idx.msk [tilespmem:v61+s3+$0x0], $0xffff  }
0x492: {  	v62 =	vadd.s32 $0xF400, v0;
	_ =	sdelay $0x2  }
0x493: {  	s2 =	sor.u32 s20, s2  }
0x494: {  	[tilespmem:s2+$0x0] =	vst v1  }
0x495: {  	v1 =	vld.idx.msk [tilespmem:v62+s3+$0x0], $0xffff  }
0x496: {  	v63 =	vadd.s32 $0xF800, v0;
	_ =	sdelay $0x2  }
0x497: {  	s1 =	sor.u32 s20, s1  }
0x498: {  	[tilespmem:s1+$0x0] =	vst v1  }
0x499: {  	v1 =	vld.idx.msk [tilespmem:v63+s3+$0x0], $0xffff  }
0x49a: {  	v0 =	vadd.s32 $0xFC00, v0;
	_ =	sdelay $0x2  }
0x49b: {  	s0 =	sor.u32 s20, s0  }
0x49c: {  	s15 =	sadd.s32 $0x2, s15;
	[tilespmem:s0+$0x0] =	vst v1  }
0x49d: {  	p0 =	slt.u32 s15, $0x1E;
	v0 =	vld.idx.msk [tilespmem:v0+s3+$0x0], $0xffff  }
.Ltmp1:
0x49e: {  	_ = 	snop;
	(pc) =	sbr.rel @p0 .LBB2_4-.Ltmp1, $3  }
0x49f: {  	_ =	sdelay $0x1  }
0x4a0: {  	s18 =	sadd.s32 $0x1, s18;
	s31 =	sor.u32 s20, s24  }
0x4a1: {  	s16 =	sadd.s32 $0x20, s16;
	s19 =	sadd.s32 $0x100, s19;
	s17 =	sadd.s32 $0x20, s17;
	[tilespmem:s31+$0x0] =	vst v0  }
0x4a2: {  	s0 =	rddreg [dreg:$0x5]  }
0x4a3: {  	s1 =	simm.s32 $0x1000;
	s2 =	simm.s32 $0x2000;
	s4 =	simm.s32 $0x10400  }
0x4a4: {  	[hbm4b:s0+s1] =	stream.strided.scatter [tilespmem:s4], [sflag:$0x1], $0x8000, s2, s1, $0x38;
	[tilespmem:$0x18400] =	vst v63  }
0x4a5: {  	s1 =	simm.s32 $0x1  }
0x4a6: {  	_ =	swait.ge [sflag:s1], $0x8000  }
0x4a7: {  	s30 =	rddreg [dreg:$0x7]  }
0x4a8: {  	s31 =	rddreg [dreg:$0x6];
	s2 =	sadd.s32 $0x1, s30  }
0x4a9: {  	p0 =	sne.s32 s2, s31  }
.Ltmp2:
0x4aa: {  	_ = 	snop;
	(pc) =	sbr.rel @p0 .LBB2_1-.Ltmp2, $3  }
0x4ab: {  	_ =	sdelay $0x1  }
0x4ac: {  	[sflag:s1] =	ssyncset.done $0x0  }
0x4ad: {  	[sflag:s1] =	ssyncadd.s32 $0xFFFF8000  }
0x4ae: {  	_ =	sfence.sel $0x180000  }
0x4af: {  	[bflag:$0x0] =	sbarrier.arrive $0xFFFF  }
0x4b0: {  	_ =	strace $0x90000047  }
0x4b1: {  	s0 =	stileid.u32;
	[bflag:$0x2] =	sbarrier.arrive $0xFFFF  }
0x4b2: {  	p0 =	sne.s32 s0, $0x0;
	s0 =	rddreg [dreg:$0x2]  }
0x4b3: {  	s0 =	sadd.s32 @!p0 $0x100000, s0  }
0x4b4: {  	[sflag:s0] =	ssyncadd.tile.s32 @!p0 $0x1;
	_ =	shalt  }
.Lfunc_end2:
_tile_overlayer_lowered:
.L_overlay_start_2:
0x4b5: {  	(tag) =	ssettag $0x2  }
0x4b6: {  	s0 =	rddreg [dreg:$0x0];
	s2 =	stileid.u32  }
0x4b7: {  	s1 =	rddreg [dreg:$0x1];
	p0 =	sne.s32 s2, $0x0  }
0x4b8: {  	s3 =	rddreg [dreg:$0x2];
	[bflag:$0x3] =	sbarrier.arrive $0xFFFF;
	s2 =	simm.s32 @!p0 $0x1C01  }
0x4b9: {  	[timem:s3], [sflag:s2] =	dma.local @!p0 [hbm:s0], s1  }
0x4ba: {  	s0 =	simm.s32 @!p0 $0x1  }
0x4bb: {  	_ =	swait.ge @!p0 [sflag:s0], s1  }
0x4bc: {  	s1 =	ssub.s32 @!p0 $0x0, s1;
	[sflag:s0] =	ssyncset.done @!p0 $0x0  }
0x4bd: {  	[sflag:s0] =	ssyncadd.s32 @!p0 s1  }
0x4be: {  	[bflag:$0x3] =	sbarrier.arrive $0xFFFF  }
0x4bf: {  	_ =	shalt  }

</sc_bundles>
